<compile_context>
chip_gen: v7x
topology: tpu7x:2x2x1
jax: 0.10.2.dev20260603
libtpu: 0.0.44.dev20260713+nightly
codegen_flags: <defaults>
</compile_context>

<pallas_src>
import dataclasses
import functools

import jax
import jax.numpy as jnp
from jax import lax
from jax.experimental import pallas as pl
from jax.experimental.pallas import tpu as pltpu
from jax.experimental.pallas import tpu_sc as plsc

N = 10000
N_PAD = 10240
E = 320000
EROW = 128
ROWS = 2560
BLK = 512
GRID = N_PAD // BLK
NSUB = 16
NSL = N_PAD // NSUB

_mesh = plsc.VectorSubcoreMesh(core_axis_name="c", subcore_axis_name="s")


def _leaky(v):
    return jnp.where(v >= 0, v, 0.01 * v)



def _sc_degree(dst2d, zeros1):
    cp = pltpu.CompilerParams()
    if "needs_layout_passes" in pltpu.CompilerParams.__dataclass_fields__:
        cp = dataclasses.replace(cp, needs_layout_passes=False)

    @functools.partial(
        pl.kernel,
        out_type=jax.ShapeDtypeStruct((32, N_PAD), jnp.float32),
        mesh=_mesh,
        scratch_types=[
            pltpu.VMEM((CHUNK, EROW), jnp.int32),
            pltpu.VMEM((N_PAD,), jnp.float32),
        ],
        compiler_params=cp,
    )
    def k(dst_hbm, z_hbm, out_hbm, didx, cnt):
        cid = lax.axis_index("c")
        sid = lax.axis_index("s")
        wid = cid * NSUB + sid
        pltpu.sync_copy(z_hbm, cnt)
        ones16 = jnp.ones((16,), jnp.float32)
        base = wid * (ROWS // 32)

        @pl.loop(0, ROWS // 32, step=CHUNK)
        def _(r):
            pltpu.sync_copy(dst_hbm.at[pl.ds(base + r, CHUNK)], didx)
            for j in range(CHUNK):
                for g in range(EROW // 16):
                    idx16 = didx[j, pl.ds(g * 16, 16)]
                    plsc.addupdate_scatter(cnt, [idx16], ones16)

        pltpu.sync_copy(cnt, out_hbm.at[wid])

    return k(dst2d, zeros1)


NBUF = 2
CHUNK = 8


def _edge_loop(y_hbm, e_hbm, acc_sh, idx, rows, sems, base, nrows):

    @pl.loop(0, nrows, step=CHUNK)
    def _(r):
        pltpu.sync_copy(e_hbm.at[pl.ds(base + r, CHUNK)], idx)
        handles = {}
        for b in range(NBUF):
            handles[b] = pltpu.async_copy(y_hbm.at[idx.at[b, 0]], rows.at[b],
                                          sems[b])
        for j in range(CHUNK):
            handles[j].wait()
            pltpu.sync_copy(rows.at[j % NBUF], acc_sh.at[idx.at[j, 1]], add=True)
            nxt = j + NBUF
            if nxt < CHUNK:
                handles[nxt] = pltpu.async_copy(y_hbm.at[idx.at[nxt, 0]],
                                                rows.at[j % NBUF], sems[j % NBUF])


def _sc_scatter_split(y0, zeros, e2d):

    @functools.partial(
        pl.kernel,
        out_type=jax.ShapeDtypeStruct((2, N_PAD, 128), jnp.float32),
        mesh=_mesh,
        scratch_types=[
            pltpu.VMEM((CHUNK, 2, EROW), jnp.int32),
            pltpu.VMEM((NBUF, EROW, 128), jnp.float32),
            pltpu.VMEM_SHARED((N_PAD, 128), jnp.float32),
            pltpu.SemaphoreType.DMA,
            pltpu.SemaphoreType.DMA,
        ],
    )
    def k(y_hbm, z_hbm, e_hbm, out_hbm, idx, rows, acc_sh, s0, s1):
        sems = (s0, s1)
        cid = lax.axis_index("c")
        sid = lax.axis_index("s")
        nslice = pl.ds(sid * NSL, NSL)

        @pl.when(cid == 0)
        def _():
            pltpu.sync_copy(y_hbm.at[nslice], acc_sh.at[nslice])

        @pl.when(cid == 1)
        def _():
            pltpu.sync_copy(z_hbm.at[nslice], acc_sh.at[nslice])

        plsc.subcore_barrier()
        base = (cid * NSUB + sid) * (ROWS // 32)
        _edge_loop(y_hbm, e_hbm, acc_sh, idx, rows, sems, base, ROWS // 32)
        plsc.subcore_barrier()
        pltpu.sync_copy(acc_sh.at[nslice], out_hbm.at[cid].at[nslice])

    return k(y0, zeros, e2d)


def _sc_scatter_dual(y1, y2, e2d):

    @functools.partial(
        pl.kernel,
        out_type=jax.ShapeDtypeStruct((2, N_PAD, 128), jnp.float32),
        mesh=_mesh,
        scratch_types=[
            pltpu.VMEM((CHUNK, 2, EROW), jnp.int32),
            pltpu.VMEM((NBUF, EROW, 128), jnp.float32),
            pltpu.VMEM_SHARED((N_PAD, 128), jnp.float32),
            pltpu.SemaphoreType.DMA,
            pltpu.SemaphoreType.DMA,
        ],
    )
    def k(y1_hbm, y2_hbm, e_hbm, out_hbm, idx, rows, acc_sh, s0, s1):
        sems = (s0, s1)
        cid = lax.axis_index("c")
        sid = lax.axis_index("s")
        nslice = pl.ds(sid * NSL, NSL)
        base = sid * (ROWS // NSUB)

        @pl.when(cid == 0)
        def _():
            pltpu.sync_copy(y1_hbm.at[nslice], acc_sh.at[nslice])

        @pl.when(cid == 1)
        def _():
            pltpu.sync_copy(y2_hbm.at[nslice], acc_sh.at[nslice])

        plsc.subcore_barrier()

        @pl.when(cid == 0)
        def _():
            _edge_loop(y1_hbm, e_hbm, acc_sh, idx, rows, sems, base,
                       ROWS // NSUB)

        @pl.when(cid == 1)
        def _():
            _edge_loop(y2_hbm, e_hbm, acc_sh, idx, rows, sems, base,
                       ROWS // NSUB)

        plsc.subcore_barrier()
        pltpu.sync_copy(acc_sh.at[nslice], out_hbm.at[cid].at[nslice])

    return k(y1, y2, e2d)



def _tc_xw(x_pad, w_shared):
    def body(x_ref, w_ref, o_ref):
        o_ref[...] = jnp.dot(x_ref[...], w_ref[...],
                             preferred_element_type=jnp.float32)

    return pl.pallas_call(
        body,
        grid=(GRID,),
        in_specs=[
            pl.BlockSpec((BLK, 128), lambda i: (i, 0)),
            pl.BlockSpec((128, 128), lambda i: (0, 0)),
        ],
        out_specs=pl.BlockSpec((BLK, 128), lambda i: (i, 0)),
        out_shape=jax.ShapeDtypeStruct((N_PAD, 128), jnp.float32),
    )(x_pad, w_shared)


def _tc_y0(xw, deg2):

    def body(xw_ref, dg_ref, y_ref, d_ref):
        deg = jnp.sum(dg_ref[...], axis=0).reshape(BLK, 1) + 1.0
        dis = lax.rsqrt(deg)
        y_ref[...] = xw_ref[...] * dis
        d_ref[...] = jnp.broadcast_to(dis, (BLK, 16))

    return pl.pallas_call(
        body,
        grid=(GRID,),
        in_specs=[
            pl.BlockSpec((BLK, 128), lambda i: (i, 0)),
            pl.BlockSpec((32, BLK), lambda i: (0, i)),
        ],
        out_specs=[
            pl.BlockSpec((BLK, 128), lambda i: (i, 0)),
            pl.BlockSpec((BLK, 16), lambda i: (i, 0)),
        ],
        out_shape=[
            jax.ShapeDtypeStruct((N_PAD, 128), jnp.float32),
            jax.ShapeDtypeStruct((N_PAD, 16), jnp.float32),
        ],
    )(xw, deg2)


def _tc_mid(acc0, dis16, b_shared, w_c1, w_c2):
    def body(a_ref, dg_ref, b_ref, w1_ref, w2_ref, y1_ref, y2_ref):
        dis = dg_ref[:, 0:1]
        a = a_ref[...]
        h = _leaky(dis * (a[0] + a[1]) + b_ref[...])
        y1_ref[...] = jnp.dot(h, w1_ref[...], preferred_element_type=jnp.float32) * dis
        y2_ref[...] = jnp.dot(h, w2_ref[...], preferred_element_type=jnp.float32) * dis

    return pl.pallas_call(
        body,
        grid=(GRID,),
        in_specs=[
            pl.BlockSpec((2, BLK, 128), lambda i: (0, i, 0)),
            pl.BlockSpec((BLK, 16), lambda i: (i, 0)),
            pl.BlockSpec((1, 128), lambda i: (0, 0)),
            pl.BlockSpec((128, 128), lambda i: (0, 0)),
            pl.BlockSpec((128, 128), lambda i: (0, 0)),
        ],
        out_specs=[
            pl.BlockSpec((BLK, 128), lambda i: (i, 0)),
            pl.BlockSpec((BLK, 128), lambda i: (i, 0)),
        ],
        out_shape=[
            jax.ShapeDtypeStruct((N_PAD, 128), jnp.float32),
            jax.ShapeDtypeStruct((N_PAD, 128), jnp.float32),
        ],
    )(acc0, dis16, b_shared, w_c1, w_c2)


def _tc_heads(accB, dis16, b_c1, b_c2, w_m1a, b_m1a, w_m1b, b_m1b,
              w_m2a, b_m2a, w_m2b, b_m2b):
    def body(a_ref, dg_ref, bc1, bc2, w1a, b1a, w1b, b1b, w2a, b2a, w2b, b2b,
             p1_ref, p2_ref):
        dis = dg_ref[:, 0:1]
        a = a_ref[...]
        h1 = _leaky(dis * a[0] + bc1[...])
        t1 = _leaky(jnp.dot(h1, w1a[...], preferred_element_type=jnp.float32)
                    + b1a[...])
        p1_ref[...] = jnp.dot(t1, w1b[...], preferred_element_type=jnp.float32) + b1b[...]
        h2 = _leaky(dis * a[1] + bc2[...])
        t2 = _leaky(jnp.dot(h2, w2a[...], preferred_element_type=jnp.float32)
                    + b2a[...])
        p2_ref[...] = jnp.dot(t2, w2b[...], preferred_element_type=jnp.float32) + b2b[...]

    full = lambda r, c: pl.BlockSpec((r, c), lambda i: (0, 0))
    return pl.pallas_call(
        body,
        grid=(GRID,),
        in_specs=[
            pl.BlockSpec((2, BLK, 128), lambda i: (0, i, 0)),
            pl.BlockSpec((BLK, 16), lambda i: (i, 0)),
            full(1, 128), full(1, 128),
            full(128, 128), full(1, 128), full(128, 64), full(1, 64),
            full(128, 128), full(1, 128), full(128, 64), full(1, 64),
        ],
        out_specs=[
            pl.BlockSpec((BLK, 64), lambda i: (i, 0)),
            pl.BlockSpec((BLK, 64), lambda i: (i, 0)),
        ],
        out_shape=[
            jax.ShapeDtypeStruct((N, 64), jnp.float32),
            jax.ShapeDtypeStruct((N, 64), jnp.float32),
        ],
    )(accB, dis16, b_c1, b_c2, w_m1a, b_m1a, w_m1b, b_m1b,
      w_m2a, b_m2a, w_m2b, b_m2b)



def kernel(x, edge_index, w_shared, b_shared, w_c1, b_c1, w_c2, b_c2,
           w_m1a, b_m1a, w_m1b, b_m1b, w_m2a, b_m2a, w_m2b, b_m2b):
    f32 = jnp.float32
    src = edge_index[0].astype(jnp.int32)
    dst = edge_index[1].astype(jnp.int32)
    pad_e = ROWS * EROW - E
    fill = N + (jnp.arange(pad_e, dtype=jnp.int32) % (N_PAD - N))
    src2d = jnp.concatenate([src, fill]).reshape(ROWS, EROW)
    dst2d = jnp.concatenate([dst, fill]).reshape(ROWS, EROW)
    e2d = jnp.stack([src2d, dst2d], axis=1)
    x_pad = jnp.pad(x, ((0, N_PAD - N), (0, 0)))
    z128 = jnp.zeros((N_PAD, 128), f32)

    deg2 = _sc_degree(dst2d, jnp.zeros((N_PAD,), f32))
    xw = _tc_xw(x_pad, w_shared)
    y0, dis16 = _tc_y0(xw, deg2)
    acc0 = _sc_scatter_split(y0, z128, e2d)
    y1, y2 = _tc_mid(acc0, dis16, b_shared.reshape(1, -1), w_c1, w_c2)
    accB = _sc_scatter_dual(y1, y2, e2d)
    p1, p2 = _tc_heads(accB, dis16, b_c1.reshape(1, -1), b_c2.reshape(1, -1),
                       w_m1a, b_m1a.reshape(1, -1), w_m1b, b_m1b.reshape(1, -1),
                       w_m2a, b_m2a.reshape(1, -1), w_m2b, b_m2b.reshape(1, -1))
    return p1, p2

# --- scband reference (transcript-rebuilt; emitter-appended) ---
"""Pipeline reference for scband-variational-gcnmlpencoder-89618787598756 (READ-ONLY COPY).

The authoritative reference and input builder live on the scoring server;
editing this copy changes nothing except your own understanding.
"""

import jax, jax.numpy as jnp
import numpy as np

N = 10000
E = 320000
D_IN = 128
H = 128
OUT = 64


def gcn_conv(x, src, dst, W, b):
    n = x.shape[0]
    loop = jnp.arange(n, dtype=src.dtype)
    s = jnp.concatenate([src, loop])
    d = jnp.concatenate([dst, loop])
    deg = jnp.zeros((n,), x.dtype).at[d].add(1.0)
    dis = jnp.where(deg > 0, deg ** -0.5, 0.0)
    norm = dis[s] * dis[d]
    xw = x @ W
    msg = xw[s] * norm[:, None]
    out = jnp.zeros((n, W.shape[1]), x.dtype).at[d].add(msg)
    return out + b


def setup_inputs(seed: int = 0):
    key = jax.random.key(seed)
    ks = jax.random.split(key, 20)
    x = jax.random.normal(ks[0], (N, D_IN), dtype=jnp.float32)
    edge_index = jax.random.randint(ks[1], (2, E), 0, N)
    s = 0.05
    inp = {
        'x': x,
        'edge_index': edge_index,
        'w_shared': jax.random.normal(ks[2], (D_IN, H), dtype=jnp.float32) * s,
        'b_shared': jnp.zeros((H,), jnp.float32),
        'w_c1': jax.random.normal(ks[3], (H, H), dtype=jnp.float32) * s,
        'b_c1': jnp.zeros((H,), jnp.float32),
        'w_c2': jax.random.normal(ks[4], (H, H), dtype=jnp.float32) * s,
        'b_c2': jnp.zeros((H,), jnp.float32),
        'w_m1a': jax.random.normal(ks[5], (H, H), dtype=jnp.float32) * s,
        'b_m1a': jnp.zeros((H,), jnp.float32),
        'w_m1b': jax.random.normal(ks[6], (H, OUT), dtype=jnp.float32) * s,
        'b_m1b': jnp.zeros((OUT,), jnp.float32),
        'w_m2a': jax.random.normal(ks[7], (H, H), dtype=jnp.float32) * s,
        'b_m2a': jnp.zeros((H,), jnp.float32),
        'w_m2b': jax.random.normal(ks[8], (H, OUT), dtype=jnp.float32) * s,
        'b_m2b': jnp.zeros((OUT,), jnp.float32),
    }
    return inp


def reference(x, edge_index, w_shared, b_shared, w_c1, b_c1, w_c2, b_c2,
              w_m1a, b_m1a, w_m1b, b_m1b, w_m2a, b_m2a, w_m2b, b_m2b):
    src = edge_index[0]
    dst = edge_index[1]
    h = jax.nn.leaky_relu(gcn_conv(x, src, dst, w_shared, b_shared))
    h1 = jax.nn.leaky_relu(gcn_conv(h, src, dst, w_c1, b_c1))
    param_1 = jax.nn.leaky_relu(h1 @ w_m1a + b_m1a) @ w_m1b + b_m1b
    h2 = jax.nn.leaky_relu(gcn_conv(h, src, dst, w_c2, b_c2))
    param_2 = jax.nn.leaky_relu(h2 @ w_m2a + b_m2a) @ w_m2b + b_m2b
    return (param_1, param_2)

if __name__ == "__main__":
    import jax
    _d = setup_inputs()
    print(jax.jit(kernel)(*tuple(_d.values())))

</pallas_src>

<mosaic_0001>
#map = affine_map<(d0, d1) -> (0, 0)>
#map1 = affine_map<(d0, d1) -> (0)>
module attributes {stable_mosaic.version = 14 : i64} {
  func.func @k(%arg0: i32, %arg1: i32, %arg2: memref<2560x128xi32, #tpu.memory_space<hbm>>, %arg3: memref<10240xf32, #tpu.memory_space<hbm>>, %arg4: memref<32x10240xf32, #tpu.memory_space<hbm>>, %arg5: memref<8x128xi32, #tpu.memory_space<vmem>>, %arg6: memref<10240xf32, #tpu.memory_space<vmem>>) attributes {dimension_semantics = [#tpu.dimension_semantics<core_parallel>, #tpu.dimension_semantics<subcore_parallel>], iteration_bounds = array<i64: 2, 16>, scalar_prefetch = 0 : i64, scratch_operands = 2 : i64, tpu.core_type = #tpu.core_type<sc_vector_subcore>, window_params = [{transform_indices = #map}, {transform_indices = #map1}, {transform_indices = #map}]} {
    %mul3A = arith.constant 16 : i32
    %mul3A_0 = arith.muli %arg0, %mul3A : i32
    %add3A = arith.addi %mul3A_0, %arg1 : i32
    "tpu.region"() ({
      %run_scoped3A = tpu.sem_alloc : memref<!tpu.dma_semaphore, #tpu.memory_space<semaphore_mem>>
      tpu.enqueue_dma source(%arg3 : memref<10240xf32, #tpu.memory_space<hbm>>) target(%arg6 : memref<10240xf32, #tpu.memory_space<vmem>>) target_semaphore(%run_scoped3A : memref<!tpu.dma_semaphore, #tpu.memory_space<semaphore_mem>>)
      tpu.wait_dma2 semaphore(%run_scoped3A : memref<!tpu.dma_semaphore, #tpu.memory_space<semaphore_mem>>) src(%arg3 : memref<10240xf32, #tpu.memory_space<hbm>>) dst(%arg6 : memref<10240xf32, #tpu.memory_space<vmem>>)
      tpu.yield
    }) : () -> ()
    %broadcast_in_dim3A = arith.constant 1.000000e+00 : f32
    %broadcast_in_dim3A_1 = vector.broadcast %broadcast_in_dim3A : f32 to vector<16xf32>
    %mul3A_2 = arith.constant 80 : i32
    %mul3A_3 = arith.muli %add3A, %mul3A_2 : i32
    %scan3A = arith.constant 0 : i32
    %scan3A_4 = arith.constant 10 : i32
    %scan3A_5 = arith.addi %scan3A, %scan3A_4 : i32
    %scan3A_6 = arith.constant 1 : i32
    scf.for %scan3A_8 = %scan3A to %scan3A_5 step %scan3A_6  : i32 {
      %mul3A_9 = arith.constant 8 : i32
      %mul3A_10 = arith.muli %scan3A_8, %mul3A_9 : i32
      %add3A_11 = arith.constant 0 : i32
      %add3A_12 = arith.addi %add3A_11, %mul3A_10 : i32
      %add3A_13 = arith.addi %mul3A_3, %add3A_12 : i32
      "tpu.region"() ({
        %run_scoped3A = tpu.sem_alloc : memref<!tpu.dma_semaphore, #tpu.memory_space<semaphore_mem>>
        %dma_start3A = arith.constant 0 : i32
        %dma_start3A_269 = tpu.memref_slice %arg2[%add3A_13, %dma_start3A] : memref<2560x128xi32, #tpu.memory_space<hbm>> -> memref<8x128xi32, #tpu.memory_space<hbm>>
        %dma_start3A_270 = arith.constant 0 : i32
        %dma_start3A_271 = tpu.memref_slice %arg2[%add3A_13, %dma_start3A_270] : memref<2560x128xi32, #tpu.memory_space<hbm>> -> memref<8x128xi32, #tpu.memory_space<hbm>>
        tpu.enqueue_dma source(%dma_start3A_271 : memref<8x128xi32, #tpu.memory_space<hbm>>) target(%arg5 : memref<8x128xi32, #tpu.memory_space<vmem>>) target_semaphore(%run_scoped3A : memref<!tpu.dma_semaphore, #tpu.memory_space<semaphore_mem>>)
        %dma_wait3A = arith.constant 0 : i32
        %dma_wait3A_272 = tpu.memref_slice %arg2[%add3A_13, %dma_wait3A] : memref<2560x128xi32, #tpu.memory_space<hbm>> -> memref<8x128xi32, #tpu.memory_space<hbm>>
        %dma_wait3A_273 = arith.constant 0 : i32
        %dma_wait3A_274 = tpu.memref_slice %arg2[%add3A_13, %dma_wait3A_273] : memref<2560x128xi32, #tpu.memory_space<hbm>> -> memref<8x128xi32, #tpu.memory_space<hbm>>
        tpu.wait_dma2 semaphore(%run_scoped3A : memref<!tpu.dma_semaphore, #tpu.memory_space<semaphore_mem>>) src(%dma_wait3A_274 : memref<8x128xi32, #tpu.memory_space<hbm>>) dst(%arg5 : memref<8x128xi32, #tpu.memory_space<vmem>>)
        tpu.yield
      }) : () -> ()
      %get3A = arith.constant 0 : i32
      %get3A_14 = arith.index_cast %get3A : i32 to index
      %get3A_15 = arith.constant 0 : index
      %get3A_16 = tpu.vector_load %arg5[%get3A_14, %get3A_15] {strides = array<i32>} : memref<8x128xi32, #tpu.memory_space<vmem>>, vector<16xi32>,
      tpu.vector_store_idx %arg6[%get3A_16], %broadcast_in_dim3A_1 {add = true} : memref<10240xf32, #tpu.memory_space<vmem>>[vector<16xi32>], vector<16xf32>,
      %get3A_17 = arith.constant 0 : i32
      %get3A_18 = arith.index_cast %get3A_17 : i32 to index
      %get3A_19 = arith.constant 16 : index
      %get3A_20 = tpu.vector_load %arg5[%get3A_18, %get3A_19] {strides = array<i32>} : memref<8x128xi32, #tpu.memory_space<vmem>>, vector<16xi32>,
      tpu.vector_store_idx %arg6[%get3A_20], %broadcast_in_dim3A_1 {add = true} : memref<10240xf32, #tpu.memory_space<vmem>>[vector<16xi32>], vector<16xf32>,
      %get3A_21 = arith.constant 0 : i32
      %get3A_22 = arith.index_cast %get3A_21 : i32 to index
      %get3A_23 = arith.constant 32 : index
      %get3A_24 = tpu.vector_load %arg5[%get3A_22, %get3A_23] {strides = array<i32>} : memref<8x128xi32, #tpu.memory_space<vmem>>, vector<16xi32>,
      tpu.vector_store_idx %arg6[%get3A_24], %broadcast_in_dim3A_1 {add = true} : memref<10240xf32, #tpu.memory_space<vmem>>[vector<16xi32>], vector<16xf32>,
      %get3A_25 = arith.constant 0 : i32
      %get3A_26 = arith.index_cast %get3A_25 : i32 to index
      %get3A_27 = arith.constant 48 : index
      %get3A_28 = tpu.vector_load %arg5[%get3A_26, %get3A_27] {strides = array<i32>} : memref<8x128xi32, #tpu.memory_space<vmem>>, vector<16xi32>,
      tpu.vector_store_idx %arg6[%get3A_28], %broadcast_in_dim3A_1 {add = true} : memref<10240xf32, #tpu.memory_space<vmem>>[vector<16xi32>], vector<16xf32>,
      %get3A_29 = arith.constant 0 : i32
      %get3A_30 = arith.index_cast %get3A_29 : i32 to index
      %get3A_31 = arith.constant 64 : index
      %get3A_32 = tpu.vector_load %arg5[%get3A_30, %get3A_31] {strides = array<i32>} : memref<8x128xi32, #tpu.memory_space<vmem>>, vector<16xi32>,
      tpu.vector_store_idx %arg6[%get3A_32], %broadcast_in_dim3A_1 {add = true} : memref<10240xf32, #tpu.memory_space<vmem>>[vector<16xi32>], vector<16xf32>,
      %get3A_33 = arith.constant 0 : i32
      %get3A_34 = arith.index_cast %get3A_33 : i32 to index
      %get3A_35 = arith.constant 80 : index
      %get3A_36 = tpu.vector_load %arg5[%get3A_34, %get3A_35] {strides = array<i32>} : memref<8x128xi32, #tpu.memory_space<vmem>>, vector<16xi32>,
      tpu.vector_store_idx %arg6[%get3A_36], %broadcast_in_dim3A_1 {add = true} : memref<10240xf32, #tpu.memory_space<vmem>>[vector<16xi32>], vector<16xf32>,
      %get3A_37 = arith.constant 0 : i32
      %get3A_38 = arith.index_cast %get3A_37 : i32 to index
      %get3A_39 = arith.constant 96 : index
      %get3A_40 = tpu.vector_load %arg5[%get3A_38, %get3A_39] {strides = array<i32>} : memref<8x128xi32, #tpu.memory_space<vmem>>, vector<16xi32>,
      tpu.vector_store_idx %arg6[%get3A_40], %broadcast_in_dim3A_1 {add = true} : memref<10240xf32, #tpu.memory_space<vmem>>[vector<16xi32>], vector<16xf32>,
      %get3A_41 = arith.constant 0 : i32
      %get3A_42 = arith.index_cast %get3A_41 : i32 to index
      %get3A_43 = arith.constant 112 : index
      %get3A_44 = tpu.vector_load %arg5[%get3A_42, %get3A_43] {strides = array<i32>} : memref<8x128xi32, #tpu.memory_space<vmem>>, vector<16xi32>,
      tpu.vector_store_idx %arg6[%get3A_44], %broadcast_in_dim3A_1 {add = true} : memref<10240xf32, #tpu.memory_space<vmem>>[vector<16xi32>], vector<16xf32>,
      %get3A_45 = arith.constant 1 : i32
      %get3A_46 = arith.index_cast %get3A_45 : i32 to index
      %get3A_47 = arith.constant 0 : index
      %get3A_48 = tpu.vector_load %arg5[%get3A_46, %get3A_47] {strides = array<i32>} : memref<8x128xi32, #tpu.memory_space<vmem>>, vector<16xi32>,
      tpu.vector_store_idx %arg6[%get3A_48], %broadcast_in_dim3A_1 {add = true} : memref<10240xf32, #tpu.memory_space<vmem>>[vector<16xi32>], vector<16xf32>,
      %get3A_49 = arith.constant 1 : i32
      %get3A_50 = arith.index_cast %get3A_49 : i32 to index
      %get3A_51 = arith.constant 16 : index
      %get3A_52 = tpu.vector_load %arg5[%get3A_50, %get3A_51] {strides = array<i32>} : memref<8x128xi32, #tpu.memory_space<vmem>>, vector<16xi32>,
      tpu.vector_store_idx %arg6[%get3A_52], %broadcast_in_dim3A_1 {add = true} : memref<10240xf32, #tpu.memory_space<vmem>>[vector<16xi32>], vector<16xf32>,
      %get3A_53 = arith.constant 1 : i32
      %get3A_54 = arith.index_cast %get3A_53 : i32 to index
      %get3A_55 = arith.constant 32 : index
      %get3A_56 = tpu.vector_load %arg5[%get3A_54, %get3A_55] {strides = array<i32>} : memref<8x128xi32, #tpu.memory_space<vmem>>, vector<16xi32>,
      tpu.vector_store_idx %arg6[%get3A_56], %broadcast_in_dim3A_1 {add = true} : memref<10240xf32, #tpu.memory_space<vmem>>[vector<16xi32>], vector<16xf32>,
      %get3A_57 = arith.constant 1 : i32
      %get3A_58 = arith.index_cast %get3A_57 : i32 to index
      %get3A_59 = arith.constant 48 : index
      %get3A_60 = tpu.vector_load %arg5[%get3A_58, %get3A_59] {strides = array<i32>} : memref<8x128xi32, #tpu.memory_space<vmem>>, vector<16xi32>,
      tpu.vector_store_idx %arg6[%get3A_60], %broadcast_in_dim3A_1 {add = true} : memref<10240xf32, #tpu.memory_space<vmem>>[vector<16xi32>], vector<16xf32>,
      %get3A_61 = arith.constant 1 : i32
      %get3A_62 = arith.index_cast %get3A_61 : i32 to index
      %get3A_63 = arith.constant 64 : index
      %get3A_64 = tpu.vector_load %arg5[%get3A_62, %get3A_63] {strides = array<i32>} : memref<8x128xi32, #tpu.memory_space<vmem>>, vector<16xi32>,
      tpu.vector_store_idx %arg6[%get3A_64], %broadcast_in_dim3A_1 {add = true} : memref<10240xf32, #tpu.memory_space<vmem>>[vector<16xi32>], vector<16xf32>,
      %get3A_65 = arith.constant 1 : i32
      %get3A_66 = arith.index_cast %get3A_65 : i32 to index
      %get3A_67 = arith.constant 80 : index
      %get3A_68 = tpu.vector_load %arg5[%get3A_66, %get3A_67] {strides = array<i32>} : memref<8x128xi32, #tpu.memory_space<vmem>>, vector<16xi32>,
      tpu.vector_store_idx %arg6[%get3A_68], %broadcast_in_dim3A_1 {add = true} : memref<10240xf32, #tpu.memory_space<vmem>>[vector<16xi32>], vector<16xf32>,
      %get3A_69 = arith.constant 1 : i32
      %get3A_70 = arith.index_cast %get3A_69 : i32 to index
      %get3A_71 = arith.constant 96 : index
      %get3A_72 = tpu.vector_load %arg5[%get3A_70, %get3A_71] {strides = array<i32>} : memref<8x128xi32, #tpu.memory_space<vmem>>, vector<16xi32>,
      tpu.vector_store_idx %arg6[%get3A_72], %broadcast_in_dim3A_1 {add = true} : memref<10240xf32, #tpu.memory_space<vmem>>[vector<16xi32>], vector<16xf32>,
      %get3A_73 = arith.constant 1 : i32
      %get3A_74 = arith.index_cast %get3A_73 : i32 to index
      %get3A_75 = arith.constant 112 : index
      %get3A_76 = tpu.vector_load %arg5[%get3A_74, %get3A_75] {strides = array<i32>} : memref<8x128xi32, #tpu.memory_space<vmem>>, vector<16xi32>,
      tpu.vector_store_idx %arg6[%get3A_76], %broadcast_in_dim3A_1 {add = true} : memref<10240xf32, #tpu.memory_space<vmem>>[vector<16xi32>], vector<16xf32>,
      %get3A_77 = arith.constant 2 : i32
      %get3A_78 = arith.index_cast %get3A_77 : i32 to index
      %get3A_79 = arith.constant 0 : index
      %get3A_80 = tpu.vector_load %arg5[%get3A_78, %get3A_79] {strides = array<i32>} : memref<8x128xi32, #tpu.memory_space<vmem>>, vector<16xi32>,
      tpu.vector_store_idx %arg6[%get3A_80], %broadcast_in_dim3A_1 {add = true} : memref<10240xf32, #tpu.memory_space<vmem>>[vector<16xi32>], vector<16xf32>,
      %get3A_81 = arith.constant 2 : i32
      %get3A_82 = arith.index_cast %get3A_81 : i32 to index
      %get3A_83 = arith.constant 16 : index
      %get3A_84 = tpu.vector_load %arg5[%get3A_82, %get3A_83] {strides = array<i32>} : memref<8x128xi32, #tpu.memory_space<vmem>>, vector<16xi32>,
      tpu.vector_store_idx %arg6[%get3A_84], %broadcast_in_dim3A_1 {add = true} : memref<10240xf32, #tpu.memory_space<vmem>>[vector<16xi32>], vector<16xf32>,
      %get3A_85 = arith.constant 2 : i32
      %get3A_86 = arith.index_cast %get3A_85 : i32 to index
      %get3A_87 = arith.constant 32 : index
      %get3A_88 = tpu.vector_load %arg5[%get3A_86, %get3A_87] {strides = array<i32>} : memref<8x128xi32, #tpu.memory_space<vmem>>, vector<16xi32>,
      tpu.vector_store_idx %arg6[%get3A_88], %broadcast_in_dim3A_1 {add = true} : memref<10240xf32, #tpu.memory_space<vmem>>[vector<16xi32>], vector<16xf32>,
      %get3A_89 = arith.constant 2 : i32
      %get3A_90 = arith.index_cast %get3A_89 : i32 to index
      %get3A_91 = arith.constant 48 : index
      %get3A_92 = tpu.vector_load %arg5[%get3A_90, %get3A_91] {strides = array<i32>} : memref<8x128xi32, #tpu.memory_space<vmem>>, vector<16xi32>,
      tpu.vector_store_idx %arg6[%get3A_92], %broadcast_in_dim3A_1 {add = true} : memref<10240xf32, #tpu.memory_space<vmem>>[vector<16xi32>], vector<16xf32>,
      %get3A_93 = arith.constant 2 : i32
      %get3A_94 = arith.index_cast %get3A_93 : i32 to index
      %get3A_95 = arith.constant 64 : index
      %get3A_96 = tpu.vector_load %arg5[%get3A_94, %get3A_95] {strides = array<i32>} : memref<8x128xi32, #tpu.memory_space<vmem>>, vector<16xi32>,
      tpu.vector_store_idx %arg6[%get3A_96], %broadcast_in_dim3A_1 {add = true} : memref<10240xf32, #tpu.memory_space<vmem>>[vector<16xi32>], vector<16xf32>,
      %get3A_97 = arith.constant 2 : i32
      %get3A_98 = arith.index_cast %get3A_97 : i32 to index
      %get3A_99 = arith.constant 80 : index
      %get3A_100 = tpu.vector_load %arg5[%get3A_98, %get3A_99] {strides = array<i32>} : memref<8x128xi32, #tpu.memory_space<vmem>>, vector<16xi32>,
      tpu.vector_store_idx %arg6[%get3A_100], %broadcast_in_dim3A_1 {add = true} : memref<10240xf32, #tpu.memory_space<vmem>>[vector<16xi32>], vector<16xf32>,
      %get3A_101 = arith.constant 2 : i32
      %get3A_102 = arith.index_cast %get3A_101 : i32 to index
      %get3A_103 = arith.constant 96 : index
      %get3A_104 = tpu.vector_load %arg5[%get3A_102, %get3A_103] {strides = array<i32>} : memref<8x128xi32, #tpu.memory_space<vmem>>, vector<16xi32>,
      tpu.vector_store_idx %arg6[%get3A_104], %broadcast_in_dim3A_1 {add = true} : memref<10240xf32, #tpu.memory_space<vmem>>[vector<16xi32>], vector<16xf32>,
      %get3A_105 = arith.constant 2 : i32
      %get3A_106 = arith.index_cast %get3A_105 : i32 to index
      %get3A_107 = arith.constant 112 : index
      %get3A_108 = tpu.vector_load %arg5[%get3A_106, %get3A_107] {strides = array<i32>} : memref<8x128xi32, #tpu.memory_space<vmem>>, vector<16xi32>,
      tpu.vector_store_idx %arg6[%get3A_108], %broadcast_in_dim3A_1 {add = true} : memref<10240xf32, #tpu.memory_space<vmem>>[vector<16xi32>], vector<16xf32>,
      %get3A_109 = arith.constant 3 : i32
      %get3A_110 = arith.index_cast %get3A_109 : i32 to index
      %get3A_111 = arith.constant 0 : index
      %get3A_112 = tpu.vector_load %arg5[%get3A_110, %get3A_111] {strides = array<i32>} : memref<8x128xi32, #tpu.memory_space<vmem>>, vector<16xi32>,
      tpu.vector_store_idx %arg6[%get3A_112], %broadcast_in_dim3A_1 {add = true} : memref<10240xf32, #tpu.memory_space<vmem>>[vector<16xi32>], vector<16xf32>,
      %get3A_113 = arith.constant 3 : i32
      %get3A_114 = arith.index_cast %get3A_113 : i32 to index
      %get3A_115 = arith.constant 16 : index
      %get3A_116 = tpu.vector_load %arg5[%get3A_114, %get3A_115] {strides = array<i32>} : memref<8x128xi32, #tpu.memory_space<vmem>>, vector<16xi32>,
      tpu.vector_store_idx %arg6[%get3A_116], %broadcast_in_dim3A_1 {add = true} : memref<10240xf32, #tpu.memory_space<vmem>>[vector<16xi32>], vector<16xf32>,
      %get3A_117 = arith.constant 3 : i32
      %get3A_118 = arith.index_cast %get3A_117 : i32 to index
      %get3A_119 = arith.constant 32 : index
      %get3A_120 = tpu.vector_load %arg5[%get3A_118, %get3A_119] {strides = array<i32>} : memref<8x128xi32, #tpu.memory_space<vmem>>, vector<16xi32>,
      tpu.vector_store_idx %arg6[%get3A_120], %broadcast_in_dim3A_1 {add = true} : memref<10240xf32, #tpu.memory_space<vmem>>[vector<16xi32>], vector<16xf32>,
      %get3A_121 = arith.constant 3 : i32
      %get3A_122 = arith.index_cast %get3A_121 : i32 to index
      %get3A_123 = arith.constant 48 : index
      %get3A_124 = tpu.vector_load %arg5[%get3A_122, %get3A_123] {strides = array<i32>} : memref<8x128xi32, #tpu.memory_space<vmem>>, vector<16xi32>,
      tpu.vector_store_idx %arg6[%get3A_124], %broadcast_in_dim3A_1 {add = true} : memref<10240xf32, #tpu.memory_space<vmem>>[vector<16xi32>], vector<16xf32>,
      %get3A_125 = arith.constant 3 : i32
      %get3A_126 = arith.index_cast %get3A_125 : i32 to index
      %get3A_127 = arith.constant 64 : index
      %get3A_128 = tpu.vector_load %arg5[%get3A_126, %get3A_127] {strides = array<i32>} : memref<8x128xi32, #tpu.memory_space<vmem>>, vector<16xi32>,
      tpu.vector_store_idx %arg6[%get3A_128], %broadcast_in_dim3A_1 {add = true} : memref<10240xf32, #tpu.memory_space<vmem>>[vector<16xi32>], vector<16xf32>,
      %get3A_129 = arith.constant 3 : i32
      %get3A_130 = arith.index_cast %get3A_129 : i32 to index
      %get3A_131 = arith.constant 80 : index
      %get3A_132 = tpu.vector_load %arg5[%get3A_130, %get3A_131] {strides = array<i32>} : memref<8x128xi32, #tpu.memory_space<vmem>>, vector<16xi32>,
      tpu.vector_store_idx %arg6[%get3A_132], %broadcast_in_dim3A_1 {add = true} : memref<10240xf32, #tpu.memory_space<vmem>>[vector<16xi32>], vector<16xf32>,
      %get3A_133 = arith.constant 3 : i32
      %get3A_134 = arith.index_cast %get3A_133 : i32 to index
      %get3A_135 = arith.constant 96 : index
      %get3A_136 = tpu.vector_load %arg5[%get3A_134, %get3A_135] {strides = array<i32>} : memref<8x128xi32, #tpu.memory_space<vmem>>, vector<16xi32>,
      tpu.vector_store_idx %arg6[%get3A_136], %broadcast_in_dim3A_1 {add = true} : memref<10240xf32, #tpu.memory_space<vmem>>[vector<16xi32>], vector<16xf32>,
      %get3A_137 = arith.constant 3 : i32
      %get3A_138 = arith.index_cast %get3A_137 : i32 to index
      %get3A_139 = arith.constant 112 : index
      %get3A_140 = tpu.vector_load %arg5[%get3A_138, %get3A_139] {strides = array<i32>} : memref<8x128xi32, #tpu.memory_space<vmem>>, vector<16xi32>,
      tpu.vector_store_idx %arg6[%get3A_140], %broadcast_in_dim3A_1 {add = true} : memref<10240xf32, #tpu.memory_space<vmem>>[vector<16xi32>], vector<16xf32>,
      %get3A_141 = arith.constant 4 : i32
      %get3A_142 = arith.index_cast %get3A_141 : i32 to index
      %get3A_143 = arith.constant 0 : index
      %get3A_144 = tpu.vector_load %arg5[%get3A_142, %get3A_143] {strides = array<i32>} : memref<8x128xi32, #tpu.memory_space<vmem>>, vector<16xi32>,
      tpu.vector_store_idx %arg6[%get3A_144], %broadcast_in_dim3A_1 {add = true} : memref<10240xf32, #tpu.memory_space<vmem>>[vector<16xi32>], vector<16xf32>,
      %get3A_145 = arith.constant 4 : i32
      %get3A_146 = arith.index_cast %get3A_145 : i32 to index
      %get3A_147 = arith.constant 16 : index
      %get3A_148 = tpu.vector_load %arg5[%get3A_146, %get3A_147] {strides = array<i32>} : memref<8x128xi32, #tpu.memory_space<vmem>>, vector<16xi32>,
      tpu.vector_store_idx %arg6[%get3A_148], %broadcast_in_dim3A_1 {add = true} : memref<10240xf32, #tpu.memory_space<vmem>>[vector<16xi32>], vector<16xf32>,
      %get3A_149 = arith.constant 4 : i32
      %get3A_150 = arith.index_cast %get3A_149 : i32 to index
      %get3A_151 = arith.constant 32 : index
      %get3A_152 = tpu.vector_load %arg5[%get3A_150, %get3A_151] {strides = array<i32>} : memref<8x128xi32, #tpu.memory_space<vmem>>, vector<16xi32>,
      tpu.vector_store_idx %arg6[%get3A_152], %broadcast_in_dim3A_1 {add = true} : memref<10240xf32, #tpu.memory_space<vmem>>[vector<16xi32>], vector<16xf32>,
      %get3A_153 = arith.constant 4 : i32
      %get3A_154 = arith.index_cast %get3A_153 : i32 to index
      %get3A_155 = arith.constant 48 : index
      %get3A_156 = tpu.vector_load %arg5[%get3A_154, %get3A_155] {strides = array<i32>} : memref<8x128xi32, #tpu.memory_space<vmem>>, vector<16xi32>,
      tpu.vector_store_idx %arg6[%get3A_156], %broadcast_in_dim3A_1 {add = true} : memref<10240xf32, #tpu.memory_space<vmem>>[vector<16xi32>], vector<16xf32>,
      %get3A_157 = arith.constant 4 : i32
      %get3A_158 = arith.index_cast %get3A_157 : i32 to index
      %get3A_159 = arith.constant 64 : index
      %get3A_160 = tpu.vector_load %arg5[%get3A_158, %get3A_159] {strides = array<i32>} : memref<8x128xi32, #tpu.memory_space<vmem>>, vector<16xi32>,
      tpu.vector_store_idx %arg6[%get3A_160], %broadcast_in_dim3A_1 {add = true} : memref<10240xf32, #tpu.memory_space<vmem>>[vector<16xi32>], vector<16xf32>,
      %get3A_161 = arith.constant 4 : i32
      %get3A_162 = arith.index_cast %get3A_161 : i32 to index
      %get3A_163 = arith.constant 80 : index
      %get3A_164 = tpu.vector_load %arg5[%get3A_162, %get3A_163] {strides = array<i32>} : memref<8x128xi32, #tpu.memory_space<vmem>>, vector<16xi32>,
      tpu.vector_store_idx %arg6[%get3A_164], %broadcast_in_dim3A_1 {add = true} : memref<10240xf32, #tpu.memory_space<vmem>>[vector<16xi32>], vector<16xf32>,
      %get3A_165 = arith.constant 4 : i32
      %get3A_166 = arith.index_cast %get3A_165 : i32 to index
      %get3A_167 = arith.constant 96 : index
      %get3A_168 = tpu.vector_load %arg5[%get3A_166, %get3A_167] {strides = array<i32>} : memref<8x128xi32, #tpu.memory_space<vmem>>, vector<16xi32>,
      tpu.vector_store_idx %arg6[%get3A_168], %broadcast_in_dim3A_1 {add = true} : memref<10240xf32, #tpu.memory_space<vmem>>[vector<16xi32>], vector<16xf32>,
      %get3A_169 = arith.constant 4 : i32
      %get3A_170 = arith.index_cast %get3A_169 : i32 to index
      %get3A_171 = arith.constant 112 : index
      %get3A_172 = tpu.vector_load %arg5[%get3A_170, %get3A_171] {strides = array<i32>} : memref<8x128xi32, #tpu.memory_space<vmem>>, vector<16xi32>,
      tpu.vector_store_idx %arg6[%get3A_172], %broadcast_in_dim3A_1 {add = true} : memref<10240xf32, #tpu.memory_space<vmem>>[vector<16xi32>], vector<16xf32>,
      %get3A_173 = arith.constant 5 : i32
      %get3A_174 = arith.index_cast %get3A_173 : i32 to index
      %get3A_175 = arith.constant 0 : index
      %get3A_176 = tpu.vector_load %arg5[%get3A_174, %get3A_175] {strides = array<i32>} : memref<8x128xi32, #tpu.memory_space<vmem>>, vector<16xi32>,
      tpu.vector_store_idx %arg6[%get3A_176], %broadcast_in_dim3A_1 {add = true} : memref<10240xf32, #tpu.memory_space<vmem>>[vector<16xi32>], vector<16xf32>,
      %get3A_177 = arith.constant 5 : i32
      %get3A_178 = arith.index_cast %get3A_177 : i32 to index
      %get3A_179 = arith.constant 16 : index
      %get3A_180 = tpu.vector_load %arg5[%get3A_178, %get3A_179] {strides = array<i32>} : memref<8x128xi32, #tpu.memory_space<vmem>>, vector<16xi32>,
      tpu.vector_store_idx %arg6[%get3A_180], %broadcast_in_dim3A_1 {add = true} : memref<10240xf32, #tpu.memory_space<vmem>>[vector<16xi32>], vector<16xf32>,
      %get3A_181 = arith.constant 5 : i32
      %get3A_182 = arith.index_cast %get3A_181 : i32 to index
      %get3A_183 = arith.constant 32 : index
      %get3A_184 = tpu.vector_load %arg5[%get3A_182, %get3A_183] {strides = array<i32>} : memref<8x128xi32, #tpu.memory_space<vmem>>, vector<16xi32>,
      tpu.vector_store_idx %arg6[%get3A_184], %broadcast_in_dim3A_1 {add = true} : memref<10240xf32, #tpu.memory_space<vmem>>[vector<16xi32>], vector<16xf32>,
      %get3A_185 = arith.constant 5 : i32
      %get3A_186 = arith.index_cast %get3A_185 : i32 to index
      %get3A_187 = arith.constant 48 : index
      %get3A_188 = tpu.vector_load %arg5[%get3A_186, %get3A_187] {strides = array<i32>} : memref<8x128xi32, #tpu.memory_space<vmem>>, vector<16xi32>,
      tpu.vector_store_idx %arg6[%get3A_188], %broadcast_in_dim3A_1 {add = true} : memref<10240xf32, #tpu.memory_space<vmem>>[vector<16xi32>], vector<16xf32>,
      %get3A_189 = arith.constant 5 : i32
      %get3A_190 = arith.index_cast %get3A_189 : i32 to index
      %get3A_191 = arith.constant 64 : index
      %get3A_192 = tpu.vector_load %arg5[%get3A_190, %get3A_191] {strides = array<i32>} : memref<8x128xi32, #tpu.memory_space<vmem>>, vector<16xi32>,
      tpu.vector_store_idx %arg6[%get3A_192], %broadcast_in_dim3A_1 {add = true} : memref<10240xf32, #tpu.memory_space<vmem>>[vector<16xi32>], vector<16xf32>,
      %get3A_193 = arith.constant 5 : i32
      %get3A_194 = arith.index_cast %get3A_193 : i32 to index
      %get3A_195 = arith.constant 80 : index
      %get3A_196 = tpu.vector_load %arg5[%get3A_194, %get3A_195] {strides = array<i32>} : memref<8x128xi32, #tpu.memory_space<vmem>>, vector<16xi32>,
      tpu.vector_store_idx %arg6[%get3A_196], %broadcast_in_dim3A_1 {add = true} : memref<10240xf32, #tpu.memory_space<vmem>>[vector<16xi32>], vector<16xf32>,
      %get3A_197 = arith.constant 5 : i32
      %get3A_198 = arith.index_cast %get3A_197 : i32 to index
      %get3A_199 = arith.constant 96 : index
      %get3A_200 = tpu.vector_load %arg5[%get3A_198, %get3A_199] {strides = array<i32>} : memref<8x128xi32, #tpu.memory_space<vmem>>, vector<16xi32>,
      tpu.vector_store_idx %arg6[%get3A_200], %broadcast_in_dim3A_1 {add = true} : memref<10240xf32, #tpu.memory_space<vmem>>[vector<16xi32>], vector<16xf32>,
      %get3A_201 = arith.constant 5 : i32
      %get3A_202 = arith.index_cast %get3A_201 : i32 to index
      %get3A_203 = arith.constant 112 : index
      %get3A_204 = tpu.vector_load %arg5[%get3A_202, %get3A_203] {strides = array<i32>} : memref<8x128xi32, #tpu.memory_space<vmem>>, vector<16xi32>,
      tpu.vector_store_idx %arg6[%get3A_204], %broadcast_in_dim3A_1 {add = true} : memref<10240xf32, #tpu.memory_space<vmem>>[vector<16xi32>], vector<16xf32>,
      %get3A_205 = arith.constant 6 : i32
      %get3A_206 = arith.index_cast %get3A_205 : i32 to index
      %get3A_207 = arith.constant 0 : index
      %get3A_208 = tpu.vector_load %arg5[%get3A_206, %get3A_207] {strides = array<i32>} : memref<8x128xi32, #tpu.memory_space<vmem>>, vector<16xi32>,
      tpu.vector_store_idx %arg6[%get3A_208], %broadcast_in_dim3A_1 {add = true} : memref<10240xf32, #tpu.memory_space<vmem>>[vector<16xi32>], vector<16xf32>,
      %get3A_209 = arith.constant 6 : i32
      %get3A_210 = arith.index_cast %get3A_209 : i32 to index
      %get3A_211 = arith.constant 16 : index
      %get3A_212 = tpu.vector_load %arg5[%get3A_210, %get3A_211] {strides = array<i32>} : memref<8x128xi32, #tpu.memory_space<vmem>>, vector<16xi32>,
      tpu.vector_store_idx %arg6[%get3A_212], %broadcast_in_dim3A_1 {add = true} : memref<10240xf32, #tpu.memory_space<vmem>>[vector<16xi32>], vector<16xf32>,
      %get3A_213 = arith.constant 6 : i32
      %get3A_214 = arith.index_cast %get3A_213 : i32 to index
      %get3A_215 = arith.constant 32 : index
      %get3A_216 = tpu.vector_load %arg5[%get3A_214, %get3A_215] {strides = array<i32>} : memref<8x128xi32, #tpu.memory_space<vmem>>, vector<16xi32>,
      tpu.vector_store_idx %arg6[%get3A_216], %broadcast_in_dim3A_1 {add = true} : memref<10240xf32, #tpu.memory_space<vmem>>[vector<16xi32>], vector<16xf32>,
      %get3A_217 = arith.constant 6 : i32
      %get3A_218 = arith.index_cast %get3A_217 : i32 to index
      %get3A_219 = arith.constant 48 : index
      %get3A_220 = tpu.vector_load %arg5[%get3A_218, %get3A_219] {strides = array<i32>} : memref<8x128xi32, #tpu.memory_space<vmem>>, vector<16xi32>,
      tpu.vector_store_idx %arg6[%get3A_220], %broadcast_in_dim3A_1 {add = true} : memref<10240xf32, #tpu.memory_space<vmem>>[vector<16xi32>], vector<16xf32>,
      %get3A_221 = arith.constant 6 : i32
      %get3A_222 = arith.index_cast %get3A_221 : i32 to index
      %get3A_223 = arith.constant 64 : index
      %get3A_224 = tpu.vector_load %arg5[%get3A_222, %get3A_223] {strides = array<i32>} : memref<8x128xi32, #tpu.memory_space<vmem>>, vector<16xi32>,
      tpu.vector_store_idx %arg6[%get3A_224], %broadcast_in_dim3A_1 {add = true} : memref<10240xf32, #tpu.memory_space<vmem>>[vector<16xi32>], vector<16xf32>,
      %get3A_225 = arith.constant 6 : i32
      %get3A_226 = arith.index_cast %get3A_225 : i32 to index
      %get3A_227 = arith.constant 80 : index
      %get3A_228 = tpu.vector_load %arg5[%get3A_226, %get3A_227] {strides = array<i32>} : memref<8x128xi32, #tpu.memory_space<vmem>>, vector<16xi32>,
      tpu.vector_store_idx %arg6[%get3A_228], %broadcast_in_dim3A_1 {add = true} : memref<10240xf32, #tpu.memory_space<vmem>>[vector<16xi32>], vector<16xf32>,
      %get3A_229 = arith.constant 6 : i32
      %get3A_230 = arith.index_cast %get3A_229 : i32 to index
      %get3A_231 = arith.constant 96 : index
      %get3A_232 = tpu.vector_load %arg5[%get3A_230, %get3A_231] {strides = array<i32>} : memref<8x128xi32, #tpu.memory_space<vmem>>, vector<16xi32>,
      tpu.vector_store_idx %arg6[%get3A_232], %broadcast_in_dim3A_1 {add = true} : memref<10240xf32, #tpu.memory_space<vmem>>[vector<16xi32>], vector<16xf32>,
      %get3A_233 = arith.constant 6 : i32
      %get3A_234 = arith.index_cast %get3A_233 : i32 to index
      %get3A_235 = arith.constant 112 : index
      %get3A_236 = tpu.vector_load %arg5[%get3A_234, %get3A_235] {strides = array<i32>} : memref<8x128xi32, #tpu.memory_space<vmem>>, vector<16xi32>,
      tpu.vector_store_idx %arg6[%get3A_236], %broadcast_in_dim3A_1 {add = true} : memref<10240xf32, #tpu.memory_space<vmem>>[vector<16xi32>], vector<16xf32>,
      %get3A_237 = arith.constant 7 : i32
      %get3A_238 = arith.index_cast %get3A_237 : i32 to index
      %get3A_239 = arith.constant 0 : index
      %get3A_240 = tpu.vector_load %arg5[%get3A_238, %get3A_239] {strides = array<i32>} : memref<8x128xi32, #tpu.memory_space<vmem>>, vector<16xi32>,
      tpu.vector_store_idx %arg6[%get3A_240], %broadcast_in_dim3A_1 {add = true} : memref<10240xf32, #tpu.memory_space<vmem>>[vector<16xi32>], vector<16xf32>,
      %get3A_241 = arith.constant 7 : i32
      %get3A_242 = arith.index_cast %get3A_241 : i32 to index
      %get3A_243 = arith.constant 16 : index
      %get3A_244 = tpu.vector_load %arg5[%get3A_242, %get3A_243] {strides = array<i32>} : memref<8x128xi32, #tpu.memory_space<vmem>>, vector<16xi32>,
      tpu.vector_store_idx %arg6[%get3A_244], %broadcast_in_dim3A_1 {add = true} : memref<10240xf32, #tpu.memory_space<vmem>>[vector<16xi32>], vector<16xf32>,
      %get3A_245 = arith.constant 7 : i32
      %get3A_246 = arith.index_cast %get3A_245 : i32 to index
      %get3A_247 = arith.constant 32 : index
      %get3A_248 = tpu.vector_load %arg5[%get3A_246, %get3A_247] {strides = array<i32>} : memref<8x128xi32, #tpu.memory_space<vmem>>, vector<16xi32>,
      tpu.vector_store_idx %arg6[%get3A_248], %broadcast_in_dim3A_1 {add = true} : memref<10240xf32, #tpu.memory_space<vmem>>[vector<16xi32>], vector<16xf32>,
      %get3A_249 = arith.constant 7 : i32
      %get3A_250 = arith.index_cast %get3A_249 : i32 to index
      %get3A_251 = arith.constant 48 : index
      %get3A_252 = tpu.vector_load %arg5[%get3A_250, %get3A_251] {strides = array<i32>} : memref<8x128xi32, #tpu.memory_space<vmem>>, vector<16xi32>,
      tpu.vector_store_idx %arg6[%get3A_252], %broadcast_in_dim3A_1 {add = true} : memref<10240xf32, #tpu.memory_space<vmem>>[vector<16xi32>], vector<16xf32>,
      %get3A_253 = arith.constant 7 : i32
      %get3A_254 = arith.index_cast %get3A_253 : i32 to index
      %get3A_255 = arith.constant 64 : index
      %get3A_256 = tpu.vector_load %arg5[%get3A_254, %get3A_255] {strides = array<i32>} : memref<8x128xi32, #tpu.memory_space<vmem>>, vector<16xi32>,
      tpu.vector_store_idx %arg6[%get3A_256], %broadcast_in_dim3A_1 {add = true} : memref<10240xf32, #tpu.memory_space<vmem>>[vector<16xi32>], vector<16xf32>,
      %get3A_257 = arith.constant 7 : i32
      %get3A_258 = arith.index_cast %get3A_257 : i32 to index
      %get3A_259 = arith.constant 80 : index
      %get3A_260 = tpu.vector_load %arg5[%get3A_258, %get3A_259] {strides = array<i32>} : memref<8x128xi32, #tpu.memory_space<vmem>>, vector<16xi32>,
      tpu.vector_store_idx %arg6[%get3A_260], %broadcast_in_dim3A_1 {add = true} : memref<10240xf32, #tpu.memory_space<vmem>>[vector<16xi32>], vector<16xf32>,
      %get3A_261 = arith.constant 7 : i32
      %get3A_262 = arith.index_cast %get3A_261 : i32 to index
      %get3A_263 = arith.constant 96 : index
      %get3A_264 = tpu.vector_load %arg5[%get3A_262, %get3A_263] {strides = array<i32>} : memref<8x128xi32, #tpu.memory_space<vmem>>, vector<16xi32>,
      tpu.vector_store_idx %arg6[%get3A_264], %broadcast_in_dim3A_1 {add = true} : memref<10240xf32, #tpu.memory_space<vmem>>[vector<16xi32>], vector<16xf32>,
      %get3A_265 = arith.constant 7 : i32
      %get3A_266 = arith.index_cast %get3A_265 : i32 to index
      %get3A_267 = arith.constant 112 : index
      %get3A_268 = tpu.vector_load %arg5[%get3A_266, %get3A_267] {strides = array<i32>} : memref<8x128xi32, #tpu.memory_space<vmem>>, vector<16xi32>,
      tpu.vector_store_idx %arg6[%get3A_268], %broadcast_in_dim3A_1 {add = true} : memref<10240xf32, #tpu.memory_space<vmem>>[vector<16xi32>], vector<16xf32>,
    }
    %scan3A_7 = arith.constant 10 : i32
    "tpu.region"() ({
      %run_scoped3A = tpu.sem_alloc : memref<!tpu.dma_semaphore, #tpu.memory_space<semaphore_mem>>
      %dma_start3A = arith.constant 0 : i32
      %dma_start3A_8 = tpu.memref_slice %arg4[%add3A, %dma_start3A] : memref<32x10240xf32, #tpu.memory_space<hbm>> -> memref<1x10240xf32, #tpu.memory_space<hbm>>
      %dma_start3A_9 = tpu.memref_squeeze %dma_start3A_8 : memref<1x10240xf32, #tpu.memory_space<hbm>> -> memref<10240xf32, #tpu.memory_space<hbm>>
      %dma_start3A_10 = arith.constant 0 : i32
      %dma_start3A_11 = tpu.memref_slice %arg4[%add3A, %dma_start3A_10] : memref<32x10240xf32, #tpu.memory_space<hbm>> -> memref<1x10240xf32, #tpu.memory_space<hbm>>
      %dma_start3A_12 = tpu.memref_squeeze %dma_start3A_11 : memref<1x10240xf32, #tpu.memory_space<hbm>> -> memref<10240xf32, #tpu.memory_space<hbm>>
      tpu.enqueue_dma source(%arg6 : memref<10240xf32, #tpu.memory_space<vmem>>) target(%dma_start3A_12 : memref<10240xf32, #tpu.memory_space<hbm>>) target_semaphore(%run_scoped3A : memref<!tpu.dma_semaphore, #tpu.memory_space<semaphore_mem>>)
      %dma_wait3A = arith.constant 0 : i32
      %dma_wait3A_13 = tpu.memref_slice %arg4[%add3A, %dma_wait3A] : memref<32x10240xf32, #tpu.memory_space<hbm>> -> memref<1x10240xf32, #tpu.memory_space<hbm>>
      %dma_wait3A_14 = tpu.memref_squeeze %dma_wait3A_13 : memref<1x10240xf32, #tpu.memory_space<hbm>> -> memref<10240xf32, #tpu.memory_space<hbm>>
      %dma_wait3A_15 = arith.constant 0 : i32
      %dma_wait3A_16 = tpu.memref_slice %arg4[%add3A, %dma_wait3A_15] : memref<32x10240xf32, #tpu.memory_space<hbm>> -> memref<1x10240xf32, #tpu.memory_space<hbm>>
      %dma_wait3A_17 = tpu.memref_squeeze %dma_wait3A_16 : memref<1x10240xf32, #tpu.memory_space<hbm>> -> memref<10240xf32, #tpu.memory_space<hbm>>
      tpu.wait_dma2 semaphore(%run_scoped3A : memref<!tpu.dma_semaphore, #tpu.memory_space<semaphore_mem>>) src(%arg6 : memref<10240xf32, #tpu.memory_space<vmem>>) dst(%dma_wait3A_17 : memref<10240xf32, #tpu.memory_space<hbm>>)
      tpu.yield
    }) : () -> ()
    return
  }
}

#map = affine_map<(d0, d1) -> (0, 0)>
#map1 = affine_map<(d0, d1) -> (0, 0, 0)>
module attributes {stable_mosaic.version = 14 : i64} {
  func.func @k(%arg0: i32, %arg1: i32, %arg2: memref<10240x128xf32, #tpu.memory_space<hbm>>, %arg3: memref<10240x128xf32, #tpu.memory_space<hbm>>, %arg4: memref<2560x2x128xi32, #tpu.memory_space<hbm>>, %arg5: memref<2x10240x128xf32, #tpu.memory_space<hbm>>, %arg6: memref<8x2x128xi32, #tpu.memory_space<vmem>>, %arg7: memref<2x128x128xf32, #tpu.memory_space<vmem>>, %arg8: memref<10240x128xf32, #tpu.memory_space<vmem_shared>>, %arg9: memref<!tpu.dma_semaphore, #tpu.memory_space<semaphore_mem>>, %arg10: memref<!tpu.dma_semaphore, #tpu.memory_space<semaphore_mem>>) attributes {dimension_semantics = [#tpu.dimension_semantics<core_parallel>, #tpu.dimension_semantics<subcore_parallel>], iteration_bounds = array<i64: 2, 16>, scalar_prefetch = 0 : i64, scratch_operands = 5 : i64, tpu.core_type = #tpu.core_type<sc_vector_subcore>, window_params = [{transform_indices = #map}, {transform_indices = #map}, {transform_indices = #map1}, {transform_indices = #map1}]} {
    %mul3A = arith.constant 640 : i32
    %mul3A_0 = arith.muli %arg1, %mul3A : i32
    %mul3A_1 = arith.constant 160 : i32
    %mul3A_2 = arith.muli %arg1, %mul3A_1 : i32
    %eq3A = arith.constant 0 : i32
    %eq3A_3 = arith.cmpi eq, %arg0, %eq3A : i32
    %convert_element_type3A = arith.extui %eq3A_3 : i1 to i32
    %cond3A = arith.constant 0 : i32
    %cond3A_4 = arith.cmpi ne, %convert_element_type3A, %cond3A : i32
    scf.if %cond3A_4 {
      "tpu.region"() ({
        %run_scoped3A = tpu.sem_alloc : memref<!tpu.dma_semaphore, #tpu.memory_space<semaphore_mem>>
        %dma_start3A = arith.constant 0 : i32
        %dma_start3A_21 = tpu.memref_slice %arg8[%mul3A_0, %dma_start3A] : memref<10240x128xf32, #tpu.memory_space<vmem_shared>> -> memref<640x128xf32, #tpu.memory_space<vmem_shared>>
        %dma_start3A_22 = arith.constant 0 : i32
        %dma_start3A_23 = tpu.memref_slice %arg2[%mul3A_0, %dma_start3A_22] : memref<10240x128xf32, #tpu.memory_space<hbm>> -> memref<640x128xf32, #tpu.memory_space<hbm>>
        tpu.enqueue_dma source(%dma_start3A_23 : memref<640x128xf32, #tpu.memory_space<hbm>>) target(%dma_start3A_21 : memref<640x128xf32, #tpu.memory_space<vmem_shared>>) target_semaphore(%run_scoped3A : memref<!tpu.dma_semaphore, #tpu.memory_space<semaphore_mem>>)
        %dma_wait3A = arith.constant 0 : i32
        %dma_wait3A_24 = tpu.memref_slice %arg8[%mul3A_0, %dma_wait3A] : memref<10240x128xf32, #tpu.memory_space<vmem_shared>> -> memref<640x128xf32, #tpu.memory_space<vmem_shared>>
        %dma_wait3A_25 = arith.constant 0 : i32
        %dma_wait3A_26 = tpu.memref_slice %arg2[%mul3A_0, %dma_wait3A_25] : memref<10240x128xf32, #tpu.memory_space<hbm>> -> memref<640x128xf32, #tpu.memory_space<hbm>>
        tpu.wait_dma2 semaphore(%run_scoped3A : memref<!tpu.dma_semaphore, #tpu.memory_space<semaphore_mem>>) src(%dma_wait3A_26 : memref<640x128xf32, #tpu.memory_space<hbm>>) dst(%dma_wait3A_24 : memref<640x128xf32, #tpu.memory_space<vmem_shared>>)
        tpu.yield
      }) : () -> ()
    } else {
    }
    %eq3A_5 = arith.constant 1 : i32
    %eq3A_6 = arith.cmpi eq, %arg0, %eq3A_5 : i32
    %convert_element_type3A_7 = arith.extui %eq3A_6 : i1 to i32
    %cond3A_8 = arith.constant 0 : i32
    %cond3A_9 = arith.cmpi ne, %convert_element_type3A_7, %cond3A_8 : i32
    scf.if %cond3A_9 {
      "tpu.region"() ({
        %run_scoped3A = tpu.sem_alloc : memref<!tpu.dma_semaphore, #tpu.memory_space<semaphore_mem>>
        %dma_start3A = arith.constant 0 : i32
        %dma_start3A_21 = tpu.memref_slice %arg8[%mul3A_0, %dma_start3A] : memref<10240x128xf32, #tpu.memory_space<vmem_shared>> -> memref<640x128xf32, #tpu.memory_space<vmem_shared>>
        %dma_start3A_22 = arith.constant 0 : i32
        %dma_start3A_23 = tpu.memref_slice %arg3[%mul3A_0, %dma_start3A_22] : memref<10240x128xf32, #tpu.memory_space<hbm>> -> memref<640x128xf32, #tpu.memory_space<hbm>>
        tpu.enqueue_dma source(%dma_start3A_23 : memref<640x128xf32, #tpu.memory_space<hbm>>) target(%dma_start3A_21 : memref<640x128xf32, #tpu.memory_space<vmem_shared>>) target_semaphore(%run_scoped3A : memref<!tpu.dma_semaphore, #tpu.memory_space<semaphore_mem>>)
        %dma_wait3A = arith.constant 0 : i32
        %dma_wait3A_24 = tpu.memref_slice %arg8[%mul3A_0, %dma_wait3A] : memref<10240x128xf32, #tpu.memory_space<vmem_shared>> -> memref<640x128xf32, #tpu.memory_space<vmem_shared>>
        %dma_wait3A_25 = arith.constant 0 : i32
        %dma_wait3A_26 = tpu.memref_slice %arg3[%mul3A_0, %dma_wait3A_25] : memref<10240x128xf32, #tpu.memory_space<hbm>> -> memref<640x128xf32, #tpu.memory_space<hbm>>
        tpu.wait_dma2 semaphore(%run_scoped3A : memref<!tpu.dma_semaphore, #tpu.memory_space<semaphore_mem>>) src(%dma_wait3A_26 : memref<640x128xf32, #tpu.memory_space<hbm>>) dst(%dma_wait3A_24 : memref<640x128xf32, #tpu.memory_space<vmem_shared>>)
        tpu.yield
      }) : () -> ()
    } else {
    }
    %barrier3A = arith.constant 0 : index
    tpu.barrier barrier_id(%barrier3A)
    %eq3A_10 = arith.constant 0 : i32
    %eq3A_11 = arith.cmpi eq, %arg0, %eq3A_10 : i32
    %convert_element_type3A_12 = arith.extui %eq3A_11 : i1 to i32
    %cond3A_13 = arith.constant 0 : i32
    %cond3A_14 = arith.cmpi ne, %convert_element_type3A_12, %cond3A_13 : i32
    scf.if %cond3A_14 {
      %scan3A = arith.constant 0 : i32
      %scan3A_21 = arith.constant 20 : i32
      %scan3A_22 = arith.addi %scan3A, %scan3A_21 : i32
      %scan3A_23 = arith.constant 1 : i32
      scf.for %scan3A_25 = %scan3A to %scan3A_22 step %scan3A_23  : i32 {
        %mul3A_26 = arith.constant 8 : i32
        %mul3A_27 = arith.muli %scan3A_25, %mul3A_26 : i32
        %add3A = arith.constant 0 : i32
        %add3A_28 = arith.addi %add3A, %mul3A_27 : i32
        %add3A_29 = arith.addi %mul3A_2, %add3A_28 : i32
        "tpu.region"() ({
          %run_scoped3A_259 = tpu.sem_alloc : memref<!tpu.dma_semaphore, #tpu.memory_space<semaphore_mem>>
          %dma_start3A_260 = arith.constant 0 : i32
          %dma_start3A_261 = arith.constant 0 : i32
          %dma_start3A_262 = tpu.memref_slice %arg4[%add3A_29, %dma_start3A_260, %dma_start3A_261] : memref<2560x2x128xi32, #tpu.memory_space<hbm>> -> memref<8x2x128xi32, #tpu.memory_space<hbm>>
          %dma_start3A_263 = arith.constant 0 : i32
          %dma_start3A_264 = arith.constant 0 : i32
          %dma_start3A_265 = tpu.memref_slice %arg4[%add3A_29, %dma_start3A_263, %dma_start3A_264] : memref<2560x2x128xi32, #tpu.memory_space<hbm>> -> memref<8x2x128xi32, #tpu.memory_space<hbm>>
          tpu.enqueue_dma source(%dma_start3A_265 : memref<8x2x128xi32, #tpu.memory_space<hbm>>) target(%arg6 : memref<8x2x128xi32, #tpu.memory_space<vmem>>) target_semaphore(%run_scoped3A_259 : memref<!tpu.dma_semaphore, #tpu.memory_space<semaphore_mem>>)
          %dma_wait3A_266 = arith.constant 0 : i32
          %dma_wait3A_267 = arith.constant 0 : i32
          %dma_wait3A_268 = tpu.memref_slice %arg4[%add3A_29, %dma_wait3A_266, %dma_wait3A_267] : memref<2560x2x128xi32, #tpu.memory_space<hbm>> -> memref<8x2x128xi32, #tpu.memory_space<hbm>>
          %dma_wait3A_269 = arith.constant 0 : i32
          %dma_wait3A_270 = arith.constant 0 : i32
          %dma_wait3A_271 = tpu.memref_slice %arg4[%add3A_29, %dma_wait3A_269, %dma_wait3A_270] : memref<2560x2x128xi32, #tpu.memory_space<hbm>> -> memref<8x2x128xi32, #tpu.memory_space<hbm>>
          tpu.wait_dma2 semaphore(%run_scoped3A_259 : memref<!tpu.dma_semaphore, #tpu.memory_space<semaphore_mem>>) src(%dma_wait3A_271 : memref<8x2x128xi32, #tpu.memory_space<hbm>>) dst(%arg6 : memref<8x2x128xi32, #tpu.memory_space<vmem>>)
          tpu.yield
        }) : () -> ()
        %dma_start3A = arith.constant 0 : i32
        %dma_start3A_30 = arith.constant 0 : i32
        %dma_start3A_31 = arith.constant 0 : i32
        %dma_start3A_32 = arith.constant 0 : i32
        %dma_start3A_33 = arith.constant 0 : i32
        %dma_start3A_34 = tpu.memref_slice %arg7[%dma_start3A_31, %dma_start3A_32, %dma_start3A_33] : memref<2x128x128xf32, #tpu.memory_space<vmem>> -> memref<1x128x128xf32, #tpu.memory_space<vmem>>
        %dma_start3A_35 = tpu.memref_squeeze %dma_start3A_34 : memref<1x128x128xf32, #tpu.memory_space<vmem>> -> memref<128x128xf32, #tpu.memory_space<vmem>>
        %dma_start3A_36 = arith.constant 0 : i32
        %dma_start3A_37 = tpu.memref_slice %arg6[%dma_start3A, %dma_start3A_30, %dma_start3A_36] : memref<8x2x128xi32, #tpu.memory_space<vmem>> -> memref<1x1x128xi32, #tpu.memory_space<vmem>>
        %dma_start3A_38 = tpu.memref_squeeze %dma_start3A_37 : memref<1x1x128xi32, #tpu.memory_space<vmem>> -> memref<128xi32, #tpu.memory_space<vmem>>
        %dma_start3A_39 = arith.constant 0 : i32
        %dma_start3A_40 = arith.constant 0 : i32
        %dma_start3A_41 = tpu.memref_slice %arg2[%dma_start3A_39, %dma_start3A_40] : memref<10240x128xf32, #tpu.memory_space<hbm>> -> memref<10240x128xf32, #tpu.memory_space<hbm>>
        tpu.enqueue_indirect_dma source(%dma_start3A_41 : memref<10240x128xf32, #tpu.memory_space<hbm>>) target(%dma_start3A_35 : memref<128x128xf32, #tpu.memory_space<vmem>>) offsets(%dma_start3A_38 : memref<128xi32, #tpu.memory_space<vmem>>) semaphore(%arg9 : memref<!tpu.dma_semaphore, #tpu.memory_space<semaphore_mem>>)
        %dma_start3A_42 = arith.constant 1 : i32
        %dma_start3A_43 = arith.constant 0 : i32
        %dma_start3A_44 = arith.constant 1 : i32
        %dma_start3A_45 = arith.constant 0 : i32
        %dma_start3A_46 = arith.constant 0 : i32
        %dma_start3A_47 = tpu.memref_slice %arg7[%dma_start3A_44, %dma_start3A_45, %dma_start3A_46] : memref<2x128x128xf32, #tpu.memory_space<vmem>> -> memref<1x128x128xf32, #tpu.memory_space<vmem>>
        %dma_start3A_48 = tpu.memref_squeeze %dma_start3A_47 : memref<1x128x128xf32, #tpu.memory_space<vmem>> -> memref<128x128xf32, #tpu.memory_space<vmem>>
        %dma_start3A_49 = arith.constant 0 : i32
        %dma_start3A_50 = tpu.memref_slice %arg6[%dma_start3A_42, %dma_start3A_43, %dma_start3A_49] : memref<8x2x128xi32, #tpu.memory_space<vmem>> -> memref<1x1x128xi32, #tpu.memory_space<vmem>>
        %dma_start3A_51 = tpu.memref_squeeze %dma_start3A_50 : memref<1x1x128xi32, #tpu.memory_space<vmem>> -> memref<128xi32, #tpu.memory_space<vmem>>
        %dma_start3A_52 = arith.constant 0 : i32
        %dma_start3A_53 = arith.constant 0 : i32
        %dma_start3A_54 = tpu.memref_slice %arg2[%dma_start3A_52, %dma_start3A_53] : memref<10240x128xf32, #tpu.memory_space<hbm>> -> memref<10240x128xf32, #tpu.memory_space<hbm>>
        tpu.enqueue_indirect_dma source(%dma_start3A_54 : memref<10240x128xf32, #tpu.memory_space<hbm>>) target(%dma_start3A_48 : memref<128x128xf32, #tpu.memory_space<vmem>>) offsets(%dma_start3A_51 : memref<128xi32, #tpu.memory_space<vmem>>) semaphore(%arg10 : memref<!tpu.dma_semaphore, #tpu.memory_space<semaphore_mem>>)
        %dma_wait3A = arith.constant 0 : i32
        %dma_wait3A_55 = arith.constant 0 : i32
        %dma_wait3A_56 = arith.constant 0 : i32
        %dma_wait3A_57 = arith.constant 0 : i32
        %dma_wait3A_58 = arith.constant 0 : i32
        %dma_wait3A_59 = tpu.memref_slice %arg7[%dma_wait3A_56, %dma_wait3A_57, %dma_wait3A_58] : memref<2x128x128xf32, #tpu.memory_space<vmem>> -> memref<1x128x128xf32, #tpu.memory_space<vmem>>
        %dma_wait3A_60 = tpu.memref_squeeze %dma_wait3A_59 : memref<1x128x128xf32, #tpu.memory_space<vmem>> -> memref<128x128xf32, #tpu.memory_space<vmem>>
        %dma_wait3A_61 = arith.constant 0 : i32
        %dma_wait3A_62 = tpu.memref_slice %arg6[%dma_wait3A, %dma_wait3A_55, %dma_wait3A_61] : memref<8x2x128xi32, #tpu.memory_space<vmem>> -> memref<1x1x128xi32, #tpu.memory_space<vmem>>
        %dma_wait3A_63 = tpu.memref_squeeze %dma_wait3A_62 : memref<1x1x128xi32, #tpu.memory_space<vmem>> -> memref<128xi32, #tpu.memory_space<vmem>>
        %dma_wait3A_64 = arith.constant 0 : i32
        %dma_wait3A_65 = arith.constant 0 : i32
        %dma_wait3A_66 = tpu.memref_slice %arg2[%dma_wait3A_64, %dma_wait3A_65] : memref<10240x128xf32, #tpu.memory_space<hbm>> -> memref<10240x128xf32, #tpu.memory_space<hbm>>
        tpu.wait_indirect_dma semaphore(%arg9 : memref<!tpu.dma_semaphore, #tpu.memory_space<semaphore_mem>>) src(%dma_wait3A_66 : memref<10240x128xf32, #tpu.memory_space<hbm>>) dst(%dma_wait3A_60 : memref<128x128xf32, #tpu.memory_space<vmem>>)
        %run_scoped3A = arith.constant 0 : i32
        %run_scoped3A_67 = arith.constant 0 : i32
        %run_scoped3A_68 = arith.constant 1 : i32
        "tpu.region"() ({
          %run_scoped3A_259 = tpu.sem_alloc : memref<!tpu.dma_semaphore, #tpu.memory_space<semaphore_mem>>
          %dma_start3A_260 = arith.constant 0 : i32
          %dma_start3A_261 = arith.constant 0 : i32
          %dma_start3A_262 = tpu.memref_slice %arg7[%run_scoped3A, %dma_start3A_260, %dma_start3A_261] : memref<2x128x128xf32, #tpu.memory_space<vmem>> -> memref<1x128x128xf32, #tpu.memory_space<vmem>>
          %dma_start3A_263 = tpu.memref_squeeze %dma_start3A_262 : memref<1x128x128xf32, #tpu.memory_space<vmem>> -> memref<128x128xf32, #tpu.memory_space<vmem>>
          %dma_start3A_264 = arith.constant 0 : i32
          %dma_start3A_265 = tpu.memref_slice %arg6[%run_scoped3A_67, %run_scoped3A_68, %dma_start3A_264] : memref<8x2x128xi32, #tpu.memory_space<vmem>> -> memref<1x1x128xi32, #tpu.memory_space<vmem>>
          %dma_start3A_266 = tpu.memref_squeeze %dma_start3A_265 : memref<1x1x128xi32, #tpu.memory_space<vmem>> -> memref<128xi32, #tpu.memory_space<vmem>>
          %dma_start3A_267 = arith.constant 0 : i32
          %dma_start3A_268 = arith.constant 0 : i32
          %dma_start3A_269 = tpu.memref_slice %arg8[%dma_start3A_267, %dma_start3A_268] : memref<10240x128xf32, #tpu.memory_space<vmem_shared>> -> memref<10240x128xf32, #tpu.memory_space<vmem_shared>>
          tpu.enqueue_indirect_dma source(%dma_start3A_263 : memref<128x128xf32, #tpu.memory_space<vmem>>) target(%dma_start3A_269 : memref<10240x128xf32, #tpu.memory_space<vmem_shared>>) offsets(%dma_start3A_266 : memref<128xi32, #tpu.memory_space<vmem>>) semaphore(%run_scoped3A_259 : memref<!tpu.dma_semaphore, #tpu.memory_space<semaphore_mem>>) {add = true}
          %dma_wait3A_270 = arith.constant 0 : i32
          %dma_wait3A_271 = arith.constant 0 : i32
          %dma_wait3A_272 = tpu.memref_slice %arg7[%run_scoped3A, %dma_wait3A_270, %dma_wait3A_271] : memref<2x128x128xf32, #tpu.memory_space<vmem>> -> memref<1x128x128xf32, #tpu.memory_space<vmem>>
          %dma_wait3A_273 = tpu.memref_squeeze %dma_wait3A_272 : memref<1x128x128xf32, #tpu.memory_space<vmem>> -> memref<128x128xf32, #tpu.memory_space<vmem>>
          %dma_wait3A_274 = arith.constant 0 : i32
          %dma_wait3A_275 = tpu.memref_slice %arg6[%run_scoped3A_67, %run_scoped3A_68, %dma_wait3A_274] : memref<8x2x128xi32, #tpu.memory_space<vmem>> -> memref<1x1x128xi32, #tpu.memory_space<vmem>>
          %dma_wait3A_276 = tpu.memref_squeeze %dma_wait3A_275 : memref<1x1x128xi32, #tpu.memory_space<vmem>> -> memref<128xi32, #tpu.memory_space<vmem>>
          %dma_wait3A_277 = arith.constant 0 : i32
          %dma_wait3A_278 = arith.constant 0 : i32
          %dma_wait3A_279 = tpu.memref_slice %arg8[%dma_wait3A_277, %dma_wait3A_278] : memref<10240x128xf32, #tpu.memory_space<vmem_shared>> -> memref<10240x128xf32, #tpu.memory_space<vmem_shared>>
          tpu.wait_indirect_dma semaphore(%run_scoped3A_259 : memref<!tpu.dma_semaphore, #tpu.memory_space<semaphore_mem>>) src(%dma_wait3A_273 : memref<128x128xf32, #tpu.memory_space<vmem>>) dst(%dma_wait3A_279 : memref<10240x128xf32, #tpu.memory_space<vmem_shared>>)
          tpu.yield
        }) : () -> ()
        %dma_start3A_69 = arith.constant 2 : i32
        %dma_start3A_70 = arith.constant 0 : i32
        %dma_start3A_71 = arith.constant 0 : i32
        %dma_start3A_72 = arith.constant 0 : i32
        %dma_start3A_73 = arith.constant 0 : i32
        %dma_start3A_74 = tpu.memref_slice %arg7[%dma_start3A_71, %dma_start3A_72, %dma_start3A_73] : memref<2x128x128xf32, #tpu.memory_space<vmem>> -> memref<1x128x128xf32, #tpu.memory_space<vmem>>
        %dma_start3A_75 = tpu.memref_squeeze %dma_start3A_74 : memref<1x128x128xf32, #tpu.memory_space<vmem>> -> memref<128x128xf32, #tpu.memory_space<vmem>>
        %dma_start3A_76 = arith.constant 0 : i32
        %dma_start3A_77 = tpu.memref_slice %arg6[%dma_start3A_69, %dma_start3A_70, %dma_start3A_76] : memref<8x2x128xi32, #tpu.memory_space<vmem>> -> memref<1x1x128xi32, #tpu.memory_space<vmem>>
        %dma_start3A_78 = tpu.memref_squeeze %dma_start3A_77 : memref<1x1x128xi32, #tpu.memory_space<vmem>> -> memref<128xi32, #tpu.memory_space<vmem>>
        %dma_start3A_79 = arith.constant 0 : i32
        %dma_start3A_80 = arith.constant 0 : i32
        %dma_start3A_81 = tpu.memref_slice %arg2[%dma_start3A_79, %dma_start3A_80] : memref<10240x128xf32, #tpu.memory_space<hbm>> -> memref<10240x128xf32, #tpu.memory_space<hbm>>
        tpu.enqueue_indirect_dma source(%dma_start3A_81 : memref<10240x128xf32, #tpu.memory_space<hbm>>) target(%dma_start3A_75 : memref<128x128xf32, #tpu.memory_space<vmem>>) offsets(%dma_start3A_78 : memref<128xi32, #tpu.memory_space<vmem>>) semaphore(%arg9 : memref<!tpu.dma_semaphore, #tpu.memory_space<semaphore_mem>>)
        %dma_wait3A_82 = arith.constant 1 : i32
        %dma_wait3A_83 = arith.constant 0 : i32
        %dma_wait3A_84 = arith.constant 1 : i32
        %dma_wait3A_85 = arith.constant 0 : i32
        %dma_wait3A_86 = arith.constant 0 : i32
        %dma_wait3A_87 = tpu.memref_slice %arg7[%dma_wait3A_84, %dma_wait3A_85, %dma_wait3A_86] : memref<2x128x128xf32, #tpu.memory_space<vmem>> -> memref<1x128x128xf32, #tpu.memory_space<vmem>>
        %dma_wait3A_88 = tpu.memref_squeeze %dma_wait3A_87 : memref<1x128x128xf32, #tpu.memory_space<vmem>> -> memref<128x128xf32, #tpu.memory_space<vmem>>
        %dma_wait3A_89 = arith.constant 0 : i32
        %dma_wait3A_90 = tpu.memref_slice %arg6[%dma_wait3A_82, %dma_wait3A_83, %dma_wait3A_89] : memref<8x2x128xi32, #tpu.memory_space<vmem>> -> memref<1x1x128xi32, #tpu.memory_space<vmem>>
        %dma_wait3A_91 = tpu.memref_squeeze %dma_wait3A_90 : memref<1x1x128xi32, #tpu.memory_space<vmem>> -> memref<128xi32, #tpu.memory_space<vmem>>
        %dma_wait3A_92 = arith.constant 0 : i32
        %dma_wait3A_93 = arith.constant 0 : i32
        %dma_wait3A_94 = tpu.memref_slice %arg2[%dma_wait3A_92, %dma_wait3A_93] : memref<10240x128xf32, #tpu.memory_space<hbm>> -> memref<10240x128xf32, #tpu.memory_space<hbm>>
        tpu.wait_indirect_dma semaphore(%arg10 : memref<!tpu.dma_semaphore, #tpu.memory_space<semaphore_mem>>) src(%dma_wait3A_94 : memref<10240x128xf32, #tpu.memory_space<hbm>>) dst(%dma_wait3A_88 : memref<128x128xf32, #tpu.memory_space<vmem>>)
        %run_scoped3A_95 = arith.constant 1 : i32
        %run_scoped3A_96 = arith.constant 1 : i32
        %run_scoped3A_97 = arith.constant 1 : i32
        "tpu.region"() ({
          %run_scoped3A_259 = tpu.sem_alloc : memref<!tpu.dma_semaphore, #tpu.memory_space<semaphore_mem>>
          %dma_start3A_260 = arith.constant 0 : i32
          %dma_start3A_261 = arith.constant 0 : i32
          %dma_start3A_262 = tpu.memref_slice %arg7[%run_scoped3A_95, %dma_start3A_260, %dma_start3A_261] : memref<2x128x128xf32, #tpu.memory_space<vmem>> -> memref<1x128x128xf32, #tpu.memory_space<vmem>>
          %dma_start3A_263 = tpu.memref_squeeze %dma_start3A_262 : memref<1x128x128xf32, #tpu.memory_space<vmem>> -> memref<128x128xf32, #tpu.memory_space<vmem>>
          %dma_start3A_264 = arith.constant 0 : i32
          %dma_start3A_265 = tpu.memref_slice %arg6[%run_scoped3A_96, %run_scoped3A_97, %dma_start3A_264] : memref<8x2x128xi32, #tpu.memory_space<vmem>> -> memref<1x1x128xi32, #tpu.memory_space<vmem>>
          %dma_start3A_266 = tpu.memref_squeeze %dma_start3A_265 : memref<1x1x128xi32, #tpu.memory_space<vmem>> -> memref<128xi32, #tpu.memory_space<vmem>>
          %dma_start3A_267 = arith.constant 0 : i32
          %dma_start3A_268 = arith.constant 0 : i32
          %dma_start3A_269 = tpu.memref_slice %arg8[%dma_start3A_267, %dma_start3A_268] : memref<10240x128xf32, #tpu.memory_space<vmem_shared>> -> memref<10240x128xf32, #tpu.memory_space<vmem_shared>>
          tpu.enqueue_indirect_dma source(%dma_start3A_263 : memref<128x128xf32, #tpu.memory_space<vmem>>) target(%dma_start3A_269 : memref<10240x128xf32, #tpu.memory_space<vmem_shared>>) offsets(%dma_start3A_266 : memref<128xi32, #tpu.memory_space<vmem>>) semaphore(%run_scoped3A_259 : memref<!tpu.dma_semaphore, #tpu.memory_space<semaphore_mem>>) {add = true}
          %dma_wait3A_270 = arith.constant 0 : i32
          %dma_wait3A_271 = arith.constant 0 : i32
          %dma_wait3A_272 = tpu.memref_slice %arg7[%run_scoped3A_95, %dma_wait3A_270, %dma_wait3A_271] : memref<2x128x128xf32, #tpu.memory_space<vmem>> -> memref<1x128x128xf32, #tpu.memory_space<vmem>>
          %dma_wait3A_273 = tpu.memref_squeeze %dma_wait3A_272 : memref<1x128x128xf32, #tpu.memory_space<vmem>> -> memref<128x128xf32, #tpu.memory_space<vmem>>
          %dma_wait3A_274 = arith.constant 0 : i32
          %dma_wait3A_275 = tpu.memref_slice %arg6[%run_scoped3A_96, %run_scoped3A_97, %dma_wait3A_274] : memref<8x2x128xi32, #tpu.memory_space<vmem>> -> memref<1x1x128xi32, #tpu.memory_space<vmem>>
          %dma_wait3A_276 = tpu.memref_squeeze %dma_wait3A_275 : memref<1x1x128xi32, #tpu.memory_space<vmem>> -> memref<128xi32, #tpu.memory_space<vmem>>
          %dma_wait3A_277 = arith.constant 0 : i32
          %dma_wait3A_278 = arith.constant 0 : i32
          %dma_wait3A_279 = tpu.memref_slice %arg8[%dma_wait3A_277, %dma_wait3A_278] : memref<10240x128xf32, #tpu.memory_space<vmem_shared>> -> memref<10240x128xf32, #tpu.memory_space<vmem_shared>>
          tpu.wait_indirect_dma semaphore(%run_scoped3A_259 : memref<!tpu.dma_semaphore, #tpu.memory_space<semaphore_mem>>) src(%dma_wait3A_273 : memref<128x128xf32, #tpu.memory_space<vmem>>) dst(%dma_wait3A_279 : memref<10240x128xf32, #tpu.memory_space<vmem_shared>>)
          tpu.yield
        }) : () -> ()
        %dma_start3A_98 = arith.constant 3 : i32
        %dma_start3A_99 = arith.constant 0 : i32
        %dma_start3A_100 = arith.constant 1 : i32
        %dma_start3A_101 = arith.constant 0 : i32
        %dma_start3A_102 = arith.constant 0 : i32
        %dma_start3A_103 = tpu.memref_slice %arg7[%dma_start3A_100, %dma_start3A_101, %dma_start3A_102] : memref<2x128x128xf32, #tpu.memory_space<vmem>> -> memref<1x128x128xf32, #tpu.memory_space<vmem>>
        %dma_start3A_104 = tpu.memref_squeeze %dma_start3A_103 : memref<1x128x128xf32, #tpu.memory_space<vmem>> -> memref<128x128xf32, #tpu.memory_space<vmem>>
        %dma_start3A_105 = arith.constant 0 : i32
        %dma_start3A_106 = tpu.memref_slice %arg6[%dma_start3A_98, %dma_start3A_99, %dma_start3A_105] : memref<8x2x128xi32, #tpu.memory_space<vmem>> -> memref<1x1x128xi32, #tpu.memory_space<vmem>>
        %dma_start3A_107 = tpu.memref_squeeze %dma_start3A_106 : memref<1x1x128xi32, #tpu.memory_space<vmem>> -> memref<128xi32, #tpu.memory_space<vmem>>
        %dma_start3A_108 = arith.constant 0 : i32
        %dma_start3A_109 = arith.constant 0 : i32
        %dma_start3A_110 = tpu.memref_slice %arg2[%dma_start3A_108, %dma_start3A_109] : memref<10240x128xf32, #tpu.memory_space<hbm>> -> memref<10240x128xf32, #tpu.memory_space<hbm>>
        tpu.enqueue_indirect_dma source(%dma_start3A_110 : memref<10240x128xf32, #tpu.memory_space<hbm>>) target(%dma_start3A_104 : memref<128x128xf32, #tpu.memory_space<vmem>>) offsets(%dma_start3A_107 : memref<128xi32, #tpu.memory_space<vmem>>) semaphore(%arg10 : memref<!tpu.dma_semaphore, #tpu.memory_space<semaphore_mem>>)
        %dma_wait3A_111 = arith.constant 2 : i32
        %dma_wait3A_112 = arith.constant 0 : i32
        %dma_wait3A_113 = arith.constant 0 : i32
        %dma_wait3A_114 = arith.constant 0 : i32
        %dma_wait3A_115 = arith.constant 0 : i32
        %dma_wait3A_116 = tpu.memref_slice %arg7[%dma_wait3A_113, %dma_wait3A_114, %dma_wait3A_115] : memref<2x128x128xf32, #tpu.memory_space<vmem>> -> memref<1x128x128xf32, #tpu.memory_space<vmem>>
        %dma_wait3A_117 = tpu.memref_squeeze %dma_wait3A_116 : memref<1x128x128xf32, #tpu.memory_space<vmem>> -> memref<128x128xf32, #tpu.memory_space<vmem>>
        %dma_wait3A_118 = arith.constant 0 : i32
        %dma_wait3A_119 = tpu.memref_slice %arg6[%dma_wait3A_111, %dma_wait3A_112, %dma_wait3A_118] : memref<8x2x128xi32, #tpu.memory_space<vmem>> -> memref<1x1x128xi32, #tpu.memory_space<vmem>>
        %dma_wait3A_120 = tpu.memref_squeeze %dma_wait3A_119 : memref<1x1x128xi32, #tpu.memory_space<vmem>> -> memref<128xi32, #tpu.memory_space<vmem>>
        %dma_wait3A_121 = arith.constant 0 : i32
        %dma_wait3A_122 = arith.constant 0 : i32
        %dma_wait3A_123 = tpu.memref_slice %arg2[%dma_wait3A_121, %dma_wait3A_122] : memref<10240x128xf32, #tpu.memory_space<hbm>> -> memref<10240x128xf32, #tpu.memory_space<hbm>>
        tpu.wait_indirect_dma semaphore(%arg9 : memref<!tpu.dma_semaphore, #tpu.memory_space<semaphore_mem>>) src(%dma_wait3A_123 : memref<10240x128xf32, #tpu.memory_space<hbm>>) dst(%dma_wait3A_117 : memref<128x128xf32, #tpu.memory_space<vmem>>)
        %run_scoped3A_124 = arith.constant 0 : i32
        %run_scoped3A_125 = arith.constant 2 : i32
        %run_scoped3A_126 = arith.constant 1 : i32
        "tpu.region"() ({
          %run_scoped3A_259 = tpu.sem_alloc : memref<!tpu.dma_semaphore, #tpu.memory_space<semaphore_mem>>
          %dma_start3A_260 = arith.constant 0 : i32
          %dma_start3A_261 = arith.constant 0 : i32
          %dma_start3A_262 = tpu.memref_slice %arg7[%run_scoped3A_124, %dma_start3A_260, %dma_start3A_261] : memref<2x128x128xf32, #tpu.memory_space<vmem>> -> memref<1x128x128xf32, #tpu.memory_space<vmem>>
          %dma_start3A_263 = tpu.memref_squeeze %dma_start3A_262 : memref<1x128x128xf32, #tpu.memory_space<vmem>> -> memref<128x128xf32, #tpu.memory_space<vmem>>
          %dma_start3A_264 = arith.constant 0 : i32
          %dma_start3A_265 = tpu.memref_slice %arg6[%run_scoped3A_125, %run_scoped3A_126, %dma_start3A_264] : memref<8x2x128xi32, #tpu.memory_space<vmem>> -> memref<1x1x128xi32, #tpu.memory_space<vmem>>
          %dma_start3A_266 = tpu.memref_squeeze %dma_start3A_265 : memref<1x1x128xi32, #tpu.memory_space<vmem>> -> memref<128xi32, #tpu.memory_space<vmem>>
          %dma_start3A_267 = arith.constant 0 : i32
          %dma_start3A_268 = arith.constant 0 : i32
          %dma_start3A_269 = tpu.memref_slice %arg8[%dma_start3A_267, %dma_start3A_268] : memref<10240x128xf32, #tpu.memory_space<vmem_shared>> -> memref<10240x128xf32, #tpu.memory_space<vmem_shared>>
          tpu.enqueue_indirect_dma source(%dma_start3A_263 : memref<128x128xf32, #tpu.memory_space<vmem>>) target(%dma_start3A_269 : memref<10240x128xf32, #tpu.memory_space<vmem_shared>>) offsets(%dma_start3A_266 : memref<128xi32, #tpu.memory_space<vmem>>) semaphore(%run_scoped3A_259 : memref<!tpu.dma_semaphore, #tpu.memory_space<semaphore_mem>>) {add = true}
          %dma_wait3A_270 = arith.constant 0 : i32
          %dma_wait3A_271 = arith.constant 0 : i32
          %dma_wait3A_272 = tpu.memref_slice %arg7[%run_scoped3A_124, %dma_wait3A_270, %dma_wait3A_271] : memref<2x128x128xf32, #tpu.memory_space<vmem>> -> memref<1x128x128xf32, #tpu.memory_space<vmem>>
          %dma_wait3A_273 = tpu.memref_squeeze %dma_wait3A_272 : memref<1x128x128xf32, #tpu.memory_space<vmem>> -> memref<128x128xf32, #tpu.memory_space<vmem>>
          %dma_wait3A_274 = arith.constant 0 : i32
          %dma_wait3A_275 = tpu.memref_slice %arg6[%run_scoped3A_125, %run_scoped3A_126, %dma_wait3A_274] : memref<8x2x128xi32, #tpu.memory_space<vmem>> -> memref<1x1x128xi32, #tpu.memory_space<vmem>>
          %dma_wait3A_276 = tpu.memref_squeeze %dma_wait3A_275 : memref<1x1x128xi32, #tpu.memory_space<vmem>> -> memref<128xi32, #tpu.memory_space<vmem>>
          %dma_wait3A_277 = arith.constant 0 : i32
          %dma_wait3A_278 = arith.constant 0 : i32
          %dma_wait3A_279 = tpu.memref_slice %arg8[%dma_wait3A_277, %dma_wait3A_278] : memref<10240x128xf32, #tpu.memory_space<vmem_shared>> -> memref<10240x128xf32, #tpu.memory_space<vmem_shared>>
          tpu.wait_indirect_dma semaphore(%run_scoped3A_259 : memref<!tpu.dma_semaphore, #tpu.memory_space<semaphore_mem>>) src(%dma_wait3A_273 : memref<128x128xf32, #tpu.memory_space<vmem>>) dst(%dma_wait3A_279 : memref<10240x128xf32, #tpu.memory_space<vmem_shared>>)
          tpu.yield
        }) : () -> ()
        %dma_start3A_127 = arith.constant 4 : i32
        %dma_start3A_128 = arith.constant 0 : i32
        %dma_start3A_129 = arith.constant 0 : i32
        %dma_start3A_130 = arith.constant 0 : i32
        %dma_start3A_131 = arith.constant 0 : i32
        %dma_start3A_132 = tpu.memref_slice %arg7[%dma_start3A_129, %dma_start3A_130, %dma_start3A_131] : memref<2x128x128xf32, #tpu.memory_space<vmem>> -> memref<1x128x128xf32, #tpu.memory_space<vmem>>
        %dma_start3A_133 = tpu.memref_squeeze %dma_start3A_132 : memref<1x128x128xf32, #tpu.memory_space<vmem>> -> memref<128x128xf32, #tpu.memory_space<vmem>>
        %dma_start3A_134 = arith.constant 0 : i32
        %dma_start3A_135 = tpu.memref_slice %arg6[%dma_start3A_127, %dma_start3A_128, %dma_start3A_134] : memref<8x2x128xi32, #tpu.memory_space<vmem>> -> memref<1x1x128xi32, #tpu.memory_space<vmem>>
        %dma_start3A_136 = tpu.memref_squeeze %dma_start3A_135 : memref<1x1x128xi32, #tpu.memory_space<vmem>> -> memref<128xi32, #tpu.memory_space<vmem>>
        %dma_start3A_137 = arith.constant 0 : i32
        %dma_start3A_138 = arith.constant 0 : i32
        %dma_start3A_139 = tpu.memref_slice %arg2[%dma_start3A_137, %dma_start3A_138] : memref<10240x128xf32, #tpu.memory_space<hbm>> -> memref<10240x128xf32, #tpu.memory_space<hbm>>
        tpu.enqueue_indirect_dma source(%dma_start3A_139 : memref<10240x128xf32, #tpu.memory_space<hbm>>) target(%dma_start3A_133 : memref<128x128xf32, #tpu.memory_space<vmem>>) offsets(%dma_start3A_136 : memref<128xi32, #tpu.memory_space<vmem>>) semaphore(%arg9 : memref<!tpu.dma_semaphore, #tpu.memory_space<semaphore_mem>>)
        %dma_wait3A_140 = arith.constant 3 : i32
        %dma_wait3A_141 = arith.constant 0 : i32
        %dma_wait3A_142 = arith.constant 1 : i32
        %dma_wait3A_143 = arith.constant 0 : i32
        %dma_wait3A_144 = arith.constant 0 : i32
        %dma_wait3A_145 = tpu.memref_slice %arg7[%dma_wait3A_142, %dma_wait3A_143, %dma_wait3A_144] : memref<2x128x128xf32, #tpu.memory_space<vmem>> -> memref<1x128x128xf32, #tpu.memory_space<vmem>>
        %dma_wait3A_146 = tpu.memref_squeeze %dma_wait3A_145 : memref<1x128x128xf32, #tpu.memory_space<vmem>> -> memref<128x128xf32, #tpu.memory_space<vmem>>
        %dma_wait3A_147 = arith.constant 0 : i32
        %dma_wait3A_148 = tpu.memref_slice %arg6[%dma_wait3A_140, %dma_wait3A_141, %dma_wait3A_147] : memref<8x2x128xi32, #tpu.memory_space<vmem>> -> memref<1x1x128xi32, #tpu.memory_space<vmem>>
        %dma_wait3A_149 = tpu.memref_squeeze %dma_wait3A_148 : memref<1x1x128xi32, #tpu.memory_space<vmem>> -> memref<128xi32, #tpu.memory_space<vmem>>
        %dma_wait3A_150 = arith.constant 0 : i32
        %dma_wait3A_151 = arith.constant 0 : i32
        %dma_wait3A_152 = tpu.memref_slice %arg2[%dma_wait3A_150, %dma_wait3A_151] : memref<10240x128xf32, #tpu.memory_space<hbm>> -> memref<10240x128xf32, #tpu.memory_space<hbm>>
        tpu.wait_indirect_dma semaphore(%arg10 : memref<!tpu.dma_semaphore, #tpu.memory_space<semaphore_mem>>) src(%dma_wait3A_152 : memref<10240x128xf32, #tpu.memory_space<hbm>>) dst(%dma_wait3A_146 : memref<128x128xf32, #tpu.memory_space<vmem>>)
        %run_scoped3A_153 = arith.constant 1 : i32
        %run_scoped3A_154 = arith.constant 3 : i32
        %run_scoped3A_155 = arith.constant 1 : i32
        "tpu.region"() ({
          %run_scoped3A_259 = tpu.sem_alloc : memref<!tpu.dma_semaphore, #tpu.memory_space<semaphore_mem>>
          %dma_start3A_260 = arith.constant 0 : i32
          %dma_start3A_261 = arith.constant 0 : i32
          %dma_start3A_262 = tpu.memref_slice %arg7[%run_scoped3A_153, %dma_start3A_260, %dma_start3A_261] : memref<2x128x128xf32, #tpu.memory_space<vmem>> -> memref<1x128x128xf32, #tpu.memory_space<vmem>>
          %dma_start3A_263 = tpu.memref_squeeze %dma_start3A_262 : memref<1x128x128xf32, #tpu.memory_space<vmem>> -> memref<128x128xf32, #tpu.memory_space<vmem>>
          %dma_start3A_264 = arith.constant 0 : i32
          %dma_start3A_265 = tpu.memref_slice %arg6[%run_scoped3A_154, %run_scoped3A_155, %dma_start3A_264] : memref<8x2x128xi32, #tpu.memory_space<vmem>> -> memref<1x1x128xi32, #tpu.memory_space<vmem>>
          %dma_start3A_266 = tpu.memref_squeeze %dma_start3A_265 : memref<1x1x128xi32, #tpu.memory_space<vmem>> -> memref<128xi32, #tpu.memory_space<vmem>>
          %dma_start3A_267 = arith.constant 0 : i32
          %dma_start3A_268 = arith.constant 0 : i32
          %dma_start3A_269 = tpu.memref_slice %arg8[%dma_start3A_267, %dma_start3A_268] : memref<10240x128xf32, #tpu.memory_space<vmem_shared>> -> memref<10240x128xf32, #tpu.memory_space<vmem_shared>>
          tpu.enqueue_indirect_dma source(%dma_start3A_263 : memref<128x128xf32, #tpu.memory_space<vmem>>) target(%dma_start3A_269 : memref<10240x128xf32, #tpu.memory_space<vmem_shared>>) offsets(%dma_start3A_266 : memref<128xi32, #tpu.memory_space<vmem>>) semaphore(%run_scoped3A_259 : memref<!tpu.dma_semaphore, #tpu.memory_space<semaphore_mem>>) {add = true}
          %dma_wait3A_270 = arith.constant 0 : i32
          %dma_wait3A_271 = arith.constant 0 : i32
          %dma_wait3A_272 = tpu.memref_slice %arg7[%run_scoped3A_153, %dma_wait3A_270, %dma_wait3A_271] : memref<2x128x128xf32, #tpu.memory_space<vmem>> -> memref<1x128x128xf32, #tpu.memory_space<vmem>>
          %dma_wait3A_273 = tpu.memref_squeeze %dma_wait3A_272 : memref<1x128x128xf32, #tpu.memory_space<vmem>> -> memref<128x128xf32, #tpu.memory_space<vmem>>
          %dma_wait3A_274 = arith.constant 0 : i32
          %dma_wait3A_275 = tpu.memref_slice %arg6[%run_scoped3A_154, %run_scoped3A_155, %dma_wait3A_274] : memref<8x2x128xi32, #tpu.memory_space<vmem>> -> memref<1x1x128xi32, #tpu.memory_space<vmem>>
          %dma_wait3A_276 = tpu.memref_squeeze %dma_wait3A_275 : memref<1x1x128xi32, #tpu.memory_space<vmem>> -> memref<128xi32, #tpu.memory_space<vmem>>
          %dma_wait3A_277 = arith.constant 0 : i32
          %dma_wait3A_278 = arith.constant 0 : i32
          %dma_wait3A_279 = tpu.memref_slice %arg8[%dma_wait3A_277, %dma_wait3A_278] : memref<10240x128xf32, #tpu.memory_space<vmem_shared>> -> memref<10240x128xf32, #tpu.memory_space<vmem_shared>>
          tpu.wait_indirect_dma semaphore(%run_scoped3A_259 : memref<!tpu.dma_semaphore, #tpu.memory_space<semaphore_mem>>) src(%dma_wait3A_273 : memref<128x128xf32, #tpu.memory_space<vmem>>) dst(%dma_wait3A_279 : memref<10240x128xf32, #tpu.memory_space<vmem_shared>>)
          tpu.yield
        }) : () -> ()
        %dma_start3A_156 = arith.constant 5 : i32
        %dma_start3A_157 = arith.constant 0 : i32
        %dma_start3A_158 = arith.constant 1 : i32
        %dma_start3A_159 = arith.constant 0 : i32
        %dma_start3A_160 = arith.constant 0 : i32
        %dma_start3A_161 = tpu.memref_slice %arg7[%dma_start3A_158, %dma_start3A_159, %dma_start3A_160] : memref<2x128x128xf32, #tpu.memory_space<vmem>> -> memref<1x128x128xf32, #tpu.memory_space<vmem>>
        %dma_start3A_162 = tpu.memref_squeeze %dma_start3A_161 : memref<1x128x128xf32, #tpu.memory_space<vmem>> -> memref<128x128xf32, #tpu.memory_space<vmem>>
        %dma_start3A_163 = arith.constant 0 : i32
        %dma_start3A_164 = tpu.memref_slice %arg6[%dma_start3A_156, %dma_start3A_157, %dma_start3A_163] : memref<8x2x128xi32, #tpu.memory_space<vmem>> -> memref<1x1x128xi32, #tpu.memory_space<vmem>>
        %dma_start3A_165 = tpu.memref_squeeze %dma_start3A_164 : memref<1x1x128xi32, #tpu.memory_space<vmem>> -> memref<128xi32, #tpu.memory_space<vmem>>
        %dma_start3A_166 = arith.constant 0 : i32
        %dma_start3A_167 = arith.constant 0 : i32
        %dma_start3A_168 = tpu.memref_slice %arg2[%dma_start3A_166, %dma_start3A_167] : memref<10240x128xf32, #tpu.memory_space<hbm>> -> memref<10240x128xf32, #tpu.memory_space<hbm>>
        tpu.enqueue_indirect_dma source(%dma_start3A_168 : memref<10240x128xf32, #tpu.memory_space<hbm>>) target(%dma_start3A_162 : memref<128x128xf32, #tpu.memory_space<vmem>>) offsets(%dma_start3A_165 : memref<128xi32, #tpu.memory_space<vmem>>) semaphore(%arg10 : memref<!tpu.dma_semaphore, #tpu.memory_space<semaphore_mem>>)
        %dma_wait3A_169 = arith.constant 4 : i32
        %dma_wait3A_170 = arith.constant 0 : i32
        %dma_wait3A_171 = arith.constant 0 : i32
        %dma_wait3A_172 = arith.constant 0 : i32
        %dma_wait3A_173 = arith.constant 0 : i32
        %dma_wait3A_174 = tpu.memref_slice %arg7[%dma_wait3A_171, %dma_wait3A_172, %dma_wait3A_173] : memref<2x128x128xf32, #tpu.memory_space<vmem>> -> memref<1x128x128xf32, #tpu.memory_space<vmem>>
        %dma_wait3A_175 = tpu.memref_squeeze %dma_wait3A_174 : memref<1x128x128xf32, #tpu.memory_space<vmem>> -> memref<128x128xf32, #tpu.memory_space<vmem>>
        %dma_wait3A_176 = arith.constant 0 : i32
        %dma_wait3A_177 = tpu.memref_slice %arg6[%dma_wait3A_169, %dma_wait3A_170, %dma_wait3A_176] : memref<8x2x128xi32, #tpu.memory_space<vmem>> -> memref<1x1x128xi32, #tpu.memory_space<vmem>>
        %dma_wait3A_178 = tpu.memref_squeeze %dma_wait3A_177 : memref<1x1x128xi32, #tpu.memory_space<vmem>> -> memref<128xi32, #tpu.memory_space<vmem>>
        %dma_wait3A_179 = arith.constant 0 : i32
        %dma_wait3A_180 = arith.constant 0 : i32
        %dma_wait3A_181 = tpu.memref_slice %arg2[%dma_wait3A_179, %dma_wait3A_180] : memref<10240x128xf32, #tpu.memory_space<hbm>> -> memref<10240x128xf32, #tpu.memory_space<hbm>>
        tpu.wait_indirect_dma semaphore(%arg9 : memref<!tpu.dma_semaphore, #tpu.memory_space<semaphore_mem>>) src(%dma_wait3A_181 : memref<10240x128xf32, #tpu.memory_space<hbm>>) dst(%dma_wait3A_175 : memref<128x128xf32, #tpu.memory_space<vmem>>)
        %run_scoped3A_182 = arith.constant 0 : i32
        %run_scoped3A_183 = arith.constant 4 : i32
        %run_scoped3A_184 = arith.constant 1 : i32
        "tpu.region"() ({
          %run_scoped3A_259 = tpu.sem_alloc : memref<!tpu.dma_semaphore, #tpu.memory_space<semaphore_mem>>
          %dma_start3A_260 = arith.constant 0 : i32
          %dma_start3A_261 = arith.constant 0 : i32
          %dma_start3A_262 = tpu.memref_slice %arg7[%run_scoped3A_182, %dma_start3A_260, %dma_start3A_261] : memref<2x128x128xf32, #tpu.memory_space<vmem>> -> memref<1x128x128xf32, #tpu.memory_space<vmem>>
          %dma_start3A_263 = tpu.memref_squeeze %dma_start3A_262 : memref<1x128x128xf32, #tpu.memory_space<vmem>> -> memref<128x128xf32, #tpu.memory_space<vmem>>
          %dma_start3A_264 = arith.constant 0 : i32
          %dma_start3A_265 = tpu.memref_slice %arg6[%run_scoped3A_183, %run_scoped3A_184, %dma_start3A_264] : memref<8x2x128xi32, #tpu.memory_space<vmem>> -> memref<1x1x128xi32, #tpu.memory_space<vmem>>
          %dma_start3A_266 = tpu.memref_squeeze %dma_start3A_265 : memref<1x1x128xi32, #tpu.memory_space<vmem>> -> memref<128xi32, #tpu.memory_space<vmem>>
          %dma_start3A_267 = arith.constant 0 : i32
          %dma_start3A_268 = arith.constant 0 : i32
          %dma_start3A_269 = tpu.memref_slice %arg8[%dma_start3A_267, %dma_start3A_268] : memref<10240x128xf32, #tpu.memory_space<vmem_shared>> -> memref<10240x128xf32, #tpu.memory_space<vmem_shared>>
          tpu.enqueue_indirect_dma source(%dma_start3A_263 : memref<128x128xf32, #tpu.memory_space<vmem>>) target(%dma_start3A_269 : memref<10240x128xf32, #tpu.memory_space<vmem_shared>>) offsets(%dma_start3A_266 : memref<128xi32, #tpu.memory_space<vmem>>) semaphore(%run_scoped3A_259 : memref<!tpu.dma_semaphore, #tpu.memory_space<semaphore_mem>>) {add = true}
          %dma_wait3A_270 = arith.constant 0 : i32
          %dma_wait3A_271 = arith.constant 0 : i32
          %dma_wait3A_272 = tpu.memref_slice %arg7[%run_scoped3A_182, %dma_wait3A_270, %dma_wait3A_271] : memref<2x128x128xf32, #tpu.memory_space<vmem>> -> memref<1x128x128xf32, #tpu.memory_space<vmem>>
          %dma_wait3A_273 = tpu.memref_squeeze %dma_wait3A_272 : memref<1x128x128xf32, #tpu.memory_space<vmem>> -> memref<128x128xf32, #tpu.memory_space<vmem>>
          %dma_wait3A_274 = arith.constant 0 : i32
          %dma_wait3A_275 = tpu.memref_slice %arg6[%run_scoped3A_183, %run_scoped3A_184, %dma_wait3A_274] : memref<8x2x128xi32, #tpu.memory_space<vmem>> -> memref<1x1x128xi32, #tpu.memory_space<vmem>>
          %dma_wait3A_276 = tpu.memref_squeeze %dma_wait3A_275 : memref<1x1x128xi32, #tpu.memory_space<vmem>> -> memref<128xi32, #tpu.memory_space<vmem>>
          %dma_wait3A_277 = arith.constant 0 : i32
          %dma_wait3A_278 = arith.constant 0 : i32
          %dma_wait3A_279 = tpu.memref_slice %arg8[%dma_wait3A_277, %dma_wait3A_278] : memref<10240x128xf32, #tpu.memory_space<vmem_shared>> -> memref<10240x128xf32, #tpu.memory_space<vmem_shared>>
          tpu.wait_indirect_dma semaphore(%run_scoped3A_259 : memref<!tpu.dma_semaphore, #tpu.memory_space<semaphore_mem>>) src(%dma_wait3A_273 : memref<128x128xf32, #tpu.memory_space<vmem>>) dst(%dma_wait3A_279 : memref<10240x128xf32, #tpu.memory_space<vmem_shared>>)
          tpu.yield
        }) : () -> ()
        %dma_start3A_185 = arith.constant 6 : i32
        %dma_start3A_186 = arith.constant 0 : i32
        %dma_start3A_187 = arith.constant 0 : i32
        %dma_start3A_188 = arith.constant 0 : i32
        %dma_start3A_189 = arith.constant 0 : i32
        %dma_start3A_190 = tpu.memref_slice %arg7[%dma_start3A_187, %dma_start3A_188, %dma_start3A_189] : memref<2x128x128xf32, #tpu.memory_space<vmem>> -> memref<1x128x128xf32, #tpu.memory_space<vmem>>
        %dma_start3A_191 = tpu.memref_squeeze %dma_start3A_190 : memref<1x128x128xf32, #tpu.memory_space<vmem>> -> memref<128x128xf32, #tpu.memory_space<vmem>>
        %dma_start3A_192 = arith.constant 0 : i32
        %dma_start3A_193 = tpu.memref_slice %arg6[%dma_start3A_185, %dma_start3A_186, %dma_start3A_192] : memref<8x2x128xi32, #tpu.memory_space<vmem>> -> memref<1x1x128xi32, #tpu.memory_space<vmem>>
        %dma_start3A_194 = tpu.memref_squeeze %dma_start3A_193 : memref<1x1x128xi32, #tpu.memory_space<vmem>> -> memref<128xi32, #tpu.memory_space<vmem>>
        %dma_start3A_195 = arith.constant 0 : i32
        %dma_start3A_196 = arith.constant 0 : i32
        %dma_start3A_197 = tpu.memref_slice %arg2[%dma_start3A_195, %dma_start3A_196] : memref<10240x128xf32, #tpu.memory_space<hbm>> -> memref<10240x128xf32, #tpu.memory_space<hbm>>
        tpu.enqueue_indirect_dma source(%dma_start3A_197 : memref<10240x128xf32, #tpu.memory_space<hbm>>) target(%dma_start3A_191 : memref<128x128xf32, #tpu.memory_space<vmem>>) offsets(%dma_start3A_194 : memref<128xi32, #tpu.memory_space<vmem>>) semaphore(%arg9 : memref<!tpu.dma_semaphore, #tpu.memory_space<semaphore_mem>>)
        %dma_wait3A_198 = arith.constant 5 : i32
        %dma_wait3A_199 = arith.constant 0 : i32
        %dma_wait3A_200 = arith.constant 1 : i32
        %dma_wait3A_201 = arith.constant 0 : i32
        %dma_wait3A_202 = arith.constant 0 : i32
        %dma_wait3A_203 = tpu.memref_slice %arg7[%dma_wait3A_200, %dma_wait3A_201, %dma_wait3A_202] : memref<2x128x128xf32, #tpu.memory_space<vmem>> -> memref<1x128x128xf32, #tpu.memory_space<vmem>>
        %dma_wait3A_204 = tpu.memref_squeeze %dma_wait3A_203 : memref<1x128x128xf32, #tpu.memory_space<vmem>> -> memref<128x128xf32, #tpu.memory_space<vmem>>
        %dma_wait3A_205 = arith.constant 0 : i32
        %dma_wait3A_206 = tpu.memref_slice %arg6[%dma_wait3A_198, %dma_wait3A_199, %dma_wait3A_205] : memref<8x2x128xi32, #tpu.memory_space<vmem>> -> memref<1x1x128xi32, #tpu.memory_space<vmem>>
        %dma_wait3A_207 = tpu.memref_squeeze %dma_wait3A_206 : memref<1x1x128xi32, #tpu.memory_space<vmem>> -> memref<128xi32, #tpu.memory_space<vmem>>
        %dma_wait3A_208 = arith.constant 0 : i32
        %dma_wait3A_209 = arith.constant 0 : i32
        %dma_wait3A_210 = tpu.memref_slice %arg2[%dma_wait3A_208, %dma_wait3A_209] : memref<10240x128xf32, #tpu.memory_space<hbm>> -> memref<10240x128xf32, #tpu.memory_space<hbm>>
        tpu.wait_indirect_dma semaphore(%arg10 : memref<!tpu.dma_semaphore, #tpu.memory_space<semaphore_mem>>) src(%dma_wait3A_210 : memref<10240x128xf32, #tpu.memory_space<hbm>>) dst(%dma_wait3A_204 : memref<128x128xf32, #tpu.memory_space<vmem>>)
        %run_scoped3A_211 = arith.constant 1 : i32
        %run_scoped3A_212 = arith.constant 5 : i32
        %run_scoped3A_213 = arith.constant 1 : i32
        "tpu.region"() ({
          %run_scoped3A_259 = tpu.sem_alloc : memref<!tpu.dma_semaphore, #tpu.memory_space<semaphore_mem>>
          %dma_start3A_260 = arith.constant 0 : i32
          %dma_start3A_261 = arith.constant 0 : i32
          %dma_start3A_262 = tpu.memref_slice %arg7[%run_scoped3A_211, %dma_start3A_260, %dma_start3A_261] : memref<2x128x128xf32, #tpu.memory_space<vmem>> -> memref<1x128x128xf32, #tpu.memory_space<vmem>>
          %dma_start3A_263 = tpu.memref_squeeze %dma_start3A_262 : memref<1x128x128xf32, #tpu.memory_space<vmem>> -> memref<128x128xf32, #tpu.memory_space<vmem>>
          %dma_start3A_264 = arith.constant 0 : i32
          %dma_start3A_265 = tpu.memref_slice %arg6[%run_scoped3A_212, %run_scoped3A_213, %dma_start3A_264] : memref<8x2x128xi32, #tpu.memory_space<vmem>> -> memref<1x1x128xi32, #tpu.memory_space<vmem>>
          %dma_start3A_266 = tpu.memref_squeeze %dma_start3A_265 : memref<1x1x128xi32, #tpu.memory_space<vmem>> -> memref<128xi32, #tpu.memory_space<vmem>>
          %dma_start3A_267 = arith.constant 0 : i32
          %dma_start3A_268 = arith.constant 0 : i32
          %dma_start3A_269 = tpu.memref_slice %arg8[%dma_start3A_267, %dma_start3A_268] : memref<10240x128xf32, #tpu.memory_space<vmem_shared>> -> memref<10240x128xf32, #tpu.memory_space<vmem_shared>>
          tpu.enqueue_indirect_dma source(%dma_start3A_263 : memref<128x128xf32, #tpu.memory_space<vmem>>) target(%dma_start3A_269 : memref<10240x128xf32, #tpu.memory_space<vmem_shared>>) offsets(%dma_start3A_266 : memref<128xi32, #tpu.memory_space<vmem>>) semaphore(%run_scoped3A_259 : memref<!tpu.dma_semaphore, #tpu.memory_space<semaphore_mem>>) {add = true}
          %dma_wait3A_270 = arith.constant 0 : i32
          %dma_wait3A_271 = arith.constant 0 : i32
          %dma_wait3A_272 = tpu.memref_slice %arg7[%run_scoped3A_211, %dma_wait3A_270, %dma_wait3A_271] : memref<2x128x128xf32, #tpu.memory_space<vmem>> -> memref<1x128x128xf32, #tpu.memory_space<vmem>>
          %dma_wait3A_273 = tpu.memref_squeeze %dma_wait3A_272 : memref<1x128x128xf32, #tpu.memory_space<vmem>> -> memref<128x128xf32, #tpu.memory_space<vmem>>
          %dma_wait3A_274 = arith.constant 0 : i32
          %dma_wait3A_275 = tpu.memref_slice %arg6[%run_scoped3A_212, %run_scoped3A_213, %dma_wait3A_274] : memref<8x2x128xi32, #tpu.memory_space<vmem>> -> memref<1x1x128xi32, #tpu.memory_space<vmem>>
          %dma_wait3A_276 = tpu.memref_squeeze %dma_wait3A_275 : memref<1x1x128xi32, #tpu.memory_space<vmem>> -> memref<128xi32, #tpu.memory_space<vmem>>
          %dma_wait3A_277 = arith.constant 0 : i32
          %dma_wait3A_278 = arith.constant 0 : i32
          %dma_wait3A_279 = tpu.memref_slice %arg8[%dma_wait3A_277, %dma_wait3A_278] : memref<10240x128xf32, #tpu.memory_space<vmem_shared>> -> memref<10240x128xf32, #tpu.memory_space<vmem_shared>>
          tpu.wait_indirect_dma semaphore(%run_scoped3A_259 : memref<!tpu.dma_semaphore, #tpu.memory_space<semaphore_mem>>) src(%dma_wait3A_273 : memref<128x128xf32, #tpu.memory_space<vmem>>) dst(%dma_wait3A_279 : memref<10240x128xf32, #tpu.memory_space<vmem_shared>>)
          tpu.yield
        }) : () -> ()
        %dma_start3A_214 = arith.constant 7 : i32
        %dma_start3A_215 = arith.constant 0 : i32
        %dma_start3A_216 = arith.constant 1 : i32
        %dma_start3A_217 = arith.constant 0 : i32
        %dma_start3A_218 = arith.constant 0 : i32
        %dma_start3A_219 = tpu.memref_slice %arg7[%dma_start3A_216, %dma_start3A_217, %dma_start3A_218] : memref<2x128x128xf32, #tpu.memory_space<vmem>> -> memref<1x128x128xf32, #tpu.memory_space<vmem>>
        %dma_start3A_220 = tpu.memref_squeeze %dma_start3A_219 : memref<1x128x128xf32, #tpu.memory_space<vmem>> -> memref<128x128xf32, #tpu.memory_space<vmem>>
        %dma_start3A_221 = arith.constant 0 : i32
        %dma_start3A_222 = tpu.memref_slice %arg6[%dma_start3A_214, %dma_start3A_215, %dma_start3A_221] : memref<8x2x128xi32, #tpu.memory_space<vmem>> -> memref<1x1x128xi32, #tpu.memory_space<vmem>>
        %dma_start3A_223 = tpu.memref_squeeze %dma_start3A_222 : memref<1x1x128xi32, #tpu.memory_space<vmem>> -> memref<128xi32, #tpu.memory_space<vmem>>
        %dma_start3A_224 = arith.constant 0 : i32
        %dma_start3A_225 = arith.constant 0 : i32
        %dma_start3A_226 = tpu.memref_slice %arg2[%dma_start3A_224, %dma_start3A_225] : memref<10240x128xf32, #tpu.memory_space<hbm>> -> memref<10240x128xf32, #tpu.memory_space<hbm>>
        tpu.enqueue_indirect_dma source(%dma_start3A_226 : memref<10240x128xf32, #tpu.memory_space<hbm>>) target(%dma_start3A_220 : memref<128x128xf32, #tpu.memory_space<vmem>>) offsets(%dma_start3A_223 : memref<128xi32, #tpu.memory_space<vmem>>) semaphore(%arg10 : memref<!tpu.dma_semaphore, #tpu.memory_space<semaphore_mem>>)
        %dma_wait3A_227 = arith.constant 6 : i32
        %dma_wait3A_228 = arith.constant 0 : i32
        %dma_wait3A_229 = arith.constant 0 : i32
        %dma_wait3A_230 = arith.constant 0 : i32
        %dma_wait3A_231 = arith.constant 0 : i32
        %dma_wait3A_232 = tpu.memref_slice %arg7[%dma_wait3A_229, %dma_wait3A_230, %dma_wait3A_231] : memref<2x128x128xf32, #tpu.memory_space<vmem>> -> memref<1x128x128xf32, #tpu.memory_space<vmem>>
        %dma_wait3A_233 = tpu.memref_squeeze %dma_wait3A_232 : memref<1x128x128xf32, #tpu.memory_space<vmem>> -> memref<128x128xf32, #tpu.memory_space<vmem>>
        %dma_wait3A_234 = arith.constant 0 : i32
        %dma_wait3A_235 = tpu.memref_slice %arg6[%dma_wait3A_227, %dma_wait3A_228, %dma_wait3A_234] : memref<8x2x128xi32, #tpu.memory_space<vmem>> -> memref<1x1x128xi32, #tpu.memory_space<vmem>>
        %dma_wait3A_236 = tpu.memref_squeeze %dma_wait3A_235 : memref<1x1x128xi32, #tpu.memory_space<vmem>> -> memref<128xi32, #tpu.memory_space<vmem>>
        %dma_wait3A_237 = arith.constant 0 : i32
        %dma_wait3A_238 = arith.constant 0 : i32
        %dma_wait3A_239 = tpu.memref_slice %arg2[%dma_wait3A_237, %dma_wait3A_238] : memref<10240x128xf32, #tpu.memory_space<hbm>> -> memref<10240x128xf32, #tpu.memory_space<hbm>>
        tpu.wait_indirect_dma semaphore(%arg9 : memref<!tpu.dma_semaphore, #tpu.memory_space<semaphore_mem>>) src(%dma_wait3A_239 : memref<10240x128xf32, #tpu.memory_space<hbm>>) dst(%dma_wait3A_233 : memref<128x128xf32, #tpu.memory_space<vmem>>)
        %run_scoped3A_240 = arith.constant 0 : i32
        %run_scoped3A_241 = arith.constant 6 : i32
        %run_scoped3A_242 = arith.constant 1 : i32
        "tpu.region"() ({
          %run_scoped3A_259 = tpu.sem_alloc : memref<!tpu.dma_semaphore, #tpu.memory_space<semaphore_mem>>
          %dma_start3A_260 = arith.constant 0 : i32
          %dma_start3A_261 = arith.constant 0 : i32
          %dma_start3A_262 = tpu.memref_slice %arg7[%run_scoped3A_240, %dma_start3A_260, %dma_start3A_261] : memref<2x128x128xf32, #tpu.memory_space<vmem>> -> memref<1x128x128xf32, #tpu.memory_space<vmem>>
          %dma_start3A_263 = tpu.memref_squeeze %dma_start3A_262 : memref<1x128x128xf32, #tpu.memory_space<vmem>> -> memref<128x128xf32, #tpu.memory_space<vmem>>
          %dma_start3A_264 = arith.constant 0 : i32
          %dma_start3A_265 = tpu.memref_slice %arg6[%run_scoped3A_241, %run_scoped3A_242, %dma_start3A_264] : memref<8x2x128xi32, #tpu.memory_space<vmem>> -> memref<1x1x128xi32, #tpu.memory_space<vmem>>
          %dma_start3A_266 = tpu.memref_squeeze %dma_start3A_265 : memref<1x1x128xi32, #tpu.memory_space<vmem>> -> memref<128xi32, #tpu.memory_space<vmem>>
          %dma_start3A_267 = arith.constant 0 : i32
          %dma_start3A_268 = arith.constant 0 : i32
          %dma_start3A_269 = tpu.memref_slice %arg8[%dma_start3A_267, %dma_start3A_268] : memref<10240x128xf32, #tpu.memory_space<vmem_shared>> -> memref<10240x128xf32, #tpu.memory_space<vmem_shared>>
          tpu.enqueue_indirect_dma source(%dma_start3A_263 : memref<128x128xf32, #tpu.memory_space<vmem>>) target(%dma_start3A_269 : memref<10240x128xf32, #tpu.memory_space<vmem_shared>>) offsets(%dma_start3A_266 : memref<128xi32, #tpu.memory_space<vmem>>) semaphore(%run_scoped3A_259 : memref<!tpu.dma_semaphore, #tpu.memory_space<semaphore_mem>>) {add = true}
          %dma_wait3A_270 = arith.constant 0 : i32
          %dma_wait3A_271 = arith.constant 0 : i32
          %dma_wait3A_272 = tpu.memref_slice %arg7[%run_scoped3A_240, %dma_wait3A_270, %dma_wait3A_271] : memref<2x128x128xf32, #tpu.memory_space<vmem>> -> memref<1x128x128xf32, #tpu.memory_space<vmem>>
          %dma_wait3A_273 = tpu.memref_squeeze %dma_wait3A_272 : memref<1x128x128xf32, #tpu.memory_space<vmem>> -> memref<128x128xf32, #tpu.memory_space<vmem>>
          %dma_wait3A_274 = arith.constant 0 : i32
          %dma_wait3A_275 = tpu.memref_slice %arg6[%run_scoped3A_241, %run_scoped3A_242, %dma_wait3A_274] : memref<8x2x128xi32, #tpu.memory_space<vmem>> -> memref<1x1x128xi32, #tpu.memory_space<vmem>>
          %dma_wait3A_276 = tpu.memref_squeeze %dma_wait3A_275 : memref<1x1x128xi32, #tpu.memory_space<vmem>> -> memref<128xi32, #tpu.memory_space<vmem>>
          %dma_wait3A_277 = arith.constant 0 : i32
          %dma_wait3A_278 = arith.constant 0 : i32
          %dma_wait3A_279 = tpu.memref_slice %arg8[%dma_wait3A_277, %dma_wait3A_278] : memref<10240x128xf32, #tpu.memory_space<vmem_shared>> -> memref<10240x128xf32, #tpu.memory_space<vmem_shared>>
          tpu.wait_indirect_dma semaphore(%run_scoped3A_259 : memref<!tpu.dma_semaphore, #tpu.memory_space<semaphore_mem>>) src(%dma_wait3A_273 : memref<128x128xf32, #tpu.memory_space<vmem>>) dst(%dma_wait3A_279 : memref<10240x128xf32, #tpu.memory_space<vmem_shared>>)
          tpu.yield
        }) : () -> ()
        %dma_wait3A_243 = arith.constant 7 : i32
        %dma_wait3A_244 = arith.constant 0 : i32
        %dma_wait3A_245 = arith.constant 1 : i32
        %dma_wait3A_246 = arith.constant 0 : i32
        %dma_wait3A_247 = arith.constant 0 : i32
        %dma_wait3A_248 = tpu.memref_slice %arg7[%dma_wait3A_245, %dma_wait3A_246, %dma_wait3A_247] : memref<2x128x128xf32, #tpu.memory_space<vmem>> -> memref<1x128x128xf32, #tpu.memory_space<vmem>>
        %dma_wait3A_249 = tpu.memref_squeeze %dma_wait3A_248 : memref<1x128x128xf32, #tpu.memory_space<vmem>> -> memref<128x128xf32, #tpu.memory_space<vmem>>
        %dma_wait3A_250 = arith.constant 0 : i32
        %dma_wait3A_251 = tpu.memref_slice %arg6[%dma_wait3A_243, %dma_wait3A_244, %dma_wait3A_250] : memref<8x2x128xi32, #tpu.memory_space<vmem>> -> memref<1x1x128xi32, #tpu.memory_space<vmem>>
        %dma_wait3A_252 = tpu.memref_squeeze %dma_wait3A_251 : memref<1x1x128xi32, #tpu.memory_space<vmem>> -> memref<128xi32, #tpu.memory_space<vmem>>
        %dma_wait3A_253 = arith.constant 0 : i32
        %dma_wait3A_254 = arith.constant 0 : i32
        %dma_wait3A_255 = tpu.memref_slice %arg2[%dma_wait3A_253, %dma_wait3A_254] : memref<10240x128xf32, #tpu.memory_space<hbm>> -> memref<10240x128xf32, #tpu.memory_space<hbm>>
        tpu.wait_indirect_dma semaphore(%arg10 : memref<!tpu.dma_semaphore, #tpu.memory_space<semaphore_mem>>) src(%dma_wait3A_255 : memref<10240x128xf32, #tpu.memory_space<hbm>>) dst(%dma_wait3A_249 : memref<128x128xf32, #tpu.memory_space<vmem>>)
        %run_scoped3A_256 = arith.constant 1 : i32
        %run_scoped3A_257 = arith.constant 7 : i32
        %run_scoped3A_258 = arith.constant 1 : i32
        "tpu.region"() ({
          %run_scoped3A_259 = tpu.sem_alloc : memref<!tpu.dma_semaphore, #tpu.memory_space<semaphore_mem>>
          %dma_start3A_260 = arith.constant 0 : i32
          %dma_start3A_261 = arith.constant 0 : i32
          %dma_start3A_262 = tpu.memref_slice %arg7[%run_scoped3A_256, %dma_start3A_260, %dma_start3A_261] : memref<2x128x128xf32, #tpu.memory_space<vmem>> -> memref<1x128x128xf32, #tpu.memory_space<vmem>>
          %dma_start3A_263 = tpu.memref_squeeze %dma_start3A_262 : memref<1x128x128xf32, #tpu.memory_space<vmem>> -> memref<128x128xf32, #tpu.memory_space<vmem>>
          %dma_start3A_264 = arith.constant 0 : i32
          %dma_start3A_265 = tpu.memref_slice %arg6[%run_scoped3A_257, %run_scoped3A_258, %dma_start3A_264] : memref<8x2x128xi32, #tpu.memory_space<vmem>> -> memref<1x1x128xi32, #tpu.memory_space<vmem>>
          %dma_start3A_266 = tpu.memref_squeeze %dma_start3A_265 : memref<1x1x128xi32, #tpu.memory_space<vmem>> -> memref<128xi32, #tpu.memory_space<vmem>>
          %dma_start3A_267 = arith.constant 0 : i32
          %dma_start3A_268 = arith.constant 0 : i32
          %dma_start3A_269 = tpu.memref_slice %arg8[%dma_start3A_267, %dma_start3A_268] : memref<10240x128xf32, #tpu.memory_space<vmem_shared>> -> memref<10240x128xf32, #tpu.memory_space<vmem_shared>>
          tpu.enqueue_indirect_dma source(%dma_start3A_263 : memref<128x128xf32, #tpu.memory_space<vmem>>) target(%dma_start3A_269 : memref<10240x128xf32, #tpu.memory_space<vmem_shared>>) offsets(%dma_start3A_266 : memref<128xi32, #tpu.memory_space<vmem>>) semaphore(%run_scoped3A_259 : memref<!tpu.dma_semaphore, #tpu.memory_space<semaphore_mem>>) {add = true}
          %dma_wait3A_270 = arith.constant 0 : i32
          %dma_wait3A_271 = arith.constant 0 : i32
          %dma_wait3A_272 = tpu.memref_slice %arg7[%run_scoped3A_256, %dma_wait3A_270, %dma_wait3A_271] : memref<2x128x128xf32, #tpu.memory_space<vmem>> -> memref<1x128x128xf32, #tpu.memory_space<vmem>>
          %dma_wait3A_273 = tpu.memref_squeeze %dma_wait3A_272 : memref<1x128x128xf32, #tpu.memory_space<vmem>> -> memref<128x128xf32, #tpu.memory_space<vmem>>
          %dma_wait3A_274 = arith.constant 0 : i32
          %dma_wait3A_275 = tpu.memref_slice %arg6[%run_scoped3A_257, %run_scoped3A_258, %dma_wait3A_274] : memref<8x2x128xi32, #tpu.memory_space<vmem>> -> memref<1x1x128xi32, #tpu.memory_space<vmem>>
          %dma_wait3A_276 = tpu.memref_squeeze %dma_wait3A_275 : memref<1x1x128xi32, #tpu.memory_space<vmem>> -> memref<128xi32, #tpu.memory_space<vmem>>
          %dma_wait3A_277 = arith.constant 0 : i32
          %dma_wait3A_278 = arith.constant 0 : i32
          %dma_wait3A_279 = tpu.memref_slice %arg8[%dma_wait3A_277, %dma_wait3A_278] : memref<10240x128xf32, #tpu.memory_space<vmem_shared>> -> memref<10240x128xf32, #tpu.memory_space<vmem_shared>>
          tpu.wait_indirect_dma semaphore(%run_scoped3A_259 : memref<!tpu.dma_semaphore, #tpu.memory_space<semaphore_mem>>) src(%dma_wait3A_273 : memref<128x128xf32, #tpu.memory_space<vmem>>) dst(%dma_wait3A_279 : memref<10240x128xf32, #tpu.memory_space<vmem_shared>>)
          tpu.yield
        }) : () -> ()
      }
      %scan3A_24 = arith.constant 20 : i32
    } else {
    }
    %eq3A_15 = arith.constant 1 : i32
    %eq3A_16 = arith.cmpi eq, %arg0, %eq3A_15 : i32
    %convert_element_type3A_17 = arith.extui %eq3A_16 : i1 to i32
    %cond3A_18 = arith.constant 0 : i32
    %cond3A_19 = arith.cmpi ne, %convert_element_type3A_17, %cond3A_18 : i32
    scf.if %cond3A_19 {
      %scan3A = arith.constant 0 : i32
      %scan3A_21 = arith.constant 20 : i32
      %scan3A_22 = arith.addi %scan3A, %scan3A_21 : i32
      %scan3A_23 = arith.constant 1 : i32
      scf.for %scan3A_25 = %scan3A to %scan3A_22 step %scan3A_23  : i32 {
        %mul3A_26 = arith.constant 8 : i32
        %mul3A_27 = arith.muli %scan3A_25, %mul3A_26 : i32
        %add3A = arith.constant 0 : i32
        %add3A_28 = arith.addi %add3A, %mul3A_27 : i32
        %add3A_29 = arith.addi %mul3A_2, %add3A_28 : i32
        "tpu.region"() ({
          %run_scoped3A_259 = tpu.sem_alloc : memref<!tpu.dma_semaphore, #tpu.memory_space<semaphore_mem>>
          %dma_start3A_260 = arith.constant 0 : i32
          %dma_start3A_261 = arith.constant 0 : i32
          %dma_start3A_262 = tpu.memref_slice %arg4[%add3A_29, %dma_start3A_260, %dma_start3A_261] : memref<2560x2x128xi32, #tpu.memory_space<hbm>> -> memref<8x2x128xi32, #tpu.memory_space<hbm>>
          %dma_start3A_263 = arith.constant 0 : i32
          %dma_start3A_264 = arith.constant 0 : i32
          %dma_start3A_265 = tpu.memref_slice %arg4[%add3A_29, %dma_start3A_263, %dma_start3A_264] : memref<2560x2x128xi32, #tpu.memory_space<hbm>> -> memref<8x2x128xi32, #tpu.memory_space<hbm>>
          tpu.enqueue_dma source(%dma_start3A_265 : memref<8x2x128xi32, #tpu.memory_space<hbm>>) target(%arg6 : memref<8x2x128xi32, #tpu.memory_space<vmem>>) target_semaphore(%run_scoped3A_259 : memref<!tpu.dma_semaphore, #tpu.memory_space<semaphore_mem>>)
          %dma_wait3A_266 = arith.constant 0 : i32
          %dma_wait3A_267 = arith.constant 0 : i32
          %dma_wait3A_268 = tpu.memref_slice %arg4[%add3A_29, %dma_wait3A_266, %dma_wait3A_267] : memref<2560x2x128xi32, #tpu.memory_space<hbm>> -> memref<8x2x128xi32, #tpu.memory_space<hbm>>
          %dma_wait3A_269 = arith.constant 0 : i32
          %dma_wait3A_270 = arith.constant 0 : i32
          %dma_wait3A_271 = tpu.memref_slice %arg4[%add3A_29, %dma_wait3A_269, %dma_wait3A_270] : memref<2560x2x128xi32, #tpu.memory_space<hbm>> -> memref<8x2x128xi32, #tpu.memory_space<hbm>>
          tpu.wait_dma2 semaphore(%run_scoped3A_259 : memref<!tpu.dma_semaphore, #tpu.memory_space<semaphore_mem>>) src(%dma_wait3A_271 : memref<8x2x128xi32, #tpu.memory_space<hbm>>) dst(%arg6 : memref<8x2x128xi32, #tpu.memory_space<vmem>>)
          tpu.yield
        }) : () -> ()
        %dma_start3A = arith.constant 0 : i32
        %dma_start3A_30 = arith.constant 0 : i32
        %dma_start3A_31 = arith.constant 0 : i32
        %dma_start3A_32 = arith.constant 0 : i32
        %dma_start3A_33 = arith.constant 0 : i32
        %dma_start3A_34 = tpu.memref_slice %arg7[%dma_start3A_31, %dma_start3A_32, %dma_start3A_33] : memref<2x128x128xf32, #tpu.memory_space<vmem>> -> memref<1x128x128xf32, #tpu.memory_space<vmem>>
        %dma_start3A_35 = tpu.memref_squeeze %dma_start3A_34 : memref<1x128x128xf32, #tpu.memory_space<vmem>> -> memref<128x128xf32, #tpu.memory_space<vmem>>
        %dma_start3A_36 = arith.constant 0 : i32
        %dma_start3A_37 = tpu.memref_slice %arg6[%dma_start3A, %dma_start3A_30, %dma_start3A_36] : memref<8x2x128xi32, #tpu.memory_space<vmem>> -> memref<1x1x128xi32, #tpu.memory_space<vmem>>
        %dma_start3A_38 = tpu.memref_squeeze %dma_start3A_37 : memref<1x1x128xi32, #tpu.memory_space<vmem>> -> memref<128xi32, #tpu.memory_space<vmem>>
        %dma_start3A_39 = arith.constant 0 : i32
        %dma_start3A_40 = arith.constant 0 : i32
        %dma_start3A_41 = tpu.memref_slice %arg3[%dma_start3A_39, %dma_start3A_40] : memref<10240x128xf32, #tpu.memory_space<hbm>> -> memref<10240x128xf32, #tpu.memory_space<hbm>>
        tpu.enqueue_indirect_dma source(%dma_start3A_41 : memref<10240x128xf32, #tpu.memory_space<hbm>>) target(%dma_start3A_35 : memref<128x128xf32, #tpu.memory_space<vmem>>) offsets(%dma_start3A_38 : memref<128xi32, #tpu.memory_space<vmem>>) semaphore(%arg9 : memref<!tpu.dma_semaphore, #tpu.memory_space<semaphore_mem>>)
        %dma_start3A_42 = arith.constant 1 : i32
        %dma_start3A_43 = arith.constant 0 : i32
        %dma_start3A_44 = arith.constant 1 : i32
        %dma_start3A_45 = arith.constant 0 : i32
        %dma_start3A_46 = arith.constant 0 : i32
        %dma_start3A_47 = tpu.memref_slice %arg7[%dma_start3A_44, %dma_start3A_45, %dma_start3A_46] : memref<2x128x128xf32, #tpu.memory_space<vmem>> -> memref<1x128x128xf32, #tpu.memory_space<vmem>>
        %dma_start3A_48 = tpu.memref_squeeze %dma_start3A_47 : memref<1x128x128xf32, #tpu.memory_space<vmem>> -> memref<128x128xf32, #tpu.memory_space<vmem>>
        %dma_start3A_49 = arith.constant 0 : i32
        %dma_start3A_50 = tpu.memref_slice %arg6[%dma_start3A_42, %dma_start3A_43, %dma_start3A_49] : memref<8x2x128xi32, #tpu.memory_space<vmem>> -> memref<1x1x128xi32, #tpu.memory_space<vmem>>
        %dma_start3A_51 = tpu.memref_squeeze %dma_start3A_50 : memref<1x1x128xi32, #tpu.memory_space<vmem>> -> memref<128xi32, #tpu.memory_space<vmem>>
        %dma_start3A_52 = arith.constant 0 : i32
        %dma_start3A_53 = arith.constant 0 : i32
        %dma_start3A_54 = tpu.memref_slice %arg3[%dma_start3A_52, %dma_start3A_53] : memref<10240x128xf32, #tpu.memory_space<hbm>> -> memref<10240x128xf32, #tpu.memory_space<hbm>>
        tpu.enqueue_indirect_dma source(%dma_start3A_54 : memref<10240x128xf32, #tpu.memory_space<hbm>>) target(%dma_start3A_48 : memref<128x128xf32, #tpu.memory_space<vmem>>) offsets(%dma_start3A_51 : memref<128xi32, #tpu.memory_space<vmem>>) semaphore(%arg10 : memref<!tpu.dma_semaphore, #tpu.memory_space<semaphore_mem>>)
        %dma_wait3A = arith.constant 0 : i32
        %dma_wait3A_55 = arith.constant 0 : i32
        %dma_wait3A_56 = arith.constant 0 : i32
        %dma_wait3A_57 = arith.constant 0 : i32
        %dma_wait3A_58 = arith.constant 0 : i32
        %dma_wait3A_59 = tpu.memref_slice %arg7[%dma_wait3A_56, %dma_wait3A_57, %dma_wait3A_58] : memref<2x128x128xf32, #tpu.memory_space<vmem>> -> memref<1x128x128xf32, #tpu.memory_space<vmem>>
        %dma_wait3A_60 = tpu.memref_squeeze %dma_wait3A_59 : memref<1x128x128xf32, #tpu.memory_space<vmem>> -> memref<128x128xf32, #tpu.memory_space<vmem>>
        %dma_wait3A_61 = arith.constant 0 : i32
        %dma_wait3A_62 = tpu.memref_slice %arg6[%dma_wait3A, %dma_wait3A_55, %dma_wait3A_61] : memref<8x2x128xi32, #tpu.memory_space<vmem>> -> memref<1x1x128xi32, #tpu.memory_space<vmem>>
        %dma_wait3A_63 = tpu.memref_squeeze %dma_wait3A_62 : memref<1x1x128xi32, #tpu.memory_space<vmem>> -> memref<128xi32, #tpu.memory_space<vmem>>
        %dma_wait3A_64 = arith.constant 0 : i32
        %dma_wait3A_65 = arith.constant 0 : i32
        %dma_wait3A_66 = tpu.memref_slice %arg3[%dma_wait3A_64, %dma_wait3A_65] : memref<10240x128xf32, #tpu.memory_space<hbm>> -> memref<10240x128xf32, #tpu.memory_space<hbm>>
        tpu.wait_indirect_dma semaphore(%arg9 : memref<!tpu.dma_semaphore, #tpu.memory_space<semaphore_mem>>) src(%dma_wait3A_66 : memref<10240x128xf32, #tpu.memory_space<hbm>>) dst(%dma_wait3A_60 : memref<128x128xf32, #tpu.memory_space<vmem>>)
        %run_scoped3A = arith.constant 0 : i32
        %run_scoped3A_67 = arith.constant 0 : i32
        %run_scoped3A_68 = arith.constant 1 : i32
        "tpu.region"() ({
          %run_scoped3A_259 = tpu.sem_alloc : memref<!tpu.dma_semaphore, #tpu.memory_space<semaphore_mem>>
          %dma_start3A_260 = arith.constant 0 : i32
          %dma_start3A_261 = arith.constant 0 : i32
          %dma_start3A_262 = tpu.memref_slice %arg7[%run_scoped3A, %dma_start3A_260, %dma_start3A_261] : memref<2x128x128xf32, #tpu.memory_space<vmem>> -> memref<1x128x128xf32, #tpu.memory_space<vmem>>
          %dma_start3A_263 = tpu.memref_squeeze %dma_start3A_262 : memref<1x128x128xf32, #tpu.memory_space<vmem>> -> memref<128x128xf32, #tpu.memory_space<vmem>>
          %dma_start3A_264 = arith.constant 0 : i32
          %dma_start3A_265 = tpu.memref_slice %arg6[%run_scoped3A_67, %run_scoped3A_68, %dma_start3A_264] : memref<8x2x128xi32, #tpu.memory_space<vmem>> -> memref<1x1x128xi32, #tpu.memory_space<vmem>>
          %dma_start3A_266 = tpu.memref_squeeze %dma_start3A_265 : memref<1x1x128xi32, #tpu.memory_space<vmem>> -> memref<128xi32, #tpu.memory_space<vmem>>
          %dma_start3A_267 = arith.constant 0 : i32
          %dma_start3A_268 = arith.constant 0 : i32
          %dma_start3A_269 = tpu.memref_slice %arg8[%dma_start3A_267, %dma_start3A_268] : memref<10240x128xf32, #tpu.memory_space<vmem_shared>> -> memref<10240x128xf32, #tpu.memory_space<vmem_shared>>
          tpu.enqueue_indirect_dma source(%dma_start3A_263 : memref<128x128xf32, #tpu.memory_space<vmem>>) target(%dma_start3A_269 : memref<10240x128xf32, #tpu.memory_space<vmem_shared>>) offsets(%dma_start3A_266 : memref<128xi32, #tpu.memory_space<vmem>>) semaphore(%run_scoped3A_259 : memref<!tpu.dma_semaphore, #tpu.memory_space<semaphore_mem>>) {add = true}
          %dma_wait3A_270 = arith.constant 0 : i32
          %dma_wait3A_271 = arith.constant 0 : i32
          %dma_wait3A_272 = tpu.memref_slice %arg7[%run_scoped3A, %dma_wait3A_270, %dma_wait3A_271] : memref<2x128x128xf32, #tpu.memory_space<vmem>> -> memref<1x128x128xf32, #tpu.memory_space<vmem>>
          %dma_wait3A_273 = tpu.memref_squeeze %dma_wait3A_272 : memref<1x128x128xf32, #tpu.memory_space<vmem>> -> memref<128x128xf32, #tpu.memory_space<vmem>>
          %dma_wait3A_274 = arith.constant 0 : i32
          %dma_wait3A_275 = tpu.memref_slice %arg6[%run_scoped3A_67, %run_scoped3A_68, %dma_wait3A_274] : memref<8x2x128xi32, #tpu.memory_space<vmem>> -> memref<1x1x128xi32, #tpu.memory_space<vmem>>
          %dma_wait3A_276 = tpu.memref_squeeze %dma_wait3A_275 : memref<1x1x128xi32, #tpu.memory_space<vmem>> -> memref<128xi32, #tpu.memory_space<vmem>>
          %dma_wait3A_277 = arith.constant 0 : i32
          %dma_wait3A_278 = arith.constant 0 : i32
          %dma_wait3A_279 = tpu.memref_slice %arg8[%dma_wait3A_277, %dma_wait3A_278] : memref<10240x128xf32, #tpu.memory_space<vmem_shared>> -> memref<10240x128xf32, #tpu.memory_space<vmem_shared>>
          tpu.wait_indirect_dma semaphore(%run_scoped3A_259 : memref<!tpu.dma_semaphore, #tpu.memory_space<semaphore_mem>>) src(%dma_wait3A_273 : memref<128x128xf32, #tpu.memory_space<vmem>>) dst(%dma_wait3A_279 : memref<10240x128xf32, #tpu.memory_space<vmem_shared>>)
          tpu.yield
        }) : () -> ()
        %dma_start3A_69 = arith.constant 2 : i32
        %dma_start3A_70 = arith.constant 0 : i32
        %dma_start3A_71 = arith.constant 0 : i32
        %dma_start3A_72 = arith.constant 0 : i32
        %dma_start3A_73 = arith.constant 0 : i32
        %dma_start3A_74 = tpu.memref_slice %arg7[%dma_start3A_71, %dma_start3A_72, %dma_start3A_73] : memref<2x128x128xf32, #tpu.memory_space<vmem>> -> memref<1x128x128xf32, #tpu.memory_space<vmem>>
        %dma_start3A_75 = tpu.memref_squeeze %dma_start3A_74 : memref<1x128x128xf32, #tpu.memory_space<vmem>> -> memref<128x128xf32, #tpu.memory_space<vmem>>
        %dma_start3A_76 = arith.constant 0 : i32
        %dma_start3A_77 = tpu.memref_slice %arg6[%dma_start3A_69, %dma_start3A_70, %dma_start3A_76] : memref<8x2x128xi32, #tpu.memory_space<vmem>> -> memref<1x1x128xi32, #tpu.memory_space<vmem>>
        %dma_start3A_78 = tpu.memref_squeeze %dma_start3A_77 : memref<1x1x128xi32, #tpu.memory_space<vmem>> -> memref<128xi32, #tpu.memory_space<vmem>>
        %dma_start3A_79 = arith.constant 0 : i32
        %dma_start3A_80 = arith.constant 0 : i32
        %dma_start3A_81 = tpu.memref_slice %arg3[%dma_start3A_79, %dma_start3A_80] : memref<10240x128xf32, #tpu.memory_space<hbm>> -> memref<10240x128xf32, #tpu.memory_space<hbm>>
        tpu.enqueue_indirect_dma source(%dma_start3A_81 : memref<10240x128xf32, #tpu.memory_space<hbm>>) target(%dma_start3A_75 : memref<128x128xf32, #tpu.memory_space<vmem>>) offsets(%dma_start3A_78 : memref<128xi32, #tpu.memory_space<vmem>>) semaphore(%arg9 : memref<!tpu.dma_semaphore, #tpu.memory_space<semaphore_mem>>)
        %dma_wait3A_82 = arith.constant 1 : i32
        %dma_wait3A_83 = arith.constant 0 : i32
        %dma_wait3A_84 = arith.constant 1 : i32
        %dma_wait3A_85 = arith.constant 0 : i32
        %dma_wait3A_86 = arith.constant 0 : i32
        %dma_wait3A_87 = tpu.memref_slice %arg7[%dma_wait3A_84, %dma_wait3A_85, %dma_wait3A_86] : memref<2x128x128xf32, #tpu.memory_space<vmem>> -> memref<1x128x128xf32, #tpu.memory_space<vmem>>
        %dma_wait3A_88 = tpu.memref_squeeze %dma_wait3A_87 : memref<1x128x128xf32, #tpu.memory_space<vmem>> -> memref<128x128xf32, #tpu.memory_space<vmem>>
        %dma_wait3A_89 = arith.constant 0 : i32
        %dma_wait3A_90 = tpu.memref_slice %arg6[%dma_wait3A_82, %dma_wait3A_83, %dma_wait3A_89] : memref<8x2x128xi32, #tpu.memory_space<vmem>> -> memref<1x1x128xi32, #tpu.memory_space<vmem>>
        %dma_wait3A_91 = tpu.memref_squeeze %dma_wait3A_90 : memref<1x1x128xi32, #tpu.memory_space<vmem>> -> memref<128xi32, #tpu.memory_space<vmem>>
        %dma_wait3A_92 = arith.constant 0 : i32
        %dma_wait3A_93 = arith.constant 0 : i32
        %dma_wait3A_94 = tpu.memref_slice %arg3[%dma_wait3A_92, %dma_wait3A_93] : memref<10240x128xf32, #tpu.memory_space<hbm>> -> memref<10240x128xf32, #tpu.memory_space<hbm>>
        tpu.wait_indirect_dma semaphore(%arg10 : memref<!tpu.dma_semaphore, #tpu.memory_space<semaphore_mem>>) src(%dma_wait3A_94 : memref<10240x128xf32, #tpu.memory_space<hbm>>) dst(%dma_wait3A_88 : memref<128x128xf32, #tpu.memory_space<vmem>>)
        %run_scoped3A_95 = arith.constant 1 : i32
        %run_scoped3A_96 = arith.constant 1 : i32
        %run_scoped3A_97 = arith.constant 1 : i32
        "tpu.region"() ({
          %run_scoped3A_259 = tpu.sem_alloc : memref<!tpu.dma_semaphore, #tpu.memory_space<semaphore_mem>>
          %dma_start3A_260 = arith.constant 0 : i32
          %dma_start3A_261 = arith.constant 0 : i32
          %dma_start3A_262 = tpu.memref_slice %arg7[%run_scoped3A_95, %dma_start3A_260, %dma_start3A_261] : memref<2x128x128xf32, #tpu.memory_space<vmem>> -> memref<1x128x128xf32, #tpu.memory_space<vmem>>
          %dma_start3A_263 = tpu.memref_squeeze %dma_start3A_262 : memref<1x128x128xf32, #tpu.memory_space<vmem>> -> memref<128x128xf32, #tpu.memory_space<vmem>>
          %dma_start3A_264 = arith.constant 0 : i32
          %dma_start3A_265 = tpu.memref_slice %arg6[%run_scoped3A_96, %run_scoped3A_97, %dma_start3A_264] : memref<8x2x128xi32, #tpu.memory_space<vmem>> -> memref<1x1x128xi32, #tpu.memory_space<vmem>>
          %dma_start3A_266 = tpu.memref_squeeze %dma_start3A_265 : memref<1x1x128xi32, #tpu.memory_space<vmem>> -> memref<128xi32, #tpu.memory_space<vmem>>
          %dma_start3A_267 = arith.constant 0 : i32
          %dma_start3A_268 = arith.constant 0 : i32
          %dma_start3A_269 = tpu.memref_slice %arg8[%dma_start3A_267, %dma_start3A_268] : memref<10240x128xf32, #tpu.memory_space<vmem_shared>> -> memref<10240x128xf32, #tpu.memory_space<vmem_shared>>
          tpu.enqueue_indirect_dma source(%dma_start3A_263 : memref<128x128xf32, #tpu.memory_space<vmem>>) target(%dma_start3A_269 : memref<10240x128xf32, #tpu.memory_space<vmem_shared>>) offsets(%dma_start3A_266 : memref<128xi32, #tpu.memory_space<vmem>>) semaphore(%run_scoped3A_259 : memref<!tpu.dma_semaphore, #tpu.memory_space<semaphore_mem>>) {add = true}
          %dma_wait3A_270 = arith.constant 0 : i32
          %dma_wait3A_271 = arith.constant 0 : i32
          %dma_wait3A_272 = tpu.memref_slice %arg7[%run_scoped3A_95, %dma_wait3A_270, %dma_wait3A_271] : memref<2x128x128xf32, #tpu.memory_space<vmem>> -> memref<1x128x128xf32, #tpu.memory_space<vmem>>
          %dma_wait3A_273 = tpu.memref_squeeze %dma_wait3A_272 : memref<1x128x128xf32, #tpu.memory_space<vmem>> -> memref<128x128xf32, #tpu.memory_space<vmem>>
          %dma_wait3A_274 = arith.constant 0 : i32
          %dma_wait3A_275 = tpu.memref_slice %arg6[%run_scoped3A_96, %run_scoped3A_97, %dma_wait3A_274] : memref<8x2x128xi32, #tpu.memory_space<vmem>> -> memref<1x1x128xi32, #tpu.memory_space<vmem>>
          %dma_wait3A_276 = tpu.memref_squeeze %dma_wait3A_275 : memref<1x1x128xi32, #tpu.memory_space<vmem>> -> memref<128xi32, #tpu.memory_space<vmem>>
          %dma_wait3A_277 = arith.constant 0 : i32
          %dma_wait3A_278 = arith.constant 0 : i32
          %dma_wait3A_279 = tpu.memref_slice %arg8[%dma_wait3A_277, %dma_wait3A_278] : memref<10240x128xf32, #tpu.memory_space<vmem_shared>> -> memref<10240x128xf32, #tpu.memory_space<vmem_shared>>
          tpu.wait_indirect_dma semaphore(%run_scoped3A_259 : memref<!tpu.dma_semaphore, #tpu.memory_space<semaphore_mem>>) src(%dma_wait3A_273 : memref<128x128xf32, #tpu.memory_space<vmem>>) dst(%dma_wait3A_279 : memref<10240x128xf32, #tpu.memory_space<vmem_shared>>)
          tpu.yield
        }) : () -> ()
        %dma_start3A_98 = arith.constant 3 : i32
        %dma_start3A_99 = arith.constant 0 : i32
        %dma_start3A_100 = arith.constant 1 : i32
        %dma_start3A_101 = arith.constant 0 : i32
        %dma_start3A_102 = arith.constant 0 : i32
        %dma_start3A_103 = tpu.memref_slice %arg7[%dma_start3A_100, %dma_start3A_101, %dma_start3A_102] : memref<2x128x128xf32, #tpu.memory_space<vmem>> -> memref<1x128x128xf32, #tpu.memory_space<vmem>>
        %dma_start3A_104 = tpu.memref_squeeze %dma_start3A_103 : memref<1x128x128xf32, #tpu.memory_space<vmem>> -> memref<128x128xf32, #tpu.memory_space<vmem>>
        %dma_start3A_105 = arith.constant 0 : i32
        %dma_start3A_106 = tpu.memref_slice %arg6[%dma_start3A_98, %dma_start3A_99, %dma_start3A_105] : memref<8x2x128xi32, #tpu.memory_space<vmem>> -> memref<1x1x128xi32, #tpu.memory_space<vmem>>
        %dma_start3A_107 = tpu.memref_squeeze %dma_start3A_106 : memref<1x1x128xi32, #tpu.memory_space<vmem>> -> memref<128xi32, #tpu.memory_space<vmem>>
        %dma_start3A_108 = arith.constant 0 : i32
        %dma_start3A_109 = arith.constant 0 : i32
        %dma_start3A_110 = tpu.memref_slice %arg3[%dma_start3A_108, %dma_start3A_109] : memref<10240x128xf32, #tpu.memory_space<hbm>> -> memref<10240x128xf32, #tpu.memory_space<hbm>>
        tpu.enqueue_indirect_dma source(%dma_start3A_110 : memref<10240x128xf32, #tpu.memory_space<hbm>>) target(%dma_start3A_104 : memref<128x128xf32, #tpu.memory_space<vmem>>) offsets(%dma_start3A_107 : memref<128xi32, #tpu.memory_space<vmem>>) semaphore(%arg10 : memref<!tpu.dma_semaphore, #tpu.memory_space<semaphore_mem>>)
        %dma_wait3A_111 = arith.constant 2 : i32
        %dma_wait3A_112 = arith.constant 0 : i32
        %dma_wait3A_113 = arith.constant 0 : i32
        %dma_wait3A_114 = arith.constant 0 : i32
        %dma_wait3A_115 = arith.constant 0 : i32
        %dma_wait3A_116 = tpu.memref_slice %arg7[%dma_wait3A_113, %dma_wait3A_114, %dma_wait3A_115] : memref<2x128x128xf32, #tpu.memory_space<vmem>> -> memref<1x128x128xf32, #tpu.memory_space<vmem>>
        %dma_wait3A_117 = tpu.memref_squeeze %dma_wait3A_116 : memref<1x128x128xf32, #tpu.memory_space<vmem>> -> memref<128x128xf32, #tpu.memory_space<vmem>>
        %dma_wait3A_118 = arith.constant 0 : i32
        %dma_wait3A_119 = tpu.memref_slice %arg6[%dma_wait3A_111, %dma_wait3A_112, %dma_wait3A_118] : memref<8x2x128xi32, #tpu.memory_space<vmem>> -> memref<1x1x128xi32, #tpu.memory_space<vmem>>
        %dma_wait3A_120 = tpu.memref_squeeze %dma_wait3A_119 : memref<1x1x128xi32, #tpu.memory_space<vmem>> -> memref<128xi32, #tpu.memory_space<vmem>>
        %dma_wait3A_121 = arith.constant 0 : i32
        %dma_wait3A_122 = arith.constant 0 : i32
        %dma_wait3A_123 = tpu.memref_slice %arg3[%dma_wait3A_121, %dma_wait3A_122] : memref<10240x128xf32, #tpu.memory_space<hbm>> -> memref<10240x128xf32, #tpu.memory_space<hbm>>
        tpu.wait_indirect_dma semaphore(%arg9 : memref<!tpu.dma_semaphore, #tpu.memory_space<semaphore_mem>>) src(%dma_wait3A_123 : memref<10240x128xf32, #tpu.memory_space<hbm>>) dst(%dma_wait3A_117 : memref<128x128xf32, #tpu.memory_space<vmem>>)
        %run_scoped3A_124 = arith.constant 0 : i32
        %run_scoped3A_125 = arith.constant 2 : i32
        %run_scoped3A_126 = arith.constant 1 : i32
        "tpu.region"() ({
          %run_scoped3A_259 = tpu.sem_alloc : memref<!tpu.dma_semaphore, #tpu.memory_space<semaphore_mem>>
          %dma_start3A_260 = arith.constant 0 : i32
          %dma_start3A_261 = arith.constant 0 : i32
          %dma_start3A_262 = tpu.memref_slice %arg7[%run_scoped3A_124, %dma_start3A_260, %dma_start3A_261] : memref<2x128x128xf32, #tpu.memory_space<vmem>> -> memref<1x128x128xf32, #tpu.memory_space<vmem>>
          %dma_start3A_263 = tpu.memref_squeeze %dma_start3A_262 : memref<1x128x128xf32, #tpu.memory_space<vmem>> -> memref<128x128xf32, #tpu.memory_space<vmem>>
          %dma_start3A_264 = arith.constant 0 : i32
          %dma_start3A_265 = tpu.memref_slice %arg6[%run_scoped3A_125, %run_scoped3A_126, %dma_start3A_264] : memref<8x2x128xi32, #tpu.memory_space<vmem>> -> memref<1x1x128xi32, #tpu.memory_space<vmem>>
          %dma_start3A_266 = tpu.memref_squeeze %dma_start3A_265 : memref<1x1x128xi32, #tpu.memory_space<vmem>> -> memref<128xi32, #tpu.memory_space<vmem>>
          %dma_start3A_267 = arith.constant 0 : i32
          %dma_start3A_268 = arith.constant 0 : i32
          %dma_start3A_269 = tpu.memref_slice %arg8[%dma_start3A_267, %dma_start3A_268] : memref<10240x128xf32, #tpu.memory_space<vmem_shared>> -> memref<10240x128xf32, #tpu.memory_space<vmem_shared>>
          tpu.enqueue_indirect_dma source(%dma_start3A_263 : memref<128x128xf32, #tpu.memory_space<vmem>>) target(%dma_start3A_269 : memref<10240x128xf32, #tpu.memory_space<vmem_shared>>) offsets(%dma_start3A_266 : memref<128xi32, #tpu.memory_space<vmem>>) semaphore(%run_scoped3A_259 : memref<!tpu.dma_semaphore, #tpu.memory_space<semaphore_mem>>) {add = true}
          %dma_wait3A_270 = arith.constant 0 : i32
          %dma_wait3A_271 = arith.constant 0 : i32
          %dma_wait3A_272 = tpu.memref_slice %arg7[%run_scoped3A_124, %dma_wait3A_270, %dma_wait3A_271] : memref<2x128x128xf32, #tpu.memory_space<vmem>> -> memref<1x128x128xf32, #tpu.memory_space<vmem>>
          %dma_wait3A_273 = tpu.memref_squeeze %dma_wait3A_272 : memref<1x128x128xf32, #tpu.memory_space<vmem>> -> memref<128x128xf32, #tpu.memory_space<vmem>>
          %dma_wait3A_274 = arith.constant 0 : i32
          %dma_wait3A_275 = tpu.memref_slice %arg6[%run_scoped3A_125, %run_scoped3A_126, %dma_wait3A_274] : memref<8x2x128xi32, #tpu.memory_space<vmem>> -> memref<1x1x128xi32, #tpu.memory_space<vmem>>
          %dma_wait3A_276 = tpu.memref_squeeze %dma_wait3A_275 : memref<1x1x128xi32, #tpu.memory_space<vmem>> -> memref<128xi32, #tpu.memory_space<vmem>>
          %dma_wait3A_277 = arith.constant 0 : i32
          %dma_wait3A_278 = arith.constant 0 : i32
          %dma_wait3A_279 = tpu.memref_slice %arg8[%dma_wait3A_277, %dma_wait3A_278] : memref<10240x128xf32, #tpu.memory_space<vmem_shared>> -> memref<10240x128xf32, #tpu.memory_space<vmem_shared>>
          tpu.wait_indirect_dma semaphore(%run_scoped3A_259 : memref<!tpu.dma_semaphore, #tpu.memory_space<semaphore_mem>>) src(%dma_wait3A_273 : memref<128x128xf32, #tpu.memory_space<vmem>>) dst(%dma_wait3A_279 : memref<10240x128xf32, #tpu.memory_space<vmem_shared>>)
          tpu.yield
        }) : () -> ()
        %dma_start3A_127 = arith.constant 4 : i32
        %dma_start3A_128 = arith.constant 0 : i32
        %dma_start3A_129 = arith.constant 0 : i32
        %dma_start3A_130 = arith.constant 0 : i32
        %dma_start3A_131 = arith.constant 0 : i32
        %dma_start3A_132 = tpu.memref_slice %arg7[%dma_start3A_129, %dma_start3A_130, %dma_start3A_131] : memref<2x128x128xf32, #tpu.memory_space<vmem>> -> memref<1x128x128xf32, #tpu.memory_space<vmem>>
        %dma_start3A_133 = tpu.memref_squeeze %dma_start3A_132 : memref<1x128x128xf32, #tpu.memory_space<vmem>> -> memref<128x128xf32, #tpu.memory_space<vmem>>
        %dma_start3A_134 = arith.constant 0 : i32
        %dma_start3A_135 = tpu.memref_slice %arg6[%dma_start3A_127, %dma_start3A_128, %dma_start3A_134] : memref<8x2x128xi32, #tpu.memory_space<vmem>> -> memref<1x1x128xi32, #tpu.memory_space<vmem>>
        %dma_start3A_136 = tpu.memref_squeeze %dma_start3A_135 : memref<1x1x128xi32, #tpu.memory_space<vmem>> -> memref<128xi32, #tpu.memory_space<vmem>>
        %dma_start3A_137 = arith.constant 0 : i32
        %dma_start3A_138 = arith.constant 0 : i32
        %dma_start3A_139 = tpu.memref_slice %arg3[%dma_start3A_137, %dma_start3A_138] : memref<10240x128xf32, #tpu.memory_space<hbm>> -> memref<10240x128xf32, #tpu.memory_space<hbm>>
        tpu.enqueue_indirect_dma source(%dma_start3A_139 : memref<10240x128xf32, #tpu.memory_space<hbm>>) target(%dma_start3A_133 : memref<128x128xf32, #tpu.memory_space<vmem>>) offsets(%dma_start3A_136 : memref<128xi32, #tpu.memory_space<vmem>>) semaphore(%arg9 : memref<!tpu.dma_semaphore, #tpu.memory_space<semaphore_mem>>)
        %dma_wait3A_140 = arith.constant 3 : i32
        %dma_wait3A_141 = arith.constant 0 : i32
        %dma_wait3A_142 = arith.constant 1 : i32
        %dma_wait3A_143 = arith.constant 0 : i32
        %dma_wait3A_144 = arith.constant 0 : i32
        %dma_wait3A_145 = tpu.memref_slice %arg7[%dma_wait3A_142, %dma_wait3A_143, %dma_wait3A_144] : memref<2x128x128xf32, #tpu.memory_space<vmem>> -> memref<1x128x128xf32, #tpu.memory_space<vmem>>
        %dma_wait3A_146 = tpu.memref_squeeze %dma_wait3A_145 : memref<1x128x128xf32, #tpu.memory_space<vmem>> -> memref<128x128xf32, #tpu.memory_space<vmem>>
        %dma_wait3A_147 = arith.constant 0 : i32
        %dma_wait3A_148 = tpu.memref_slice %arg6[%dma_wait3A_140, %dma_wait3A_141, %dma_wait3A_147] : memref<8x2x128xi32, #tpu.memory_space<vmem>> -> memref<1x1x128xi32, #tpu.memory_space<vmem>>
        %dma_wait3A_149 = tpu.memref_squeeze %dma_wait3A_148 : memref<1x1x128xi32, #tpu.memory_space<vmem>> -> memref<128xi32, #tpu.memory_space<vmem>>
        %dma_wait3A_150 = arith.constant 0 : i32
        %dma_wait3A_151 = arith.constant 0 : i32
        %dma_wait3A_152 = tpu.memref_slice %arg3[%dma_wait3A_150, %dma_wait3A_151] : memref<10240x128xf32, #tpu.memory_space<hbm>> -> memref<10240x128xf32, #tpu.memory_space<hbm>>
        tpu.wait_indirect_dma semaphore(%arg10 : memref<!tpu.dma_semaphore, #tpu.memory_space<semaphore_mem>>) src(%dma_wait3A_152 : memref<10240x128xf32, #tpu.memory_space<hbm>>) dst(%dma_wait3A_146 : memref<128x128xf32, #tpu.memory_space<vmem>>)
        %run_scoped3A_153 = arith.constant 1 : i32
        %run_scoped3A_154 = arith.constant 3 : i32
        %run_scoped3A_155 = arith.constant 1 : i32
        "tpu.region"() ({
          %run_scoped3A_259 = tpu.sem_alloc : memref<!tpu.dma_semaphore, #tpu.memory_space<semaphore_mem>>
          %dma_start3A_260 = arith.constant 0 : i32
          %dma_start3A_261 = arith.constant 0 : i32
          %dma_start3A_262 = tpu.memref_slice %arg7[%run_scoped3A_153, %dma_start3A_260, %dma_start3A_261] : memref<2x128x128xf32, #tpu.memory_space<vmem>> -> memref<1x128x128xf32, #tpu.memory_space<vmem>>
          %dma_start3A_263 = tpu.memref_squeeze %dma_start3A_262 : memref<1x128x128xf32, #tpu.memory_space<vmem>> -> memref<128x128xf32, #tpu.memory_space<vmem>>
          %dma_start3A_264 = arith.constant 0 : i32
          %dma_start3A_265 = tpu.memref_slice %arg6[%run_scoped3A_154, %run_scoped3A_155, %dma_start3A_264] : memref<8x2x128xi32, #tpu.memory_space<vmem>> -> memref<1x1x128xi32, #tpu.memory_space<vmem>>
          %dma_start3A_266 = tpu.memref_squeeze %dma_start3A_265 : memref<1x1x128xi32, #tpu.memory_space<vmem>> -> memref<128xi32, #tpu.memory_space<vmem>>
          %dma_start3A_267 = arith.constant 0 : i32
          %dma_start3A_268 = arith.constant 0 : i32
          %dma_start3A_269 = tpu.memref_slice %arg8[%dma_start3A_267, %dma_start3A_268] : memref<10240x128xf32, #tpu.memory_space<vmem_shared>> -> memref<10240x128xf32, #tpu.memory_space<vmem_shared>>
          tpu.enqueue_indirect_dma source(%dma_start3A_263 : memref<128x128xf32, #tpu.memory_space<vmem>>) target(%dma_start3A_269 : memref<10240x128xf32, #tpu.memory_space<vmem_shared>>) offsets(%dma_start3A_266 : memref<128xi32, #tpu.memory_space<vmem>>) semaphore(%run_scoped3A_259 : memref<!tpu.dma_semaphore, #tpu.memory_space<semaphore_mem>>) {add = true}
          %dma_wait3A_270 = arith.constant 0 : i32
          %dma_wait3A_271 = arith.constant 0 : i32
          %dma_wait3A_272 = tpu.memref_slice %arg7[%run_scoped3A_153, %dma_wait3A_270, %dma_wait3A_271] : memref<2x128x128xf32, #tpu.memory_space<vmem>> -> memref<1x128x128xf32, #tpu.memory_space<vmem>>
          %dma_wait3A_273 = tpu.memref_squeeze %dma_wait3A_272 : memref<1x128x128xf32, #tpu.memory_space<vmem>> -> memref<128x128xf32, #tpu.memory_space<vmem>>
          %dma_wait3A_274 = arith.constant 0 : i32
          %dma_wait3A_275 = tpu.memref_slice %arg6[%run_scoped3A_154, %run_scoped3A_155, %dma_wait3A_274] : memref<8x2x128xi32, #tpu.memory_space<vmem>> -> memref<1x1x128xi32, #tpu.memory_space<vmem>>
          %dma_wait3A_276 = tpu.memref_squeeze %dma_wait3A_275 : memref<1x1x128xi32, #tpu.memory_space<vmem>> -> memref<128xi32, #tpu.memory_space<vmem>>
          %dma_wait3A_277 = arith.constant 0 : i32
          %dma_wait3A_278 = arith.constant 0 : i32
          %dma_wait3A_279 = tpu.memref_slice %arg8[%dma_wait3A_277, %dma_wait3A_278] : memref<10240x128xf32, #tpu.memory_space<vmem_shared>> -> memref<10240x128xf32, #tpu.memory_space<vmem_shared>>
          tpu.wait_indirect_dma semaphore(%run_scoped3A_259 : memref<!tpu.dma_semaphore, #tpu.memory_space<semaphore_mem>>) src(%dma_wait3A_273 : memref<128x128xf32, #tpu.memory_space<vmem>>) dst(%dma_wait3A_279 : memref<10240x128xf32, #tpu.memory_space<vmem_shared>>)
          tpu.yield
        }) : () -> ()
        %dma_start3A_156 = arith.constant 5 : i32
        %dma_start3A_157 = arith.constant 0 : i32
        %dma_start3A_158 = arith.constant 1 : i32
        %dma_start3A_159 = arith.constant 0 : i32
        %dma_start3A_160 = arith.constant 0 : i32
        %dma_start3A_161 = tpu.memref_slice %arg7[%dma_start3A_158, %dma_start3A_159, %dma_start3A_160] : memref<2x128x128xf32, #tpu.memory_space<vmem>> -> memref<1x128x128xf32, #tpu.memory_space<vmem>>
        %dma_start3A_162 = tpu.memref_squeeze %dma_start3A_161 : memref<1x128x128xf32, #tpu.memory_space<vmem>> -> memref<128x128xf32, #tpu.memory_space<vmem>>
        %dma_start3A_163 = arith.constant 0 : i32
        %dma_start3A_164 = tpu.memref_slice %arg6[%dma_start3A_156, %dma_start3A_157, %dma_start3A_163] : memref<8x2x128xi32, #tpu.memory_space<vmem>> -> memref<1x1x128xi32, #tpu.memory_space<vmem>>
        %dma_start3A_165 = tpu.memref_squeeze %dma_start3A_164 : memref<1x1x128xi32, #tpu.memory_space<vmem>> -> memref<128xi32, #tpu.memory_space<vmem>>
        %dma_start3A_166 = arith.constant 0 : i32
        %dma_start3A_167 = arith.constant 0 : i32
        %dma_start3A_168 = tpu.memref_slice %arg3[%dma_start3A_166, %dma_start3A_167] : memref<10240x128xf32, #tpu.memory_space<hbm>> -> memref<10240x128xf32, #tpu.memory_space<hbm>>
        tpu.enqueue_indirect_dma source(%dma_start3A_168 : memref<10240x128xf32, #tpu.memory_space<hbm>>) target(%dma_start3A_162 : memref<128x128xf32, #tpu.memory_space<vmem>>) offsets(%dma_start3A_165 : memref<128xi32, #tpu.memory_space<vmem>>) semaphore(%arg10 : memref<!tpu.dma_semaphore, #tpu.memory_space<semaphore_mem>>)
        %dma_wait3A_169 = arith.constant 4 : i32
        %dma_wait3A_170 = arith.constant 0 : i32
        %dma_wait3A_171 = arith.constant 0 : i32
        %dma_wait3A_172 = arith.constant 0 : i32
        %dma_wait3A_173 = arith.constant 0 : i32
        %dma_wait3A_174 = tpu.memref_slice %arg7[%dma_wait3A_171, %dma_wait3A_172, %dma_wait3A_173] : memref<2x128x128xf32, #tpu.memory_space<vmem>> -> memref<1x128x128xf32, #tpu.memory_space<vmem>>
        %dma_wait3A_175 = tpu.memref_squeeze %dma_wait3A_174 : memref<1x128x128xf32, #tpu.memory_space<vmem>> -> memref<128x128xf32, #tpu.memory_space<vmem>>
        %dma_wait3A_176 = arith.constant 0 : i32
        %dma_wait3A_177 = tpu.memref_slice %arg6[%dma_wait3A_169, %dma_wait3A_170, %dma_wait3A_176] : memref<8x2x128xi32, #tpu.memory_space<vmem>> -> memref<1x1x128xi32, #tpu.memory_space<vmem>>
        %dma_wait3A_178 = tpu.memref_squeeze %dma_wait3A_177 : memref<1x1x128xi32, #tpu.memory_space<vmem>> -> memref<128xi32, #tpu.memory_space<vmem>>
        %dma_wait3A_179 = arith.constant 0 : i32
        %dma_wait3A_180 = arith.constant 0 : i32
        %dma_wait3A_181 = tpu.memref_slice %arg3[%dma_wait3A_179, %dma_wait3A_180] : memref<10240x128xf32, #tpu.memory_space<hbm>> -> memref<10240x128xf32, #tpu.memory_space<hbm>>
        tpu.wait_indirect_dma semaphore(%arg9 : memref<!tpu.dma_semaphore, #tpu.memory_space<semaphore_mem>>) src(%dma_wait3A_181 : memref<10240x128xf32, #tpu.memory_space<hbm>>) dst(%dma_wait3A_175 : memref<128x128xf32, #tpu.memory_space<vmem>>)
        %run_scoped3A_182 = arith.constant 0 : i32
        %run_scoped3A_183 = arith.constant 4 : i32
        %run_scoped3A_184 = arith.constant 1 : i32
        "tpu.region"() ({
          %run_scoped3A_259 = tpu.sem_alloc : memref<!tpu.dma_semaphore, #tpu.memory_space<semaphore_mem>>
          %dma_start3A_260 = arith.constant 0 : i32
          %dma_start3A_261 = arith.constant 0 : i32
          %dma_start3A_262 = tpu.memref_slice %arg7[%run_scoped3A_182, %dma_start3A_260, %dma_start3A_261] : memref<2x128x128xf32, #tpu.memory_space<vmem>> -> memref<1x128x128xf32, #tpu.memory_space<vmem>>
          %dma_start3A_263 = tpu.memref_squeeze %dma_start3A_262 : memref<1x128x128xf32, #tpu.memory_space<vmem>> -> memref<128x128xf32, #tpu.memory_space<vmem>>
          %dma_start3A_264 = arith.constant 0 : i32
          %dma_start3A_265 = tpu.memref_slice %arg6[%run_scoped3A_183, %run_scoped3A_184, %dma_start3A_264] : memref<8x2x128xi32, #tpu.memory_space<vmem>> -> memref<1x1x128xi32, #tpu.memory_space<vmem>>
          %dma_start3A_266 = tpu.memref_squeeze %dma_start3A_265 : memref<1x1x128xi32, #tpu.memory_space<vmem>> -> memref<128xi32, #tpu.memory_space<vmem>>
          %dma_start3A_267 = arith.constant 0 : i32
          %dma_start3A_268 = arith.constant 0 : i32
          %dma_start3A_269 = tpu.memref_slice %arg8[%dma_start3A_267, %dma_start3A_268] : memref<10240x128xf32, #tpu.memory_space<vmem_shared>> -> memref<10240x128xf32, #tpu.memory_space<vmem_shared>>
          tpu.enqueue_indirect_dma source(%dma_start3A_263 : memref<128x128xf32, #tpu.memory_space<vmem>>) target(%dma_start3A_269 : memref<10240x128xf32, #tpu.memory_space<vmem_shared>>) offsets(%dma_start3A_266 : memref<128xi32, #tpu.memory_space<vmem>>) semaphore(%run_scoped3A_259 : memref<!tpu.dma_semaphore, #tpu.memory_space<semaphore_mem>>) {add = true}
          %dma_wait3A_270 = arith.constant 0 : i32
          %dma_wait3A_271 = arith.constant 0 : i32
          %dma_wait3A_272 = tpu.memref_slice %arg7[%run_scoped3A_182, %dma_wait3A_270, %dma_wait3A_271] : memref<2x128x128xf32, #tpu.memory_space<vmem>> -> memref<1x128x128xf32, #tpu.memory_space<vmem>>
          %dma_wait3A_273 = tpu.memref_squeeze %dma_wait3A_272 : memref<1x128x128xf32, #tpu.memory_space<vmem>> -> memref<128x128xf32, #tpu.memory_space<vmem>>
          %dma_wait3A_274 = arith.constant 0 : i32
          %dma_wait3A_275 = tpu.memref_slice %arg6[%run_scoped3A_183, %run_scoped3A_184, %dma_wait3A_274] : memref<8x2x128xi32, #tpu.memory_space<vmem>> -> memref<1x1x128xi32, #tpu.memory_space<vmem>>
          %dma_wait3A_276 = tpu.memref_squeeze %dma_wait3A_275 : memref<1x1x128xi32, #tpu.memory_space<vmem>> -> memref<128xi32, #tpu.memory_space<vmem>>
          %dma_wait3A_277 = arith.constant 0 : i32
          %dma_wait3A_278 = arith.constant 0 : i32
          %dma_wait3A_279 = tpu.memref_slice %arg8[%dma_wait3A_277, %dma_wait3A_278] : memref<10240x128xf32, #tpu.memory_space<vmem_shared>> -> memref<10240x128xf32, #tpu.memory_space<vmem_shared>>
          tpu.wait_indirect_dma semaphore(%run_scoped3A_259 : memref<!tpu.dma_semaphore, #tpu.memory_space<semaphore_mem>>) src(%dma_wait3A_273 : memref<128x128xf32, #tpu.memory_space<vmem>>) dst(%dma_wait3A_279 : memref<10240x128xf32, #tpu.memory_space<vmem_shared>>)
          tpu.yield
        }) : () -> ()
        %dma_start3A_185 = arith.constant 6 : i32
        %dma_start3A_186 = arith.constant 0 : i32
        %dma_start3A_187 = arith.constant 0 : i32
        %dma_start3A_188 = arith.constant 0 : i32
        %dma_start3A_189 = arith.constant 0 : i32
        %dma_start3A_190 = tpu.memref_slice %arg7[%dma_start3A_187, %dma_start3A_188, %dma_start3A_189] : memref<2x128x128xf32, #tpu.memory_space<vmem>> -> memref<1x128x128xf32, #tpu.memory_space<vmem>>
        %dma_start3A_191 = tpu.memref_squeeze %dma_start3A_190 : memref<1x128x128xf32, #tpu.memory_space<vmem>> -> memref<128x128xf32, #tpu.memory_space<vmem>>
        %dma_start3A_192 = arith.constant 0 : i32
        %dma_start3A_193 = tpu.memref_slice %arg6[%dma_start3A_185, %dma_start3A_186, %dma_start3A_192] : memref<8x2x128xi32, #tpu.memory_space<vmem>> -> memref<1x1x128xi32, #tpu.memory_space<vmem>>
        %dma_start3A_194 = tpu.memref_squeeze %dma_start3A_193 : memref<1x1x128xi32, #tpu.memory_space<vmem>> -> memref<128xi32, #tpu.memory_space<vmem>>
        %dma_start3A_195 = arith.constant 0 : i32
        %dma_start3A_196 = arith.constant 0 : i32
        %dma_start3A_197 = tpu.memref_slice %arg3[%dma_start3A_195, %dma_start3A_196] : memref<10240x128xf32, #tpu.memory_space<hbm>> -> memref<10240x128xf32, #tpu.memory_space<hbm>>
        tpu.enqueue_indirect_dma source(%dma_start3A_197 : memref<10240x128xf32, #tpu.memory_space<hbm>>) target(%dma_start3A_191 : memref<128x128xf32, #tpu.memory_space<vmem>>) offsets(%dma_start3A_194 : memref<128xi32, #tpu.memory_space<vmem>>) semaphore(%arg9 : memref<!tpu.dma_semaphore, #tpu.memory_space<semaphore_mem>>)
        %dma_wait3A_198 = arith.constant 5 : i32
        %dma_wait3A_199 = arith.constant 0 : i32
        %dma_wait3A_200 = arith.constant 1 : i32
        %dma_wait3A_201 = arith.constant 0 : i32
        %dma_wait3A_202 = arith.constant 0 : i32
        %dma_wait3A_203 = tpu.memref_slice %arg7[%dma_wait3A_200, %dma_wait3A_201, %dma_wait3A_202] : memref<2x128x128xf32, #tpu.memory_space<vmem>> -> memref<1x128x128xf32, #tpu.memory_space<vmem>>
        %dma_wait3A_204 = tpu.memref_squeeze %dma_wait3A_203 : memref<1x128x128xf32, #tpu.memory_space<vmem>> -> memref<128x128xf32, #tpu.memory_space<vmem>>
        %dma_wait3A_205 = arith.constant 0 : i32
        %dma_wait3A_206 = tpu.memref_slice %arg6[%dma_wait3A_198, %dma_wait3A_199, %dma_wait3A_205] : memref<8x2x128xi32, #tpu.memory_space<vmem>> -> memref<1x1x128xi32, #tpu.memory_space<vmem>>
        %dma_wait3A_207 = tpu.memref_squeeze %dma_wait3A_206 : memref<1x1x128xi32, #tpu.memory_space<vmem>> -> memref<128xi32, #tpu.memory_space<vmem>>
        %dma_wait3A_208 = arith.constant 0 : i32
        %dma_wait3A_209 = arith.constant 0 : i32
        %dma_wait3A_210 = tpu.memref_slice %arg3[%dma_wait3A_208, %dma_wait3A_209] : memref<10240x128xf32, #tpu.memory_space<hbm>> -> memref<10240x128xf32, #tpu.memory_space<hbm>>
        tpu.wait_indirect_dma semaphore(%arg10 : memref<!tpu.dma_semaphore, #tpu.memory_space<semaphore_mem>>) src(%dma_wait3A_210 : memref<10240x128xf32, #tpu.memory_space<hbm>>) dst(%dma_wait3A_204 : memref<128x128xf32, #tpu.memory_space<vmem>>)
        %run_scoped3A_211 = arith.constant 1 : i32
        %run_scoped3A_212 = arith.constant 5 : i32
        %run_scoped3A_213 = arith.constant 1 : i32
        "tpu.region"() ({
          %run_scoped3A_259 = tpu.sem_alloc : memref<!tpu.dma_semaphore, #tpu.memory_space<semaphore_mem>>
          %dma_start3A_260 = arith.constant 0 : i32
          %dma_start3A_261 = arith.constant 0 : i32
          %dma_start3A_262 = tpu.memref_slice %arg7[%run_scoped3A_211, %dma_start3A_260, %dma_start3A_261] : memref<2x128x128xf32, #tpu.memory_space<vmem>> -> memref<1x128x128xf32, #tpu.memory_space<vmem>>
          %dma_start3A_263 = tpu.memref_squeeze %dma_start3A_262 : memref<1x128x128xf32, #tpu.memory_space<vmem>> -> memref<128x128xf32, #tpu.memory_space<vmem>>
          %dma_start3A_264 = arith.constant 0 : i32
          %dma_start3A_265 = tpu.memref_slice %arg6[%run_scoped3A_212, %run_scoped3A_213, %dma_start3A_264] : memref<8x2x128xi32, #tpu.memory_space<vmem>> -> memref<1x1x128xi32, #tpu.memory_space<vmem>>
          %dma_start3A_266 = tpu.memref_squeeze %dma_start3A_265 : memref<1x1x128xi32, #tpu.memory_space<vmem>> -> memref<128xi32, #tpu.memory_space<vmem>>
          %dma_start3A_267 = arith.constant 0 : i32
          %dma_start3A_268 = arith.constant 0 : i32
          %dma_start3A_269 = tpu.memref_slice %arg8[%dma_start3A_267, %dma_start3A_268] : memref<10240x128xf32, #tpu.memory_space<vmem_shared>> -> memref<10240x128xf32, #tpu.memory_space<vmem_shared>>
          tpu.enqueue_indirect_dma source(%dma_start3A_263 : memref<128x128xf32, #tpu.memory_space<vmem>>) target(%dma_start3A_269 : memref<10240x128xf32, #tpu.memory_space<vmem_shared>>) offsets(%dma_start3A_266 : memref<128xi32, #tpu.memory_space<vmem>>) semaphore(%run_scoped3A_259 : memref<!tpu.dma_semaphore, #tpu.memory_space<semaphore_mem>>) {add = true}
          %dma_wait3A_270 = arith.constant 0 : i32
          %dma_wait3A_271 = arith.constant 0 : i32
          %dma_wait3A_272 = tpu.memref_slice %arg7[%run_scoped3A_211, %dma_wait3A_270, %dma_wait3A_271] : memref<2x128x128xf32, #tpu.memory_space<vmem>> -> memref<1x128x128xf32, #tpu.memory_space<vmem>>
          %dma_wait3A_273 = tpu.memref_squeeze %dma_wait3A_272 : memref<1x128x128xf32, #tpu.memory_space<vmem>> -> memref<128x128xf32, #tpu.memory_space<vmem>>
          %dma_wait3A_274 = arith.constant 0 : i32
          %dma_wait3A_275 = tpu.memref_slice %arg6[%run_scoped3A_212, %run_scoped3A_213, %dma_wait3A_274] : memref<8x2x128xi32, #tpu.memory_space<vmem>> -> memref<1x1x128xi32, #tpu.memory_space<vmem>>
          %dma_wait3A_276 = tpu.memref_squeeze %dma_wait3A_275 : memref<1x1x128xi32, #tpu.memory_space<vmem>> -> memref<128xi32, #tpu.memory_space<vmem>>
          %dma_wait3A_277 = arith.constant 0 : i32
          %dma_wait3A_278 = arith.constant 0 : i32
          %dma_wait3A_279 = tpu.memref_slice %arg8[%dma_wait3A_277, %dma_wait3A_278] : memref<10240x128xf32, #tpu.memory_space<vmem_shared>> -> memref<10240x128xf32, #tpu.memory_space<vmem_shared>>
          tpu.wait_indirect_dma semaphore(%run_scoped3A_259 : memref<!tpu.dma_semaphore, #tpu.memory_space<semaphore_mem>>) src(%dma_wait3A_273 : memref<128x128xf32, #tpu.memory_space<vmem>>) dst(%dma_wait3A_279 : memref<10240x128xf32, #tpu.memory_space<vmem_shared>>)
          tpu.yield
        }) : () -> ()
        %dma_start3A_214 = arith.constant 7 : i32
        %dma_start3A_215 = arith.constant 0 : i32
        %dma_start3A_216 = arith.constant 1 : i32
        %dma_start3A_217 = arith.constant 0 : i32
        %dma_start3A_218 = arith.constant 0 : i32
        %dma_start3A_219 = tpu.memref_slice %arg7[%dma_start3A_216, %dma_start3A_217, %dma_start3A_218] : memref<2x128x128xf32, #tpu.memory_space<vmem>> -> memref<1x128x128xf32, #tpu.memory_space<vmem>>
        %dma_start3A_220 = tpu.memref_squeeze %dma_start3A_219 : memref<1x128x128xf32, #tpu.memory_space<vmem>> -> memref<128x128xf32, #tpu.memory_space<vmem>>
        %dma_start3A_221 = arith.constant 0 : i32
        %dma_start3A_222 = tpu.memref_slice %arg6[%dma_start3A_214, %dma_start3A_215, %dma_start3A_221] : memref<8x2x128xi32, #tpu.memory_space<vmem>> -> memref<1x1x128xi32, #tpu.memory_space<vmem>>
        %dma_start3A_223 = tpu.memref_squeeze %dma_start3A_222 : memref<1x1x128xi32, #tpu.memory_space<vmem>> -> memref<128xi32, #tpu.memory_space<vmem>>
        %dma_start3A_224 = arith.constant 0 : i32
        %dma_start3A_225 = arith.constant 0 : i32
        %dma_start3A_226 = tpu.memref_slice %arg3[%dma_start3A_224, %dma_start3A_225] : memref<10240x128xf32, #tpu.memory_space<hbm>> -> memref<10240x128xf32, #tpu.memory_space<hbm>>
        tpu.enqueue_indirect_dma source(%dma_start3A_226 : memref<10240x128xf32, #tpu.memory_space<hbm>>) target(%dma_start3A_220 : memref<128x128xf32, #tpu.memory_space<vmem>>) offsets(%dma_start3A_223 : memref<128xi32, #tpu.memory_space<vmem>>) semaphore(%arg10 : memref<!tpu.dma_semaphore, #tpu.memory_space<semaphore_mem>>)
        %dma_wait3A_227 = arith.constant 6 : i32
        %dma_wait3A_228 = arith.constant 0 : i32
        %dma_wait3A_229 = arith.constant 0 : i32
        %dma_wait3A_230 = arith.constant 0 : i32
        %dma_wait3A_231 = arith.constant 0 : i32
        %dma_wait3A_232 = tpu.memref_slice %arg7[%dma_wait3A_229, %dma_wait3A_230, %dma_wait3A_231] : memref<2x128x128xf32, #tpu.memory_space<vmem>> -> memref<1x128x128xf32, #tpu.memory_space<vmem>>
        %dma_wait3A_233 = tpu.memref_squeeze %dma_wait3A_232 : memref<1x128x128xf32, #tpu.memory_space<vmem>> -> memref<128x128xf32, #tpu.memory_space<vmem>>
        %dma_wait3A_234 = arith.constant 0 : i32
        %dma_wait3A_235 = tpu.memref_slice %arg6[%dma_wait3A_227, %dma_wait3A_228, %dma_wait3A_234] : memref<8x2x128xi32, #tpu.memory_space<vmem>> -> memref<1x1x128xi32, #tpu.memory_space<vmem>>
        %dma_wait3A_236 = tpu.memref_squeeze %dma_wait3A_235 : memref<1x1x128xi32, #tpu.memory_space<vmem>> -> memref<128xi32, #tpu.memory_space<vmem>>
        %dma_wait3A_237 = arith.constant 0 : i32
        %dma_wait3A_238 = arith.constant 0 : i32
        %dma_wait3A_239 = tpu.memref_slice %arg3[%dma_wait3A_237, %dma_wait3A_238] : memref<10240x128xf32, #tpu.memory_space<hbm>> -> memref<10240x128xf32, #tpu.memory_space<hbm>>
        tpu.wait_indirect_dma semaphore(%arg9 : memref<!tpu.dma_semaphore, #tpu.memory_space<semaphore_mem>>) src(%dma_wait3A_239 : memref<10240x128xf32, #tpu.memory_space<hbm>>) dst(%dma_wait3A_233 : memref<128x128xf32, #tpu.memory_space<vmem>>)
        %run_scoped3A_240 = arith.constant 0 : i32
        %run_scoped3A_241 = arith.constant 6 : i32
        %run_scoped3A_242 = arith.constant 1 : i32
        "tpu.region"() ({
          %run_scoped3A_259 = tpu.sem_alloc : memref<!tpu.dma_semaphore, #tpu.memory_space<semaphore_mem>>
          %dma_start3A_260 = arith.constant 0 : i32
          %dma_start3A_261 = arith.constant 0 : i32
          %dma_start3A_262 = tpu.memref_slice %arg7[%run_scoped3A_240, %dma_start3A_260, %dma_start3A_261] : memref<2x128x128xf32, #tpu.memory_space<vmem>> -> memref<1x128x128xf32, #tpu.memory_space<vmem>>
          %dma_start3A_263 = tpu.memref_squeeze %dma_start3A_262 : memref<1x128x128xf32, #tpu.memory_space<vmem>> -> memref<128x128xf32, #tpu.memory_space<vmem>>
          %dma_start3A_264 = arith.constant 0 : i32
          %dma_start3A_265 = tpu.memref_slice %arg6[%run_scoped3A_241, %run_scoped3A_242, %dma_start3A_264] : memref<8x2x128xi32, #tpu.memory_space<vmem>> -> memref<1x1x128xi32, #tpu.memory_space<vmem>>
          %dma_start3A_266 = tpu.memref_squeeze %dma_start3A_265 : memref<1x1x128xi32, #tpu.memory_space<vmem>> -> memref<128xi32, #tpu.memory_space<vmem>>
          %dma_start3A_267 = arith.constant 0 : i32
          %dma_start3A_268 = arith.constant 0 : i32
          %dma_start3A_269 = tpu.memref_slice %arg8[%dma_start3A_267, %dma_start3A_268] : memref<10240x128xf32, #tpu.memory_space<vmem_shared>> -> memref<10240x128xf32, #tpu.memory_space<vmem_shared>>
          tpu.enqueue_indirect_dma source(%dma_start3A_263 : memref<128x128xf32, #tpu.memory_space<vmem>>) target(%dma_start3A_269 : memref<10240x128xf32, #tpu.memory_space<vmem_shared>>) offsets(%dma_start3A_266 : memref<128xi32, #tpu.memory_space<vmem>>) semaphore(%run_scoped3A_259 : memref<!tpu.dma_semaphore, #tpu.memory_space<semaphore_mem>>) {add = true}
          %dma_wait3A_270 = arith.constant 0 : i32
          %dma_wait3A_271 = arith.constant 0 : i32
          %dma_wait3A_272 = tpu.memref_slice %arg7[%run_scoped3A_240, %dma_wait3A_270, %dma_wait3A_271] : memref<2x128x128xf32, #tpu.memory_space<vmem>> -> memref<1x128x128xf32, #tpu.memory_space<vmem>>
          %dma_wait3A_273 = tpu.memref_squeeze %dma_wait3A_272 : memref<1x128x128xf32, #tpu.memory_space<vmem>> -> memref<128x128xf32, #tpu.memory_space<vmem>>
          %dma_wait3A_274 = arith.constant 0 : i32
          %dma_wait3A_275 = tpu.memref_slice %arg6[%run_scoped3A_241, %run_scoped3A_242, %dma_wait3A_274] : memref<8x2x128xi32, #tpu.memory_space<vmem>> -> memref<1x1x128xi32, #tpu.memory_space<vmem>>
          %dma_wait3A_276 = tpu.memref_squeeze %dma_wait3A_275 : memref<1x1x128xi32, #tpu.memory_space<vmem>> -> memref<128xi32, #tpu.memory_space<vmem>>
          %dma_wait3A_277 = arith.constant 0 : i32
          %dma_wait3A_278 = arith.constant 0 : i32
          %dma_wait3A_279 = tpu.memref_slice %arg8[%dma_wait3A_277, %dma_wait3A_278] : memref<10240x128xf32, #tpu.memory_space<vmem_shared>> -> memref<10240x128xf32, #tpu.memory_space<vmem_shared>>
          tpu.wait_indirect_dma semaphore(%run_scoped3A_259 : memref<!tpu.dma_semaphore, #tpu.memory_space<semaphore_mem>>) src(%dma_wait3A_273 : memref<128x128xf32, #tpu.memory_space<vmem>>) dst(%dma_wait3A_279 : memref<10240x128xf32, #tpu.memory_space<vmem_shared>>)
          tpu.yield
        }) : () -> ()
        %dma_wait3A_243 = arith.constant 7 : i32
        %dma_wait3A_244 = arith.constant 0 : i32
        %dma_wait3A_245 = arith.constant 1 : i32
        %dma_wait3A_246 = arith.constant 0 : i32
        %dma_wait3A_247 = arith.constant 0 : i32
        %dma_wait3A_248 = tpu.memref_slice %arg7[%dma_wait3A_245, %dma_wait3A_246, %dma_wait3A_247] : memref<2x128x128xf32, #tpu.memory_space<vmem>> -> memref<1x128x128xf32, #tpu.memory_space<vmem>>
        %dma_wait3A_249 = tpu.memref_squeeze %dma_wait3A_248 : memref<1x128x128xf32, #tpu.memory_space<vmem>> -> memref<128x128xf32, #tpu.memory_space<vmem>>
        %dma_wait3A_250 = arith.constant 0 : i32
        %dma_wait3A_251 = tpu.memref_slice %arg6[%dma_wait3A_243, %dma_wait3A_244, %dma_wait3A_250] : memref<8x2x128xi32, #tpu.memory_space<vmem>> -> memref<1x1x128xi32, #tpu.memory_space<vmem>>
        %dma_wait3A_252 = tpu.memref_squeeze %dma_wait3A_251 : memref<1x1x128xi32, #tpu.memory_space<vmem>> -> memref<128xi32, #tpu.memory_space<vmem>>
        %dma_wait3A_253 = arith.constant 0 : i32
        %dma_wait3A_254 = arith.constant 0 : i32
        %dma_wait3A_255 = tpu.memref_slice %arg3[%dma_wait3A_253, %dma_wait3A_254] : memref<10240x128xf32, #tpu.memory_space<hbm>> -> memref<10240x128xf32, #tpu.memory_space<hbm>>
        tpu.wait_indirect_dma semaphore(%arg10 : memref<!tpu.dma_semaphore, #tpu.memory_space<semaphore_mem>>) src(%dma_wait3A_255 : memref<10240x128xf32, #tpu.memory_space<hbm>>) dst(%dma_wait3A_249 : memref<128x128xf32, #tpu.memory_space<vmem>>)
        %run_scoped3A_256 = arith.constant 1 : i32
        %run_scoped3A_257 = arith.constant 7 : i32
        %run_scoped3A_258 = arith.constant 1 : i32
        "tpu.region"() ({
          %run_scoped3A_259 = tpu.sem_alloc : memref<!tpu.dma_semaphore, #tpu.memory_space<semaphore_mem>>
          %dma_start3A_260 = arith.constant 0 : i32
          %dma_start3A_261 = arith.constant 0 : i32
          %dma_start3A_262 = tpu.memref_slice %arg7[%run_scoped3A_256, %dma_start3A_260, %dma_start3A_261] : memref<2x128x128xf32, #tpu.memory_space<vmem>> -> memref<1x128x128xf32, #tpu.memory_space<vmem>>
          %dma_start3A_263 = tpu.memref_squeeze %dma_start3A_262 : memref<1x128x128xf32, #tpu.memory_space<vmem>> -> memref<128x128xf32, #tpu.memory_space<vmem>>
          %dma_start3A_264 = arith.constant 0 : i32
          %dma_start3A_265 = tpu.memref_slice %arg6[%run_scoped3A_257, %run_scoped3A_258, %dma_start3A_264] : memref<8x2x128xi32, #tpu.memory_space<vmem>> -> memref<1x1x128xi32, #tpu.memory_space<vmem>>
          %dma_start3A_266 = tpu.memref_squeeze %dma_start3A_265 : memref<1x1x128xi32, #tpu.memory_space<vmem>> -> memref<128xi32, #tpu.memory_space<vmem>>
          %dma_start3A_267 = arith.constant 0 : i32
          %dma_start3A_268 = arith.constant 0 : i32
          %dma_start3A_269 = tpu.memref_slice %arg8[%dma_start3A_267, %dma_start3A_268] : memref<10240x128xf32, #tpu.memory_space<vmem_shared>> -> memref<10240x128xf32, #tpu.memory_space<vmem_shared>>
          tpu.enqueue_indirect_dma source(%dma_start3A_263 : memref<128x128xf32, #tpu.memory_space<vmem>>) target(%dma_start3A_269 : memref<10240x128xf32, #tpu.memory_space<vmem_shared>>) offsets(%dma_start3A_266 : memref<128xi32, #tpu.memory_space<vmem>>) semaphore(%run_scoped3A_259 : memref<!tpu.dma_semaphore, #tpu.memory_space<semaphore_mem>>) {add = true}
          %dma_wait3A_270 = arith.constant 0 : i32
          %dma_wait3A_271 = arith.constant 0 : i32
          %dma_wait3A_272 = tpu.memref_slice %arg7[%run_scoped3A_256, %dma_wait3A_270, %dma_wait3A_271] : memref<2x128x128xf32, #tpu.memory_space<vmem>> -> memref<1x128x128xf32, #tpu.memory_space<vmem>>
          %dma_wait3A_273 = tpu.memref_squeeze %dma_wait3A_272 : memref<1x128x128xf32, #tpu.memory_space<vmem>> -> memref<128x128xf32, #tpu.memory_space<vmem>>
          %dma_wait3A_274 = arith.constant 0 : i32
          %dma_wait3A_275 = tpu.memref_slice %arg6[%run_scoped3A_257, %run_scoped3A_258, %dma_wait3A_274] : memref<8x2x128xi32, #tpu.memory_space<vmem>> -> memref<1x1x128xi32, #tpu.memory_space<vmem>>
          %dma_wait3A_276 = tpu.memref_squeeze %dma_wait3A_275 : memref<1x1x128xi32, #tpu.memory_space<vmem>> -> memref<128xi32, #tpu.memory_space<vmem>>
          %dma_wait3A_277 = arith.constant 0 : i32
          %dma_wait3A_278 = arith.constant 0 : i32
          %dma_wait3A_279 = tpu.memref_slice %arg8[%dma_wait3A_277, %dma_wait3A_278] : memref<10240x128xf32, #tpu.memory_space<vmem_shared>> -> memref<10240x128xf32, #tpu.memory_space<vmem_shared>>
          tpu.wait_indirect_dma semaphore(%run_scoped3A_259 : memref<!tpu.dma_semaphore, #tpu.memory_space<semaphore_mem>>) src(%dma_wait3A_273 : memref<128x128xf32, #tpu.memory_space<vmem>>) dst(%dma_wait3A_279 : memref<10240x128xf32, #tpu.memory_space<vmem_shared>>)
          tpu.yield
        }) : () -> ()
      }
      %scan3A_24 = arith.constant 20 : i32
    } else {
    }
    %barrier3A_20 = arith.constant 0 : index
    tpu.barrier barrier_id(%barrier3A_20)
    "tpu.region"() ({
      %run_scoped3A = tpu.sem_alloc : memref<!tpu.dma_semaphore, #tpu.memory_space<semaphore_mem>>
      %dma_start3A = arith.constant 0 : i32
      %dma_start3A_21 = arith.constant 0 : i32
      %dma_start3A_22 = tpu.memref_slice %arg5[%arg0, %dma_start3A, %dma_start3A_21] : memref<2x10240x128xf32, #tpu.memory_space<hbm>> -> memref<1x10240x128xf32, #tpu.memory_space<hbm>>
      %dma_start3A_23 = tpu.memref_squeeze %dma_start3A_22 : memref<1x10240x128xf32, #tpu.memory_space<hbm>> -> memref<10240x128xf32, #tpu.memory_space<hbm>>
      %dma_start3A_24 = arith.constant 0 : i32
      %dma_start3A_25 = tpu.memref_slice %dma_start3A_23[%mul3A_0, %dma_start3A_24] : memref<10240x128xf32, #tpu.memory_space<hbm>> -> memref<640x128xf32, #tpu.memory_space<hbm>>
      %dma_start3A_26 = arith.constant 0 : i32
      %dma_start3A_27 = tpu.memref_slice %arg8[%mul3A_0, %dma_start3A_26] : memref<10240x128xf32, #tpu.memory_space<vmem_shared>> -> memref<640x128xf32, #tpu.memory_space<vmem_shared>>
      tpu.enqueue_dma source(%dma_start3A_27 : memref<640x128xf32, #tpu.memory_space<vmem_shared>>) target(%dma_start3A_25 : memref<640x128xf32, #tpu.memory_space<hbm>>) target_semaphore(%run_scoped3A : memref<!tpu.dma_semaphore, #tpu.memory_space<semaphore_mem>>)
      %dma_wait3A = arith.constant 0 : i32
      %dma_wait3A_28 = arith.constant 0 : i32
      %dma_wait3A_29 = tpu.memref_slice %arg5[%arg0, %dma_wait3A, %dma_wait3A_28] : memref<2x10240x128xf32, #tpu.memory_space<hbm>> -> memref<1x10240x128xf32, #tpu.memory_space<hbm>>
      %dma_wait3A_30 = tpu.memref_squeeze %dma_wait3A_29 : memref<1x10240x128xf32, #tpu.memory_space<hbm>> -> memref<10240x128xf32, #tpu.memory_space<hbm>>
      %dma_wait3A_31 = arith.constant 0 : i32
      %dma_wait3A_32 = tpu.memref_slice %dma_wait3A_30[%mul3A_0, %dma_wait3A_31] : memref<10240x128xf32, #tpu.memory_space<hbm>> -> memref<640x128xf32, #tpu.memory_space<hbm>>
      %dma_wait3A_33 = arith.constant 0 : i32
      %dma_wait3A_34 = tpu.memref_slice %arg8[%mul3A_0, %dma_wait3A_33] : memref<10240x128xf32, #tpu.memory_space<vmem_shared>> -> memref<640x128xf32, #tpu.memory_space<vmem_shared>>
      tpu.wait_dma2 semaphore(%run_scoped3A : memref<!tpu.dma_semaphore, #tpu.memory_space<semaphore_mem>>) src(%dma_wait3A_34 : memref<640x128xf32, #tpu.memory_space<vmem_shared>>) dst(%dma_wait3A_32 : memref<640x128xf32, #tpu.memory_space<hbm>>)
      tpu.yield
    }) : () -> ()
    return
  }
}

#map = affine_map<(d0, d1) -> (0, 0)>
#map1 = affine_map<(d0, d1) -> (0, 0, 0)>
module attributes {stable_mosaic.version = 14 : i64} {
  func.func @k(%arg0: i32, %arg1: i32, %arg2: memref<10240x128xf32, #tpu.memory_space<hbm>>, %arg3: memref<10240x128xf32, #tpu.memory_space<hbm>>, %arg4: memref<2560x2x128xi32, #tpu.memory_space<hbm>>, %arg5: memref<2x10240x128xf32, #tpu.memory_space<hbm>>, %arg6: memref<8x2x128xi32, #tpu.memory_space<vmem>>, %arg7: memref<2x128x128xf32, #tpu.memory_space<vmem>>, %arg8: memref<10240x128xf32, #tpu.memory_space<vmem_shared>>, %arg9: memref<!tpu.dma_semaphore, #tpu.memory_space<semaphore_mem>>, %arg10: memref<!tpu.dma_semaphore, #tpu.memory_space<semaphore_mem>>) attributes {dimension_semantics = [#tpu.dimension_semantics<core_parallel>, #tpu.dimension_semantics<subcore_parallel>], iteration_bounds = array<i64: 2, 16>, scalar_prefetch = 0 : i64, scratch_operands = 5 : i64, tpu.core_type = #tpu.core_type<sc_vector_subcore>, window_params = [{transform_indices = #map}, {transform_indices = #map}, {transform_indices = #map1}, {transform_indices = #map1}]} {
    %mul3A = arith.constant 640 : i32
    %mul3A_0 = arith.muli %arg1, %mul3A : i32
    %eq3A = arith.constant 0 : i32
    %eq3A_1 = arith.cmpi eq, %arg0, %eq3A : i32
    %convert_element_type3A = arith.extui %eq3A_1 : i1 to i32
    %cond3A = arith.constant 0 : i32
    %cond3A_2 = arith.cmpi ne, %convert_element_type3A, %cond3A : i32
    scf.if %cond3A_2 {
      "tpu.region"() ({
        %run_scoped3A = tpu.sem_alloc : memref<!tpu.dma_semaphore, #tpu.memory_space<semaphore_mem>>
        %dma_start3A = arith.constant 0 : i32
        %dma_start3A_17 = tpu.memref_slice %arg8[%mul3A_0, %dma_start3A] : memref<10240x128xf32, #tpu.memory_space<vmem_shared>> -> memref<640x128xf32, #tpu.memory_space<vmem_shared>>
        %dma_start3A_18 = arith.constant 0 : i32
        %dma_start3A_19 = tpu.memref_slice %arg2[%mul3A_0, %dma_start3A_18] : memref<10240x128xf32, #tpu.memory_space<hbm>> -> memref<640x128xf32, #tpu.memory_space<hbm>>
        tpu.enqueue_dma source(%dma_start3A_19 : memref<640x128xf32, #tpu.memory_space<hbm>>) target(%dma_start3A_17 : memref<640x128xf32, #tpu.memory_space<vmem_shared>>) target_semaphore(%run_scoped3A : memref<!tpu.dma_semaphore, #tpu.memory_space<semaphore_mem>>)
        %dma_wait3A = arith.constant 0 : i32
        %dma_wait3A_20 = tpu.memref_slice %arg8[%mul3A_0, %dma_wait3A] : memref<10240x128xf32, #tpu.memory_space<vmem_shared>> -> memref<640x128xf32, #tpu.memory_space<vmem_shared>>
        %dma_wait3A_21 = arith.constant 0 : i32
        %dma_wait3A_22 = tpu.memref_slice %arg2[%mul3A_0, %dma_wait3A_21] : memref<10240x128xf32, #tpu.memory_space<hbm>> -> memref<640x128xf32, #tpu.memory_space<hbm>>
        tpu.wait_dma2 semaphore(%run_scoped3A : memref<!tpu.dma_semaphore, #tpu.memory_space<semaphore_mem>>) src(%dma_wait3A_22 : memref<640x128xf32, #tpu.memory_space<hbm>>) dst(%dma_wait3A_20 : memref<640x128xf32, #tpu.memory_space<vmem_shared>>)
        tpu.yield
      }) : () -> ()
    } else {
    }
    %eq3A_3 = arith.constant 1 : i32
    %eq3A_4 = arith.cmpi eq, %arg0, %eq3A_3 : i32
    %convert_element_type3A_5 = arith.extui %eq3A_4 : i1 to i32
    %cond3A_6 = arith.constant 0 : i32
    %cond3A_7 = arith.cmpi ne, %convert_element_type3A_5, %cond3A_6 : i32
    scf.if %cond3A_7 {
      "tpu.region"() ({
        %run_scoped3A = tpu.sem_alloc : memref<!tpu.dma_semaphore, #tpu.memory_space<semaphore_mem>>
        %dma_start3A = arith.constant 0 : i32
        %dma_start3A_17 = tpu.memref_slice %arg8[%mul3A_0, %dma_start3A] : memref<10240x128xf32, #tpu.memory_space<vmem_shared>> -> memref<640x128xf32, #tpu.memory_space<vmem_shared>>
        %dma_start3A_18 = arith.constant 0 : i32
        %dma_start3A_19 = tpu.memref_slice %arg3[%mul3A_0, %dma_start3A_18] : memref<10240x128xf32, #tpu.memory_space<hbm>> -> memref<640x128xf32, #tpu.memory_space<hbm>>
        tpu.enqueue_dma source(%dma_start3A_19 : memref<640x128xf32, #tpu.memory_space<hbm>>) target(%dma_start3A_17 : memref<640x128xf32, #tpu.memory_space<vmem_shared>>) target_semaphore(%run_scoped3A : memref<!tpu.dma_semaphore, #tpu.memory_space<semaphore_mem>>)
        %dma_wait3A = arith.constant 0 : i32
        %dma_wait3A_20 = tpu.memref_slice %arg8[%mul3A_0, %dma_wait3A] : memref<10240x128xf32, #tpu.memory_space<vmem_shared>> -> memref<640x128xf32, #tpu.memory_space<vmem_shared>>
        %dma_wait3A_21 = arith.constant 0 : i32
        %dma_wait3A_22 = tpu.memref_slice %arg3[%mul3A_0, %dma_wait3A_21] : memref<10240x128xf32, #tpu.memory_space<hbm>> -> memref<640x128xf32, #tpu.memory_space<hbm>>
        tpu.wait_dma2 semaphore(%run_scoped3A : memref<!tpu.dma_semaphore, #tpu.memory_space<semaphore_mem>>) src(%dma_wait3A_22 : memref<640x128xf32, #tpu.memory_space<hbm>>) dst(%dma_wait3A_20 : memref<640x128xf32, #tpu.memory_space<vmem_shared>>)
        tpu.yield
      }) : () -> ()
    } else {
    }
    %barrier3A = arith.constant 0 : index
    tpu.barrier barrier_id(%barrier3A)
    %mul3A_8 = arith.constant 16 : i32
    %mul3A_9 = arith.muli %arg0, %mul3A_8 : i32
    %add3A = arith.addi %mul3A_9, %arg1 : i32
    %mul3A_10 = arith.constant 80 : i32
    %mul3A_11 = arith.muli %add3A, %mul3A_10 : i32
    %scan3A = arith.constant 0 : i32
    %scan3A_12 = arith.constant 10 : i32
    %scan3A_13 = arith.addi %scan3A, %scan3A_12 : i32
    %scan3A_14 = arith.constant 1 : i32
    scf.for %scan3A_17 = %scan3A to %scan3A_13 step %scan3A_14  : i32 {
      %mul3A_18 = arith.constant 8 : i32
      %mul3A_19 = arith.muli %scan3A_17, %mul3A_18 : i32
      %add3A_20 = arith.constant 0 : i32
      %add3A_21 = arith.addi %add3A_20, %mul3A_19 : i32
      %add3A_22 = arith.addi %mul3A_11, %add3A_21 : i32
      "tpu.region"() ({
        %run_scoped3A_252 = tpu.sem_alloc : memref<!tpu.dma_semaphore, #tpu.memory_space<semaphore_mem>>
        %dma_start3A_253 = arith.constant 0 : i32
        %dma_start3A_254 = arith.constant 0 : i32
        %dma_start3A_255 = tpu.memref_slice %arg4[%add3A_22, %dma_start3A_253, %dma_start3A_254] : memref<2560x2x128xi32, #tpu.memory_space<hbm>> -> memref<8x2x128xi32, #tpu.memory_space<hbm>>
        %dma_start3A_256 = arith.constant 0 : i32
        %dma_start3A_257 = arith.constant 0 : i32
        %dma_start3A_258 = tpu.memref_slice %arg4[%add3A_22, %dma_start3A_256, %dma_start3A_257] : memref<2560x2x128xi32, #tpu.memory_space<hbm>> -> memref<8x2x128xi32, #tpu.memory_space<hbm>>
        tpu.enqueue_dma source(%dma_start3A_258 : memref<8x2x128xi32, #tpu.memory_space<hbm>>) target(%arg6 : memref<8x2x128xi32, #tpu.memory_space<vmem>>) target_semaphore(%run_scoped3A_252 : memref<!tpu.dma_semaphore, #tpu.memory_space<semaphore_mem>>)
        %dma_wait3A_259 = arith.constant 0 : i32
        %dma_wait3A_260 = arith.constant 0 : i32
        %dma_wait3A_261 = tpu.memref_slice %arg4[%add3A_22, %dma_wait3A_259, %dma_wait3A_260] : memref<2560x2x128xi32, #tpu.memory_space<hbm>> -> memref<8x2x128xi32, #tpu.memory_space<hbm>>
        %dma_wait3A_262 = arith.constant 0 : i32
        %dma_wait3A_263 = arith.constant 0 : i32
        %dma_wait3A_264 = tpu.memref_slice %arg4[%add3A_22, %dma_wait3A_262, %dma_wait3A_263] : memref<2560x2x128xi32, #tpu.memory_space<hbm>> -> memref<8x2x128xi32, #tpu.memory_space<hbm>>
        tpu.wait_dma2 semaphore(%run_scoped3A_252 : memref<!tpu.dma_semaphore, #tpu.memory_space<semaphore_mem>>) src(%dma_wait3A_264 : memref<8x2x128xi32, #tpu.memory_space<hbm>>) dst(%arg6 : memref<8x2x128xi32, #tpu.memory_space<vmem>>)
        tpu.yield
      }) : () -> ()
      %dma_start3A = arith.constant 0 : i32
      %dma_start3A_23 = arith.constant 0 : i32
      %dma_start3A_24 = arith.constant 0 : i32
      %dma_start3A_25 = arith.constant 0 : i32
      %dma_start3A_26 = arith.constant 0 : i32
      %dma_start3A_27 = tpu.memref_slice %arg7[%dma_start3A_24, %dma_start3A_25, %dma_start3A_26] : memref<2x128x128xf32, #tpu.memory_space<vmem>> -> memref<1x128x128xf32, #tpu.memory_space<vmem>>
      %dma_start3A_28 = tpu.memref_squeeze %dma_start3A_27 : memref<1x128x128xf32, #tpu.memory_space<vmem>> -> memref<128x128xf32, #tpu.memory_space<vmem>>
      %dma_start3A_29 = arith.constant 0 : i32
      %dma_start3A_30 = tpu.memref_slice %arg6[%dma_start3A, %dma_start3A_23, %dma_start3A_29] : memref<8x2x128xi32, #tpu.memory_space<vmem>> -> memref<1x1x128xi32, #tpu.memory_space<vmem>>
      %dma_start3A_31 = tpu.memref_squeeze %dma_start3A_30 : memref<1x1x128xi32, #tpu.memory_space<vmem>> -> memref<128xi32, #tpu.memory_space<vmem>>
      %dma_start3A_32 = arith.constant 0 : i32
      %dma_start3A_33 = arith.constant 0 : i32
      %dma_start3A_34 = tpu.memref_slice %arg2[%dma_start3A_32, %dma_start3A_33] : memref<10240x128xf32, #tpu.memory_space<hbm>> -> memref<10240x128xf32, #tpu.memory_space<hbm>>
      tpu.enqueue_indirect_dma source(%dma_start3A_34 : memref<10240x128xf32, #tpu.memory_space<hbm>>) target(%dma_start3A_28 : memref<128x128xf32, #tpu.memory_space<vmem>>) offsets(%dma_start3A_31 : memref<128xi32, #tpu.memory_space<vmem>>) semaphore(%arg9 : memref<!tpu.dma_semaphore, #tpu.memory_space<semaphore_mem>>)
      %dma_start3A_35 = arith.constant 1 : i32
      %dma_start3A_36 = arith.constant 0 : i32
      %dma_start3A_37 = arith.constant 1 : i32
      %dma_start3A_38 = arith.constant 0 : i32
      %dma_start3A_39 = arith.constant 0 : i32
      %dma_start3A_40 = tpu.memref_slice %arg7[%dma_start3A_37, %dma_start3A_38, %dma_start3A_39] : memref<2x128x128xf32, #tpu.memory_space<vmem>> -> memref<1x128x128xf32, #tpu.memory_space<vmem>>
      %dma_start3A_41 = tpu.memref_squeeze %dma_start3A_40 : memref<1x128x128xf32, #tpu.memory_space<vmem>> -> memref<128x128xf32, #tpu.memory_space<vmem>>
      %dma_start3A_42 = arith.constant 0 : i32
      %dma_start3A_43 = tpu.memref_slice %arg6[%dma_start3A_35, %dma_start3A_36, %dma_start3A_42] : memref<8x2x128xi32, #tpu.memory_space<vmem>> -> memref<1x1x128xi32, #tpu.memory_space<vmem>>
      %dma_start3A_44 = tpu.memref_squeeze %dma_start3A_43 : memref<1x1x128xi32, #tpu.memory_space<vmem>> -> memref<128xi32, #tpu.memory_space<vmem>>
      %dma_start3A_45 = arith.constant 0 : i32
      %dma_start3A_46 = arith.constant 0 : i32
      %dma_start3A_47 = tpu.memref_slice %arg2[%dma_start3A_45, %dma_start3A_46] : memref<10240x128xf32, #tpu.memory_space<hbm>> -> memref<10240x128xf32, #tpu.memory_space<hbm>>
      tpu.enqueue_indirect_dma source(%dma_start3A_47 : memref<10240x128xf32, #tpu.memory_space<hbm>>) target(%dma_start3A_41 : memref<128x128xf32, #tpu.memory_space<vmem>>) offsets(%dma_start3A_44 : memref<128xi32, #tpu.memory_space<vmem>>) semaphore(%arg10 : memref<!tpu.dma_semaphore, #tpu.memory_space<semaphore_mem>>)
      %dma_wait3A = arith.constant 0 : i32
      %dma_wait3A_48 = arith.constant 0 : i32
      %dma_wait3A_49 = arith.constant 0 : i32
      %dma_wait3A_50 = arith.constant 0 : i32
      %dma_wait3A_51 = arith.constant 0 : i32
      %dma_wait3A_52 = tpu.memref_slice %arg7[%dma_wait3A_49, %dma_wait3A_50, %dma_wait3A_51] : memref<2x128x128xf32, #tpu.memory_space<vmem>> -> memref<1x128x128xf32, #tpu.memory_space<vmem>>
      %dma_wait3A_53 = tpu.memref_squeeze %dma_wait3A_52 : memref<1x128x128xf32, #tpu.memory_space<vmem>> -> memref<128x128xf32, #tpu.memory_space<vmem>>
      %dma_wait3A_54 = arith.constant 0 : i32
      %dma_wait3A_55 = tpu.memref_slice %arg6[%dma_wait3A, %dma_wait3A_48, %dma_wait3A_54] : memref<8x2x128xi32, #tpu.memory_space<vmem>> -> memref<1x1x128xi32, #tpu.memory_space<vmem>>
      %dma_wait3A_56 = tpu.memref_squeeze %dma_wait3A_55 : memref<1x1x128xi32, #tpu.memory_space<vmem>> -> memref<128xi32, #tpu.memory_space<vmem>>
      %dma_wait3A_57 = arith.constant 0 : i32
      %dma_wait3A_58 = arith.constant 0 : i32
      %dma_wait3A_59 = tpu.memref_slice %arg2[%dma_wait3A_57, %dma_wait3A_58] : memref<10240x128xf32, #tpu.memory_space<hbm>> -> memref<10240x128xf32, #tpu.memory_space<hbm>>
      tpu.wait_indirect_dma semaphore(%arg9 : memref<!tpu.dma_semaphore, #tpu.memory_space<semaphore_mem>>) src(%dma_wait3A_59 : memref<10240x128xf32, #tpu.memory_space<hbm>>) dst(%dma_wait3A_53 : memref<128x128xf32, #tpu.memory_space<vmem>>)
      %run_scoped3A = arith.constant 0 : i32
      %run_scoped3A_60 = arith.constant 0 : i32
      %run_scoped3A_61 = arith.constant 1 : i32
      "tpu.region"() ({
        %run_scoped3A_252 = tpu.sem_alloc : memref<!tpu.dma_semaphore, #tpu.memory_space<semaphore_mem>>
        %dma_start3A_253 = arith.constant 0 : i32
        %dma_start3A_254 = arith.constant 0 : i32
        %dma_start3A_255 = tpu.memref_slice %arg7[%run_scoped3A, %dma_start3A_253, %dma_start3A_254] : memref<2x128x128xf32, #tpu.memory_space<vmem>> -> memref<1x128x128xf32, #tpu.memory_space<vmem>>
        %dma_start3A_256 = tpu.memref_squeeze %dma_start3A_255 : memref<1x128x128xf32, #tpu.memory_space<vmem>> -> memref<128x128xf32, #tpu.memory_space<vmem>>
        %dma_start3A_257 = arith.constant 0 : i32
        %dma_start3A_258 = tpu.memref_slice %arg6[%run_scoped3A_60, %run_scoped3A_61, %dma_start3A_257] : memref<8x2x128xi32, #tpu.memory_space<vmem>> -> memref<1x1x128xi32, #tpu.memory_space<vmem>>
        %dma_start3A_259 = tpu.memref_squeeze %dma_start3A_258 : memref<1x1x128xi32, #tpu.memory_space<vmem>> -> memref<128xi32, #tpu.memory_space<vmem>>
        %dma_start3A_260 = arith.constant 0 : i32
        %dma_start3A_261 = arith.constant 0 : i32
        %dma_start3A_262 = tpu.memref_slice %arg8[%dma_start3A_260, %dma_start3A_261] : memref<10240x128xf32, #tpu.memory_space<vmem_shared>> -> memref<10240x128xf32, #tpu.memory_space<vmem_shared>>
        tpu.enqueue_indirect_dma source(%dma_start3A_256 : memref<128x128xf32, #tpu.memory_space<vmem>>) target(%dma_start3A_262 : memref<10240x128xf32, #tpu.memory_space<vmem_shared>>) offsets(%dma_start3A_259 : memref<128xi32, #tpu.memory_space<vmem>>) semaphore(%run_scoped3A_252 : memref<!tpu.dma_semaphore, #tpu.memory_space<semaphore_mem>>) {add = true}
        %dma_wait3A_263 = arith.constant 0 : i32
        %dma_wait3A_264 = arith.constant 0 : i32
        %dma_wait3A_265 = tpu.memref_slice %arg7[%run_scoped3A, %dma_wait3A_263, %dma_wait3A_264] : memref<2x128x128xf32, #tpu.memory_space<vmem>> -> memref<1x128x128xf32, #tpu.memory_space<vmem>>
        %dma_wait3A_266 = tpu.memref_squeeze %dma_wait3A_265 : memref<1x128x128xf32, #tpu.memory_space<vmem>> -> memref<128x128xf32, #tpu.memory_space<vmem>>
        %dma_wait3A_267 = arith.constant 0 : i32
        %dma_wait3A_268 = tpu.memref_slice %arg6[%run_scoped3A_60, %run_scoped3A_61, %dma_wait3A_267] : memref<8x2x128xi32, #tpu.memory_space<vmem>> -> memref<1x1x128xi32, #tpu.memory_space<vmem>>
        %dma_wait3A_269 = tpu.memref_squeeze %dma_wait3A_268 : memref<1x1x128xi32, #tpu.memory_space<vmem>> -> memref<128xi32, #tpu.memory_space<vmem>>
        %dma_wait3A_270 = arith.constant 0 : i32
        %dma_wait3A_271 = arith.constant 0 : i32
        %dma_wait3A_272 = tpu.memref_slice %arg8[%dma_wait3A_270, %dma_wait3A_271] : memref<10240x128xf32, #tpu.memory_space<vmem_shared>> -> memref<10240x128xf32, #tpu.memory_space<vmem_shared>>
        tpu.wait_indirect_dma semaphore(%run_scoped3A_252 : memref<!tpu.dma_semaphore, #tpu.memory_space<semaphore_mem>>) src(%dma_wait3A_266 : memref<128x128xf32, #tpu.memory_space<vmem>>) dst(%dma_wait3A_272 : memref<10240x128xf32, #tpu.memory_space<vmem_shared>>)
        tpu.yield
      }) : () -> ()
      %dma_start3A_62 = arith.constant 2 : i32
      %dma_start3A_63 = arith.constant 0 : i32
      %dma_start3A_64 = arith.constant 0 : i32
      %dma_start3A_65 = arith.constant 0 : i32
      %dma_start3A_66 = arith.constant 0 : i32
      %dma_start3A_67 = tpu.memref_slice %arg7[%dma_start3A_64, %dma_start3A_65, %dma_start3A_66] : memref<2x128x128xf32, #tpu.memory_space<vmem>> -> memref<1x128x128xf32, #tpu.memory_space<vmem>>
      %dma_start3A_68 = tpu.memref_squeeze %dma_start3A_67 : memref<1x128x128xf32, #tpu.memory_space<vmem>> -> memref<128x128xf32, #tpu.memory_space<vmem>>
      %dma_start3A_69 = arith.constant 0 : i32
      %dma_start3A_70 = tpu.memref_slice %arg6[%dma_start3A_62, %dma_start3A_63, %dma_start3A_69] : memref<8x2x128xi32, #tpu.memory_space<vmem>> -> memref<1x1x128xi32, #tpu.memory_space<vmem>>
      %dma_start3A_71 = tpu.memref_squeeze %dma_start3A_70 : memref<1x1x128xi32, #tpu.memory_space<vmem>> -> memref<128xi32, #tpu.memory_space<vmem>>
      %dma_start3A_72 = arith.constant 0 : i32
      %dma_start3A_73 = arith.constant 0 : i32
      %dma_start3A_74 = tpu.memref_slice %arg2[%dma_start3A_72, %dma_start3A_73] : memref<10240x128xf32, #tpu.memory_space<hbm>> -> memref<10240x128xf32, #tpu.memory_space<hbm>>
      tpu.enqueue_indirect_dma source(%dma_start3A_74 : memref<10240x128xf32, #tpu.memory_space<hbm>>) target(%dma_start3A_68 : memref<128x128xf32, #tpu.memory_space<vmem>>) offsets(%dma_start3A_71 : memref<128xi32, #tpu.memory_space<vmem>>) semaphore(%arg9 : memref<!tpu.dma_semaphore, #tpu.memory_space<semaphore_mem>>)
      %dma_wait3A_75 = arith.constant 1 : i32
      %dma_wait3A_76 = arith.constant 0 : i32
      %dma_wait3A_77 = arith.constant 1 : i32
      %dma_wait3A_78 = arith.constant 0 : i32
      %dma_wait3A_79 = arith.constant 0 : i32
      %dma_wait3A_80 = tpu.memref_slice %arg7[%dma_wait3A_77, %dma_wait3A_78, %dma_wait3A_79] : memref<2x128x128xf32, #tpu.memory_space<vmem>> -> memref<1x128x128xf32, #tpu.memory_space<vmem>>
      %dma_wait3A_81 = tpu.memref_squeeze %dma_wait3A_80 : memref<1x128x128xf32, #tpu.memory_space<vmem>> -> memref<128x128xf32, #tpu.memory_space<vmem>>
      %dma_wait3A_82 = arith.constant 0 : i32
      %dma_wait3A_83 = tpu.memref_slice %arg6[%dma_wait3A_75, %dma_wait3A_76, %dma_wait3A_82] : memref<8x2x128xi32, #tpu.memory_space<vmem>> -> memref<1x1x128xi32, #tpu.memory_space<vmem>>
      %dma_wait3A_84 = tpu.memref_squeeze %dma_wait3A_83 : memref<1x1x128xi32, #tpu.memory_space<vmem>> -> memref<128xi32, #tpu.memory_space<vmem>>
      %dma_wait3A_85 = arith.constant 0 : i32
      %dma_wait3A_86 = arith.constant 0 : i32
      %dma_wait3A_87 = tpu.memref_slice %arg2[%dma_wait3A_85, %dma_wait3A_86] : memref<10240x128xf32, #tpu.memory_space<hbm>> -> memref<10240x128xf32, #tpu.memory_space<hbm>>
      tpu.wait_indirect_dma semaphore(%arg10 : memref<!tpu.dma_semaphore, #tpu.memory_space<semaphore_mem>>) src(%dma_wait3A_87 : memref<10240x128xf32, #tpu.memory_space<hbm>>) dst(%dma_wait3A_81 : memref<128x128xf32, #tpu.memory_space<vmem>>)
      %run_scoped3A_88 = arith.constant 1 : i32
      %run_scoped3A_89 = arith.constant 1 : i32
      %run_scoped3A_90 = arith.constant 1 : i32
      "tpu.region"() ({
        %run_scoped3A_252 = tpu.sem_alloc : memref<!tpu.dma_semaphore, #tpu.memory_space<semaphore_mem>>
        %dma_start3A_253 = arith.constant 0 : i32
        %dma_start3A_254 = arith.constant 0 : i32
        %dma_start3A_255 = tpu.memref_slice %arg7[%run_scoped3A_88, %dma_start3A_253, %dma_start3A_254] : memref<2x128x128xf32, #tpu.memory_space<vmem>> -> memref<1x128x128xf32, #tpu.memory_space<vmem>>
        %dma_start3A_256 = tpu.memref_squeeze %dma_start3A_255 : memref<1x128x128xf32, #tpu.memory_space<vmem>> -> memref<128x128xf32, #tpu.memory_space<vmem>>
        %dma_start3A_257 = arith.constant 0 : i32
        %dma_start3A_258 = tpu.memref_slice %arg6[%run_scoped3A_89, %run_scoped3A_90, %dma_start3A_257] : memref<8x2x128xi32, #tpu.memory_space<vmem>> -> memref<1x1x128xi32, #tpu.memory_space<vmem>>
        %dma_start3A_259 = tpu.memref_squeeze %dma_start3A_258 : memref<1x1x128xi32, #tpu.memory_space<vmem>> -> memref<128xi32, #tpu.memory_space<vmem>>
        %dma_start3A_260 = arith.constant 0 : i32
        %dma_start3A_261 = arith.constant 0 : i32
        %dma_start3A_262 = tpu.memref_slice %arg8[%dma_start3A_260, %dma_start3A_261] : memref<10240x128xf32, #tpu.memory_space<vmem_shared>> -> memref<10240x128xf32, #tpu.memory_space<vmem_shared>>
        tpu.enqueue_indirect_dma source(%dma_start3A_256 : memref<128x128xf32, #tpu.memory_space<vmem>>) target(%dma_start3A_262 : memref<10240x128xf32, #tpu.memory_space<vmem_shared>>) offsets(%dma_start3A_259 : memref<128xi32, #tpu.memory_space<vmem>>) semaphore(%run_scoped3A_252 : memref<!tpu.dma_semaphore, #tpu.memory_space<semaphore_mem>>) {add = true}
        %dma_wait3A_263 = arith.constant 0 : i32
        %dma_wait3A_264 = arith.constant 0 : i32
        %dma_wait3A_265 = tpu.memref_slice %arg7[%run_scoped3A_88, %dma_wait3A_263, %dma_wait3A_264] : memref<2x128x128xf32, #tpu.memory_space<vmem>> -> memref<1x128x128xf32, #tpu.memory_space<vmem>>
        %dma_wait3A_266 = tpu.memref_squeeze %dma_wait3A_265 : memref<1x128x128xf32, #tpu.memory_space<vmem>> -> memref<128x128xf32, #tpu.memory_space<vmem>>
        %dma_wait3A_267 = arith.constant 0 : i32
        %dma_wait3A_268 = tpu.memref_slice %arg6[%run_scoped3A_89, %run_scoped3A_90, %dma_wait3A_267] : memref<8x2x128xi32, #tpu.memory_space<vmem>> -> memref<1x1x128xi32, #tpu.memory_space<vmem>>
        %dma_wait3A_269 = tpu.memref_squeeze %dma_wait3A_268 : memref<1x1x128xi32, #tpu.memory_space<vmem>> -> memref<128xi32, #tpu.memory_space<vmem>>
        %dma_wait3A_270 = arith.constant 0 : i32
        %dma_wait3A_271 = arith.constant 0 : i32
        %dma_wait3A_272 = tpu.memref_slice %arg8[%dma_wait3A_270, %dma_wait3A_271] : memref<10240x128xf32, #tpu.memory_space<vmem_shared>> -> memref<10240x128xf32, #tpu.memory_space<vmem_shared>>
        tpu.wait_indirect_dma semaphore(%run_scoped3A_252 : memref<!tpu.dma_semaphore, #tpu.memory_space<semaphore_mem>>) src(%dma_wait3A_266 : memref<128x128xf32, #tpu.memory_space<vmem>>) dst(%dma_wait3A_272 : memref<10240x128xf32, #tpu.memory_space<vmem_shared>>)
        tpu.yield
      }) : () -> ()
      %dma_start3A_91 = arith.constant 3 : i32
      %dma_start3A_92 = arith.constant 0 : i32
      %dma_start3A_93 = arith.constant 1 : i32
      %dma_start3A_94 = arith.constant 0 : i32
      %dma_start3A_95 = arith.constant 0 : i32
      %dma_start3A_96 = tpu.memref_slice %arg7[%dma_start3A_93, %dma_start3A_94, %dma_start3A_95] : memref<2x128x128xf32, #tpu.memory_space<vmem>> -> memref<1x128x128xf32, #tpu.memory_space<vmem>>
      %dma_start3A_97 = tpu.memref_squeeze %dma_start3A_96 : memref<1x128x128xf32, #tpu.memory_space<vmem>> -> memref<128x128xf32, #tpu.memory_space<vmem>>
      %dma_start3A_98 = arith.constant 0 : i32
      %dma_start3A_99 = tpu.memref_slice %arg6[%dma_start3A_91, %dma_start3A_92, %dma_start3A_98] : memref<8x2x128xi32, #tpu.memory_space<vmem>> -> memref<1x1x128xi32, #tpu.memory_space<vmem>>
      %dma_start3A_100 = tpu.memref_squeeze %dma_start3A_99 : memref<1x1x128xi32, #tpu.memory_space<vmem>> -> memref<128xi32, #tpu.memory_space<vmem>>
      %dma_start3A_101 = arith.constant 0 : i32
      %dma_start3A_102 = arith.constant 0 : i32
      %dma_start3A_103 = tpu.memref_slice %arg2[%dma_start3A_101, %dma_start3A_102] : memref<10240x128xf32, #tpu.memory_space<hbm>> -> memref<10240x128xf32, #tpu.memory_space<hbm>>
      tpu.enqueue_indirect_dma source(%dma_start3A_103 : memref<10240x128xf32, #tpu.memory_space<hbm>>) target(%dma_start3A_97 : memref<128x128xf32, #tpu.memory_space<vmem>>) offsets(%dma_start3A_100 : memref<128xi32, #tpu.memory_space<vmem>>) semaphore(%arg10 : memref<!tpu.dma_semaphore, #tpu.memory_space<semaphore_mem>>)
      %dma_wait3A_104 = arith.constant 2 : i32
      %dma_wait3A_105 = arith.constant 0 : i32
      %dma_wait3A_106 = arith.constant 0 : i32
      %dma_wait3A_107 = arith.constant 0 : i32
      %dma_wait3A_108 = arith.constant 0 : i32
      %dma_wait3A_109 = tpu.memref_slice %arg7[%dma_wait3A_106, %dma_wait3A_107, %dma_wait3A_108] : memref<2x128x128xf32, #tpu.memory_space<vmem>> -> memref<1x128x128xf32, #tpu.memory_space<vmem>>
      %dma_wait3A_110 = tpu.memref_squeeze %dma_wait3A_109 : memref<1x128x128xf32, #tpu.memory_space<vmem>> -> memref<128x128xf32, #tpu.memory_space<vmem>>
      %dma_wait3A_111 = arith.constant 0 : i32
      %dma_wait3A_112 = tpu.memref_slice %arg6[%dma_wait3A_104, %dma_wait3A_105, %dma_wait3A_111] : memref<8x2x128xi32, #tpu.memory_space<vmem>> -> memref<1x1x128xi32, #tpu.memory_space<vmem>>
      %dma_wait3A_113 = tpu.memref_squeeze %dma_wait3A_112 : memref<1x1x128xi32, #tpu.memory_space<vmem>> -> memref<128xi32, #tpu.memory_space<vmem>>
      %dma_wait3A_114 = arith.constant 0 : i32
      %dma_wait3A_115 = arith.constant 0 : i32
      %dma_wait3A_116 = tpu.memref_slice %arg2[%dma_wait3A_114, %dma_wait3A_115] : memref<10240x128xf32, #tpu.memory_space<hbm>> -> memref<10240x128xf32, #tpu.memory_space<hbm>>
      tpu.wait_indirect_dma semaphore(%arg9 : memref<!tpu.dma_semaphore, #tpu.memory_space<semaphore_mem>>) src(%dma_wait3A_116 : memref<10240x128xf32, #tpu.memory_space<hbm>>) dst(%dma_wait3A_110 : memref<128x128xf32, #tpu.memory_space<vmem>>)
      %run_scoped3A_117 = arith.constant 0 : i32
      %run_scoped3A_118 = arith.constant 2 : i32
      %run_scoped3A_119 = arith.constant 1 : i32
      "tpu.region"() ({
        %run_scoped3A_252 = tpu.sem_alloc : memref<!tpu.dma_semaphore, #tpu.memory_space<semaphore_mem>>
        %dma_start3A_253 = arith.constant 0 : i32
        %dma_start3A_254 = arith.constant 0 : i32
        %dma_start3A_255 = tpu.memref_slice %arg7[%run_scoped3A_117, %dma_start3A_253, %dma_start3A_254] : memref<2x128x128xf32, #tpu.memory_space<vmem>> -> memref<1x128x128xf32, #tpu.memory_space<vmem>>
        %dma_start3A_256 = tpu.memref_squeeze %dma_start3A_255 : memref<1x128x128xf32, #tpu.memory_space<vmem>> -> memref<128x128xf32, #tpu.memory_space<vmem>>
        %dma_start3A_257 = arith.constant 0 : i32
        %dma_start3A_258 = tpu.memref_slice %arg6[%run_scoped3A_118, %run_scoped3A_119, %dma_start3A_257] : memref<8x2x128xi32, #tpu.memory_space<vmem>> -> memref<1x1x128xi32, #tpu.memory_space<vmem>>
        %dma_start3A_259 = tpu.memref_squeeze %dma_start3A_258 : memref<1x1x128xi32, #tpu.memory_space<vmem>> -> memref<128xi32, #tpu.memory_space<vmem>>
        %dma_start3A_260 = arith.constant 0 : i32
        %dma_start3A_261 = arith.constant 0 : i32
        %dma_start3A_262 = tpu.memref_slice %arg8[%dma_start3A_260, %dma_start3A_261] : memref<10240x128xf32, #tpu.memory_space<vmem_shared>> -> memref<10240x128xf32, #tpu.memory_space<vmem_shared>>
        tpu.enqueue_indirect_dma source(%dma_start3A_256 : memref<128x128xf32, #tpu.memory_space<vmem>>) target(%dma_start3A_262 : memref<10240x128xf32, #tpu.memory_space<vmem_shared>>) offsets(%dma_start3A_259 : memref<128xi32, #tpu.memory_space<vmem>>) semaphore(%run_scoped3A_252 : memref<!tpu.dma_semaphore, #tpu.memory_space<semaphore_mem>>) {add = true}
        %dma_wait3A_263 = arith.constant 0 : i32
        %dma_wait3A_264 = arith.constant 0 : i32
        %dma_wait3A_265 = tpu.memref_slice %arg7[%run_scoped3A_117, %dma_wait3A_263, %dma_wait3A_264] : memref<2x128x128xf32, #tpu.memory_space<vmem>> -> memref<1x128x128xf32, #tpu.memory_space<vmem>>
        %dma_wait3A_266 = tpu.memref_squeeze %dma_wait3A_265 : memref<1x128x128xf32, #tpu.memory_space<vmem>> -> memref<128x128xf32, #tpu.memory_space<vmem>>
        %dma_wait3A_267 = arith.constant 0 : i32
        %dma_wait3A_268 = tpu.memref_slice %arg6[%run_scoped3A_118, %run_scoped3A_119, %dma_wait3A_267] : memref<8x2x128xi32, #tpu.memory_space<vmem>> -> memref<1x1x128xi32, #tpu.memory_space<vmem>>
        %dma_wait3A_269 = tpu.memref_squeeze %dma_wait3A_268 : memref<1x1x128xi32, #tpu.memory_space<vmem>> -> memref<128xi32, #tpu.memory_space<vmem>>
        %dma_wait3A_270 = arith.constant 0 : i32
        %dma_wait3A_271 = arith.constant 0 : i32
        %dma_wait3A_272 = tpu.memref_slice %arg8[%dma_wait3A_270, %dma_wait3A_271] : memref<10240x128xf32, #tpu.memory_space<vmem_shared>> -> memref<10240x128xf32, #tpu.memory_space<vmem_shared>>
        tpu.wait_indirect_dma semaphore(%run_scoped3A_252 : memref<!tpu.dma_semaphore, #tpu.memory_space<semaphore_mem>>) src(%dma_wait3A_266 : memref<128x128xf32, #tpu.memory_space<vmem>>) dst(%dma_wait3A_272 : memref<10240x128xf32, #tpu.memory_space<vmem_shared>>)
        tpu.yield
      }) : () -> ()
      %dma_start3A_120 = arith.constant 4 : i32
      %dma_start3A_121 = arith.constant 0 : i32
      %dma_start3A_122 = arith.constant 0 : i32
      %dma_start3A_123 = arith.constant 0 : i32
      %dma_start3A_124 = arith.constant 0 : i32
      %dma_start3A_125 = tpu.memref_slice %arg7[%dma_start3A_122, %dma_start3A_123, %dma_start3A_124] : memref<2x128x128xf32, #tpu.memory_space<vmem>> -> memref<1x128x128xf32, #tpu.memory_space<vmem>>
      %dma_start3A_126 = tpu.memref_squeeze %dma_start3A_125 : memref<1x128x128xf32, #tpu.memory_space<vmem>> -> memref<128x128xf32, #tpu.memory_space<vmem>>
      %dma_start3A_127 = arith.constant 0 : i32
      %dma_start3A_128 = tpu.memref_slice %arg6[%dma_start3A_120, %dma_start3A_121, %dma_start3A_127] : memref<8x2x128xi32, #tpu.memory_space<vmem>> -> memref<1x1x128xi32, #tpu.memory_space<vmem>>
      %dma_start3A_129 = tpu.memref_squeeze %dma_start3A_128 : memref<1x1x128xi32, #tpu.memory_space<vmem>> -> memref<128xi32, #tpu.memory_space<vmem>>
      %dma_start3A_130 = arith.constant 0 : i32
      %dma_start3A_131 = arith.constant 0 : i32
      %dma_start3A_132 = tpu.memref_slice %arg2[%dma_start3A_130, %dma_start3A_131] : memref<10240x128xf32, #tpu.memory_space<hbm>> -> memref<10240x128xf32, #tpu.memory_space<hbm>>
      tpu.enqueue_indirect_dma source(%dma_start3A_132 : memref<10240x128xf32, #tpu.memory_space<hbm>>) target(%dma_start3A_126 : memref<128x128xf32, #tpu.memory_space<vmem>>) offsets(%dma_start3A_129 : memref<128xi32, #tpu.memory_space<vmem>>) semaphore(%arg9 : memref<!tpu.dma_semaphore, #tpu.memory_space<semaphore_mem>>)
      %dma_wait3A_133 = arith.constant 3 : i32
      %dma_wait3A_134 = arith.constant 0 : i32
      %dma_wait3A_135 = arith.constant 1 : i32
      %dma_wait3A_136 = arith.constant 0 : i32
      %dma_wait3A_137 = arith.constant 0 : i32
      %dma_wait3A_138 = tpu.memref_slice %arg7[%dma_wait3A_135, %dma_wait3A_136, %dma_wait3A_137] : memref<2x128x128xf32, #tpu.memory_space<vmem>> -> memref<1x128x128xf32, #tpu.memory_space<vmem>>
      %dma_wait3A_139 = tpu.memref_squeeze %dma_wait3A_138 : memref<1x128x128xf32, #tpu.memory_space<vmem>> -> memref<128x128xf32, #tpu.memory_space<vmem>>
      %dma_wait3A_140 = arith.constant 0 : i32
      %dma_wait3A_141 = tpu.memref_slice %arg6[%dma_wait3A_133, %dma_wait3A_134, %dma_wait3A_140] : memref<8x2x128xi32, #tpu.memory_space<vmem>> -> memref<1x1x128xi32, #tpu.memory_space<vmem>>
      %dma_wait3A_142 = tpu.memref_squeeze %dma_wait3A_141 : memref<1x1x128xi32, #tpu.memory_space<vmem>> -> memref<128xi32, #tpu.memory_space<vmem>>
      %dma_wait3A_143 = arith.constant 0 : i32
      %dma_wait3A_144 = arith.constant 0 : i32
      %dma_wait3A_145 = tpu.memref_slice %arg2[%dma_wait3A_143, %dma_wait3A_144] : memref<10240x128xf32, #tpu.memory_space<hbm>> -> memref<10240x128xf32, #tpu.memory_space<hbm>>
      tpu.wait_indirect_dma semaphore(%arg10 : memref<!tpu.dma_semaphore, #tpu.memory_space<semaphore_mem>>) src(%dma_wait3A_145 : memref<10240x128xf32, #tpu.memory_space<hbm>>) dst(%dma_wait3A_139 : memref<128x128xf32, #tpu.memory_space<vmem>>)
      %run_scoped3A_146 = arith.constant 1 : i32
      %run_scoped3A_147 = arith.constant 3 : i32
      %run_scoped3A_148 = arith.constant 1 : i32
      "tpu.region"() ({
        %run_scoped3A_252 = tpu.sem_alloc : memref<!tpu.dma_semaphore, #tpu.memory_space<semaphore_mem>>
        %dma_start3A_253 = arith.constant 0 : i32
        %dma_start3A_254 = arith.constant 0 : i32
        %dma_start3A_255 = tpu.memref_slice %arg7[%run_scoped3A_146, %dma_start3A_253, %dma_start3A_254] : memref<2x128x128xf32, #tpu.memory_space<vmem>> -> memref<1x128x128xf32, #tpu.memory_space<vmem>>
        %dma_start3A_256 = tpu.memref_squeeze %dma_start3A_255 : memref<1x128x128xf32, #tpu.memory_space<vmem>> -> memref<128x128xf32, #tpu.memory_space<vmem>>
        %dma_start3A_257 = arith.constant 0 : i32
        %dma_start3A_258 = tpu.memref_slice %arg6[%run_scoped3A_147, %run_scoped3A_148, %dma_start3A_257] : memref<8x2x128xi32, #tpu.memory_space<vmem>> -> memref<1x1x128xi32, #tpu.memory_space<vmem>>
        %dma_start3A_259 = tpu.memref_squeeze %dma_start3A_258 : memref<1x1x128xi32, #tpu.memory_space<vmem>> -> memref<128xi32, #tpu.memory_space<vmem>>
        %dma_start3A_260 = arith.constant 0 : i32
        %dma_start3A_261 = arith.constant 0 : i32
        %dma_start3A_262 = tpu.memref_slice %arg8[%dma_start3A_260, %dma_start3A_261] : memref<10240x128xf32, #tpu.memory_space<vmem_shared>> -> memref<10240x128xf32, #tpu.memory_space<vmem_shared>>
        tpu.enqueue_indirect_dma source(%dma_start3A_256 : memref<128x128xf32, #tpu.memory_space<vmem>>) target(%dma_start3A_262 : memref<10240x128xf32, #tpu.memory_space<vmem_shared>>) offsets(%dma_start3A_259 : memref<128xi32, #tpu.memory_space<vmem>>) semaphore(%run_scoped3A_252 : memref<!tpu.dma_semaphore, #tpu.memory_space<semaphore_mem>>) {add = true}
        %dma_wait3A_263 = arith.constant 0 : i32
        %dma_wait3A_264 = arith.constant 0 : i32
        %dma_wait3A_265 = tpu.memref_slice %arg7[%run_scoped3A_146, %dma_wait3A_263, %dma_wait3A_264] : memref<2x128x128xf32, #tpu.memory_space<vmem>> -> memref<1x128x128xf32, #tpu.memory_space<vmem>>
        %dma_wait3A_266 = tpu.memref_squeeze %dma_wait3A_265 : memref<1x128x128xf32, #tpu.memory_space<vmem>> -> memref<128x128xf32, #tpu.memory_space<vmem>>
        %dma_wait3A_267 = arith.constant 0 : i32
        %dma_wait3A_268 = tpu.memref_slice %arg6[%run_scoped3A_147, %run_scoped3A_148, %dma_wait3A_267] : memref<8x2x128xi32, #tpu.memory_space<vmem>> -> memref<1x1x128xi32, #tpu.memory_space<vmem>>
        %dma_wait3A_269 = tpu.memref_squeeze %dma_wait3A_268 : memref<1x1x128xi32, #tpu.memory_space<vmem>> -> memref<128xi32, #tpu.memory_space<vmem>>
        %dma_wait3A_270 = arith.constant 0 : i32
        %dma_wait3A_271 = arith.constant 0 : i32
        %dma_wait3A_272 = tpu.memref_slice %arg8[%dma_wait3A_270, %dma_wait3A_271] : memref<10240x128xf32, #tpu.memory_space<vmem_shared>> -> memref<10240x128xf32, #tpu.memory_space<vmem_shared>>
        tpu.wait_indirect_dma semaphore(%run_scoped3A_252 : memref<!tpu.dma_semaphore, #tpu.memory_space<semaphore_mem>>) src(%dma_wait3A_266 : memref<128x128xf32, #tpu.memory_space<vmem>>) dst(%dma_wait3A_272 : memref<10240x128xf32, #tpu.memory_space<vmem_shared>>)
        tpu.yield
      }) : () -> ()
      %dma_start3A_149 = arith.constant 5 : i32
      %dma_start3A_150 = arith.constant 0 : i32
      %dma_start3A_151 = arith.constant 1 : i32
      %dma_start3A_152 = arith.constant 0 : i32
      %dma_start3A_153 = arith.constant 0 : i32
      %dma_start3A_154 = tpu.memref_slice %arg7[%dma_start3A_151, %dma_start3A_152, %dma_start3A_153] : memref<2x128x128xf32, #tpu.memory_space<vmem>> -> memref<1x128x128xf32, #tpu.memory_space<vmem>>
      %dma_start3A_155 = tpu.memref_squeeze %dma_start3A_154 : memref<1x128x128xf32, #tpu.memory_space<vmem>> -> memref<128x128xf32, #tpu.memory_space<vmem>>
      %dma_start3A_156 = arith.constant 0 : i32
      %dma_start3A_157 = tpu.memref_slice %arg6[%dma_start3A_149, %dma_start3A_150, %dma_start3A_156] : memref<8x2x128xi32, #tpu.memory_space<vmem>> -> memref<1x1x128xi32, #tpu.memory_space<vmem>>
      %dma_start3A_158 = tpu.memref_squeeze %dma_start3A_157 : memref<1x1x128xi32, #tpu.memory_space<vmem>> -> memref<128xi32, #tpu.memory_space<vmem>>
      %dma_start3A_159 = arith.constant 0 : i32
      %dma_start3A_160 = arith.constant 0 : i32
      %dma_start3A_161 = tpu.memref_slice %arg2[%dma_start3A_159, %dma_start3A_160] : memref<10240x128xf32, #tpu.memory_space<hbm>> -> memref<10240x128xf32, #tpu.memory_space<hbm>>
      tpu.enqueue_indirect_dma source(%dma_start3A_161 : memref<10240x128xf32, #tpu.memory_space<hbm>>) target(%dma_start3A_155 : memref<128x128xf32, #tpu.memory_space<vmem>>) offsets(%dma_start3A_158 : memref<128xi32, #tpu.memory_space<vmem>>) semaphore(%arg10 : memref<!tpu.dma_semaphore, #tpu.memory_space<semaphore_mem>>)
      %dma_wait3A_162 = arith.constant 4 : i32
      %dma_wait3A_163 = arith.constant 0 : i32
      %dma_wait3A_164 = arith.constant 0 : i32
      %dma_wait3A_165 = arith.constant 0 : i32
      %dma_wait3A_166 = arith.constant 0 : i32
      %dma_wait3A_167 = tpu.memref_slice %arg7[%dma_wait3A_164, %dma_wait3A_165, %dma_wait3A_166] : memref<2x128x128xf32, #tpu.memory_space<vmem>> -> memref<1x128x128xf32, #tpu.memory_space<vmem>>
      %dma_wait3A_168 = tpu.memref_squeeze %dma_wait3A_167 : memref<1x128x128xf32, #tpu.memory_space<vmem>> -> memref<128x128xf32, #tpu.memory_space<vmem>>
      %dma_wait3A_169 = arith.constant 0 : i32
      %dma_wait3A_170 = tpu.memref_slice %arg6[%dma_wait3A_162, %dma_wait3A_163, %dma_wait3A_169] : memref<8x2x128xi32, #tpu.memory_space<vmem>> -> memref<1x1x128xi32, #tpu.memory_space<vmem>>
      %dma_wait3A_171 = tpu.memref_squeeze %dma_wait3A_170 : memref<1x1x128xi32, #tpu.memory_space<vmem>> -> memref<128xi32, #tpu.memory_space<vmem>>
      %dma_wait3A_172 = arith.constant 0 : i32
      %dma_wait3A_173 = arith.constant 0 : i32
      %dma_wait3A_174 = tpu.memref_slice %arg2[%dma_wait3A_172, %dma_wait3A_173] : memref<10240x128xf32, #tpu.memory_space<hbm>> -> memref<10240x128xf32, #tpu.memory_space<hbm>>
      tpu.wait_indirect_dma semaphore(%arg9 : memref<!tpu.dma_semaphore, #tpu.memory_space<semaphore_mem>>) src(%dma_wait3A_174 : memref<10240x128xf32, #tpu.memory_space<hbm>>) dst(%dma_wait3A_168 : memref<128x128xf32, #tpu.memory_space<vmem>>)
      %run_scoped3A_175 = arith.constant 0 : i32
      %run_scoped3A_176 = arith.constant 4 : i32
      %run_scoped3A_177 = arith.constant 1 : i32
      "tpu.region"() ({
        %run_scoped3A_252 = tpu.sem_alloc : memref<!tpu.dma_semaphore, #tpu.memory_space<semaphore_mem>>
        %dma_start3A_253 = arith.constant 0 : i32
        %dma_start3A_254 = arith.constant 0 : i32
        %dma_start3A_255 = tpu.memref_slice %arg7[%run_scoped3A_175, %dma_start3A_253, %dma_start3A_254] : memref<2x128x128xf32, #tpu.memory_space<vmem>> -> memref<1x128x128xf32, #tpu.memory_space<vmem>>
        %dma_start3A_256 = tpu.memref_squeeze %dma_start3A_255 : memref<1x128x128xf32, #tpu.memory_space<vmem>> -> memref<128x128xf32, #tpu.memory_space<vmem>>
        %dma_start3A_257 = arith.constant 0 : i32
        %dma_start3A_258 = tpu.memref_slice %arg6[%run_scoped3A_176, %run_scoped3A_177, %dma_start3A_257] : memref<8x2x128xi32, #tpu.memory_space<vmem>> -> memref<1x1x128xi32, #tpu.memory_space<vmem>>
        %dma_start3A_259 = tpu.memref_squeeze %dma_start3A_258 : memref<1x1x128xi32, #tpu.memory_space<vmem>> -> memref<128xi32, #tpu.memory_space<vmem>>
        %dma_start3A_260 = arith.constant 0 : i32
        %dma_start3A_261 = arith.constant 0 : i32
        %dma_start3A_262 = tpu.memref_slice %arg8[%dma_start3A_260, %dma_start3A_261] : memref<10240x128xf32, #tpu.memory_space<vmem_shared>> -> memref<10240x128xf32, #tpu.memory_space<vmem_shared>>
        tpu.enqueue_indirect_dma source(%dma_start3A_256 : memref<128x128xf32, #tpu.memory_space<vmem>>) target(%dma_start3A_262 : memref<10240x128xf32, #tpu.memory_space<vmem_shared>>) offsets(%dma_start3A_259 : memref<128xi32, #tpu.memory_space<vmem>>) semaphore(%run_scoped3A_252 : memref<!tpu.dma_semaphore, #tpu.memory_space<semaphore_mem>>) {add = true}
        %dma_wait3A_263 = arith.constant 0 : i32
        %dma_wait3A_264 = arith.constant 0 : i32
        %dma_wait3A_265 = tpu.memref_slice %arg7[%run_scoped3A_175, %dma_wait3A_263, %dma_wait3A_264] : memref<2x128x128xf32, #tpu.memory_space<vmem>> -> memref<1x128x128xf32, #tpu.memory_space<vmem>>
        %dma_wait3A_266 = tpu.memref_squeeze %dma_wait3A_265 : memref<1x128x128xf32, #tpu.memory_space<vmem>> -> memref<128x128xf32, #tpu.memory_space<vmem>>
        %dma_wait3A_267 = arith.constant 0 : i32
        %dma_wait3A_268 = tpu.memref_slice %arg6[%run_scoped3A_176, %run_scoped3A_177, %dma_wait3A_267] : memref<8x2x128xi32, #tpu.memory_space<vmem>> -> memref<1x1x128xi32, #tpu.memory_space<vmem>>
        %dma_wait3A_269 = tpu.memref_squeeze %dma_wait3A_268 : memref<1x1x128xi32, #tpu.memory_space<vmem>> -> memref<128xi32, #tpu.memory_space<vmem>>
        %dma_wait3A_270 = arith.constant 0 : i32
        %dma_wait3A_271 = arith.constant 0 : i32
        %dma_wait3A_272 = tpu.memref_slice %arg8[%dma_wait3A_270, %dma_wait3A_271] : memref<10240x128xf32, #tpu.memory_space<vmem_shared>> -> memref<10240x128xf32, #tpu.memory_space<vmem_shared>>
        tpu.wait_indirect_dma semaphore(%run_scoped3A_252 : memref<!tpu.dma_semaphore, #tpu.memory_space<semaphore_mem>>) src(%dma_wait3A_266 : memref<128x128xf32, #tpu.memory_space<vmem>>) dst(%dma_wait3A_272 : memref<10240x128xf32, #tpu.memory_space<vmem_shared>>)
        tpu.yield
      }) : () -> ()
      %dma_start3A_178 = arith.constant 6 : i32
      %dma_start3A_179 = arith.constant 0 : i32
      %dma_start3A_180 = arith.constant 0 : i32
      %dma_start3A_181 = arith.constant 0 : i32
      %dma_start3A_182 = arith.constant 0 : i32
      %dma_start3A_183 = tpu.memref_slice %arg7[%dma_start3A_180, %dma_start3A_181, %dma_start3A_182] : memref<2x128x128xf32, #tpu.memory_space<vmem>> -> memref<1x128x128xf32, #tpu.memory_space<vmem>>
      %dma_start3A_184 = tpu.memref_squeeze %dma_start3A_183 : memref<1x128x128xf32, #tpu.memory_space<vmem>> -> memref<128x128xf32, #tpu.memory_space<vmem>>
      %dma_start3A_185 = arith.constant 0 : i32
      %dma_start3A_186 = tpu.memref_slice %arg6[%dma_start3A_178, %dma_start3A_179, %dma_start3A_185] : memref<8x2x128xi32, #tpu.memory_space<vmem>> -> memref<1x1x128xi32, #tpu.memory_space<vmem>>
      %dma_start3A_187 = tpu.memref_squeeze %dma_start3A_186 : memref<1x1x128xi32, #tpu.memory_space<vmem>> -> memref<128xi32, #tpu.memory_space<vmem>>
      %dma_start3A_188 = arith.constant 0 : i32
      %dma_start3A_189 = arith.constant 0 : i32
      %dma_start3A_190 = tpu.memref_slice %arg2[%dma_start3A_188, %dma_start3A_189] : memref<10240x128xf32, #tpu.memory_space<hbm>> -> memref<10240x128xf32, #tpu.memory_space<hbm>>
      tpu.enqueue_indirect_dma source(%dma_start3A_190 : memref<10240x128xf32, #tpu.memory_space<hbm>>) target(%dma_start3A_184 : memref<128x128xf32, #tpu.memory_space<vmem>>) offsets(%dma_start3A_187 : memref<128xi32, #tpu.memory_space<vmem>>) semaphore(%arg9 : memref<!tpu.dma_semaphore, #tpu.memory_space<semaphore_mem>>)
      %dma_wait3A_191 = arith.constant 5 : i32
      %dma_wait3A_192 = arith.constant 0 : i32
      %dma_wait3A_193 = arith.constant 1 : i32
      %dma_wait3A_194 = arith.constant 0 : i32
      %dma_wait3A_195 = arith.constant 0 : i32
      %dma_wait3A_196 = tpu.memref_slice %arg7[%dma_wait3A_193, %dma_wait3A_194, %dma_wait3A_195] : memref<2x128x128xf32, #tpu.memory_space<vmem>> -> memref<1x128x128xf32, #tpu.memory_space<vmem>>
      %dma_wait3A_197 = tpu.memref_squeeze %dma_wait3A_196 : memref<1x128x128xf32, #tpu.memory_space<vmem>> -> memref<128x128xf32, #tpu.memory_space<vmem>>
      %dma_wait3A_198 = arith.constant 0 : i32
      %dma_wait3A_199 = tpu.memref_slice %arg6[%dma_wait3A_191, %dma_wait3A_192, %dma_wait3A_198] : memref<8x2x128xi32, #tpu.memory_space<vmem>> -> memref<1x1x128xi32, #tpu.memory_space<vmem>>
      %dma_wait3A_200 = tpu.memref_squeeze %dma_wait3A_199 : memref<1x1x128xi32, #tpu.memory_space<vmem>> -> memref<128xi32, #tpu.memory_space<vmem>>
      %dma_wait3A_201 = arith.constant 0 : i32
      %dma_wait3A_202 = arith.constant 0 : i32
      %dma_wait3A_203 = tpu.memref_slice %arg2[%dma_wait3A_201, %dma_wait3A_202] : memref<10240x128xf32, #tpu.memory_space<hbm>> -> memref<10240x128xf32, #tpu.memory_space<hbm>>
      tpu.wait_indirect_dma semaphore(%arg10 : memref<!tpu.dma_semaphore, #tpu.memory_space<semaphore_mem>>) src(%dma_wait3A_203 : memref<10240x128xf32, #tpu.memory_space<hbm>>) dst(%dma_wait3A_197 : memref<128x128xf32, #tpu.memory_space<vmem>>)
      %run_scoped3A_204 = arith.constant 1 : i32
      %run_scoped3A_205 = arith.constant 5 : i32
      %run_scoped3A_206 = arith.constant 1 : i32
      "tpu.region"() ({
        %run_scoped3A_252 = tpu.sem_alloc : memref<!tpu.dma_semaphore, #tpu.memory_space<semaphore_mem>>
        %dma_start3A_253 = arith.constant 0 : i32
        %dma_start3A_254 = arith.constant 0 : i32
        %dma_start3A_255 = tpu.memref_slice %arg7[%run_scoped3A_204, %dma_start3A_253, %dma_start3A_254] : memref<2x128x128xf32, #tpu.memory_space<vmem>> -> memref<1x128x128xf32, #tpu.memory_space<vmem>>
        %dma_start3A_256 = tpu.memref_squeeze %dma_start3A_255 : memref<1x128x128xf32, #tpu.memory_space<vmem>> -> memref<128x128xf32, #tpu.memory_space<vmem>>
        %dma_start3A_257 = arith.constant 0 : i32
        %dma_start3A_258 = tpu.memref_slice %arg6[%run_scoped3A_205, %run_scoped3A_206, %dma_start3A_257] : memref<8x2x128xi32, #tpu.memory_space<vmem>> -> memref<1x1x128xi32, #tpu.memory_space<vmem>>
        %dma_start3A_259 = tpu.memref_squeeze %dma_start3A_258 : memref<1x1x128xi32, #tpu.memory_space<vmem>> -> memref<128xi32, #tpu.memory_space<vmem>>
        %dma_start3A_260 = arith.constant 0 : i32
        %dma_start3A_261 = arith.constant 0 : i32
        %dma_start3A_262 = tpu.memref_slice %arg8[%dma_start3A_260, %dma_start3A_261] : memref<10240x128xf32, #tpu.memory_space<vmem_shared>> -> memref<10240x128xf32, #tpu.memory_space<vmem_shared>>
        tpu.enqueue_indirect_dma source(%dma_start3A_256 : memref<128x128xf32, #tpu.memory_space<vmem>>) target(%dma_start3A_262 : memref<10240x128xf32, #tpu.memory_space<vmem_shared>>) offsets(%dma_start3A_259 : memref<128xi32, #tpu.memory_space<vmem>>) semaphore(%run_scoped3A_252 : memref<!tpu.dma_semaphore, #tpu.memory_space<semaphore_mem>>) {add = true}
        %dma_wait3A_263 = arith.constant 0 : i32
        %dma_wait3A_264 = arith.constant 0 : i32
        %dma_wait3A_265 = tpu.memref_slice %arg7[%run_scoped3A_204, %dma_wait3A_263, %dma_wait3A_264] : memref<2x128x128xf32, #tpu.memory_space<vmem>> -> memref<1x128x128xf32, #tpu.memory_space<vmem>>
        %dma_wait3A_266 = tpu.memref_squeeze %dma_wait3A_265 : memref<1x128x128xf32, #tpu.memory_space<vmem>> -> memref<128x128xf32, #tpu.memory_space<vmem>>
        %dma_wait3A_267 = arith.constant 0 : i32
        %dma_wait3A_268 = tpu.memref_slice %arg6[%run_scoped3A_205, %run_scoped3A_206, %dma_wait3A_267] : memref<8x2x128xi32, #tpu.memory_space<vmem>> -> memref<1x1x128xi32, #tpu.memory_space<vmem>>
        %dma_wait3A_269 = tpu.memref_squeeze %dma_wait3A_268 : memref<1x1x128xi32, #tpu.memory_space<vmem>> -> memref<128xi32, #tpu.memory_space<vmem>>
        %dma_wait3A_270 = arith.constant 0 : i32
        %dma_wait3A_271 = arith.constant 0 : i32
        %dma_wait3A_272 = tpu.memref_slice %arg8[%dma_wait3A_270, %dma_wait3A_271] : memref<10240x128xf32, #tpu.memory_space<vmem_shared>> -> memref<10240x128xf32, #tpu.memory_space<vmem_shared>>
        tpu.wait_indirect_dma semaphore(%run_scoped3A_252 : memref<!tpu.dma_semaphore, #tpu.memory_space<semaphore_mem>>) src(%dma_wait3A_266 : memref<128x128xf32, #tpu.memory_space<vmem>>) dst(%dma_wait3A_272 : memref<10240x128xf32, #tpu.memory_space<vmem_shared>>)
        tpu.yield
      }) : () -> ()
      %dma_start3A_207 = arith.constant 7 : i32
      %dma_start3A_208 = arith.constant 0 : i32
      %dma_start3A_209 = arith.constant 1 : i32
      %dma_start3A_210 = arith.constant 0 : i32
      %dma_start3A_211 = arith.constant 0 : i32
      %dma_start3A_212 = tpu.memref_slice %arg7[%dma_start3A_209, %dma_start3A_210, %dma_start3A_211] : memref<2x128x128xf32, #tpu.memory_space<vmem>> -> memref<1x128x128xf32, #tpu.memory_space<vmem>>
      %dma_start3A_213 = tpu.memref_squeeze %dma_start3A_212 : memref<1x128x128xf32, #tpu.memory_space<vmem>> -> memref<128x128xf32, #tpu.memory_space<vmem>>
      %dma_start3A_214 = arith.constant 0 : i32
      %dma_start3A_215 = tpu.memref_slice %arg6[%dma_start3A_207, %dma_start3A_208, %dma_start3A_214] : memref<8x2x128xi32, #tpu.memory_space<vmem>> -> memref<1x1x128xi32, #tpu.memory_space<vmem>>
      %dma_start3A_216 = tpu.memref_squeeze %dma_start3A_215 : memref<1x1x128xi32, #tpu.memory_space<vmem>> -> memref<128xi32, #tpu.memory_space<vmem>>
      %dma_start3A_217 = arith.constant 0 : i32
      %dma_start3A_218 = arith.constant 0 : i32
      %dma_start3A_219 = tpu.memref_slice %arg2[%dma_start3A_217, %dma_start3A_218] : memref<10240x128xf32, #tpu.memory_space<hbm>> -> memref<10240x128xf32, #tpu.memory_space<hbm>>
      tpu.enqueue_indirect_dma source(%dma_start3A_219 : memref<10240x128xf32, #tpu.memory_space<hbm>>) target(%dma_start3A_213 : memref<128x128xf32, #tpu.memory_space<vmem>>) offsets(%dma_start3A_216 : memref<128xi32, #tpu.memory_space<vmem>>) semaphore(%arg10 : memref<!tpu.dma_semaphore, #tpu.memory_space<semaphore_mem>>)
      %dma_wait3A_220 = arith.constant 6 : i32
      %dma_wait3A_221 = arith.constant 0 : i32
      %dma_wait3A_222 = arith.constant 0 : i32
      %dma_wait3A_223 = arith.constant 0 : i32
      %dma_wait3A_224 = arith.constant 0 : i32
      %dma_wait3A_225 = tpu.memref_slice %arg7[%dma_wait3A_222, %dma_wait3A_223, %dma_wait3A_224] : memref<2x128x128xf32, #tpu.memory_space<vmem>> -> memref<1x128x128xf32, #tpu.memory_space<vmem>>
      %dma_wait3A_226 = tpu.memref_squeeze %dma_wait3A_225 : memref<1x128x128xf32, #tpu.memory_space<vmem>> -> memref<128x128xf32, #tpu.memory_space<vmem>>
      %dma_wait3A_227 = arith.constant 0 : i32
      %dma_wait3A_228 = tpu.memref_slice %arg6[%dma_wait3A_220, %dma_wait3A_221, %dma_wait3A_227] : memref<8x2x128xi32, #tpu.memory_space<vmem>> -> memref<1x1x128xi32, #tpu.memory_space<vmem>>
      %dma_wait3A_229 = tpu.memref_squeeze %dma_wait3A_228 : memref<1x1x128xi32, #tpu.memory_space<vmem>> -> memref<128xi32, #tpu.memory_space<vmem>>
      %dma_wait3A_230 = arith.constant 0 : i32
      %dma_wait3A_231 = arith.constant 0 : i32
      %dma_wait3A_232 = tpu.memref_slice %arg2[%dma_wait3A_230, %dma_wait3A_231] : memref<10240x128xf32, #tpu.memory_space<hbm>> -> memref<10240x128xf32, #tpu.memory_space<hbm>>
      tpu.wait_indirect_dma semaphore(%arg9 : memref<!tpu.dma_semaphore, #tpu.memory_space<semaphore_mem>>) src(%dma_wait3A_232 : memref<10240x128xf32, #tpu.memory_space<hbm>>) dst(%dma_wait3A_226 : memref<128x128xf32, #tpu.memory_space<vmem>>)
      %run_scoped3A_233 = arith.constant 0 : i32
      %run_scoped3A_234 = arith.constant 6 : i32
      %run_scoped3A_235 = arith.constant 1 : i32
      "tpu.region"() ({
        %run_scoped3A_252 = tpu.sem_alloc : memref<!tpu.dma_semaphore, #tpu.memory_space<semaphore_mem>>
        %dma_start3A_253 = arith.constant 0 : i32
        %dma_start3A_254 = arith.constant 0 : i32
        %dma_start3A_255 = tpu.memref_slice %arg7[%run_scoped3A_233, %dma_start3A_253, %dma_start3A_254] : memref<2x128x128xf32, #tpu.memory_space<vmem>> -> memref<1x128x128xf32, #tpu.memory_space<vmem>>
        %dma_start3A_256 = tpu.memref_squeeze %dma_start3A_255 : memref<1x128x128xf32, #tpu.memory_space<vmem>> -> memref<128x128xf32, #tpu.memory_space<vmem>>
        %dma_start3A_257 = arith.constant 0 : i32
        %dma_start3A_258 = tpu.memref_slice %arg6[%run_scoped3A_234, %run_scoped3A_235, %dma_start3A_257] : memref<8x2x128xi32, #tpu.memory_space<vmem>> -> memref<1x1x128xi32, #tpu.memory_space<vmem>>
        %dma_start3A_259 = tpu.memref_squeeze %dma_start3A_258 : memref<1x1x128xi32, #tpu.memory_space<vmem>> -> memref<128xi32, #tpu.memory_space<vmem>>
        %dma_start3A_260 = arith.constant 0 : i32
        %dma_start3A_261 = arith.constant 0 : i32
        %dma_start3A_262 = tpu.memref_slice %arg8[%dma_start3A_260, %dma_start3A_261] : memref<10240x128xf32, #tpu.memory_space<vmem_shared>> -> memref<10240x128xf32, #tpu.memory_space<vmem_shared>>
        tpu.enqueue_indirect_dma source(%dma_start3A_256 : memref<128x128xf32, #tpu.memory_space<vmem>>) target(%dma_start3A_262 : memref<10240x128xf32, #tpu.memory_space<vmem_shared>>) offsets(%dma_start3A_259 : memref<128xi32, #tpu.memory_space<vmem>>) semaphore(%run_scoped3A_252 : memref<!tpu.dma_semaphore, #tpu.memory_space<semaphore_mem>>) {add = true}
        %dma_wait3A_263 = arith.constant 0 : i32
        %dma_wait3A_264 = arith.constant 0 : i32
        %dma_wait3A_265 = tpu.memref_slice %arg7[%run_scoped3A_233, %dma_wait3A_263, %dma_wait3A_264] : memref<2x128x128xf32, #tpu.memory_space<vmem>> -> memref<1x128x128xf32, #tpu.memory_space<vmem>>
        %dma_wait3A_266 = tpu.memref_squeeze %dma_wait3A_265 : memref<1x128x128xf32, #tpu.memory_space<vmem>> -> memref<128x128xf32, #tpu.memory_space<vmem>>
        %dma_wait3A_267 = arith.constant 0 : i32
        %dma_wait3A_268 = tpu.memref_slice %arg6[%run_scoped3A_234, %run_scoped3A_235, %dma_wait3A_267] : memref<8x2x128xi32, #tpu.memory_space<vmem>> -> memref<1x1x128xi32, #tpu.memory_space<vmem>>
        %dma_wait3A_269 = tpu.memref_squeeze %dma_wait3A_268 : memref<1x1x128xi32, #tpu.memory_space<vmem>> -> memref<128xi32, #tpu.memory_space<vmem>>
        %dma_wait3A_270 = arith.constant 0 : i32
        %dma_wait3A_271 = arith.constant 0 : i32
        %dma_wait3A_272 = tpu.memref_slice %arg8[%dma_wait3A_270, %dma_wait3A_271] : memref<10240x128xf32, #tpu.memory_space<vmem_shared>> -> memref<10240x128xf32, #tpu.memory_space<vmem_shared>>
        tpu.wait_indirect_dma semaphore(%run_scoped3A_252 : memref<!tpu.dma_semaphore, #tpu.memory_space<semaphore_mem>>) src(%dma_wait3A_266 : memref<128x128xf32, #tpu.memory_space<vmem>>) dst(%dma_wait3A_272 : memref<10240x128xf32, #tpu.memory_space<vmem_shared>>)
        tpu.yield
      }) : () -> ()
      %dma_wait3A_236 = arith.constant 7 : i32
      %dma_wait3A_237 = arith.constant 0 : i32
      %dma_wait3A_238 = arith.constant 1 : i32
      %dma_wait3A_239 = arith.constant 0 : i32
      %dma_wait3A_240 = arith.constant 0 : i32
      %dma_wait3A_241 = tpu.memref_slice %arg7[%dma_wait3A_238, %dma_wait3A_239, %dma_wait3A_240] : memref<2x128x128xf32, #tpu.memory_space<vmem>> -> memref<1x128x128xf32, #tpu.memory_space<vmem>>
      %dma_wait3A_242 = tpu.memref_squeeze %dma_wait3A_241 : memref<1x128x128xf32, #tpu.memory_space<vmem>> -> memref<128x128xf32, #tpu.memory_space<vmem>>
      %dma_wait3A_243 = arith.constant 0 : i32
      %dma_wait3A_244 = tpu.memref_slice %arg6[%dma_wait3A_236, %dma_wait3A_237, %dma_wait3A_243] : memref<8x2x128xi32, #tpu.memory_space<vmem>> -> memref<1x1x128xi32, #tpu.memory_space<vmem>>
      %dma_wait3A_245 = tpu.memref_squeeze %dma_wait3A_244 : memref<1x1x128xi32, #tpu.memory_space<vmem>> -> memref<128xi32, #tpu.memory_space<vmem>>
      %dma_wait3A_246 = arith.constant 0 : i32
      %dma_wait3A_247 = arith.constant 0 : i32
      %dma_wait3A_248 = tpu.memref_slice %arg2[%dma_wait3A_246, %dma_wait3A_247] : memref<10240x128xf32, #tpu.memory_space<hbm>> -> memref<10240x128xf32, #tpu.memory_space<hbm>>
      tpu.wait_indirect_dma semaphore(%arg10 : memref<!tpu.dma_semaphore, #tpu.memory_space<semaphore_mem>>) src(%dma_wait3A_248 : memref<10240x128xf32, #tpu.memory_space<hbm>>) dst(%dma_wait3A_242 : memref<128x128xf32, #tpu.memory_space<vmem>>)
      %run_scoped3A_249 = arith.constant 1 : i32
      %run_scoped3A_250 = arith.constant 7 : i32
      %run_scoped3A_251 = arith.constant 1 : i32
      "tpu.region"() ({
        %run_scoped3A_252 = tpu.sem_alloc : memref<!tpu.dma_semaphore, #tpu.memory_space<semaphore_mem>>
        %dma_start3A_253 = arith.constant 0 : i32
        %dma_start3A_254 = arith.constant 0 : i32
        %dma_start3A_255 = tpu.memref_slice %arg7[%run_scoped3A_249, %dma_start3A_253, %dma_start3A_254] : memref<2x128x128xf32, #tpu.memory_space<vmem>> -> memref<1x128x128xf32, #tpu.memory_space<vmem>>
        %dma_start3A_256 = tpu.memref_squeeze %dma_start3A_255 : memref<1x128x128xf32, #tpu.memory_space<vmem>> -> memref<128x128xf32, #tpu.memory_space<vmem>>
        %dma_start3A_257 = arith.constant 0 : i32
        %dma_start3A_258 = tpu.memref_slice %arg6[%run_scoped3A_250, %run_scoped3A_251, %dma_start3A_257] : memref<8x2x128xi32, #tpu.memory_space<vmem>> -> memref<1x1x128xi32, #tpu.memory_space<vmem>>
        %dma_start3A_259 = tpu.memref_squeeze %dma_start3A_258 : memref<1x1x128xi32, #tpu.memory_space<vmem>> -> memref<128xi32, #tpu.memory_space<vmem>>
        %dma_start3A_260 = arith.constant 0 : i32
        %dma_start3A_261 = arith.constant 0 : i32
        %dma_start3A_262 = tpu.memref_slice %arg8[%dma_start3A_260, %dma_start3A_261] : memref<10240x128xf32, #tpu.memory_space<vmem_shared>> -> memref<10240x128xf32, #tpu.memory_space<vmem_shared>>
        tpu.enqueue_indirect_dma source(%dma_start3A_256 : memref<128x128xf32, #tpu.memory_space<vmem>>) target(%dma_start3A_262 : memref<10240x128xf32, #tpu.memory_space<vmem_shared>>) offsets(%dma_start3A_259 : memref<128xi32, #tpu.memory_space<vmem>>) semaphore(%run_scoped3A_252 : memref<!tpu.dma_semaphore, #tpu.memory_space<semaphore_mem>>) {add = true}
        %dma_wait3A_263 = arith.constant 0 : i32
        %dma_wait3A_264 = arith.constant 0 : i32
        %dma_wait3A_265 = tpu.memref_slice %arg7[%run_scoped3A_249, %dma_wait3A_263, %dma_wait3A_264] : memref<2x128x128xf32, #tpu.memory_space<vmem>> -> memref<1x128x128xf32, #tpu.memory_space<vmem>>
        %dma_wait3A_266 = tpu.memref_squeeze %dma_wait3A_265 : memref<1x128x128xf32, #tpu.memory_space<vmem>> -> memref<128x128xf32, #tpu.memory_space<vmem>>
        %dma_wait3A_267 = arith.constant 0 : i32
        %dma_wait3A_268 = tpu.memref_slice %arg6[%run_scoped3A_250, %run_scoped3A_251, %dma_wait3A_267] : memref<8x2x128xi32, #tpu.memory_space<vmem>> -> memref<1x1x128xi32, #tpu.memory_space<vmem>>
        %dma_wait3A_269 = tpu.memref_squeeze %dma_wait3A_268 : memref<1x1x128xi32, #tpu.memory_space<vmem>> -> memref<128xi32, #tpu.memory_space<vmem>>
        %dma_wait3A_270 = arith.constant 0 : i32
        %dma_wait3A_271 = arith.constant 0 : i32
        %dma_wait3A_272 = tpu.memref_slice %arg8[%dma_wait3A_270, %dma_wait3A_271] : memref<10240x128xf32, #tpu.memory_space<vmem_shared>> -> memref<10240x128xf32, #tpu.memory_space<vmem_shared>>
        tpu.wait_indirect_dma semaphore(%run_scoped3A_252 : memref<!tpu.dma_semaphore, #tpu.memory_space<semaphore_mem>>) src(%dma_wait3A_266 : memref<128x128xf32, #tpu.memory_space<vmem>>) dst(%dma_wait3A_272 : memref<10240x128xf32, #tpu.memory_space<vmem_shared>>)
        tpu.yield
      }) : () -> ()
    }
    %scan3A_15 = arith.constant 10 : i32
    %barrier3A_16 = arith.constant 0 : index
    tpu.barrier barrier_id(%barrier3A_16)
    "tpu.region"() ({
      %run_scoped3A = tpu.sem_alloc : memref<!tpu.dma_semaphore, #tpu.memory_space<semaphore_mem>>
      %dma_start3A = arith.constant 0 : i32
      %dma_start3A_17 = arith.constant 0 : i32
      %dma_start3A_18 = tpu.memref_slice %arg5[%arg0, %dma_start3A, %dma_start3A_17] : memref<2x10240x128xf32, #tpu.memory_space<hbm>> -> memref<1x10240x128xf32, #tpu.memory_space<hbm>>
      %dma_start3A_19 = tpu.memref_squeeze %dma_start3A_18 : memref<1x10240x128xf32, #tpu.memory_space<hbm>> -> memref<10240x128xf32, #tpu.memory_space<hbm>>
      %dma_start3A_20 = arith.constant 0 : i32
      %dma_start3A_21 = tpu.memref_slice %dma_start3A_19[%mul3A_0, %dma_start3A_20] : memref<10240x128xf32, #tpu.memory_space<hbm>> -> memref<640x128xf32, #tpu.memory_space<hbm>>
      %dma_start3A_22 = arith.constant 0 : i32
      %dma_start3A_23 = tpu.memref_slice %arg8[%mul3A_0, %dma_start3A_22] : memref<10240x128xf32, #tpu.memory_space<vmem_shared>> -> memref<640x128xf32, #tpu.memory_space<vmem_shared>>
      tpu.enqueue_dma source(%dma_start3A_23 : memref<640x128xf32, #tpu.memory_space<vmem_shared>>) target(%dma_start3A_21 : memref<640x128xf32, #tpu.memory_space<hbm>>) target_semaphore(%run_scoped3A : memref<!tpu.dma_semaphore, #tpu.memory_space<semaphore_mem>>)
      %dma_wait3A = arith.constant 0 : i32
      %dma_wait3A_24 = arith.constant 0 : i32
      %dma_wait3A_25 = tpu.memref_slice %arg5[%arg0, %dma_wait3A, %dma_wait3A_24] : memref<2x10240x128xf32, #tpu.memory_space<hbm>> -> memref<1x10240x128xf32, #tpu.memory_space<hbm>>
      %dma_wait3A_26 = tpu.memref_squeeze %dma_wait3A_25 : memref<1x10240x128xf32, #tpu.memory_space<hbm>> -> memref<10240x128xf32, #tpu.memory_space<hbm>>
      %dma_wait3A_27 = arith.constant 0 : i32
      %dma_wait3A_28 = tpu.memref_slice %dma_wait3A_26[%mul3A_0, %dma_wait3A_27] : memref<10240x128xf32, #tpu.memory_space<hbm>> -> memref<640x128xf32, #tpu.memory_space<hbm>>
      %dma_wait3A_29 = arith.constant 0 : i32
      %dma_wait3A_30 = tpu.memref_slice %arg8[%mul3A_0, %dma_wait3A_29] : memref<10240x128xf32, #tpu.memory_space<vmem_shared>> -> memref<640x128xf32, #tpu.memory_space<vmem_shared>>
      tpu.wait_dma2 semaphore(%run_scoped3A : memref<!tpu.dma_semaphore, #tpu.memory_space<semaphore_mem>>) src(%dma_wait3A_30 : memref<640x128xf32, #tpu.memory_space<vmem_shared>>) dst(%dma_wait3A_28 : memref<640x128xf32, #tpu.memory_space<hbm>>)
      tpu.yield
    }) : () -> ()
    return
  }
}

module attributes {stable_mosaic.version = 14 : i64} {
  func.func @body(%arg0: i32, %arg1: memref<512x128xf32, #tpu.memory_space<vmem>>, %arg2: memref<128x128xf32, #tpu.memory_space<vmem>>, %arg3: memref<512x128xf32, #tpu.memory_space<vmem>>) attributes {dimension_semantics = [#tpu.dimension_semantics<arbitrary>], iteration_bounds = array<i64: 20>, scalar_prefetch = 0 : i64, scratch_operands = 0 : i64, tpu.core_type = #tpu.core_type<tc>, window_params = [{transform_indices = @transform_0, window_bounds = array<i64: 512, 128>}, {pipeline_mode = #tpu.pipeline_mode<synchronous>, transform_indices = @transform_1, window_bounds = array<i64: 128, 128>}, {transform_indices = @transform_2, window_bounds = array<i64: 512, 128>}]} {
    %get3A = arith.constant 0 : index
    %get3A_0 = arith.constant 0 : index
    %get3A_1 = vector.load %arg1[%get3A, %get3A_0] : memref<512x128xf32, #tpu.memory_space<vmem>>, vector<512x128xf32>
    %get3A_2 = arith.constant 0 : index
    %get3A_3 = arith.constant 0 : index
    %get3A_4 = vector.load %arg2[%get3A_2, %get3A_3] : memref<128x128xf32, #tpu.memory_space<vmem>>, vector<128x128xf32>
    %dot_general3A = arith.constant dense<0.000000e+00> : vector<512x128xf32>
    %dot_general3A_5 = tpu.matmul %get3A_1, %get3A_4, %dot_general3A {dimension_numbers = #tpu.dot_dimension_numbers<[1], [0], [0], [1], [0, 0, 1, 1], [], []>, transpose_lhs_hint = false} : vector<512x128xf32>, vector<128x128xf32>, vector<512x128xf32> -> vector<512x128xf32>
    %swap3A = arith.constant 0 : index
    %swap3A_6 = arith.constant 0 : index
    %swap3A_7 = vector.load %arg3[%swap3A, %swap3A_6] : memref<512x128xf32, #tpu.memory_space<vmem>>, vector<512x128xf32>
    tpu.vector_store %arg3[%swap3A, %swap3A_6], %dot_general3A_5 {strides = array<i32>} : memref<512x128xf32, #tpu.memory_space<vmem>>, vector<512x128xf32>,
    return
  }
  func.func @transform_0(%arg0: i32) -> (i32, i32) {
    %c0_i32 = arith.constant 0 : i32
    %c0_i32_0 = arith.constant 0 : i32
    return %arg0, %c0_i32 : i32, i32
  }
  func.func @transform_1(%arg0: i32) -> (i32, i32) {
    %c0_i32 = arith.constant 0 : i32
    %c0_i32_0 = arith.constant 0 : i32
    %c0_i32_1 = arith.constant 0 : i32
    return %c0_i32, %c0_i32_0 : i32, i32
  }
  func.func @transform_2(%arg0: i32) -> (i32, i32) {
    %c0_i32 = arith.constant 0 : i32
    %c0_i32_0 = arith.constant 0 : i32
    return %arg0, %c0_i32 : i32, i32
  }
}

module attributes {stable_mosaic.version = 14 : i64} {
  func.func @body(%arg0: i32, %arg1: memref<512x128xf32, #tpu.memory_space<vmem>>, %arg2: memref<32x512xf32, #tpu.memory_space<vmem>>, %arg3: memref<512x128xf32, #tpu.memory_space<vmem>>, %arg4: memref<512x16xf32, #tpu.memory_space<vmem>>) attributes {dimension_semantics = [#tpu.dimension_semantics<arbitrary>], iteration_bounds = array<i64: 20>, scalar_prefetch = 0 : i64, scratch_operands = 0 : i64, tpu.core_type = #tpu.core_type<tc>, window_params = [{transform_indices = @transform_0, window_bounds = array<i64: 512, 128>}, {transform_indices = @transform_1, window_bounds = array<i64: 32, 512>}, {transform_indices = @transform_2, window_bounds = array<i64: 512, 128>}, {transform_indices = @transform_3, window_bounds = array<i64: 512, 16>}]} {
    %get3A = arith.constant 0 : index
    %get3A_0 = arith.constant 0 : index
    %get3A_1 = vector.load %arg2[%get3A, %get3A_0] : memref<32x512xf32, #tpu.memory_space<vmem>>, vector<32x512xf32>
    %reduce_sum3A = arith.constant dense<0.000000e+00> : vector<512xf32>
    %reduce_sum3A_2 = vector.multi_reduction <add>, %get3A_1, %reduce_sum3A [0] : vector<32x512xf32> to vector<512xf32>
    %reshape3A = vector.shape_cast %reduce_sum3A_2 : vector<512xf32> to vector<512x1xf32>
    %add3A = arith.constant 1.000000e+00 : f32
    %add3A_3 = vector.broadcast %add3A : f32 to vector<512x1xf32>
    %add3A_4 = arith.addf %reshape3A, %add3A_3 : vector<512x1xf32>
    %rsqrt3A = math.rsqrt %add3A_4 : vector<512x1xf32>
    %get3A_5 = arith.constant 0 : index
    %get3A_6 = arith.constant 0 : index
    %get3A_7 = vector.load %arg1[%get3A_5, %get3A_6] : memref<512x128xf32, #tpu.memory_space<vmem>>, vector<512x128xf32>
    %mul3A = vector.broadcast %rsqrt3A : vector<512x1xf32> to vector<512x128xf32>
    %mul3A_8 = arith.mulf %get3A_7, %mul3A : vector<512x128xf32>
    %swap3A = arith.constant 0 : index
    %swap3A_9 = arith.constant 0 : index
    %swap3A_10 = vector.load %arg3[%swap3A, %swap3A_9] : memref<512x128xf32, #tpu.memory_space<vmem>>, vector<512x128xf32>
    tpu.vector_store %arg3[%swap3A, %swap3A_9], %mul3A_8 {strides = array<i32>} : memref<512x128xf32, #tpu.memory_space<vmem>>, vector<512x128xf32>,
    %broadcast_in_dim3A = vector.shape_cast %rsqrt3A : vector<512x1xf32> to vector<512x1xf32>
    %broadcast_in_dim3A_11 = vector.broadcast %broadcast_in_dim3A : vector<512x1xf32> to vector<512x16xf32>
    %swap3A_12 = arith.constant 0 : index
    %swap3A_13 = arith.constant 0 : index
    %swap3A_14 = vector.load %arg4[%swap3A_12, %swap3A_13] : memref<512x16xf32, #tpu.memory_space<vmem>>, vector<512x16xf32>
    tpu.vector_store %arg4[%swap3A_12, %swap3A_13], %broadcast_in_dim3A_11 {strides = array<i32>} : memref<512x16xf32, #tpu.memory_space<vmem>>, vector<512x16xf32>,
    return
  }
  func.func @transform_0(%arg0: i32) -> (i32, i32) {
    %c0_i32 = arith.constant 0 : i32
    %c0_i32_0 = arith.constant 0 : i32
    return %arg0, %c0_i32 : i32, i32
  }
  func.func @transform_1(%arg0: i32) -> (i32, i32) {
    %c0_i32 = arith.constant 0 : i32
    %c0_i32_0 = arith.constant 0 : i32
    return %c0_i32, %arg0 : i32, i32
  }
  func.func @transform_2(%arg0: i32) -> (i32, i32) {
    %c0_i32 = arith.constant 0 : i32
    %c0_i32_0 = arith.constant 0 : i32
    return %arg0, %c0_i32 : i32, i32
  }
  func.func @transform_3(%arg0: i32) -> (i32, i32) {
    %c0_i32 = arith.constant 0 : i32
    %c0_i32_0 = arith.constant 0 : i32
    return %arg0, %c0_i32 : i32, i32
  }
}

module attributes {stable_mosaic.version = 14 : i64} {
  func.func @body(%arg0: i32, %arg1: memref<2x512x128xf32, #tpu.memory_space<vmem>>, %arg2: memref<512x16xf32, #tpu.memory_space<vmem>>, %arg3: memref<1x128xf32, #tpu.memory_space<vmem>>, %arg4: memref<128x128xf32, #tpu.memory_space<vmem>>, %arg5: memref<128x128xf32, #tpu.memory_space<vmem>>, %arg6: memref<512x128xf32, #tpu.memory_space<vmem>>, %arg7: memref<512x128xf32, #tpu.memory_space<vmem>>) attributes {dimension_semantics = [#tpu.dimension_semantics<arbitrary>], iteration_bounds = array<i64: 20>, scalar_prefetch = 0 : i64, scratch_operands = 0 : i64, tpu.core_type = #tpu.core_type<tc>, window_params = [{transform_indices = @transform_0, window_bounds = array<i64: 2, 512, 128>}, {transform_indices = @transform_1, window_bounds = array<i64: 512, 16>}, {pipeline_mode = #tpu.pipeline_mode<synchronous>, transform_indices = @transform_2, window_bounds = array<i64: 1, 128>}, {pipeline_mode = #tpu.pipeline_mode<synchronous>, transform_indices = @transform_3, window_bounds = array<i64: 128, 128>}, {pipeline_mode = #tpu.pipeline_mode<synchronous>, transform_indices = @transform_4, window_bounds = array<i64: 128, 128>}, {transform_indices = @transform_5, window_bounds = array<i64: 512, 128>}, {transform_indices = @transform_6, window_bounds = array<i64: 512, 128>}]} {
    %get3A = arith.constant 0 : index
    %get3A_0 = arith.constant 0 : index
    %get3A_1 = vector.load %arg2[%get3A, %get3A_0] : memref<512x16xf32, #tpu.memory_space<vmem>>, vector<512x1xf32>
    %get3A_2 = arith.constant 0 : index
    %get3A_3 = arith.constant 0 : index
    %get3A_4 = arith.constant 0 : index
    %get3A_5 = vector.load %arg1[%get3A_2, %get3A_3, %get3A_4] : memref<2x512x128xf32, #tpu.memory_space<vmem>>, vector<2x512x128xf32>
    %slice3A = vector.extract_strided_slice %get3A_5 {offsets = [0, 0, 0], sizes = [1, 512, 128], strides = [1, 1, 1]} : vector<2x512x128xf32> to vector<1x512x128xf32>
    %squeeze3A = vector.shape_cast %slice3A : vector<1x512x128xf32> to vector<512x128xf32>
    %slice3A_6 = vector.extract_strided_slice %get3A_5 {offsets = [1, 0, 0], sizes = [1, 512, 128], strides = [1, 1, 1]} : vector<2x512x128xf32> to vector<1x512x128xf32>
    %squeeze3A_7 = vector.shape_cast %slice3A_6 : vector<1x512x128xf32> to vector<512x128xf32>
    %add3A = arith.addf %squeeze3A, %squeeze3A_7 : vector<512x128xf32>
    %mul3A = vector.broadcast %get3A_1 : vector<512x1xf32> to vector<512x128xf32>
    %mul3A_8 = arith.mulf %mul3A, %add3A : vector<512x128xf32>
    %get3A_9 = arith.constant 0 : index
    %get3A_10 = arith.constant 0 : index
    %get3A_11 = vector.load %arg3[%get3A_9, %get3A_10] : memref<1x128xf32, #tpu.memory_space<vmem>>, vector<1x128xf32>
    %add3A_12 = vector.broadcast %get3A_11 : vector<1x128xf32> to vector<512x128xf32>
    %add3A_13 = arith.addf %mul3A_8, %add3A_12 : vector<512x128xf32>
    %ge3A = arith.constant 0.000000e+00 : f32
    %ge3A_14 = vector.broadcast %ge3A : f32 to vector<512x128xf32>
    %ge3A_15 = arith.cmpf oge, %add3A_13, %ge3A_14 : vector<512x128xf32>
    %mul3A_16 = arith.constant 0.00999999977 : f32
    %mul3A_17 = vector.broadcast %mul3A_16 : f32 to vector<512x128xf32>
    %mul3A_18 = arith.mulf %mul3A_17, %add3A_13 : vector<512x128xf32>
    %select_n3A = arith.select %ge3A_15, %add3A_13, %mul3A_18 : vector<512x128xi1>, vector<512x128xf32>
    %get3A_19 = arith.constant 0 : index
    %get3A_20 = arith.constant 0 : index
    %get3A_21 = vector.load %arg4[%get3A_19, %get3A_20] : memref<128x128xf32, #tpu.memory_space<vmem>>, vector<128x128xf32>
    %dot_general3A = arith.constant dense<0.000000e+00> : vector<512x128xf32>
    %dot_general3A_22 = tpu.matmul %select_n3A, %get3A_21, %dot_general3A {dimension_numbers = #tpu.dot_dimension_numbers<[1], [0], [0], [1], [0, 0, 1, 1], [], []>, transpose_lhs_hint = false} : vector<512x128xf32>, vector<128x128xf32>, vector<512x128xf32> -> vector<512x128xf32>
    %mul3A_23 = vector.broadcast %get3A_1 : vector<512x1xf32> to vector<512x128xf32>
    %mul3A_24 = arith.mulf %dot_general3A_22, %mul3A_23 : vector<512x128xf32>
    %swap3A = arith.constant 0 : index
    %swap3A_25 = arith.constant 0 : index
    %swap3A_26 = vector.load %arg6[%swap3A, %swap3A_25] : memref<512x128xf32, #tpu.memory_space<vmem>>, vector<512x128xf32>
    tpu.vector_store %arg6[%swap3A, %swap3A_25], %mul3A_24 {strides = array<i32>} : memref<512x128xf32, #tpu.memory_space<vmem>>, vector<512x128xf32>,
    %get3A_27 = arith.constant 0 : index
    %get3A_28 = arith.constant 0 : index
    %get3A_29 = vector.load %arg5[%get3A_27, %get3A_28] : memref<128x128xf32, #tpu.memory_space<vmem>>, vector<128x128xf32>
    %dot_general3A_30 = arith.constant dense<0.000000e+00> : vector<512x128xf32>
    %dot_general3A_31 = tpu.matmul %select_n3A, %get3A_29, %dot_general3A_30 {dimension_numbers = #tpu.dot_dimension_numbers<[1], [0], [0], [1], [0, 0, 1, 1], [], []>, transpose_lhs_hint = false} : vector<512x128xf32>, vector<128x128xf32>, vector<512x128xf32> -> vector<512x128xf32>
    %mul3A_32 = vector.broadcast %get3A_1 : vector<512x1xf32> to vector<512x128xf32>
    %mul3A_33 = arith.mulf %dot_general3A_31, %mul3A_32 : vector<512x128xf32>
    %swap3A_34 = arith.constant 0 : index
    %swap3A_35 = arith.constant 0 : index
    %swap3A_36 = vector.load %arg7[%swap3A_34, %swap3A_35] : memref<512x128xf32, #tpu.memory_space<vmem>>, vector<512x128xf32>
    tpu.vector_store %arg7[%swap3A_34, %swap3A_35], %mul3A_33 {strides = array<i32>} : memref<512x128xf32, #tpu.memory_space<vmem>>, vector<512x128xf32>,
    return
  }
  func.func @transform_0(%arg0: i32) -> (i32, i32, i32) {
    %c0_i32 = arith.constant 0 : i32
    %c0_i32_0 = arith.constant 0 : i32
    %c0_i32_1 = arith.constant 0 : i32
    return %c0_i32, %arg0, %c0_i32_0 : i32, i32, i32
  }
  func.func @transform_1(%arg0: i32) -> (i32, i32) {
    %c0_i32 = arith.constant 0 : i32
    %c0_i32_0 = arith.constant 0 : i32
    return %arg0, %c0_i32 : i32, i32
  }
  func.func @transform_2(%arg0: i32) -> (i32, i32) {
    %c0_i32 = arith.constant 0 : i32
    %c0_i32_0 = arith.constant 0 : i32
    %c0_i32_1 = arith.constant 0 : i32
    return %c0_i32, %c0_i32_0 : i32, i32
  }
  func.func @transform_3(%arg0: i32) -> (i32, i32) {
    %c0_i32 = arith.constant 0 : i32
    %c0_i32_0 = arith.constant 0 : i32
    %c0_i32_1 = arith.constant 0 : i32
    return %c0_i32, %c0_i32_0 : i32, i32
  }
  func.func @transform_4(%arg0: i32) -> (i32, i32) {
    %c0_i32 = arith.constant 0 : i32
    %c0_i32_0 = arith.constant 0 : i32
    %c0_i32_1 = arith.constant 0 : i32
    return %c0_i32, %c0_i32_0 : i32, i32
  }
  func.func @transform_5(%arg0: i32) -> (i32, i32) {
    %c0_i32 = arith.constant 0 : i32
    %c0_i32_0 = arith.constant 0 : i32
    return %arg0, %c0_i32 : i32, i32
  }
  func.func @transform_6(%arg0: i32) -> (i32, i32) {
    %c0_i32 = arith.constant 0 : i32
    %c0_i32_0 = arith.constant 0 : i32
    return %arg0, %c0_i32 : i32, i32
  }
}

module attributes {stable_mosaic.version = 14 : i64} {
  func.func @body(%arg0: i32, %arg1: memref<2x512x128xf32, #tpu.memory_space<vmem>>, %arg2: memref<512x16xf32, #tpu.memory_space<vmem>>, %arg3: memref<1x128xf32, #tpu.memory_space<vmem>>, %arg4: memref<1x128xf32, #tpu.memory_space<vmem>>, %arg5: memref<128x128xf32, #tpu.memory_space<vmem>>, %arg6: memref<1x128xf32, #tpu.memory_space<vmem>>, %arg7: memref<128x64xf32, #tpu.memory_space<vmem>>, %arg8: memref<1x64xf32, #tpu.memory_space<vmem>>, %arg9: memref<128x128xf32, #tpu.memory_space<vmem>>, %arg10: memref<1x128xf32, #tpu.memory_space<vmem>>, %arg11: memref<128x64xf32, #tpu.memory_space<vmem>>, %arg12: memref<1x64xf32, #tpu.memory_space<vmem>>, %arg13: memref<512x64xf32, #tpu.memory_space<vmem>>, %arg14: memref<512x64xf32, #tpu.memory_space<vmem>>) attributes {dimension_semantics = [#tpu.dimension_semantics<arbitrary>], iteration_bounds = array<i64: 20>, scalar_prefetch = 0 : i64, scratch_operands = 0 : i64, tpu.core_type = #tpu.core_type<tc>, window_params = [{transform_indices = @transform_0, window_bounds = array<i64: 2, 512, 128>}, {transform_indices = @transform_1, window_bounds = array<i64: 512, 16>}, {pipeline_mode = #tpu.pipeline_mode<synchronous>, transform_indices = @transform_2, window_bounds = array<i64: 1, 128>}, {pipeline_mode = #tpu.pipeline_mode<synchronous>, transform_indices = @transform_3, window_bounds = array<i64: 1, 128>}, {pipeline_mode = #tpu.pipeline_mode<synchronous>, transform_indices = @transform_4, window_bounds = array<i64: 128, 128>}, {pipeline_mode = #tpu.pipeline_mode<synchronous>, transform_indices = @transform_5, window_bounds = array<i64: 1, 128>}, {pipeline_mode = #tpu.pipeline_mode<synchronous>, transform_indices = @transform_6, window_bounds = array<i64: 128, 64>}, {pipeline_mode = #tpu.pipeline_mode<synchronous>, transform_indices = @transform_7, window_bounds = array<i64: 1, 64>}, {pipeline_mode = #tpu.pipeline_mode<synchronous>, transform_indices = @transform_8, window_bounds = array<i64: 128, 128>}, {pipeline_mode = #tpu.pipeline_mode<synchronous>, transform_indices = @transform_9, window_bounds = array<i64: 1, 128>}, {pipeline_mode = #tpu.pipeline_mode<synchronous>, transform_indices = @transform_10, window_bounds = array<i64: 128, 64>}, {pipeline_mode = #tpu.pipeline_mode<synchronous>, transform_indices = @transform_11, window_bounds = array<i64: 1, 64>}, {transform_indices = @transform_12, window_bounds = array<i64: 512, 64>}, {transform_indices = @transform_13, window_bounds = array<i64: 512, 64>}]} {
    %get3A = arith.constant 0 : index
    %get3A_0 = arith.constant 0 : index
    %get3A_1 = vector.load %arg2[%get3A, %get3A_0] : memref<512x16xf32, #tpu.memory_space<vmem>>, vector<512x1xf32>
    %get3A_2 = arith.constant 0 : index
    %get3A_3 = arith.constant 0 : index
    %get3A_4 = arith.constant 0 : index
    %get3A_5 = vector.load %arg1[%get3A_2, %get3A_3, %get3A_4] : memref<2x512x128xf32, #tpu.memory_space<vmem>>, vector<2x512x128xf32>
    %slice3A = vector.extract_strided_slice %get3A_5 {offsets = [0, 0, 0], sizes = [1, 512, 128], strides = [1, 1, 1]} : vector<2x512x128xf32> to vector<1x512x128xf32>
    %squeeze3A = vector.shape_cast %slice3A : vector<1x512x128xf32> to vector<512x128xf32>
    %mul3A = vector.broadcast %get3A_1 : vector<512x1xf32> to vector<512x128xf32>
    %mul3A_6 = arith.mulf %mul3A, %squeeze3A : vector<512x128xf32>
    %get3A_7 = arith.constant 0 : index
    %get3A_8 = arith.constant 0 : index
    %get3A_9 = vector.load %arg3[%get3A_7, %get3A_8] : memref<1x128xf32, #tpu.memory_space<vmem>>, vector<1x128xf32>
    %add3A = vector.broadcast %get3A_9 : vector<1x128xf32> to vector<512x128xf32>
    %add3A_10 = arith.addf %mul3A_6, %add3A : vector<512x128xf32>
    %ge3A = arith.constant 0.000000e+00 : f32
    %ge3A_11 = vector.broadcast %ge3A : f32 to vector<512x128xf32>
    %ge3A_12 = arith.cmpf oge, %add3A_10, %ge3A_11 : vector<512x128xf32>
    %mul3A_13 = arith.constant 0.00999999977 : f32
    %mul3A_14 = vector.broadcast %mul3A_13 : f32 to vector<512x128xf32>
    %mul3A_15 = arith.mulf %mul3A_14, %add3A_10 : vector<512x128xf32>
    %select_n3A = arith.select %ge3A_12, %add3A_10, %mul3A_15 : vector<512x128xi1>, vector<512x128xf32>
    %get3A_16 = arith.constant 0 : index
    %get3A_17 = arith.constant 0 : index
    %get3A_18 = vector.load %arg5[%get3A_16, %get3A_17] : memref<128x128xf32, #tpu.memory_space<vmem>>, vector<128x128xf32>
    %dot_general3A = arith.constant dense<0.000000e+00> : vector<512x128xf32>
    %dot_general3A_19 = tpu.matmul %select_n3A, %get3A_18, %dot_general3A {dimension_numbers = #tpu.dot_dimension_numbers<[1], [0], [0], [1], [0, 0, 1, 1], [], []>, transpose_lhs_hint = false} : vector<512x128xf32>, vector<128x128xf32>, vector<512x128xf32> -> vector<512x128xf32>
    %get3A_20 = arith.constant 0 : index
    %get3A_21 = arith.constant 0 : index
    %get3A_22 = vector.load %arg6[%get3A_20, %get3A_21] : memref<1x128xf32, #tpu.memory_space<vmem>>, vector<1x128xf32>
    %add3A_23 = vector.broadcast %get3A_22 : vector<1x128xf32> to vector<512x128xf32>
    %add3A_24 = arith.addf %dot_general3A_19, %add3A_23 : vector<512x128xf32>
    %ge3A_25 = arith.constant 0.000000e+00 : f32
    %ge3A_26 = vector.broadcast %ge3A_25 : f32 to vector<512x128xf32>
    %ge3A_27 = arith.cmpf oge, %add3A_24, %ge3A_26 : vector<512x128xf32>
    %mul3A_28 = arith.constant 0.00999999977 : f32
    %mul3A_29 = vector.broadcast %mul3A_28 : f32 to vector<512x128xf32>
    %mul3A_30 = arith.mulf %mul3A_29, %add3A_24 : vector<512x128xf32>
    %select_n3A_31 = arith.select %ge3A_27, %add3A_24, %mul3A_30 : vector<512x128xi1>, vector<512x128xf32>
    %get3A_32 = arith.constant 0 : index
    %get3A_33 = arith.constant 0 : index
    %get3A_34 = vector.load %arg7[%get3A_32, %get3A_33] : memref<128x64xf32, #tpu.memory_space<vmem>>, vector<128x64xf32>
    %dot_general3A_35 = arith.constant dense<0.000000e+00> : vector<512x64xf32>
    %dot_general3A_36 = tpu.matmul %select_n3A_31, %get3A_34, %dot_general3A_35 {dimension_numbers = #tpu.dot_dimension_numbers<[1], [0], [0], [1], [0, 0, 1, 1], [], []>, transpose_lhs_hint = false} : vector<512x128xf32>, vector<128x64xf32>, vector<512x64xf32> -> vector<512x64xf32>
    %get3A_37 = arith.constant 0 : index
    %get3A_38 = arith.constant 0 : index
    %get3A_39 = vector.load %arg8[%get3A_37, %get3A_38] : memref<1x64xf32, #tpu.memory_space<vmem>>, vector<1x64xf32>
    %add3A_40 = vector.broadcast %get3A_39 : vector<1x64xf32> to vector<512x64xf32>
    %add3A_41 = arith.addf %dot_general3A_36, %add3A_40 : vector<512x64xf32>
    %swap3A = arith.constant 0 : index
    %swap3A_42 = arith.constant 0 : index
    %swap3A_43 = vector.load %arg13[%swap3A, %swap3A_42] : memref<512x64xf32, #tpu.memory_space<vmem>>, vector<512x64xf32>
    tpu.vector_store %arg13[%swap3A, %swap3A_42], %add3A_41 {strides = array<i32>} : memref<512x64xf32, #tpu.memory_space<vmem>>, vector<512x64xf32>,
    %slice3A_44 = vector.extract_strided_slice %get3A_5 {offsets = [1, 0, 0], sizes = [1, 512, 128], strides = [1, 1, 1]} : vector<2x512x128xf32> to vector<1x512x128xf32>
    %squeeze3A_45 = vector.shape_cast %slice3A_44 : vector<1x512x128xf32> to vector<512x128xf32>
    %mul3A_46 = vector.broadcast %get3A_1 : vector<512x1xf32> to vector<512x128xf32>
    %mul3A_47 = arith.mulf %mul3A_46, %squeeze3A_45 : vector<512x128xf32>
    %get3A_48 = arith.constant 0 : index
    %get3A_49 = arith.constant 0 : index
    %get3A_50 = vector.load %arg4[%get3A_48, %get3A_49] : memref<1x128xf32, #tpu.memory_space<vmem>>, vector<1x128xf32>
    %add3A_51 = vector.broadcast %get3A_50 : vector<1x128xf32> to vector<512x128xf32>
    %add3A_52 = arith.addf %mul3A_47, %add3A_51 : vector<512x128xf32>
    %ge3A_53 = arith.constant 0.000000e+00 : f32
    %ge3A_54 = vector.broadcast %ge3A_53 : f32 to vector<512x128xf32>
    %ge3A_55 = arith.cmpf oge, %add3A_52, %ge3A_54 : vector<512x128xf32>
    %mul3A_56 = arith.constant 0.00999999977 : f32
    %mul3A_57 = vector.broadcast %mul3A_56 : f32 to vector<512x128xf32>
    %mul3A_58 = arith.mulf %mul3A_57, %add3A_52 : vector<512x128xf32>
    %select_n3A_59 = arith.select %ge3A_55, %add3A_52, %mul3A_58 : vector<512x128xi1>, vector<512x128xf32>
    %get3A_60 = arith.constant 0 : index
    %get3A_61 = arith.constant 0 : index
    %get3A_62 = vector.load %arg9[%get3A_60, %get3A_61] : memref<128x128xf32, #tpu.memory_space<vmem>>, vector<128x128xf32>
    %dot_general3A_63 = arith.constant dense<0.000000e+00> : vector<512x128xf32>
    %dot_general3A_64 = tpu.matmul %select_n3A_59, %get3A_62, %dot_general3A_63 {dimension_numbers = #tpu.dot_dimension_numbers<[1], [0], [0], [1], [0, 0, 1, 1], [], []>, transpose_lhs_hint = false} : vector<512x128xf32>, vector<128x128xf32>, vector<512x128xf32> -> vector<512x128xf32>
    %get3A_65 = arith.constant 0 : index
    %get3A_66 = arith.constant 0 : index
    %get3A_67 = vector.load %arg10[%get3A_65, %get3A_66] : memref<1x128xf32, #tpu.memory_space<vmem>>, vector<1x128xf32>
    %add3A_68 = vector.broadcast %get3A_67 : vector<1x128xf32> to vector<512x128xf32>
    %add3A_69 = arith.addf %dot_general3A_64, %add3A_68 : vector<512x128xf32>
    %ge3A_70 = arith.constant 0.000000e+00 : f32
    %ge3A_71 = vector.broadcast %ge3A_70 : f32 to vector<512x128xf32>
    %ge3A_72 = arith.cmpf oge, %add3A_69, %ge3A_71 : vector<512x128xf32>
    %mul3A_73 = arith.constant 0.00999999977 : f32
    %mul3A_74 = vector.broadcast %mul3A_73 : f32 to vector<512x128xf32>
    %mul3A_75 = arith.mulf %mul3A_74, %add3A_69 : vector<512x128xf32>
    %select_n3A_76 = arith.select %ge3A_72, %add3A_69, %mul3A_75 : vector<512x128xi1>, vector<512x128xf32>
    %get3A_77 = arith.constant 0 : index
    %get3A_78 = arith.constant 0 : index
    %get3A_79 = vector.load %arg11[%get3A_77, %get3A_78] : memref<128x64xf32, #tpu.memory_space<vmem>>, vector<128x64xf32>
    %dot_general3A_80 = arith.constant dense<0.000000e+00> : vector<512x64xf32>
    %dot_general3A_81 = tpu.matmul %select_n3A_76, %get3A_79, %dot_general3A_80 {dimension_numbers = #tpu.dot_dimension_numbers<[1], [0], [0], [1], [0, 0, 1, 1], [], []>, transpose_lhs_hint = false} : vector<512x128xf32>, vector<128x64xf32>, vector<512x64xf32> -> vector<512x64xf32>
    %get3A_82 = arith.constant 0 : index
    %get3A_83 = arith.constant 0 : index
    %get3A_84 = vector.load %arg12[%get3A_82, %get3A_83] : memref<1x64xf32, #tpu.memory_space<vmem>>, vector<1x64xf32>
    %add3A_85 = vector.broadcast %get3A_84 : vector<1x64xf32> to vector<512x64xf32>
    %add3A_86 = arith.addf %dot_general3A_81, %add3A_85 : vector<512x64xf32>
    %swap3A_87 = arith.constant 0 : index
    %swap3A_88 = arith.constant 0 : index
    %swap3A_89 = vector.load %arg14[%swap3A_87, %swap3A_88] : memref<512x64xf32, #tpu.memory_space<vmem>>, vector<512x64xf32>
    tpu.vector_store %arg14[%swap3A_87, %swap3A_88], %add3A_86 {strides = array<i32>} : memref<512x64xf32, #tpu.memory_space<vmem>>, vector<512x64xf32>,
    return
  }
  func.func @transform_0(%arg0: i32) -> (i32, i32, i32) {
    %c0_i32 = arith.constant 0 : i32
    %c0_i32_0 = arith.constant 0 : i32
    %c0_i32_1 = arith.constant 0 : i32
    return %c0_i32, %arg0, %c0_i32_0 : i32, i32, i32
  }
  func.func @transform_1(%arg0: i32) -> (i32, i32) {
    %c0_i32 = arith.constant 0 : i32
    %c0_i32_0 = arith.constant 0 : i32
    return %arg0, %c0_i32 : i32, i32
  }
  func.func @transform_2(%arg0: i32) -> (i32, i32) {
    %c0_i32 = arith.constant 0 : i32
    %c0_i32_0 = arith.constant 0 : i32
    %c0_i32_1 = arith.constant 0 : i32
    return %c0_i32, %c0_i32_0 : i32, i32
  }
  func.func @transform_3(%arg0: i32) -> (i32, i32) {
    %c0_i32 = arith.constant 0 : i32
    %c0_i32_0 = arith.constant 0 : i32
    %c0_i32_1 = arith.constant 0 : i32
    return %c0_i32, %c0_i32_0 : i32, i32
  }
  func.func @transform_4(%arg0: i32) -> (i32, i32) {
    %c0_i32 = arith.constant 0 : i32
    %c0_i32_0 = arith.constant 0 : i32
    %c0_i32_1 = arith.constant 0 : i32
    return %c0_i32, %c0_i32_0 : i32, i32
  }
  func.func @transform_5(%arg0: i32) -> (i32, i32) {
    %c0_i32 = arith.constant 0 : i32
    %c0_i32_0 = arith.constant 0 : i32
    %c0_i32_1 = arith.constant 0 : i32
    return %c0_i32, %c0_i32_0 : i32, i32
  }
  func.func @transform_6(%arg0: i32) -> (i32, i32) {
    %c0_i32 = arith.constant 0 : i32
    %c0_i32_0 = arith.constant 0 : i32
    %c0_i32_1 = arith.constant 0 : i32
    return %c0_i32, %c0_i32_0 : i32, i32
  }
  func.func @transform_7(%arg0: i32) -> (i32, i32) {
    %c0_i32 = arith.constant 0 : i32
    %c0_i32_0 = arith.constant 0 : i32
    %c0_i32_1 = arith.constant 0 : i32
    return %c0_i32, %c0_i32_0 : i32, i32
  }
  func.func @transform_8(%arg0: i32) -> (i32, i32) {
    %c0_i32 = arith.constant 0 : i32
    %c0_i32_0 = arith.constant 0 : i32
    %c0_i32_1 = arith.constant 0 : i32
    return %c0_i32, %c0_i32_0 : i32, i32
  }
  func.func @transform_9(%arg0: i32) -> (i32, i32) {
    %c0_i32 = arith.constant 0 : i32
    %c0_i32_0 = arith.constant 0 : i32
    %c0_i32_1 = arith.constant 0 : i32
    return %c0_i32, %c0_i32_0 : i32, i32
  }
  func.func @transform_10(%arg0: i32) -> (i32, i32) {
    %c0_i32 = arith.constant 0 : i32
    %c0_i32_0 = arith.constant 0 : i32
    %c0_i32_1 = arith.constant 0 : i32
    return %c0_i32, %c0_i32_0 : i32, i32
  }
  func.func @transform_11(%arg0: i32) -> (i32, i32) {
    %c0_i32 = arith.constant 0 : i32
    %c0_i32_0 = arith.constant 0 : i32
    %c0_i32_1 = arith.constant 0 : i32
    return %c0_i32, %c0_i32_0 : i32, i32
  }
  func.func @transform_12(%arg0: i32) -> (i32, i32) {
    %c0_i32 = arith.constant 0 : i32
    %c0_i32_0 = arith.constant 0 : i32
    return %arg0, %c0_i32 : i32, i32
  }
  func.func @transform_13(%arg0: i32) -> (i32, i32) {
    %c0_i32 = arith.constant 0 : i32
    %c0_i32_0 = arith.constant 0 : i32
    return %arg0, %c0_i32 : i32, i32
  }
}

</mosaic_0001>

<sc_bundles>
// kernel: kernel.12.cloned.1.call-start
scs
__scs_entry_jumppad:
0x0: {  	(pc) =	sbr.rel $0x88, $3  }
0x1: {  	(tag) =	ssettag $0x0;
	lr =	simm.s32 $0x1  }
0x2: {  	[smem:$0x3F91] =	sst lr;
	_ =	strace $0xD0000000  }
0x3: {  	_ = 	snop  }
0x4: {  	_ = 	snop  }
0x5: {  	_ = 	snop  }
0x6: {  	_ = 	snop  }
0x7: {  	_ = 	snop  }
__scs_overlays_trampoline_lowered:
0x8: {  	[smem:$0x3FA0] =	sst s0  }
0x9: {  	[smem:$0x3FA1] =	sst s1  }
0xa: {  	[smem:$0x3FA2] =	sst s2  }
0xb: {  	[smem:$0x3FA3] =	sst s3  }
0xc: {  	[smem:$0x3FA4] =	sst s4  }
0xd: {  	[smem:$0x3FA5] =	sst s5  }
0xe: {  	[smem:$0x3FA6] =	sst s6  }
0xf: {  	[smem:$0x3FA7] =	sst s7  }
0x10: {  	[smem:$0x3FA8] =	sst s8  }
0x11: {  	[smem:$0x3FA9] =	sst s9;
	s0 =	simm.s32 @!p0 $0x0  }
0x12: {  	s1 =	sld [smem:$0x3F8F];
	s0 =	simm.s32 @p0 $0x1  }
0x13: {  	[smem:$0x3FAA] =	sst s0;
	s0 =	simm.s32 @!p1 $0x0  }
0x14: {  	s2 =	sld [smem:$0x3F8E];
	s0 =	simm.s32 @p1 $0x1  }
0x15: {  	[smem:$0x3FAB] =	sst s0;
	s0 =	simm.s32 @!p2 $0x0  }
0x16: {  	s3 =	sld [smem:$0x3FDB];
	s0 =	simm.s32 @p2 $0x1  }
0x17: {  	s4 =	simm.s32 $0x1BF5;
	[smem:$0x3FAD] =	sst s0  }
0x18: {  	s0 =	sld [smem:$0x3F90];
	_ =	swait.ge [sflag:s4], $0x0  }
0x19: {  	s7 =	sld [smem:$0x3F91]  }
0x1a: {  	s8 =	sadd.s32 $0xFFFFE003, lr  }
0x1b: {  	s9 =	sadd.s32 $0xFFFFFEF7, lr;
	s5 =	simm.s32 $0xFFFFFFFF;
	p2 =	slt.u32 s8, $0xFFFFF086  }
0x1c: {  	p1 =	slt.u32 s9, $0xF7A;
	s5 =	simm.s32 @!p2 $0x0  }
0x1d: {  	s5 =	simm.s32 @p1 $0x1;
	p0 =	seq.s32 s7, s2  }
0x1e: {  	s7 =	smul.u32 @!p0 $0xF7A, s2;
	p2 =	seq.s32 @!p0 s5, $0x0  }
0x1f: {  	s9 =	smul.u32 $0xF7A, s1;
	s8 =	simm.s32 @!p0 $0x1BF5;
	p2 =	por !p2, p0  }
0x20: {  	[sflag:s8] =	ssyncset.s32 @!p0 $0xFFFFF086;
	s6 =	sadd.s32 @!p0 s3, s7;
	s7 =	simm.s32 @!p0 $0x108  }
0x21: {  	s3 =	sadd.s32 s3, s9;
	s6 =	sadd.s32 @!p0 $0x88, s6;
	s7 =	simm.s32 @p2 $0x1082  }
0x22: {  	[simem:s7], [sflag:s8] =	dma.local @!p0 [hbm:s6], $0xF7A  }
0x23: {  	s9 =	sor.u32 $0xD0000000, s2;
	s6 =	simm.s32 $0x108;
	_ =	swait.ge @!p0 [sflag:s8], $0x0  }
0x24: {  	s3 =	sadd.s32 $0x88, s3;
	s6 =	simm.s32 @!p1 $0x1082;
	[sflag:s4] =	ssyncset.s32 $0xFFFFF086  }
0x25: {  	[simem:s6], [sflag:s4] =	dma.local [hbm:s3], $0xF7A  }
0x26: {  	[smem:$0x3F91] =	sst s1;
	(tag) =	ssettag s2;
	_ =	strace s9  }
0x27: {  	s1 =	sld [smem:$0x3FA1]  }
0x28: {  	s2 =	sld [smem:$0x3FA2]  }
0x29: {  	s4 =	sld [smem:$0x3FA4]  }
0x2a: {  	p0 =	seq.s32 s5, $0x0;
	s5 =	sld [smem:$0x3FA5]  }
0x2b: {  	s6 =	sld [smem:$0x3FA6]  }
0x2c: {  	s7 =	sld [smem:$0x3FA7]  }
0x2d: {  	s3 =	simm.s32 $0x108;
	s8 =	sld [smem:$0x3FA8]  }
0x2e: {  	s3 =	simm.s32 @!p0 $0x1082;
	s9 =	sld [smem:$0x3FA9]  }
0x2f: {  	lr =	sadd.s32 s0, s3;
	s0 =	sld [smem:$0x3FA0]  }
0x30: {  	s3 =	sld [smem:$0x3FA3]  }
0x31: {  	[smem:$0x3FAC] =	sst s10  }
0x32: {  	s10 =	sld [smem:$0x3FAA];
	_ =	sdelay $0x3  }
0x33: {  	p0 =	seq.s32 s10, $0x1;
	s10 =	sld [smem:$0x3FAC];
	_ =	sdelay $0x3  }
0x34: {  	[smem:$0x3FAC] =	sst s10  }
0x35: {  	s10 =	sld [smem:$0x3FAB];
	_ =	sdelay $0x3  }
0x36: {  	p1 =	seq.s32 s10, $0x1;
	s10 =	sld [smem:$0x3FAC];
	_ =	sdelay $0x3  }
0x37: {  	[smem:$0x3FAC] =	sst s10  }
0x38: {  	s10 =	sld [smem:$0x3FAD]  }
0x39: {  	_ = 	snop;
	(pc) =	sbr.ind lr, $3  }
0x3a: {  	_ = 	snop  }
0x3b: {  	_ = 	snop  }
0x3c: {  	p2 =	seq.s32 s10, $0x1;
	s10 =	sld [smem:$0x3FAC]  }
0x3d: {  	_ =	shalt  }
0x3e: {  	_ =	shalt  }
0x3f: {  	_ =	shalt  }
0x40: {  	_ =	shalt  }
0x41: {  	_ =	shalt  }
0x42: {  	_ =	shalt  }
0x43: {  	_ =	shalt  }
0x44: {  	_ =	shalt  }
0x45: {  	_ =	shalt  }
0x46: {  	_ =	shalt  }
0x47: {  	_ =	shalt  }
0x48: {  	_ =	shalt  }
0x49: {  	_ =	shalt  }
0x4a: {  	_ =	shalt  }
0x4b: {  	_ =	shalt  }
0x4c: {  	_ =	shalt  }
0x4d: {  	_ =	shalt  }
0x4e: {  	_ =	shalt  }
0x4f: {  	_ =	shalt  }
0x50: {  	_ =	shalt  }
0x51: {  	_ =	shalt  }
0x52: {  	_ =	shalt  }
0x53: {  	_ =	shalt  }
0x54: {  	_ =	shalt  }
0x55: {  	_ =	shalt  }
0x56: {  	_ =	shalt  }
0x57: {  	_ =	shalt  }
0x58: {  	_ =	shalt  }
0x59: {  	_ =	shalt  }
0x5a: {  	_ =	shalt  }
0x5b: {  	_ =	shalt  }
0x5c: {  	_ =	shalt  }
0x5d: {  	_ =	shalt  }
0x5e: {  	_ =	shalt  }
0x5f: {  	_ =	shalt  }
0x60: {  	_ =	shalt  }
0x61: {  	_ =	shalt  }
0x62: {  	_ =	shalt  }
0x63: {  	_ =	shalt  }
0x64: {  	_ =	shalt  }
0x65: {  	_ =	shalt  }
0x66: {  	_ =	shalt  }
0x67: {  	_ =	shalt  }
0x68: {  	_ =	shalt  }
0x69: {  	_ =	shalt  }
0x6a: {  	_ =	shalt  }
0x6b: {  	_ =	shalt  }
0x6c: {  	_ =	shalt  }
0x6d: {  	_ =	shalt  }
0x6e: {  	_ =	shalt  }
0x6f: {  	_ =	shalt  }
0x70: {  	_ =	shalt  }
0x71: {  	_ =	shalt  }
0x72: {  	_ =	shalt  }
0x73: {  	_ =	shalt  }
0x74: {  	_ =	shalt  }
0x75: {  	_ =	shalt  }
0x76: {  	_ =	shalt  }
0x77: {  	_ =	shalt  }
0x78: {  	_ =	shalt  }
0x79: {  	_ =	shalt  }
0x7a: {  	_ =	shalt  }
0x7b: {  	_ =	shalt  }
0x7c: {  	_ =	shalt  }
0x7d: {  	_ =	shalt  }
0x7e: {  	_ =	shalt  }
0x7f: {  	_ =	shalt  }
0x80: {  	_ =	shalt  }
0x81: {  	_ =	shalt  }
0x82: {  	_ =	shalt  }
0x83: {  	_ =	shalt  }
0x84: {  	_ =	shalt  }
0x85: {  	_ =	shalt  }
0x86: {  	_ =	shalt  }
0x87: {  	_ =	shalt  }
.Lfunc_end0:
.L_simem_size_0:
called_computation.1_lowered:
.L_overlay_start_0:
0x88: {  	s2 =	sld [smem:$0x3FD9]  }
0x89: {  	s3 =	sld [smem:$0x3FFE];
	_ =	sdelay $0x1  }
0x8a: {  	s1 =	srdreg.scid  }
0x8b: {  	s0 =	sand.u32 $0x1, s1  }
0x8c: {  	s16 =	sshll.u32 s0, $0xA;
	s2 =	sadd.s32 s3, s2  }
0x8d: {  	s2 =	sadd.s32 s2, s16  }
0x8e: {  	[smem:$0x3FB8] =	sst s2  }
0x8f: {  	_ = 	snop  }
0x90: {  	(tm) =	ssettm $0x1  }
0x91: {  	s17 =	sld [smem:$0x3FFB];
	_ =	sdelay $0x3  }
0x92: {  	_ =	strace s17  }
0x93: {  	s2 =	sld [smem:$0x3FFC];
	_ =	sdelay $0x3  }
0x94: {  	_ =	strace s2  }
0x95: {  	s2 =	sld [smem:$0x3FFD];
	_ =	sdelay $0x3  }
0x96: {  	_ =	strace s2  }
0x97: {  	_ =	strace $0x8FFFFFFF  }
0x98: {  	s18 =	sld [smem:$0x3FDB];
	_ =	sdelay $0x1  }
0x99: {  	s19 =	simm.s32 $_scs_section_size  }
0x9a: {  	s4 =	simm.s32 $_size__tile_overlayer_lowered;
	s5 =	simm.s32 $_tile_overlayer_lowered  }
0x9b: {  	s22 =	simm.s32 $0x1BFF;
	s21 =	sshll.u32 s5, $0x1;
	s2 =	sadd.s32 s19, s18  }
0x9c: {  	s6 =	simm.s32 $0x0;
	s20 =	sshll.u32 s4, $0x1;
	s4 =	sadd.s32 s21, s2  }
0x9d: {  	[timem:s6], [sflag:s22] =	dma.local [hbm:s4], s20  }
0x9e: {  	_ =	swait.ge [sflag:s22], s20  }
0x9f: {  	s3 =	ssub.s32 $0x0, s20;
	[sflag:s22] =	ssyncset.done $0x0  }
0xa0: {  	[sflag:s22] =	ssyncadd.s32 s3;
	_ =	sdelay $0x1  }
0xa1: {  	s23 =	simm.s32 $0x1B8B  }
0xa2: {  	_ =	swait.ge [sflag:s23], $0x1  }
0xa3: {  	[sflag:s23] =	ssyncset.done $0x0  }
0xa4: {  	s25 =	simm.s32 $0x1B8E;
	s24 =	sld [smem:$0x3FFE];
	[sflag:s23] =	ssyncadd.s32 $0xFFFFFFFF  }
0xa5: {  	s26 =	simm.s32 $execute0_lowered;
	[smem:$0x3FD2] =	sst s25  }
0xa6: {  	s4 =	sshll.u32 s26, $0x1;
	_ =	strace $0x80000049;
	[dreg:$0x1] =	wrdreg $0xFFFFFFFF  }
0xa7: {  	s28 =	simm.s32 $_size_execute0_lowered;
	s2 =	sadd.s32 s2, s4;
	[dreg:$0x0] =	wrdreg $0x0  }
0xa8: {  	s4 =	sshll.u32 s28, $0x1;
	[dreg:$0x2] =	wrdreg s2  }
0xa9: {  	[dreg:$0x3] =	wrdreg s4  }
0xaa: {  	[dreg:$0x4] =	wrdreg $0xC0  }
0xab: {  	_ =	task [dreg:s6], $0x5FFFF  }
0xac: {  	[dreg:$0x1] =	wrdreg $0xFFFFFFFF  }
0xad: {  	[dreg:$0x0] =	wrdreg $0x60  }
0xae: {  	[dreg:$0x2] =	wrdreg s24  }
0xaf: {  	[dreg:$0x3] =	wrdreg $0x88000  }
0xb0: {  	[dreg:$0x4] =	wrdreg $0x9  }
0xb1: {  	_ =	task.clear_ibuf [dreg:s6], $0x5FFFF;
	_ =	strace $0x90000049  }
0xb2: {  	s29 =	simm.s32 $0x9;
	_ =	strace $0x8000004B  }
0xb3: {  	_ =	swait.ge [sflag:s29], $0x1  }
0xb4: {  	[sflag:s29] =	ssyncadd.s32 $0xFFFFFFFF  }
0xb5: {  	_ =	strace $0x9000004B  }
0xb6: {  	_ =	sfence  }
0xb7: {  	s30 =	sld [smem:$0x0];
	_ =	sdelay $0x2  }
0xb8: {  	s31 =	sshll.u32 s1, $0xD;
	s1 =	sshrl.u32 s1, $0x2  }
0xb9: {  	s3 =	sand.u32 $0x4000, s31;
	s1 =	sadd.s32 s1, s30  }
0xba: {  	s0 =	sor.u32 s3, s0;
	s1 =	sshll.u32 s1, $0x11  }
0xbb: {  	s0 =	sor.u32 s1, s0  }
0xbc: {  	s0 =	sadd.s32 $0x8F2B, s0  }
0xbd: {  	[sflag:s0] =	ssyncadd.remote.s32 $0x1  }
0xbe: {  	_ =	sfence.sel $0xFFFF  }
0xbf: {  	[dreg:$0x0] =	wrdreg $0xFFFFFFFF;
	(pc) =	sbr.abs _section_cstart, $3  }
0xc0: {  	[dreg:$0x1] =	wrdreg $0xFFFFFFFF  }
0xc1: {  	_ =	task.clear_ibuf [dreg:s6], $0x2FFFF;
	_ =	strace $0x9FFFFFFF  }
0xc2: {  	(tm) =	ssettm $0x7FFFFFFF  }
0xc3: {  	_ =	shalt  }
tec
execute0_lowered:
.L_overlay_start_1:
0x0: {  	(tag) =	ssettag $0x1  }
0x1: {  	s0 =	rddreg [dreg:$0x0]  }
0x2: {  	s1 =	rddreg [dreg:$0x1]  }
0x3: {  	s2 =	srdreg.scid;
	s3 =	simm.s32 $0x0;
	s11 =	stileid.u32  }
0x4: {  	s12 =	simm.s32 $0x800;
	s13 =	simm.s32 $0x100;
	s14 =	simm.s32 $0x4800  }
0x5: {  	s15 =	simm.s32 $0x1;
	s16 =	simm.s32 $0x200;
	s17 =	simm.s32 $0x2  }
0x6: {  	s18 =	simm.s32 $0x180;
	s19 =	simm.s32 $0x300;
	s28 =	simm.s32 $0x580  }
0x7: {  	s29 =	simm.s32 $0x700;
	s30 =	simm.s32 $0x680;
	s31 =	simm.s32 $0x780  }
0x8: {  	s2 =	sand.u32 $0x1, s2;
	[smem:$0x7FF] =	sst s3;
	s6 =	smul.u32 $0x5000, s11  }
0x9: {  	s4 =	sadd.s32 $0x18000, s0;
	s8 =	smul.u32 $0x50000, s11;
	s9 =	sadd.s32 $0x40000, s0  }
0xa: {  	s24 =	smul.u32 $0x2800, s11;
	s25 =	sshll.u32 s11, $0x6;
	s11 =	simm.s32 $0x80  }
0xb: {  	s5 =	smul.u32 $0x50000, s2;
	_ =	strace $0x8000004A;
	s7 =	ssub.s32 $0x2, s2  }
0xc: {  	s20 =	smul.u32 $0x28000, s2;
	p0 =	seq.s32 s2, $0x1;
	s10 =	sshrl.u32 s7, $0x1  }
0xd: {  	s22 =	sshrl.u32 s8, $0x2;
	s5 =	sadd.s32 s6, s5;
	s21 =	ssub.s32 s7, s10  }
0xe: {  	s23 =	sadd.s32 s22, s1;
	s7 =	smov.u32 s4;
	s10 =	simm.s32 $0x3  }
0xf: {  	s22 =	simm.s32 $0x380;
	s5 =	sshrl.u32 s5, $0x3;
	s7 =	smov.u32 @p0 s9  }
0x10: {  	s6 =	smax.u32 s21, $0x1;
	s9 =	sshrl.u32 s23, $0x3;
	s21 =	simm.s32 $0x400  }
0x11: {  	s23 =	simm.s32 $0x500;
	s5 =	sadd.s32 s5, s0;
	s0 =	sadd.s32 s20, s0  }
0x12: {  	[dreg:$0x3] =	wrdreg s6;
	s26 =	sadd.s32 s7, s24;
	s7 =	sor.u32 $0x1C03, s25  }
0x13: {  	s20 =	simm.s32 $0x280;
	s25 =	simm.s32 $0x480;
	s0 =	sadd.s32 $0x68000, s0  }
0x14: {  	[dreg:$0x4] =	wrdreg s26;
	s8 =	sadd.s32 $0x4000, s5;
	s0 =	sadd.s32 s24, s0  }
0x15: {  	s26 =	simm.s32 $0x600;
	[dreg:$0x5] =	wrdreg s0;
	s0 =	simm.s32 $0x0  }
.LBB2_1:
0x16: {  	s2 =	rddreg [dreg:$0x4]  }
0x17: {  	[spmem:s9], [sflag:s7] =	dma.local [hbm:s2], $0x2800  }
0x18: {  	_ =	swait.ge [sflag:s10], $0x2800  }
0x19: {  	[sflag:s10] =	ssyncset.done $0x0  }
0x1a: {  	[sflag:s10] =	ssyncadd.s32 $0xFFFFD800  }
0x1b: {  	s24 =	sadd.s32 $0x0, s8;
	[bflag:$0x0] =	sbarrier.arrive $0xFFFF  }
0x1c: {  	[tilespmem:s3], [sflag:$0x3] =	stream.linear.gather [hbm4b:s24+s3], $0x800, $0x38;
	[tilespmem:$0x1C800] =	vst v63  }
0x1d: {  	_ =	swait.ge [sflag:s10], $0x800  }
0x1e: {  	[sflag:s10] =	ssyncset.done $0x0  }
0x1f: {  	[sflag:s10] =	ssyncadd.s32 $0xFFFFF800  }
0x20: {  	[tilespmem:s12], [sflag:$0x1] =	stream.indirect.gather [hbm4b:s4+s11], $0x80, s3, s11, $0xb8;
	[tilespmem:$0x1C800] =	vst v63  }
0x21: {  	_ = 	snop  }
0x22: {  	[tilespmem:s14], [sflag:$0x2] =	stream.indirect.gather [hbm4b:s4+s11], $0x80, s13, s11, $0xb8;
	[tilespmem:$0x1C800] =	vst v63  }
0x23: {  	_ =	swait.ge [sflag:s15], $0x4000  }
0x24: {  	[sflag:s15] =	ssyncset.done $0x0  }
0x25: {  	[sflag:s15] =	ssyncadd.s32 $0xFFFFC000  }
0x26: {  	[spmem:s1] =	stream.indirect.scatter.add.f32 [tilespmem:s12], [sflag:$0x3], $0x80, s11, s11, $0xb8;
	[tilespmem:$0x1C800] =	vst v63  }
0x27: {  	_ =	swait.ge [sflag:s10], $0x4000  }
0x28: {  	[sflag:s10] =	ssyncset.done $0x0  }
0x29: {  	[sflag:s10] =	ssyncadd.s32 $0xFFFFC000  }
0x2a: {  	[tilespmem:s12], [sflag:$0x1] =	stream.indirect.gather [hbm4b:s4+s11], $0x80, s16, s11, $0xb8;
	[tilespmem:$0x1C800] =	vst v63  }
0x2b: {  	_ =	swait.ge [sflag:s17], $0x4000  }
0x2c: {  	[sflag:s17] =	ssyncset.done $0x0  }
0x2d: {  	[sflag:s17] =	ssyncadd.s32 $0xFFFFC000  }
0x2e: {  	[spmem:s1] =	stream.indirect.scatter.add.f32 [tilespmem:s14], [sflag:$0x3], $0x80, s18, s11, $0xb8;
	[tilespmem:$0x1C800] =	vst v63  }
0x2f: {  	_ =	swait.ge [sflag:s10], $0x4000  }
0x30: {  	[sflag:s10] =	ssyncset.done $0x0  }
0x31: {  	[sflag:s10] =	ssyncadd.s32 $0xFFFFC000  }
0x32: {  	[tilespmem:s14], [sflag:$0x2] =	stream.indirect.gather [hbm4b:s4+s11], $0x80, s19, s11, $0xb8;
	[tilespmem:$0x1C800] =	vst v63  }
0x33: {  	_ =	swait.ge [sflag:s15], $0x4000  }
0x34: {  	[sflag:s15] =	ssyncset.done $0x0  }
0x35: {  	[sflag:s15] =	ssyncadd.s32 $0xFFFFC000  }
0x36: {  	[spmem:s1] =	stream.indirect.scatter.add.f32 [tilespmem:s12], [sflag:$0x3], $0x80, s20, s11, $0xb8;
	[tilespmem:$0x1C800] =	vst v63  }
0x37: {  	_ =	swait.ge [sflag:s10], $0x4000  }
0x38: {  	[sflag:s10] =	ssyncset.done $0x0  }
0x39: {  	[sflag:s10] =	ssyncadd.s32 $0xFFFFC000  }
0x3a: {  	[tilespmem:s12], [sflag:$0x1] =	stream.indirect.gather [hbm4b:s4+s11], $0x80, s21, s11, $0xb8;
	[tilespmem:$0x1C800] =	vst v63  }
0x3b: {  	_ =	swait.ge [sflag:s17], $0x4000  }
0x3c: {  	[sflag:s17] =	ssyncset.done $0x0  }
0x3d: {  	[sflag:s17] =	ssyncadd.s32 $0xFFFFC000  }
0x3e: {  	[spmem:s1] =	stream.indirect.scatter.add.f32 [tilespmem:s14], [sflag:$0x3], $0x80, s22, s11, $0xb8;
	[tilespmem:$0x1C800] =	vst v63  }
0x3f: {  	_ =	swait.ge [sflag:s10], $0x4000  }
0x40: {  	[sflag:s10] =	ssyncset.done $0x0  }
0x41: {  	[sflag:s10] =	ssyncadd.s32 $0xFFFFC000  }
0x42: {  	[tilespmem:s14], [sflag:$0x2] =	stream.indirect.gather [hbm4b:s4+s11], $0x80, s23, s11, $0xb8;
	[tilespmem:$0x1C800] =	vst v63  }
0x43: {  	_ =	swait.ge [sflag:s15], $0x4000  }
0x44: {  	[sflag:s15] =	ssyncset.done $0x0  }
0x45: {  	[sflag:s15] =	ssyncadd.s32 $0xFFFFC000  }
0x46: {  	[spmem:s1] =	stream.indirect.scatter.add.f32 [tilespmem:s12], [sflag:$0x3], $0x80, s25, s11, $0xb8;
	[tilespmem:$0x1C800] =	vst v63  }
0x47: {  	_ =	swait.ge [sflag:s10], $0x4000  }
0x48: {  	[sflag:s10] =	ssyncset.done $0x0  }
0x49: {  	[sflag:s10] =	ssyncadd.s32 $0xFFFFC000  }
0x4a: {  	[tilespmem:s12], [sflag:$0x1] =	stream.indirect.gather [hbm4b:s4+s11], $0x80, s26, s11, $0xb8;
	[tilespmem:$0x1C800] =	vst v63  }
0x4b: {  	_ =	swait.ge [sflag:s17], $0x4000  }
0x4c: {  	[sflag:s17] =	ssyncset.done $0x0  }
0x4d: {  	[sflag:s17] =	ssyncadd.s32 $0xFFFFC000  }
0x4e: {  	[spmem:s1] =	stream.indirect.scatter.add.f32 [tilespmem:s14], [sflag:$0x3], $0x80, s28, s11, $0xb8;
	[tilespmem:$0x1C800] =	vst v63  }
0x4f: {  	_ =	swait.ge [sflag:s10], $0x4000  }
0x50: {  	[sflag:s10] =	ssyncset.done $0x0  }
0x51: {  	[sflag:s10] =	ssyncadd.s32 $0xFFFFC000  }
0x52: {  	[tilespmem:s14], [sflag:$0x2] =	stream.indirect.gather [hbm4b:s4+s11], $0x80, s29, s11, $0xb8;
	[tilespmem:$0x1C800] =	vst v63  }
0x53: {  	_ =	swait.ge [sflag:s15], $0x4000  }
0x54: {  	[sflag:s15] =	ssyncset.done $0x0  }
0x55: {  	[sflag:s15] =	ssyncadd.s32 $0xFFFFC000  }
0x56: {  	[spmem:s1] =	stream.indirect.scatter.add.f32 [tilespmem:s12], [sflag:$0x3], $0x80, s30, s11, $0xb8;
	[tilespmem:$0x1C800] =	vst v63  }
0x57: {  	_ =	swait.ge [sflag:s10], $0x4000  }
0x58: {  	[sflag:s10] =	ssyncset.done $0x0  }
0x59: {  	[sflag:s10] =	ssyncadd.s32 $0xFFFFC000  }
0x5a: {  	_ =	swait.ge [sflag:s17], $0x4000  }
0x5b: {  	[sflag:s17] =	ssyncset.done $0x0  }
0x5c: {  	[sflag:s17] =	ssyncadd.s32 $0xFFFFC000  }
0x5d: {  	[spmem:s1] =	stream.indirect.scatter.add.f32 [tilespmem:s14], [sflag:$0x3], $0x80, s31, s11, $0xb8;
	[tilespmem:$0x1C800] =	vst v63  }
0x5e: {  	_ =	swait.ge [sflag:s10], $0x4000  }
0x5f: {  	s5 =	simm.s32 $0x200;
	s2 =	simm.s32 $0x100;
	[sflag:s10] =	ssyncset.done $0x0  }
.LBB2_2:
0x60: {  	s24 =	sadd.s32 s2, s8  }
0x61: {  	[sflag:s10] =	ssyncadd.s32 $0xFFFFC000;
	s2 =	smov.u32 s5;
	s6 =	sadd.s32 $0x100, s5  }
0x62: {  	[tilespmem:s3], [sflag:$0x3] =	stream.linear.gather [hbm4b:s24+s3], $0x800, $0x38;
	[tilespmem:$0x1C800] =	vst v63  }
0x63: {  	p0 =	sne.s32 s5, $0x900;
	_ =	swait.ge [sflag:s10], $0x800  }
0x64: {  	[sflag:s10] =	ssyncset.done $0x0  }
0x65: {  	[sflag:s10] =	ssyncadd.s32 $0xFFFFF800  }
0x66: {  	[tilespmem:s12], [sflag:$0x1] =	stream.indirect.gather [hbm4b:s4+s11], $0x80, s3, s11, $0xb8;
	[tilespmem:$0x1C800] =	vst v63  }
0x67: {  	_ = 	snop  }
0x68: {  	[tilespmem:s14], [sflag:$0x2] =	stream.indirect.gather [hbm4b:s4+s11], $0x80, s13, s11, $0xb8;
	[tilespmem:$0x1C800] =	vst v63  }
0x69: {  	_ =	swait.ge [sflag:s15], $0x4000  }
0x6a: {  	[sflag:s15] =	ssyncset.done $0x0  }
0x6b: {  	[sflag:s15] =	ssyncadd.s32 $0xFFFFC000  }
0x6c: {  	[spmem:s1] =	stream.indirect.scatter.add.f32 [tilespmem:s12], [sflag:$0x3], $0x80, s11, s11, $0xb8;
	[tilespmem:$0x1C800] =	vst v63  }
0x6d: {  	_ =	swait.ge [sflag:s10], $0x4000  }
0x6e: {  	[sflag:s10] =	ssyncset.done $0x0  }
0x6f: {  	[sflag:s10] =	ssyncadd.s32 $0xFFFFC000  }
0x70: {  	[tilespmem:s12], [sflag:$0x1] =	stream.indirect.gather [hbm4b:s4+s11], $0x80, s16, s11, $0xb8;
	[tilespmem:$0x1C800] =	vst v63  }
0x71: {  	_ =	swait.ge [sflag:s17], $0x4000  }
0x72: {  	[sflag:s17] =	ssyncset.done $0x0  }
0x73: {  	[sflag:s17] =	ssyncadd.s32 $0xFFFFC000  }
0x74: {  	[spmem:s1] =	stream.indirect.scatter.add.f32 [tilespmem:s14], [sflag:$0x3], $0x80, s18, s11, $0xb8;
	[tilespmem:$0x1C800] =	vst v63  }
0x75: {  	_ =	swait.ge [sflag:s10], $0x4000  }
0x76: {  	[sflag:s10] =	ssyncset.done $0x0  }
0x77: {  	[sflag:s10] =	ssyncadd.s32 $0xFFFFC000  }
0x78: {  	[tilespmem:s14], [sflag:$0x2] =	stream.indirect.gather [hbm4b:s4+s11], $0x80, s19, s11, $0xb8;
	[tilespmem:$0x1C800] =	vst v63  }
0x79: {  	_ =	swait.ge [sflag:s15], $0x4000  }
0x7a: {  	[sflag:s15] =	ssyncset.done $0x0  }
0x7b: {  	[sflag:s15] =	ssyncadd.s32 $0xFFFFC000  }
0x7c: {  	[spmem:s1] =	stream.indirect.scatter.add.f32 [tilespmem:s12], [sflag:$0x3], $0x80, s20, s11, $0xb8;
	[tilespmem:$0x1C800] =	vst v63  }
0x7d: {  	_ =	swait.ge [sflag:s10], $0x4000  }
0x7e: {  	[sflag:s10] =	ssyncset.done $0x0  }
0x7f: {  	[sflag:s10] =	ssyncadd.s32 $0xFFFFC000  }
0x80: {  	[tilespmem:s12], [sflag:$0x1] =	stream.indirect.gather [hbm4b:s4+s11], $0x80, s21, s11, $0xb8;
	[tilespmem:$0x1C800] =	vst v63  }
0x81: {  	_ =	swait.ge [sflag:s17], $0x4000  }
0x82: {  	[sflag:s17] =	ssyncset.done $0x0  }
0x83: {  	[sflag:s17] =	ssyncadd.s32 $0xFFFFC000  }
0x84: {  	[spmem:s1] =	stream.indirect.scatter.add.f32 [tilespmem:s14], [sflag:$0x3], $0x80, s22, s11, $0xb8;
	[tilespmem:$0x1C800] =	vst v63  }
0x85: {  	_ =	swait.ge [sflag:s10], $0x4000  }
0x86: {  	[sflag:s10] =	ssyncset.done $0x0  }
0x87: {  	[sflag:s10] =	ssyncadd.s32 $0xFFFFC000  }
0x88: {  	[tilespmem:s14], [sflag:$0x2] =	stream.indirect.gather [hbm4b:s4+s11], $0x80, s23, s11, $0xb8;
	[tilespmem:$0x1C800] =	vst v63  }
0x89: {  	_ =	swait.ge [sflag:s15], $0x4000  }
0x8a: {  	[sflag:s15] =	ssyncset.done $0x0  }
0x8b: {  	[sflag:s15] =	ssyncadd.s32 $0xFFFFC000  }
0x8c: {  	[spmem:s1] =	stream.indirect.scatter.add.f32 [tilespmem:s12], [sflag:$0x3], $0x80, s25, s11, $0xb8;
	[tilespmem:$0x1C800] =	vst v63  }
0x8d: {  	_ =	swait.ge [sflag:s10], $0x4000  }
0x8e: {  	[sflag:s10] =	ssyncset.done $0x0  }
0x8f: {  	[sflag:s10] =	ssyncadd.s32 $0xFFFFC000  }
0x90: {  	[tilespmem:s12], [sflag:$0x1] =	stream.indirect.gather [hbm4b:s4+s11], $0x80, s26, s11, $0xb8;
	[tilespmem:$0x1C800] =	vst v63  }
0x91: {  	_ =	swait.ge [sflag:s17], $0x4000  }
0x92: {  	[sflag:s17] =	ssyncset.done $0x0  }
0x93: {  	[sflag:s17] =	ssyncadd.s32 $0xFFFFC000  }
0x94: {  	[spmem:s1] =	stream.indirect.scatter.add.f32 [tilespmem:s14], [sflag:$0x3], $0x80, s28, s11, $0xb8;
	[tilespmem:$0x1C800] =	vst v63  }
0x95: {  	_ =	swait.ge [sflag:s10], $0x4000  }
0x96: {  	[sflag:s10] =	ssyncset.done $0x0  }
0x97: {  	[sflag:s10] =	ssyncadd.s32 $0xFFFFC000  }
0x98: {  	[tilespmem:s14], [sflag:$0x2] =	stream.indirect.gather [hbm4b:s4+s11], $0x80, s29, s11, $0xb8;
	[tilespmem:$0x1C800] =	vst v63  }
0x99: {  	_ =	swait.ge [sflag:s15], $0x4000  }
0x9a: {  	[sflag:s15] =	ssyncset.done $0x0  }
0x9b: {  	[sflag:s15] =	ssyncadd.s32 $0xFFFFC000  }
0x9c: {  	[spmem:s1] =	stream.indirect.scatter.add.f32 [tilespmem:s12], [sflag:$0x3], $0x80, s30, s11, $0xb8;
	[tilespmem:$0x1C800] =	vst v63  }
0x9d: {  	_ =	swait.ge [sflag:s10], $0x4000  }
0x9e: {  	[sflag:s10] =	ssyncset.done $0x0  }
0x9f: {  	[sflag:s10] =	ssyncadd.s32 $0xFFFFC000  }
0xa0: {  	_ =	swait.ge [sflag:s17], $0x4000  }
.Ltmp0:
0xa1: {  	[sflag:s17] =	ssyncset.done $0x0;
	(pc) =	sbr.rel @p0 .LBB2_2-.Ltmp0, $4  }
0xa2: {  	[sflag:s17] =	ssyncadd.s32 $0xFFFFC000  }
0xa3: {  	[spmem:s1] =	stream.indirect.scatter.add.f32 [tilespmem:s14], [sflag:$0x3], $0x80, s31, s11, $0xb8;
	[tilespmem:$0x1C800] =	vst v63  }
0xa4: {  	_ =	swait.ge [sflag:s10], $0x4000  }
0xa5: {  	s5 =	smov.u32 s6;
	[sflag:s10] =	ssyncset.done $0x0  }
0xa6: {  	s2 =	sadd.s32 s2, s8;
	[sflag:s10] =	ssyncadd.s32 $0xFFFFC000  }
0xa7: {  	[tilespmem:s3], [sflag:$0x3] =	stream.linear.gather [hbm4b:s2+s3], $0x800, $0x38;
	[tilespmem:$0x1C800] =	vst v63  }
0xa8: {  	_ =	swait.ge [sflag:s10], $0x800  }
0xa9: {  	[sflag:s10] =	ssyncset.done $0x0  }
0xaa: {  	[sflag:s10] =	ssyncadd.s32 $0xFFFFF800  }
0xab: {  	[tilespmem:s12], [sflag:$0x1] =	stream.indirect.gather [hbm4b:s4+s11], $0x80, s3, s11, $0xb8;
	[tilespmem:$0x1C800] =	vst v63  }
0xac: {  	_ = 	snop  }
0xad: {  	[tilespmem:s14], [sflag:$0x2] =	stream.indirect.gather [hbm4b:s4+s11], $0x80, s13, s11, $0xb8;
	[tilespmem:$0x1C800] =	vst v63  }
0xae: {  	_ =	swait.ge [sflag:s15], $0x4000  }
0xaf: {  	[sflag:s15] =	ssyncset.done $0x0  }
0xb0: {  	[sflag:s15] =	ssyncadd.s32 $0xFFFFC000  }
0xb1: {  	[spmem:s1] =	stream.indirect.scatter.add.f32 [tilespmem:s12], [sflag:$0x3], $0x80, s11, s11, $0xb8;
	[tilespmem:$0x1C800] =	vst v63  }
0xb2: {  	_ =	swait.ge [sflag:s10], $0x4000  }
0xb3: {  	[sflag:s10] =	ssyncset.done $0x0  }
0xb4: {  	[sflag:s10] =	ssyncadd.s32 $0xFFFFC000  }
0xb5: {  	[tilespmem:s12], [sflag:$0x1] =	stream.indirect.gather [hbm4b:s4+s11], $0x80, s16, s11, $0xb8;
	[tilespmem:$0x1C800] =	vst v63  }
0xb6: {  	_ =	swait.ge [sflag:s17], $0x4000  }
0xb7: {  	[sflag:s17] =	ssyncset.done $0x0  }
0xb8: {  	[sflag:s17] =	ssyncadd.s32 $0xFFFFC000  }
0xb9: {  	[spmem:s1] =	stream.indirect.scatter.add.f32 [tilespmem:s14], [sflag:$0x3], $0x80, s18, s11, $0xb8;
	[tilespmem:$0x1C800] =	vst v63  }
0xba: {  	_ =	swait.ge [sflag:s10], $0x4000  }
0xbb: {  	[sflag:s10] =	ssyncset.done $0x0  }
0xbc: {  	[sflag:s10] =	ssyncadd.s32 $0xFFFFC000  }
0xbd: {  	[tilespmem:s14], [sflag:$0x2] =	stream.indirect.gather [hbm4b:s4+s11], $0x80, s19, s11, $0xb8;
	[tilespmem:$0x1C800] =	vst v63  }
0xbe: {  	_ =	swait.ge [sflag:s15], $0x4000  }
0xbf: {  	[sflag:s15] =	ssyncset.done $0x0  }
0xc0: {  	[sflag:s15] =	ssyncadd.s32 $0xFFFFC000  }
0xc1: {  	[spmem:s1] =	stream.indirect.scatter.add.f32 [tilespmem:s12], [sflag:$0x3], $0x80, s20, s11, $0xb8;
	[tilespmem:$0x1C800] =	vst v63  }
0xc2: {  	_ =	swait.ge [sflag:s10], $0x4000  }
0xc3: {  	[sflag:s10] =	ssyncset.done $0x0  }
0xc4: {  	[sflag:s10] =	ssyncadd.s32 $0xFFFFC000  }
0xc5: {  	[tilespmem:s12], [sflag:$0x1] =	stream.indirect.gather [hbm4b:s4+s11], $0x80, s21, s11, $0xb8;
	[tilespmem:$0x1C800] =	vst v63  }
0xc6: {  	_ =	swait.ge [sflag:s17], $0x4000  }
0xc7: {  	[sflag:s17] =	ssyncset.done $0x0  }
0xc8: {  	[sflag:s17] =	ssyncadd.s32 $0xFFFFC000  }
0xc9: {  	[spmem:s1] =	stream.indirect.scatter.add.f32 [tilespmem:s14], [sflag:$0x3], $0x80, s22, s11, $0xb8;
	[tilespmem:$0x1C800] =	vst v63  }
0xca: {  	_ =	swait.ge [sflag:s10], $0x4000  }
0xcb: {  	[sflag:s10] =	ssyncset.done $0x0  }
0xcc: {  	[sflag:s10] =	ssyncadd.s32 $0xFFFFC000  }
0xcd: {  	[tilespmem:s14], [sflag:$0x2] =	stream.indirect.gather [hbm4b:s4+s11], $0x80, s23, s11, $0xb8;
	[tilespmem:$0x1C800] =	vst v63  }
0xce: {  	_ =	swait.ge [sflag:s15], $0x4000  }
0xcf: {  	[sflag:s15] =	ssyncset.done $0x0  }
0xd0: {  	[sflag:s15] =	ssyncadd.s32 $0xFFFFC000  }
0xd1: {  	[spmem:s1] =	stream.indirect.scatter.add.f32 [tilespmem:s12], [sflag:$0x3], $0x80, s25, s11, $0xb8;
	[tilespmem:$0x1C800] =	vst v63  }
0xd2: {  	_ =	swait.ge [sflag:s10], $0x4000  }
0xd3: {  	[sflag:s10] =	ssyncset.done $0x0  }
0xd4: {  	[sflag:s10] =	ssyncadd.s32 $0xFFFFC000  }
0xd5: {  	[tilespmem:s12], [sflag:$0x1] =	stream.indirect.gather [hbm4b:s4+s11], $0x80, s26, s11, $0xb8;
	[tilespmem:$0x1C800] =	vst v63  }
0xd6: {  	_ =	swait.ge [sflag:s17], $0x4000  }
0xd7: {  	[sflag:s17] =	ssyncset.done $0x0  }
0xd8: {  	[sflag:s17] =	ssyncadd.s32 $0xFFFFC000  }
0xd9: {  	[spmem:s1] =	stream.indirect.scatter.add.f32 [tilespmem:s14], [sflag:$0x3], $0x80, s28, s11, $0xb8;
	[tilespmem:$0x1C800] =	vst v63  }
0xda: {  	_ =	swait.ge [sflag:s10], $0x4000  }
0xdb: {  	[sflag:s10] =	ssyncset.done $0x0  }
0xdc: {  	[sflag:s10] =	ssyncadd.s32 $0xFFFFC000  }
0xdd: {  	[tilespmem:s14], [sflag:$0x2] =	stream.indirect.gather [hbm4b:s4+s11], $0x80, s29, s11, $0xb8;
	[tilespmem:$0x1C800] =	vst v63  }
0xde: {  	_ =	swait.ge [sflag:s15], $0x4000  }
0xdf: {  	[sflag:s15] =	ssyncset.done $0x0  }
0xe0: {  	[sflag:s15] =	ssyncadd.s32 $0xFFFFC000  }
0xe1: {  	[spmem:s1] =	stream.indirect.scatter.add.f32 [tilespmem:s12], [sflag:$0x3], $0x80, s30, s11, $0xb8;
	[tilespmem:$0x1C800] =	vst v63  }
0xe2: {  	_ =	swait.ge [sflag:s10], $0x4000  }
0xe3: {  	[sflag:s10] =	ssyncset.done $0x0  }
0xe4: {  	[sflag:s10] =	ssyncadd.s32 $0xFFFFC000  }
0xe5: {  	_ =	swait.ge [sflag:s17], $0x4000  }
0xe6: {  	[sflag:s17] =	ssyncset.done $0x0  }
0xe7: {  	[sflag:s17] =	ssyncadd.s32 $0xFFFFC000  }
0xe8: {  	[spmem:s1] =	stream.indirect.scatter.add.f32 [tilespmem:s14], [sflag:$0x3], $0x80, s31, s11, $0xb8;
	[tilespmem:$0x1C800] =	vst v63  }
0xe9: {  	_ =	swait.ge [sflag:s10], $0x4000  }
0xea: {  	[sflag:s10] =	ssyncset.done $0x0  }
0xeb: {  	[sflag:s10] =	ssyncadd.s32 $0xFFFFC000  }
0xec: {  	[bflag:$0x0] =	sbarrier.arrive $0xFFFF  }
0xed: {  	s6 =	rddreg [dreg:$0x5]  }
0xee: {  	[hbm:s6], [sflag:s7] =	dma.local [spmem:s9], $0x2800  }
0xef: {  	_ =	swait.ge [sflag:s10], $0x2800  }
0xf0: {  	s0 =	sadd.s32 $0x1, s0;
	s24 =	rddreg [dreg:$0x3]  }
0xf1: {  	p0 =	sne.s32 s0, s24  }
.Ltmp1:
0xf2: {  	_ = 	snop;
	(pc) =	sbr.rel @p0 .LBB2_1-.Ltmp1, $3  }
0xf3: {  	_ =	sdelay $0x1  }
0xf4: {  	[sflag:s10] =	ssyncset.done $0x0  }
0xf5: {  	[sflag:s10] =	ssyncadd.s32 $0xFFFFD800  }
0xf6: {  	_ =	sfence.sel $0x180000  }
0xf7: {  	[bflag:$0x0] =	sbarrier.arrive $0xFFFF  }
0xf8: {  	_ =	strace $0x9000004A  }
0xf9: {  	s0 =	stileid.u32;
	[bflag:$0x2] =	sbarrier.arrive $0xFFFF  }
0xfa: {  	p0 =	sne.s32 s0, $0x0;
	s0 =	rddreg [dreg:$0x2]  }
0xfb: {  	s0 =	sadd.s32 @!p0 $0x100000, s0  }
0xfc: {  	[sflag:s0] =	ssyncadd.tile.s32 @!p0 $0x1;
	_ =	shalt  }
.Lfunc_end2:
_tile_overlayer_lowered:
.L_overlay_start_2:
0xfd: {  	(tag) =	ssettag $0x2  }
0xfe: {  	s0 =	rddreg [dreg:$0x0];
	s2 =	stileid.u32  }
0xff: {  	s1 =	rddreg [dreg:$0x1];
	p0 =	sne.s32 s2, $0x0  }
0x100: {  	s3 =	rddreg [dreg:$0x2];
	[bflag:$0x3] =	sbarrier.arrive $0xFFFF;
	s2 =	simm.s32 @!p0 $0x1C03  }
0x101: {  	[timem:s3], [sflag:s2] =	dma.local @!p0 [hbm:s0], s1  }
0x102: {  	s0 =	simm.s32 @!p0 $0x3  }
0x103: {  	_ =	swait.ge @!p0 [sflag:s0], s1  }
0x104: {  	s1 =	ssub.s32 @!p0 $0x0, s1;
	[sflag:s0] =	ssyncset.done @!p0 $0x0  }
0x105: {  	[sflag:s0] =	ssyncadd.s32 @!p0 s1  }
0x106: {  	[bflag:$0x3] =	sbarrier.arrive $0xFFFF  }
0x107: {  	_ =	shalt  }

// kernel: kernel.15.cloned.1.call-start
scs
__scs_entry_jumppad:
0x0: {  	(pc) =	sbr.rel $0x88, $3  }
0x1: {  	(tag) =	ssettag $0x0;
	lr =	simm.s32 $0x1  }
0x2: {  	[smem:$0x3F91] =	sst lr;
	_ =	strace $0xD0000000  }
0x3: {  	_ = 	snop  }
0x4: {  	_ = 	snop  }
0x5: {  	_ = 	snop  }
0x6: {  	_ = 	snop  }
0x7: {  	_ = 	snop  }
__scs_overlays_trampoline_lowered:
0x8: {  	[smem:$0x3FA0] =	sst s0  }
0x9: {  	[smem:$0x3FA1] =	sst s1  }
0xa: {  	[smem:$0x3FA2] =	sst s2  }
0xb: {  	[smem:$0x3FA3] =	sst s3  }
0xc: {  	[smem:$0x3FA4] =	sst s4  }
0xd: {  	[smem:$0x3FA5] =	sst s5  }
0xe: {  	[smem:$0x3FA6] =	sst s6  }
0xf: {  	[smem:$0x3FA7] =	sst s7  }
0x10: {  	[smem:$0x3FA8] =	sst s8  }
0x11: {  	[smem:$0x3FA9] =	sst s9;
	s0 =	simm.s32 @!p0 $0x0  }
0x12: {  	s1 =	sld [smem:$0x3F8F];
	s0 =	simm.s32 @p0 $0x1  }
0x13: {  	[smem:$0x3FAA] =	sst s0;
	s0 =	simm.s32 @!p1 $0x0  }
0x14: {  	s2 =	sld [smem:$0x3F8E];
	s0 =	simm.s32 @p1 $0x1  }
0x15: {  	[smem:$0x3FAB] =	sst s0;
	s0 =	simm.s32 @!p2 $0x0  }
0x16: {  	s3 =	sld [smem:$0x3FDB];
	s0 =	simm.s32 @p2 $0x1  }
0x17: {  	s4 =	simm.s32 $0x1BF5;
	[smem:$0x3FAD] =	sst s0  }
0x18: {  	s0 =	sld [smem:$0x3F90];
	_ =	swait.ge [sflag:s4], $0x0  }
0x19: {  	s7 =	sld [smem:$0x3F91]  }
0x1a: {  	s8 =	sadd.s32 $0xFFFFE003, lr  }
0x1b: {  	s9 =	sadd.s32 $0xFFFFFEF7, lr;
	s5 =	simm.s32 $0xFFFFFFFF;
	p2 =	slt.u32 s8, $0xFFFFF086  }
0x1c: {  	p1 =	slt.u32 s9, $0xF7A;
	s5 =	simm.s32 @!p2 $0x0  }
0x1d: {  	s5 =	simm.s32 @p1 $0x1;
	p0 =	seq.s32 s7, s2  }
0x1e: {  	s7 =	smul.u32 @!p0 $0xF7A, s2;
	p2 =	seq.s32 @!p0 s5, $0x0  }
0x1f: {  	s9 =	smul.u32 $0xF7A, s1;
	s8 =	simm.s32 @!p0 $0x1BF5;
	p2 =	por !p2, p0  }
0x20: {  	[sflag:s8] =	ssyncset.s32 @!p0 $0xFFFFF086;
	s6 =	sadd.s32 @!p0 s3, s7;
	s7 =	simm.s32 @!p0 $0x108  }
0x21: {  	s3 =	sadd.s32 s3, s9;
	s6 =	sadd.s32 @!p0 $0x88, s6;
	s7 =	simm.s32 @p2 $0x1082  }
0x22: {  	[simem:s7], [sflag:s8] =	dma.local @!p0 [hbm:s6], $0xF7A  }
0x23: {  	s9 =	sor.u32 $0xD0000000, s2;
	s6 =	simm.s32 $0x108;
	_ =	swait.ge @!p0 [sflag:s8], $0x0  }
0x24: {  	s3 =	sadd.s32 $0x88, s3;
	s6 =	simm.s32 @!p1 $0x1082;
	[sflag:s4] =	ssyncset.s32 $0xFFFFF086  }
0x25: {  	[simem:s6], [sflag:s4] =	dma.local [hbm:s3], $0xF7A  }
0x26: {  	[smem:$0x3F91] =	sst s1;
	(tag) =	ssettag s2;
	_ =	strace s9  }
0x27: {  	s1 =	sld [smem:$0x3FA1]  }
0x28: {  	s2 =	sld [smem:$0x3FA2]  }
0x29: {  	s4 =	sld [smem:$0x3FA4]  }
0x2a: {  	p0 =	seq.s32 s5, $0x0;
	s5 =	sld [smem:$0x3FA5]  }
0x2b: {  	s6 =	sld [smem:$0x3FA6]  }
0x2c: {  	s7 =	sld [smem:$0x3FA7]  }
0x2d: {  	s3 =	simm.s32 $0x108;
	s8 =	sld [smem:$0x3FA8]  }
0x2e: {  	s3 =	simm.s32 @!p0 $0x1082;
	s9 =	sld [smem:$0x3FA9]  }
0x2f: {  	lr =	sadd.s32 s0, s3;
	s0 =	sld [smem:$0x3FA0]  }
0x30: {  	s3 =	sld [smem:$0x3FA3]  }
0x31: {  	[smem:$0x3FAC] =	sst s10  }
0x32: {  	s10 =	sld [smem:$0x3FAA];
	_ =	sdelay $0x3  }
0x33: {  	p0 =	seq.s32 s10, $0x1;
	s10 =	sld [smem:$0x3FAC];
	_ =	sdelay $0x3  }
0x34: {  	[smem:$0x3FAC] =	sst s10  }
0x35: {  	s10 =	sld [smem:$0x3FAB];
	_ =	sdelay $0x3  }
0x36: {  	p1 =	seq.s32 s10, $0x1;
	s10 =	sld [smem:$0x3FAC];
	_ =	sdelay $0x3  }
0x37: {  	[smem:$0x3FAC] =	sst s10  }
0x38: {  	s10 =	sld [smem:$0x3FAD]  }
0x39: {  	_ = 	snop;
	(pc) =	sbr.ind lr, $3  }
0x3a: {  	_ = 	snop  }
0x3b: {  	_ = 	snop  }
0x3c: {  	p2 =	seq.s32 s10, $0x1;
	s10 =	sld [smem:$0x3FAC]  }
0x3d: {  	_ =	shalt  }
0x3e: {  	_ =	shalt  }
0x3f: {  	_ =	shalt  }
0x40: {  	_ =	shalt  }
0x41: {  	_ =	shalt  }
0x42: {  	_ =	shalt  }
0x43: {  	_ =	shalt  }
0x44: {  	_ =	shalt  }
0x45: {  	_ =	shalt  }
0x46: {  	_ =	shalt  }
0x47: {  	_ =	shalt  }
0x48: {  	_ =	shalt  }
0x49: {  	_ =	shalt  }
0x4a: {  	_ =	shalt  }
0x4b: {  	_ =	shalt  }
0x4c: {  	_ =	shalt  }
0x4d: {  	_ =	shalt  }
0x4e: {  	_ =	shalt  }
0x4f: {  	_ =	shalt  }
0x50: {  	_ =	shalt  }
0x51: {  	_ =	shalt  }
0x52: {  	_ =	shalt  }
0x53: {  	_ =	shalt  }
0x54: {  	_ =	shalt  }
0x55: {  	_ =	shalt  }
0x56: {  	_ =	shalt  }
0x57: {  	_ =	shalt  }
0x58: {  	_ =	shalt  }
0x59: {  	_ =	shalt  }
0x5a: {  	_ =	shalt  }
0x5b: {  	_ =	shalt  }
0x5c: {  	_ =	shalt  }
0x5d: {  	_ =	shalt  }
0x5e: {  	_ =	shalt  }
0x5f: {  	_ =	shalt  }
0x60: {  	_ =	shalt  }
0x61: {  	_ =	shalt  }
0x62: {  	_ =	shalt  }
0x63: {  	_ =	shalt  }
0x64: {  	_ =	shalt  }
0x65: {  	_ =	shalt  }
0x66: {  	_ =	shalt  }
0x67: {  	_ =	shalt  }
0x68: {  	_ =	shalt  }
0x69: {  	_ =	shalt  }
0x6a: {  	_ =	shalt  }
0x6b: {  	_ =	shalt  }
0x6c: {  	_ =	shalt  }
0x6d: {  	_ =	shalt  }
0x6e: {  	_ =	shalt  }
0x6f: {  	_ =	shalt  }
0x70: {  	_ =	shalt  }
0x71: {  	_ =	shalt  }
0x72: {  	_ =	shalt  }
0x73: {  	_ =	shalt  }
0x74: {  	_ =	shalt  }
0x75: {  	_ =	shalt  }
0x76: {  	_ =	shalt  }
0x77: {  	_ =	shalt  }
0x78: {  	_ =	shalt  }
0x79: {  	_ =	shalt  }
0x7a: {  	_ =	shalt  }
0x7b: {  	_ =	shalt  }
0x7c: {  	_ =	shalt  }
0x7d: {  	_ =	shalt  }
0x7e: {  	_ =	shalt  }
0x7f: {  	_ =	shalt  }
0x80: {  	_ =	shalt  }
0x81: {  	_ =	shalt  }
0x82: {  	_ =	shalt  }
0x83: {  	_ =	shalt  }
0x84: {  	_ =	shalt  }
0x85: {  	_ =	shalt  }
0x86: {  	_ =	shalt  }
0x87: {  	_ =	shalt  }
.Lfunc_end0:
.L_simem_size_0:
called_computation.2_lowered:
.L_overlay_start_0:
0x88: {  	s2 =	sld [smem:$0x3FD9]  }
0x89: {  	s3 =	sld [smem:$0x3FFE];
	_ =	sdelay $0x1  }
0x8a: {  	s1 =	srdreg.scid  }
0x8b: {  	s0 =	sand.u32 $0x1, s1  }
0x8c: {  	s16 =	sshll.u32 s0, $0xA;
	s2 =	sadd.s32 s3, s2  }
0x8d: {  	s2 =	sadd.s32 s2, s16  }
0x8e: {  	[smem:$0x3FB8] =	sst s2  }
0x8f: {  	_ = 	snop  }
0x90: {  	(tm) =	ssettm $0x1  }
0x91: {  	s17 =	sld [smem:$0x3FFB];
	_ =	sdelay $0x3  }
0x92: {  	_ =	strace s17  }
0x93: {  	s2 =	sld [smem:$0x3FFC];
	_ =	sdelay $0x3  }
0x94: {  	_ =	strace s2  }
0x95: {  	s2 =	sld [smem:$0x3FFD];
	_ =	sdelay $0x3  }
0x96: {  	_ =	strace s2  }
0x97: {  	_ =	strace $0x8FFFFFFF  }
0x98: {  	s18 =	sld [smem:$0x3FDB];
	_ =	sdelay $0x1  }
0x99: {  	s19 =	simm.s32 $_scs_section_size  }
0x9a: {  	s4 =	simm.s32 $_size__tile_overlayer_lowered;
	s5 =	simm.s32 $_tile_overlayer_lowered  }
0x9b: {  	s22 =	simm.s32 $0x1BFF;
	s21 =	sshll.u32 s5, $0x1;
	s2 =	sadd.s32 s19, s18  }
0x9c: {  	s6 =	simm.s32 $0x0;
	s20 =	sshll.u32 s4, $0x1;
	s4 =	sadd.s32 s21, s2  }
0x9d: {  	[timem:s6], [sflag:s22] =	dma.local [hbm:s4], s20  }
0x9e: {  	_ =	swait.ge [sflag:s22], s20  }
0x9f: {  	s3 =	ssub.s32 $0x0, s20;
	[sflag:s22] =	ssyncset.done $0x0  }
0xa0: {  	[sflag:s22] =	ssyncadd.s32 s3;
	_ =	sdelay $0x1  }
0xa1: {  	s23 =	simm.s32 $0x1B8B  }
0xa2: {  	_ =	swait.ge [sflag:s23], $0x1  }
0xa3: {  	[sflag:s23] =	ssyncset.done $0x0  }
0xa4: {  	s25 =	simm.s32 $0x1B8E;
	s24 =	sld [smem:$0x3FFE];
	[sflag:s23] =	ssyncadd.s32 $0xFFFFFFFF  }
0xa5: {  	s26 =	simm.s32 $execute0_lowered;
	[smem:$0x3FD2] =	sst s25  }
0xa6: {  	s4 =	sshll.u32 s26, $0x1;
	_ =	strace $0x8000004C;
	[dreg:$0x1] =	wrdreg $0xFFFFFFFF  }
0xa7: {  	s28 =	simm.s32 $_size_execute0_lowered;
	s2 =	sadd.s32 s2, s4;
	[dreg:$0x0] =	wrdreg $0x0  }
0xa8: {  	s4 =	sshll.u32 s28, $0x1;
	[dreg:$0x2] =	wrdreg s2  }
0xa9: {  	[dreg:$0x3] =	wrdreg s4  }
0xaa: {  	[dreg:$0x4] =	wrdreg $0xC0  }
0xab: {  	_ =	task [dreg:s6], $0x5FFFF  }
0xac: {  	[dreg:$0x1] =	wrdreg $0xFFFFFFFF  }
0xad: {  	[dreg:$0x0] =	wrdreg $0x60  }
0xae: {  	[dreg:$0x2] =	wrdreg s24  }
0xaf: {  	[dreg:$0x3] =	wrdreg $0x88000  }
0xb0: {  	[dreg:$0x4] =	wrdreg $0x9  }
0xb1: {  	_ =	task.clear_ibuf [dreg:s6], $0x5FFFF;
	_ =	strace $0x9000004C  }
0xb2: {  	s29 =	simm.s32 $0x9;
	_ =	strace $0x8000004E  }
0xb3: {  	_ =	swait.ge [sflag:s29], $0x1  }
0xb4: {  	[sflag:s29] =	ssyncadd.s32 $0xFFFFFFFF  }
0xb5: {  	_ =	strace $0x9000004E  }
0xb6: {  	_ =	sfence  }
0xb7: {  	s30 =	sld [smem:$0x0];
	_ =	sdelay $0x2  }
0xb8: {  	s31 =	sshll.u32 s1, $0xD;
	s1 =	sshrl.u32 s1, $0x2  }
0xb9: {  	s3 =	sand.u32 $0x4000, s31;
	s1 =	sadd.s32 s1, s30  }
0xba: {  	s0 =	sor.u32 s3, s0;
	s1 =	sshll.u32 s1, $0x11  }
0xbb: {  	s0 =	sor.u32 s1, s0  }
0xbc: {  	s0 =	sadd.s32 $0x8F2B, s0  }
0xbd: {  	[sflag:s0] =	ssyncadd.remote.s32 $0x1  }
0xbe: {  	_ =	sfence.sel $0xFFFF  }
0xbf: {  	[dreg:$0x0] =	wrdreg $0xFFFFFFFF;
	(pc) =	sbr.abs _section_cstart, $3  }
0xc0: {  	[dreg:$0x1] =	wrdreg $0xFFFFFFFF  }
0xc1: {  	_ =	task.clear_ibuf [dreg:s6], $0x2FFFF;
	_ =	strace $0x9FFFFFFF  }
0xc2: {  	(tm) =	ssettm $0x7FFFFFFF  }
0xc3: {  	_ =	shalt  }
tec
execute0_lowered:
.L_overlay_start_1:
0x0: {  	(tag) =	ssettag $0x1  }
0x1: {  	s0 =	rddreg [dreg:$0x0]  }
0x2: {  	s2 =	rddreg [dreg:$0x1];
	s3 =	simm.s32 $0x0;
	s10 =	stileid.u32  }
0x3: {  	s1 =	srdreg.scid;
	s12 =	simm.s32 $0x3;
	s13 =	simm.s32 $0x80  }
0x4: {  	s14 =	simm.s32 $0x800;
	s15 =	simm.s32 $0x100;
	s16 =	simm.s32 $0x4800  }
0x5: {  	s17 =	simm.s32 $0x1;
	s18 =	simm.s32 $0x200;
	s19 =	simm.s32 $0x2  }
0x6: {  	s20 =	simm.s32 $0x180;
	s21 =	simm.s32 $0x300;
	s28 =	simm.s32 $0x480  }
0x7: {  	s29 =	simm.s32 $0x600;
	s30 =	simm.s32 $0x580;
	s31 =	simm.s32 $0x700  }
0x8: {  	[smem:$0x7FF] =	sst s3;
	s6 =	smul.u32 $0x1400, s10;
	s1 =	sand.u32 $0x1, s1  }
0x9: {  	s4 =	sadd.s32 $0x18000, s0;
	s5 =	sadd.s32 $0x40000, s0;
	s8 =	smul.u32 $0x50000, s10  }
0xa: {  	s24 =	smul.u32 $0x2800, s10;
	s26 =	sshll.u32 s10, $0x6;
	_ =	strace $0x8000004D  }
0xb: {  	s7 =	smul.u32 $0x28000, s1;
	s9 =	ssub.s32 $0x2, s1;
	p0 =	sne.s32 s1, $0x0  }
0xc: {  	s10 =	sor.u32 $0x1C03, s26;
	s26 =	simm.s32 $0x500;
	s1 =	simm.s32 $0x780  }
0xd: {  	s6 =	sadd.s32 s6, s0;
	s22 =	sshrl.u32 s9, $0x1;
	s8 =	sshrl.u32 s8, $0x2  }
0xe: {  	s23 =	sadd.s32 s5, s24;
	s25 =	sadd.s32 s4, s24;
	[dreg:$0x6] =	wrdreg s10  }
0xf: {  	s0 =	sadd.s32 s7, s0;
	s7 =	ssub.s32 s9, s22;
	[dreg:$0x3] =	wrdreg s23  }
.Ltmp0:
0x10: {  	s8 =	sadd.s32 s8, s2;
	[dreg:$0x4] =	wrdreg s25;
	(pc) =	sbr.rel .LBB2_1-.Ltmp0, $4  }
0x11: {  	s9 =	sadd.s32 $0x4000, s6;
	s22 =	simm.s32 $0x280;
	s23 =	simm.s32 $0x400  }
0x12: {  	s25 =	simm.s32 $0x380;
	s0 =	sadd.s32 $0x68000, s0;
	s7 =	smax.u32 s7, $0x1  }
0x13: {  	s6 =	simm.s32 $0x0;
	[dreg:$0x5] =	wrdreg s7;
	s0 =	sadd.s32 s24, s0  }
0x14: {  	s11 =	sshrl.u32 s8, $0x3;
	[dreg:$0x7] =	wrdreg s0;
	s0 =	simm.s32 $0x680  }
.LBB2_7:
0x15: {  	s7 =	sadd.s32 s7, s9;
	[sflag:s12] =	ssyncadd.s32 $0xFFFFC000  }
0x16: {  	[tilespmem:s3], [sflag:$0x3] =	stream.linear.gather [hbm4b:s7+s3], $0x800, $0x38;
	[tilespmem:$0x1C800] =	vst v63  }
0x17: {  	_ =	swait.ge [sflag:s12], $0x800  }
0x18: {  	[sflag:s12] =	ssyncset.done $0x0  }
0x19: {  	[sflag:s12] =	ssyncadd.s32 $0xFFFFF800  }
0x1a: {  	[tilespmem:s14], [sflag:$0x1] =	stream.indirect.gather [hbm4b:s5+s13], $0x80, s3, s13, $0xb8;
	[tilespmem:$0x1C800] =	vst v63  }
0x1b: {  	_ = 	snop  }
0x1c: {  	[tilespmem:s16], [sflag:$0x2] =	stream.indirect.gather [hbm4b:s5+s13], $0x80, s15, s13, $0xb8;
	[tilespmem:$0x1C800] =	vst v63  }
0x1d: {  	_ =	swait.ge [sflag:s17], $0x4000  }
0x1e: {  	[sflag:s17] =	ssyncset.done $0x0  }
0x1f: {  	[sflag:s17] =	ssyncadd.s32 $0xFFFFC000  }
0x20: {  	[spmem:s2] =	stream.indirect.scatter.add.f32 [tilespmem:s14], [sflag:$0x3], $0x80, s13, s13, $0xb8;
	[tilespmem:$0x1C800] =	vst v63  }
0x21: {  	_ =	swait.ge [sflag:s12], $0x4000  }
0x22: {  	[sflag:s12] =	ssyncset.done $0x0  }
0x23: {  	[sflag:s12] =	ssyncadd.s32 $0xFFFFC000  }
0x24: {  	[tilespmem:s14], [sflag:$0x1] =	stream.indirect.gather [hbm4b:s5+s13], $0x80, s18, s13, $0xb8;
	[tilespmem:$0x1C800] =	vst v63  }
0x25: {  	_ =	swait.ge [sflag:s19], $0x4000  }
0x26: {  	[sflag:s19] =	ssyncset.done $0x0  }
0x27: {  	[sflag:s19] =	ssyncadd.s32 $0xFFFFC000  }
0x28: {  	[spmem:s2] =	stream.indirect.scatter.add.f32 [tilespmem:s16], [sflag:$0x3], $0x80, s20, s13, $0xb8;
	[tilespmem:$0x1C800] =	vst v63  }
0x29: {  	_ =	swait.ge [sflag:s12], $0x4000  }
0x2a: {  	[sflag:s12] =	ssyncset.done $0x0  }
0x2b: {  	[sflag:s12] =	ssyncadd.s32 $0xFFFFC000  }
0x2c: {  	[tilespmem:s16], [sflag:$0x2] =	stream.indirect.gather [hbm4b:s5+s13], $0x80, s21, s13, $0xb8;
	[tilespmem:$0x1C800] =	vst v63  }
0x2d: {  	_ =	swait.ge [sflag:s17], $0x4000  }
0x2e: {  	[sflag:s17] =	ssyncset.done $0x0  }
0x2f: {  	[sflag:s17] =	ssyncadd.s32 $0xFFFFC000  }
0x30: {  	[spmem:s2] =	stream.indirect.scatter.add.f32 [tilespmem:s14], [sflag:$0x3], $0x80, s22, s13, $0xb8;
	[tilespmem:$0x1C800] =	vst v63  }
0x31: {  	_ =	swait.ge [sflag:s12], $0x4000  }
0x32: {  	[sflag:s12] =	ssyncset.done $0x0  }
0x33: {  	[sflag:s12] =	ssyncadd.s32 $0xFFFFC000  }
0x34: {  	[tilespmem:s14], [sflag:$0x1] =	stream.indirect.gather [hbm4b:s5+s13], $0x80, s23, s13, $0xb8;
	[tilespmem:$0x1C800] =	vst v63  }
0x35: {  	_ =	swait.ge [sflag:s19], $0x4000  }
0x36: {  	[sflag:s19] =	ssyncset.done $0x0  }
0x37: {  	[sflag:s19] =	ssyncadd.s32 $0xFFFFC000  }
0x38: {  	[spmem:s2] =	stream.indirect.scatter.add.f32 [tilespmem:s16], [sflag:$0x3], $0x80, s25, s13, $0xb8;
	[tilespmem:$0x1C800] =	vst v63  }
0x39: {  	_ =	swait.ge [sflag:s12], $0x4000  }
0x3a: {  	[sflag:s12] =	ssyncset.done $0x0  }
0x3b: {  	[sflag:s12] =	ssyncadd.s32 $0xFFFFC000  }
0x3c: {  	[tilespmem:s16], [sflag:$0x2] =	stream.indirect.gather [hbm4b:s5+s13], $0x80, s26, s13, $0xb8;
	[tilespmem:$0x1C800] =	vst v63  }
0x3d: {  	_ =	swait.ge [sflag:s17], $0x4000  }
0x3e: {  	[sflag:s17] =	ssyncset.done $0x0  }
0x3f: {  	[sflag:s17] =	ssyncadd.s32 $0xFFFFC000  }
0x40: {  	[spmem:s2] =	stream.indirect.scatter.add.f32 [tilespmem:s14], [sflag:$0x3], $0x80, s28, s13, $0xb8;
	[tilespmem:$0x1C800] =	vst v63  }
0x41: {  	_ =	swait.ge [sflag:s12], $0x4000  }
0x42: {  	[sflag:s12] =	ssyncset.done $0x0  }
0x43: {  	[sflag:s12] =	ssyncadd.s32 $0xFFFFC000  }
0x44: {  	[tilespmem:s14], [sflag:$0x1] =	stream.indirect.gather [hbm4b:s5+s13], $0x80, s29, s13, $0xb8;
	[tilespmem:$0x1C800] =	vst v63  }
0x45: {  	_ =	swait.ge [sflag:s19], $0x4000  }
0x46: {  	[sflag:s19] =	ssyncset.done $0x0  }
0x47: {  	[sflag:s19] =	ssyncadd.s32 $0xFFFFC000  }
0x48: {  	[spmem:s2] =	stream.indirect.scatter.add.f32 [tilespmem:s16], [sflag:$0x3], $0x80, s30, s13, $0xb8;
	[tilespmem:$0x1C800] =	vst v63  }
0x49: {  	_ =	swait.ge [sflag:s12], $0x4000  }
0x4a: {  	[sflag:s12] =	ssyncset.done $0x0  }
0x4b: {  	[sflag:s12] =	ssyncadd.s32 $0xFFFFC000  }
0x4c: {  	[tilespmem:s16], [sflag:$0x2] =	stream.indirect.gather [hbm4b:s5+s13], $0x80, s31, s13, $0xb8;
	[tilespmem:$0x1C800] =	vst v63  }
0x4d: {  	_ =	swait.ge [sflag:s17], $0x4000  }
0x4e: {  	[sflag:s17] =	ssyncset.done $0x0  }
0x4f: {  	[sflag:s17] =	ssyncadd.s32 $0xFFFFC000  }
0x50: {  	[spmem:s2] =	stream.indirect.scatter.add.f32 [tilespmem:s14], [sflag:$0x3], $0x80, s0, s13, $0xb8;
	[tilespmem:$0x1C800] =	vst v63  }
0x51: {  	_ =	swait.ge [sflag:s12], $0x4000  }
0x52: {  	[sflag:s12] =	ssyncset.done $0x0  }
0x53: {  	[sflag:s12] =	ssyncadd.s32 $0xFFFFC000  }
0x54: {  	_ =	swait.ge [sflag:s19], $0x4000  }
0x55: {  	[sflag:s19] =	ssyncset.done $0x0  }
0x56: {  	[sflag:s19] =	ssyncadd.s32 $0xFFFFC000  }
0x57: {  	[spmem:s2] =	stream.indirect.scatter.add.f32 [tilespmem:s16], [sflag:$0x3], $0x80, s1, s13, $0xb8;
	[tilespmem:$0x1C800] =	vst v63  }
0x58: {  	_ =	swait.ge [sflag:s12], $0x4000  }
0x59: {  	[sflag:s12] =	ssyncset.done $0x0  }
0x5a: {  	[sflag:s12] =	ssyncadd.s32 $0xFFFFC000  }
.LBB2_8:
0x5b: {  	[bflag:$0x0] =	sbarrier.arrive $0xFFFF  }
0x5c: {  	s10 =	rddreg [dreg:$0x6]  }
0x5d: {  	s7 =	rddreg [dreg:$0x7]  }
0x5e: {  	[hbm:s7], [sflag:s10] =	dma.local [spmem:s11], $0x2800  }
0x5f: {  	_ =	swait.ge [sflag:s12], $0x2800  }
0x60: {  	s6 =	sadd.s32 $0x1, s6;
	s24 =	rddreg [dreg:$0x5]  }
0x61: {  	p1 =	sne.s32 s6, s24  }
.Ltmp1:
0x62: {  	_ = 	snop;
	(pc) =	sbr.rel @!p1 .LBB2_9-.Ltmp1, $3  }
0x63: {  	_ =	sdelay $0x1  }
0x64: {  	[sflag:s12] =	ssyncset.done $0x0  }
0x65: {  	[sflag:s12] =	ssyncadd.s32 $0xFFFFD800  }
.LBB2_1:
.Ltmp2:
0x66: {  	(pc) =	sbr.rel @p0 .LBB2_5-.Ltmp2, $1  }
0x67: {  	_ =	sdelay $0x3  }
0x68: {  	s7 =	rddreg [dreg:$0x4]  }
0x69: {  	[spmem:s11], [sflag:s10] =	dma.local [hbm:s7], $0x2800  }
0x6a: {  	_ =	swait.ge [sflag:s12], $0x2800  }
0x6b: {  	[sflag:s12] =	ssyncset.done $0x0  }
0x6c: {  	[sflag:s12] =	ssyncadd.s32 $0xFFFFD800  }
0x6d: {  	s24 =	sadd.s32 $0x0, s9;
	[bflag:$0x0] =	sbarrier.arrive $0xFFFF  }
0x6e: {  	[tilespmem:s3], [sflag:$0x3] =	stream.linear.gather [hbm4b:s24+s3], $0x800, $0x38;
	[tilespmem:$0x1C800] =	vst v63  }
0x6f: {  	_ =	swait.ge [sflag:s12], $0x800  }
0x70: {  	[sflag:s12] =	ssyncset.done $0x0  }
0x71: {  	[sflag:s12] =	ssyncadd.s32 $0xFFFFF800  }
0x72: {  	[tilespmem:s14], [sflag:$0x1] =	stream.indirect.gather [hbm4b:s4+s13], $0x80, s3, s13, $0xb8;
	[tilespmem:$0x1C800] =	vst v63  }
0x73: {  	_ = 	snop  }
0x74: {  	[tilespmem:s16], [sflag:$0x2] =	stream.indirect.gather [hbm4b:s4+s13], $0x80, s15, s13, $0xb8;
	[tilespmem:$0x1C800] =	vst v63  }
0x75: {  	_ =	swait.ge [sflag:s17], $0x4000  }
0x76: {  	[sflag:s17] =	ssyncset.done $0x0  }
0x77: {  	[sflag:s17] =	ssyncadd.s32 $0xFFFFC000  }
0x78: {  	[spmem:s2] =	stream.indirect.scatter.add.f32 [tilespmem:s14], [sflag:$0x3], $0x80, s13, s13, $0xb8;
	[tilespmem:$0x1C800] =	vst v63  }
0x79: {  	_ =	swait.ge [sflag:s12], $0x4000  }
0x7a: {  	[sflag:s12] =	ssyncset.done $0x0  }
0x7b: {  	[sflag:s12] =	ssyncadd.s32 $0xFFFFC000  }
0x7c: {  	[tilespmem:s14], [sflag:$0x1] =	stream.indirect.gather [hbm4b:s4+s13], $0x80, s18, s13, $0xb8;
	[tilespmem:$0x1C800] =	vst v63  }
0x7d: {  	_ =	swait.ge [sflag:s19], $0x4000  }
0x7e: {  	[sflag:s19] =	ssyncset.done $0x0  }
0x7f: {  	[sflag:s19] =	ssyncadd.s32 $0xFFFFC000  }
0x80: {  	[spmem:s2] =	stream.indirect.scatter.add.f32 [tilespmem:s16], [sflag:$0x3], $0x80, s20, s13, $0xb8;
	[tilespmem:$0x1C800] =	vst v63  }
0x81: {  	_ =	swait.ge [sflag:s12], $0x4000  }
0x82: {  	[sflag:s12] =	ssyncset.done $0x0  }
0x83: {  	[sflag:s12] =	ssyncadd.s32 $0xFFFFC000  }
0x84: {  	[tilespmem:s16], [sflag:$0x2] =	stream.indirect.gather [hbm4b:s4+s13], $0x80, s21, s13, $0xb8;
	[tilespmem:$0x1C800] =	vst v63  }
0x85: {  	_ =	swait.ge [sflag:s17], $0x4000  }
0x86: {  	[sflag:s17] =	ssyncset.done $0x0  }
0x87: {  	[sflag:s17] =	ssyncadd.s32 $0xFFFFC000  }
0x88: {  	[spmem:s2] =	stream.indirect.scatter.add.f32 [tilespmem:s14], [sflag:$0x3], $0x80, s22, s13, $0xb8;
	[tilespmem:$0x1C800] =	vst v63  }
0x89: {  	_ =	swait.ge [sflag:s12], $0x4000  }
0x8a: {  	[sflag:s12] =	ssyncset.done $0x0  }
0x8b: {  	[sflag:s12] =	ssyncadd.s32 $0xFFFFC000  }
0x8c: {  	[tilespmem:s14], [sflag:$0x1] =	stream.indirect.gather [hbm4b:s4+s13], $0x80, s23, s13, $0xb8;
	[tilespmem:$0x1C800] =	vst v63  }
0x8d: {  	_ =	swait.ge [sflag:s19], $0x4000  }
0x8e: {  	[sflag:s19] =	ssyncset.done $0x0  }
0x8f: {  	[sflag:s19] =	ssyncadd.s32 $0xFFFFC000  }
0x90: {  	[spmem:s2] =	stream.indirect.scatter.add.f32 [tilespmem:s16], [sflag:$0x3], $0x80, s25, s13, $0xb8;
	[tilespmem:$0x1C800] =	vst v63  }
0x91: {  	_ =	swait.ge [sflag:s12], $0x4000  }
0x92: {  	[sflag:s12] =	ssyncset.done $0x0  }
0x93: {  	[sflag:s12] =	ssyncadd.s32 $0xFFFFC000  }
0x94: {  	[tilespmem:s16], [sflag:$0x2] =	stream.indirect.gather [hbm4b:s4+s13], $0x80, s26, s13, $0xb8;
	[tilespmem:$0x1C800] =	vst v63  }
0x95: {  	_ =	swait.ge [sflag:s17], $0x4000  }
0x96: {  	[sflag:s17] =	ssyncset.done $0x0  }
0x97: {  	[sflag:s17] =	ssyncadd.s32 $0xFFFFC000  }
0x98: {  	[spmem:s2] =	stream.indirect.scatter.add.f32 [tilespmem:s14], [sflag:$0x3], $0x80, s28, s13, $0xb8;
	[tilespmem:$0x1C800] =	vst v63  }
0x99: {  	_ =	swait.ge [sflag:s12], $0x4000  }
0x9a: {  	[sflag:s12] =	ssyncset.done $0x0  }
0x9b: {  	[sflag:s12] =	ssyncadd.s32 $0xFFFFC000  }
0x9c: {  	[tilespmem:s14], [sflag:$0x1] =	stream.indirect.gather [hbm4b:s4+s13], $0x80, s29, s13, $0xb8;
	[tilespmem:$0x1C800] =	vst v63  }
0x9d: {  	_ =	swait.ge [sflag:s19], $0x4000  }
0x9e: {  	[sflag:s19] =	ssyncset.done $0x0  }
0x9f: {  	[sflag:s19] =	ssyncadd.s32 $0xFFFFC000  }
0xa0: {  	[spmem:s2] =	stream.indirect.scatter.add.f32 [tilespmem:s16], [sflag:$0x3], $0x80, s30, s13, $0xb8;
	[tilespmem:$0x1C800] =	vst v63  }
0xa1: {  	_ =	swait.ge [sflag:s12], $0x4000  }
0xa2: {  	[sflag:s12] =	ssyncset.done $0x0  }
0xa3: {  	[sflag:s12] =	ssyncadd.s32 $0xFFFFC000  }
0xa4: {  	[tilespmem:s16], [sflag:$0x2] =	stream.indirect.gather [hbm4b:s4+s13], $0x80, s31, s13, $0xb8;
	[tilespmem:$0x1C800] =	vst v63  }
0xa5: {  	_ =	swait.ge [sflag:s17], $0x4000  }
0xa6: {  	[sflag:s17] =	ssyncset.done $0x0  }
0xa7: {  	[sflag:s17] =	ssyncadd.s32 $0xFFFFC000  }
0xa8: {  	[spmem:s2] =	stream.indirect.scatter.add.f32 [tilespmem:s14], [sflag:$0x3], $0x80, s0, s13, $0xb8;
	[tilespmem:$0x1C800] =	vst v63  }
0xa9: {  	_ =	swait.ge [sflag:s12], $0x4000  }
0xaa: {  	[sflag:s12] =	ssyncset.done $0x0  }
0xab: {  	[sflag:s12] =	ssyncadd.s32 $0xFFFFC000  }
0xac: {  	_ =	swait.ge [sflag:s19], $0x4000  }
0xad: {  	[sflag:s19] =	ssyncset.done $0x0  }
0xae: {  	[sflag:s19] =	ssyncadd.s32 $0xFFFFC000  }
0xaf: {  	[spmem:s2] =	stream.indirect.scatter.add.f32 [tilespmem:s16], [sflag:$0x3], $0x80, s1, s13, $0xb8;
	[tilespmem:$0x1C800] =	vst v63  }
0xb0: {  	_ =	swait.ge [sflag:s12], $0x4000  }
0xb1: {  	s8 =	simm.s32 $0x200;
	s7 =	simm.s32 $0x100;
	[sflag:s12] =	ssyncset.done $0x0  }
.LBB2_3:
0xb2: {  	s10 =	sadd.s32 s7, s9  }
0xb3: {  	[sflag:s12] =	ssyncadd.s32 $0xFFFFC000;
	s7 =	smov.u32 s8;
	s24 =	sadd.s32 $0x100, s8  }
0xb4: {  	[tilespmem:s3], [sflag:$0x3] =	stream.linear.gather [hbm4b:s10+s3], $0x800, $0x38;
	[tilespmem:$0x1C800] =	vst v63  }
0xb5: {  	p1 =	seq.s32 s8, $0x1300;
	_ =	swait.ge [sflag:s12], $0x800  }
0xb6: {  	[sflag:s12] =	ssyncset.done $0x0  }
0xb7: {  	[sflag:s12] =	ssyncadd.s32 $0xFFFFF800  }
0xb8: {  	[tilespmem:s14], [sflag:$0x1] =	stream.indirect.gather [hbm4b:s4+s13], $0x80, s3, s13, $0xb8;
	[tilespmem:$0x1C800] =	vst v63  }
0xb9: {  	_ = 	snop  }
0xba: {  	[tilespmem:s16], [sflag:$0x2] =	stream.indirect.gather [hbm4b:s4+s13], $0x80, s15, s13, $0xb8;
	[tilespmem:$0x1C800] =	vst v63  }
0xbb: {  	_ =	swait.ge [sflag:s17], $0x4000  }
0xbc: {  	[sflag:s17] =	ssyncset.done $0x0  }
0xbd: {  	[sflag:s17] =	ssyncadd.s32 $0xFFFFC000  }
0xbe: {  	[spmem:s2] =	stream.indirect.scatter.add.f32 [tilespmem:s14], [sflag:$0x3], $0x80, s13, s13, $0xb8;
	[tilespmem:$0x1C800] =	vst v63  }
0xbf: {  	_ =	swait.ge [sflag:s12], $0x4000  }
0xc0: {  	[sflag:s12] =	ssyncset.done $0x0  }
0xc1: {  	[sflag:s12] =	ssyncadd.s32 $0xFFFFC000  }
0xc2: {  	[tilespmem:s14], [sflag:$0x1] =	stream.indirect.gather [hbm4b:s4+s13], $0x80, s18, s13, $0xb8;
	[tilespmem:$0x1C800] =	vst v63  }
0xc3: {  	_ =	swait.ge [sflag:s19], $0x4000  }
0xc4: {  	[sflag:s19] =	ssyncset.done $0x0  }
0xc5: {  	[sflag:s19] =	ssyncadd.s32 $0xFFFFC000  }
0xc6: {  	[spmem:s2] =	stream.indirect.scatter.add.f32 [tilespmem:s16], [sflag:$0x3], $0x80, s20, s13, $0xb8;
	[tilespmem:$0x1C800] =	vst v63  }
0xc7: {  	_ =	swait.ge [sflag:s12], $0x4000  }
0xc8: {  	[sflag:s12] =	ssyncset.done $0x0  }
0xc9: {  	[sflag:s12] =	ssyncadd.s32 $0xFFFFC000  }
0xca: {  	[tilespmem:s16], [sflag:$0x2] =	stream.indirect.gather [hbm4b:s4+s13], $0x80, s21, s13, $0xb8;
	[tilespmem:$0x1C800] =	vst v63  }
0xcb: {  	_ =	swait.ge [sflag:s17], $0x4000  }
0xcc: {  	[sflag:s17] =	ssyncset.done $0x0  }
0xcd: {  	[sflag:s17] =	ssyncadd.s32 $0xFFFFC000  }
0xce: {  	[spmem:s2] =	stream.indirect.scatter.add.f32 [tilespmem:s14], [sflag:$0x3], $0x80, s22, s13, $0xb8;
	[tilespmem:$0x1C800] =	vst v63  }
0xcf: {  	_ =	swait.ge [sflag:s12], $0x4000  }
0xd0: {  	[sflag:s12] =	ssyncset.done $0x0  }
0xd1: {  	[sflag:s12] =	ssyncadd.s32 $0xFFFFC000  }
0xd2: {  	[tilespmem:s14], [sflag:$0x1] =	stream.indirect.gather [hbm4b:s4+s13], $0x80, s23, s13, $0xb8;
	[tilespmem:$0x1C800] =	vst v63  }
0xd3: {  	_ =	swait.ge [sflag:s19], $0x4000  }
0xd4: {  	[sflag:s19] =	ssyncset.done $0x0  }
0xd5: {  	[sflag:s19] =	ssyncadd.s32 $0xFFFFC000  }
0xd6: {  	[spmem:s2] =	stream.indirect.scatter.add.f32 [tilespmem:s16], [sflag:$0x3], $0x80, s25, s13, $0xb8;
	[tilespmem:$0x1C800] =	vst v63  }
0xd7: {  	_ =	swait.ge [sflag:s12], $0x4000  }
0xd8: {  	[sflag:s12] =	ssyncset.done $0x0  }
0xd9: {  	[sflag:s12] =	ssyncadd.s32 $0xFFFFC000  }
0xda: {  	[tilespmem:s16], [sflag:$0x2] =	stream.indirect.gather [hbm4b:s4+s13], $0x80, s26, s13, $0xb8;
	[tilespmem:$0x1C800] =	vst v63  }
0xdb: {  	_ =	swait.ge [sflag:s17], $0x4000  }
0xdc: {  	[sflag:s17] =	ssyncset.done $0x0  }
0xdd: {  	[sflag:s17] =	ssyncadd.s32 $0xFFFFC000  }
0xde: {  	[spmem:s2] =	stream.indirect.scatter.add.f32 [tilespmem:s14], [sflag:$0x3], $0x80, s28, s13, $0xb8;
	[tilespmem:$0x1C800] =	vst v63  }
0xdf: {  	_ =	swait.ge [sflag:s12], $0x4000  }
0xe0: {  	[sflag:s12] =	ssyncset.done $0x0  }
0xe1: {  	[sflag:s12] =	ssyncadd.s32 $0xFFFFC000  }
0xe2: {  	[tilespmem:s14], [sflag:$0x1] =	stream.indirect.gather [hbm4b:s4+s13], $0x80, s29, s13, $0xb8;
	[tilespmem:$0x1C800] =	vst v63  }
0xe3: {  	_ =	swait.ge [sflag:s19], $0x4000  }
0xe4: {  	[sflag:s19] =	ssyncset.done $0x0  }
0xe5: {  	[sflag:s19] =	ssyncadd.s32 $0xFFFFC000  }
0xe6: {  	[spmem:s2] =	stream.indirect.scatter.add.f32 [tilespmem:s16], [sflag:$0x3], $0x80, s30, s13, $0xb8;
	[tilespmem:$0x1C800] =	vst v63  }
0xe7: {  	_ =	swait.ge [sflag:s12], $0x4000  }
0xe8: {  	[sflag:s12] =	ssyncset.done $0x0  }
0xe9: {  	[sflag:s12] =	ssyncadd.s32 $0xFFFFC000  }
0xea: {  	[tilespmem:s16], [sflag:$0x2] =	stream.indirect.gather [hbm4b:s4+s13], $0x80, s31, s13, $0xb8;
	[tilespmem:$0x1C800] =	vst v63  }
0xeb: {  	_ =	swait.ge [sflag:s17], $0x4000  }
0xec: {  	[sflag:s17] =	ssyncset.done $0x0  }
0xed: {  	[sflag:s17] =	ssyncadd.s32 $0xFFFFC000  }
0xee: {  	[spmem:s2] =	stream.indirect.scatter.add.f32 [tilespmem:s14], [sflag:$0x3], $0x80, s0, s13, $0xb8;
	[tilespmem:$0x1C800] =	vst v63  }
0xef: {  	_ =	swait.ge [sflag:s12], $0x4000  }
0xf0: {  	[sflag:s12] =	ssyncset.done $0x0  }
0xf1: {  	[sflag:s12] =	ssyncadd.s32 $0xFFFFC000  }
0xf2: {  	_ =	swait.ge [sflag:s19], $0x4000  }
.Ltmp3:
0xf3: {  	[sflag:s19] =	ssyncset.done $0x0;
	(pc) =	sbr.rel @!p1 .LBB2_3-.Ltmp3, $4  }
0xf4: {  	[sflag:s19] =	ssyncadd.s32 $0xFFFFC000  }
0xf5: {  	[spmem:s2] =	stream.indirect.scatter.add.f32 [tilespmem:s16], [sflag:$0x3], $0x80, s1, s13, $0xb8;
	[tilespmem:$0x1C800] =	vst v63  }
0xf6: {  	_ =	swait.ge [sflag:s12], $0x4000  }
0xf7: {  	s8 =	smov.u32 s24;
	[sflag:s12] =	ssyncset.done $0x0  }
0xf8: {  	s7 =	sadd.s32 s7, s9;
	[sflag:s12] =	ssyncadd.s32 $0xFFFFC000  }
0xf9: {  	[tilespmem:s3], [sflag:$0x3] =	stream.linear.gather [hbm4b:s7+s3], $0x800, $0x38;
	[tilespmem:$0x1C800] =	vst v63  }
0xfa: {  	_ =	swait.ge [sflag:s12], $0x800  }
0xfb: {  	[sflag:s12] =	ssyncset.done $0x0  }
0xfc: {  	[sflag:s12] =	ssyncadd.s32 $0xFFFFF800  }
0xfd: {  	[tilespmem:s14], [sflag:$0x1] =	stream.indirect.gather [hbm4b:s4+s13], $0x80, s3, s13, $0xb8;
	[tilespmem:$0x1C800] =	vst v63  }
0xfe: {  	_ = 	snop  }
0xff: {  	[tilespmem:s16], [sflag:$0x2] =	stream.indirect.gather [hbm4b:s4+s13], $0x80, s15, s13, $0xb8;
	[tilespmem:$0x1C800] =	vst v63  }
0x100: {  	_ =	swait.ge [sflag:s17], $0x4000  }
0x101: {  	[sflag:s17] =	ssyncset.done $0x0  }
0x102: {  	[sflag:s17] =	ssyncadd.s32 $0xFFFFC000  }
0x103: {  	[spmem:s2] =	stream.indirect.scatter.add.f32 [tilespmem:s14], [sflag:$0x3], $0x80, s13, s13, $0xb8;
	[tilespmem:$0x1C800] =	vst v63  }
0x104: {  	_ =	swait.ge [sflag:s12], $0x4000  }
0x105: {  	[sflag:s12] =	ssyncset.done $0x0  }
0x106: {  	[sflag:s12] =	ssyncadd.s32 $0xFFFFC000  }
0x107: {  	[tilespmem:s14], [sflag:$0x1] =	stream.indirect.gather [hbm4b:s4+s13], $0x80, s18, s13, $0xb8;
	[tilespmem:$0x1C800] =	vst v63  }
0x108: {  	_ =	swait.ge [sflag:s19], $0x4000  }
0x109: {  	[sflag:s19] =	ssyncset.done $0x0  }
0x10a: {  	[sflag:s19] =	ssyncadd.s32 $0xFFFFC000  }
0x10b: {  	[spmem:s2] =	stream.indirect.scatter.add.f32 [tilespmem:s16], [sflag:$0x3], $0x80, s20, s13, $0xb8;
	[tilespmem:$0x1C800] =	vst v63  }
0x10c: {  	_ =	swait.ge [sflag:s12], $0x4000  }
0x10d: {  	[sflag:s12] =	ssyncset.done $0x0  }
0x10e: {  	[sflag:s12] =	ssyncadd.s32 $0xFFFFC000  }
0x10f: {  	[tilespmem:s16], [sflag:$0x2] =	stream.indirect.gather [hbm4b:s4+s13], $0x80, s21, s13, $0xb8;
	[tilespmem:$0x1C800] =	vst v63  }
0x110: {  	_ =	swait.ge [sflag:s17], $0x4000  }
0x111: {  	[sflag:s17] =	ssyncset.done $0x0  }
0x112: {  	[sflag:s17] =	ssyncadd.s32 $0xFFFFC000  }
0x113: {  	[spmem:s2] =	stream.indirect.scatter.add.f32 [tilespmem:s14], [sflag:$0x3], $0x80, s22, s13, $0xb8;
	[tilespmem:$0x1C800] =	vst v63  }
0x114: {  	_ =	swait.ge [sflag:s12], $0x4000  }
0x115: {  	[sflag:s12] =	ssyncset.done $0x0  }
0x116: {  	[sflag:s12] =	ssyncadd.s32 $0xFFFFC000  }
0x117: {  	[tilespmem:s14], [sflag:$0x1] =	stream.indirect.gather [hbm4b:s4+s13], $0x80, s23, s13, $0xb8;
	[tilespmem:$0x1C800] =	vst v63  }
0x118: {  	_ =	swait.ge [sflag:s19], $0x4000  }
0x119: {  	[sflag:s19] =	ssyncset.done $0x0  }
0x11a: {  	[sflag:s19] =	ssyncadd.s32 $0xFFFFC000  }
0x11b: {  	[spmem:s2] =	stream.indirect.scatter.add.f32 [tilespmem:s16], [sflag:$0x3], $0x80, s25, s13, $0xb8;
	[tilespmem:$0x1C800] =	vst v63  }
0x11c: {  	_ =	swait.ge [sflag:s12], $0x4000  }
0x11d: {  	[sflag:s12] =	ssyncset.done $0x0  }
0x11e: {  	[sflag:s12] =	ssyncadd.s32 $0xFFFFC000  }
0x11f: {  	[tilespmem:s16], [sflag:$0x2] =	stream.indirect.gather [hbm4b:s4+s13], $0x80, s26, s13, $0xb8;
	[tilespmem:$0x1C800] =	vst v63  }
0x120: {  	_ =	swait.ge [sflag:s17], $0x4000  }
0x121: {  	[sflag:s17] =	ssyncset.done $0x0  }
0x122: {  	[sflag:s17] =	ssyncadd.s32 $0xFFFFC000  }
0x123: {  	[spmem:s2] =	stream.indirect.scatter.add.f32 [tilespmem:s14], [sflag:$0x3], $0x80, s28, s13, $0xb8;
	[tilespmem:$0x1C800] =	vst v63  }
0x124: {  	_ =	swait.ge [sflag:s12], $0x4000  }
0x125: {  	[sflag:s12] =	ssyncset.done $0x0  }
0x126: {  	[sflag:s12] =	ssyncadd.s32 $0xFFFFC000  }
0x127: {  	[tilespmem:s14], [sflag:$0x1] =	stream.indirect.gather [hbm4b:s4+s13], $0x80, s29, s13, $0xb8;
	[tilespmem:$0x1C800] =	vst v63  }
0x128: {  	_ =	swait.ge [sflag:s19], $0x4000  }
0x129: {  	[sflag:s19] =	ssyncset.done $0x0  }
0x12a: {  	[sflag:s19] =	ssyncadd.s32 $0xFFFFC000  }
0x12b: {  	[spmem:s2] =	stream.indirect.scatter.add.f32 [tilespmem:s16], [sflag:$0x3], $0x80, s30, s13, $0xb8;
	[tilespmem:$0x1C800] =	vst v63  }
0x12c: {  	_ =	swait.ge [sflag:s12], $0x4000  }
0x12d: {  	[sflag:s12] =	ssyncset.done $0x0  }
0x12e: {  	[sflag:s12] =	ssyncadd.s32 $0xFFFFC000  }
0x12f: {  	[tilespmem:s16], [sflag:$0x2] =	stream.indirect.gather [hbm4b:s4+s13], $0x80, s31, s13, $0xb8;
	[tilespmem:$0x1C800] =	vst v63  }
0x130: {  	_ =	swait.ge [sflag:s17], $0x4000  }
0x131: {  	[sflag:s17] =	ssyncset.done $0x0  }
0x132: {  	[sflag:s17] =	ssyncadd.s32 $0xFFFFC000  }
0x133: {  	[spmem:s2] =	stream.indirect.scatter.add.f32 [tilespmem:s14], [sflag:$0x3], $0x80, s0, s13, $0xb8;
	[tilespmem:$0x1C800] =	vst v63  }
0x134: {  	_ =	swait.ge [sflag:s12], $0x4000  }
0x135: {  	[sflag:s12] =	ssyncset.done $0x0  }
0x136: {  	[sflag:s12] =	ssyncadd.s32 $0xFFFFC000  }
0x137: {  	_ =	swait.ge [sflag:s19], $0x4000  }
0x138: {  	[sflag:s19] =	ssyncset.done $0x0  }
.Ltmp4:
0x139: {  	[sflag:s19] =	ssyncadd.s32 $0xFFFFC000;
	(pc) =	sbr.rel .LBB2_8-.Ltmp4, $4  }
0x13a: {  	[spmem:s2] =	stream.indirect.scatter.add.f32 [tilespmem:s16], [sflag:$0x3], $0x80, s1, s13, $0xb8;
	[tilespmem:$0x1C800] =	vst v63  }
0x13b: {  	_ =	swait.ge [sflag:s12], $0x4000  }
0x13c: {  	[sflag:s12] =	ssyncset.done $0x0  }
0x13d: {  	[sflag:s12] =	ssyncadd.s32 $0xFFFFC000  }
.LBB2_5:
0x13e: {  	s7 =	rddreg [dreg:$0x3]  }
0x13f: {  	[spmem:s11], [sflag:s10] =	dma.local [hbm:s7], $0x2800  }
0x140: {  	_ =	swait.ge [sflag:s12], $0x2800  }
0x141: {  	[sflag:s12] =	ssyncset.done $0x0  }
0x142: {  	[sflag:s12] =	ssyncadd.s32 $0xFFFFD800  }
0x143: {  	s24 =	sadd.s32 $0x0, s9;
	[bflag:$0x0] =	sbarrier.arrive $0xFFFF  }
0x144: {  	[tilespmem:s3], [sflag:$0x3] =	stream.linear.gather [hbm4b:s24+s3], $0x800, $0x38;
	[tilespmem:$0x1C800] =	vst v63  }
0x145: {  	_ =	swait.ge [sflag:s12], $0x800  }
0x146: {  	[sflag:s12] =	ssyncset.done $0x0  }
0x147: {  	[sflag:s12] =	ssyncadd.s32 $0xFFFFF800  }
0x148: {  	[tilespmem:s14], [sflag:$0x1] =	stream.indirect.gather [hbm4b:s5+s13], $0x80, s3, s13, $0xb8;
	[tilespmem:$0x1C800] =	vst v63  }
0x149: {  	_ = 	snop  }
0x14a: {  	[tilespmem:s16], [sflag:$0x2] =	stream.indirect.gather [hbm4b:s5+s13], $0x80, s15, s13, $0xb8;
	[tilespmem:$0x1C800] =	vst v63  }
0x14b: {  	_ =	swait.ge [sflag:s17], $0x4000  }
0x14c: {  	[sflag:s17] =	ssyncset.done $0x0  }
0x14d: {  	[sflag:s17] =	ssyncadd.s32 $0xFFFFC000  }
0x14e: {  	[spmem:s2] =	stream.indirect.scatter.add.f32 [tilespmem:s14], [sflag:$0x3], $0x80, s13, s13, $0xb8;
	[tilespmem:$0x1C800] =	vst v63  }
0x14f: {  	_ =	swait.ge [sflag:s12], $0x4000  }
0x150: {  	[sflag:s12] =	ssyncset.done $0x0  }
0x151: {  	[sflag:s12] =	ssyncadd.s32 $0xFFFFC000  }
0x152: {  	[tilespmem:s14], [sflag:$0x1] =	stream.indirect.gather [hbm4b:s5+s13], $0x80, s18, s13, $0xb8;
	[tilespmem:$0x1C800] =	vst v63  }
0x153: {  	_ =	swait.ge [sflag:s19], $0x4000  }
0x154: {  	[sflag:s19] =	ssyncset.done $0x0  }
0x155: {  	[sflag:s19] =	ssyncadd.s32 $0xFFFFC000  }
0x156: {  	[spmem:s2] =	stream.indirect.scatter.add.f32 [tilespmem:s16], [sflag:$0x3], $0x80, s20, s13, $0xb8;
	[tilespmem:$0x1C800] =	vst v63  }
0x157: {  	_ =	swait.ge [sflag:s12], $0x4000  }
0x158: {  	[sflag:s12] =	ssyncset.done $0x0  }
0x159: {  	[sflag:s12] =	ssyncadd.s32 $0xFFFFC000  }
0x15a: {  	[tilespmem:s16], [sflag:$0x2] =	stream.indirect.gather [hbm4b:s5+s13], $0x80, s21, s13, $0xb8;
	[tilespmem:$0x1C800] =	vst v63  }
0x15b: {  	_ =	swait.ge [sflag:s17], $0x4000  }
0x15c: {  	[sflag:s17] =	ssyncset.done $0x0  }
0x15d: {  	[sflag:s17] =	ssyncadd.s32 $0xFFFFC000  }
0x15e: {  	[spmem:s2] =	stream.indirect.scatter.add.f32 [tilespmem:s14], [sflag:$0x3], $0x80, s22, s13, $0xb8;
	[tilespmem:$0x1C800] =	vst v63  }
0x15f: {  	_ =	swait.ge [sflag:s12], $0x4000  }
0x160: {  	[sflag:s12] =	ssyncset.done $0x0  }
0x161: {  	[sflag:s12] =	ssyncadd.s32 $0xFFFFC000  }
0x162: {  	[tilespmem:s14], [sflag:$0x1] =	stream.indirect.gather [hbm4b:s5+s13], $0x80, s23, s13, $0xb8;
	[tilespmem:$0x1C800] =	vst v63  }
0x163: {  	_ =	swait.ge [sflag:s19], $0x4000  }
0x164: {  	[sflag:s19] =	ssyncset.done $0x0  }
0x165: {  	[sflag:s19] =	ssyncadd.s32 $0xFFFFC000  }
0x166: {  	[spmem:s2] =	stream.indirect.scatter.add.f32 [tilespmem:s16], [sflag:$0x3], $0x80, s25, s13, $0xb8;
	[tilespmem:$0x1C800] =	vst v63  }
0x167: {  	_ =	swait.ge [sflag:s12], $0x4000  }
0x168: {  	[sflag:s12] =	ssyncset.done $0x0  }
0x169: {  	[sflag:s12] =	ssyncadd.s32 $0xFFFFC000  }
0x16a: {  	[tilespmem:s16], [sflag:$0x2] =	stream.indirect.gather [hbm4b:s5+s13], $0x80, s26, s13, $0xb8;
	[tilespmem:$0x1C800] =	vst v63  }
0x16b: {  	_ =	swait.ge [sflag:s17], $0x4000  }
0x16c: {  	[sflag:s17] =	ssyncset.done $0x0  }
0x16d: {  	[sflag:s17] =	ssyncadd.s32 $0xFFFFC000  }
0x16e: {  	[spmem:s2] =	stream.indirect.scatter.add.f32 [tilespmem:s14], [sflag:$0x3], $0x80, s28, s13, $0xb8;
	[tilespmem:$0x1C800] =	vst v63  }
0x16f: {  	_ =	swait.ge [sflag:s12], $0x4000  }
0x170: {  	[sflag:s12] =	ssyncset.done $0x0  }
0x171: {  	[sflag:s12] =	ssyncadd.s32 $0xFFFFC000  }
0x172: {  	[tilespmem:s14], [sflag:$0x1] =	stream.indirect.gather [hbm4b:s5+s13], $0x80, s29, s13, $0xb8;
	[tilespmem:$0x1C800] =	vst v63  }
0x173: {  	_ =	swait.ge [sflag:s19], $0x4000  }
0x174: {  	[sflag:s19] =	ssyncset.done $0x0  }
0x175: {  	[sflag:s19] =	ssyncadd.s32 $0xFFFFC000  }
0x176: {  	[spmem:s2] =	stream.indirect.scatter.add.f32 [tilespmem:s16], [sflag:$0x3], $0x80, s30, s13, $0xb8;
	[tilespmem:$0x1C800] =	vst v63  }
0x177: {  	_ =	swait.ge [sflag:s12], $0x4000  }
0x178: {  	[sflag:s12] =	ssyncset.done $0x0  }
0x179: {  	[sflag:s12] =	ssyncadd.s32 $0xFFFFC000  }
0x17a: {  	[tilespmem:s16], [sflag:$0x2] =	stream.indirect.gather [hbm4b:s5+s13], $0x80, s31, s13, $0xb8;
	[tilespmem:$0x1C800] =	vst v63  }
0x17b: {  	_ =	swait.ge [sflag:s17], $0x4000  }
0x17c: {  	[sflag:s17] =	ssyncset.done $0x0  }
0x17d: {  	[sflag:s17] =	ssyncadd.s32 $0xFFFFC000  }
0x17e: {  	[spmem:s2] =	stream.indirect.scatter.add.f32 [tilespmem:s14], [sflag:$0x3], $0x80, s0, s13, $0xb8;
	[tilespmem:$0x1C800] =	vst v63  }
0x17f: {  	_ =	swait.ge [sflag:s12], $0x4000  }
0x180: {  	[sflag:s12] =	ssyncset.done $0x0  }
0x181: {  	[sflag:s12] =	ssyncadd.s32 $0xFFFFC000  }
0x182: {  	_ =	swait.ge [sflag:s19], $0x4000  }
0x183: {  	[sflag:s19] =	ssyncset.done $0x0  }
0x184: {  	[sflag:s19] =	ssyncadd.s32 $0xFFFFC000  }
0x185: {  	[spmem:s2] =	stream.indirect.scatter.add.f32 [tilespmem:s16], [sflag:$0x3], $0x80, s1, s13, $0xb8;
	[tilespmem:$0x1C800] =	vst v63  }
0x186: {  	_ =	swait.ge [sflag:s12], $0x4000  }
0x187: {  	s7 =	simm.s32 $0x100;
	s24 =	simm.s32 $0x200;
	[sflag:s12] =	ssyncset.done $0x0  }
.LBB2_6:
0x188: {  	s10 =	sadd.s32 s7, s9  }
0x189: {  	[sflag:s12] =	ssyncadd.s32 $0xFFFFC000;
	s7 =	smov.u32 s24;
	s8 =	sadd.s32 $0x100, s24  }
0x18a: {  	[tilespmem:s3], [sflag:$0x3] =	stream.linear.gather [hbm4b:s10+s3], $0x800, $0x38;
	[tilespmem:$0x1C800] =	vst v63  }
0x18b: {  	p1 =	sne.s32 s24, $0x1300;
	_ =	swait.ge [sflag:s12], $0x800  }
0x18c: {  	[sflag:s12] =	ssyncset.done $0x0  }
0x18d: {  	[sflag:s12] =	ssyncadd.s32 $0xFFFFF800  }
0x18e: {  	[tilespmem:s14], [sflag:$0x1] =	stream.indirect.gather [hbm4b:s5+s13], $0x80, s3, s13, $0xb8;
	[tilespmem:$0x1C800] =	vst v63  }
0x18f: {  	_ = 	snop  }
0x190: {  	[tilespmem:s16], [sflag:$0x2] =	stream.indirect.gather [hbm4b:s5+s13], $0x80, s15, s13, $0xb8;
	[tilespmem:$0x1C800] =	vst v63  }
0x191: {  	_ =	swait.ge [sflag:s17], $0x4000  }
0x192: {  	[sflag:s17] =	ssyncset.done $0x0  }
0x193: {  	[sflag:s17] =	ssyncadd.s32 $0xFFFFC000  }
0x194: {  	[spmem:s2] =	stream.indirect.scatter.add.f32 [tilespmem:s14], [sflag:$0x3], $0x80, s13, s13, $0xb8;
	[tilespmem:$0x1C800] =	vst v63  }
0x195: {  	_ =	swait.ge [sflag:s12], $0x4000  }
0x196: {  	[sflag:s12] =	ssyncset.done $0x0  }
0x197: {  	[sflag:s12] =	ssyncadd.s32 $0xFFFFC000  }
0x198: {  	[tilespmem:s14], [sflag:$0x1] =	stream.indirect.gather [hbm4b:s5+s13], $0x80, s18, s13, $0xb8;
	[tilespmem:$0x1C800] =	vst v63  }
0x199: {  	_ =	swait.ge [sflag:s19], $0x4000  }
0x19a: {  	[sflag:s19] =	ssyncset.done $0x0  }
0x19b: {  	[sflag:s19] =	ssyncadd.s32 $0xFFFFC000  }
0x19c: {  	[spmem:s2] =	stream.indirect.scatter.add.f32 [tilespmem:s16], [sflag:$0x3], $0x80, s20, s13, $0xb8;
	[tilespmem:$0x1C800] =	vst v63  }
0x19d: {  	_ =	swait.ge [sflag:s12], $0x4000  }
0x19e: {  	[sflag:s12] =	ssyncset.done $0x0  }
0x19f: {  	[sflag:s12] =	ssyncadd.s32 $0xFFFFC000  }
0x1a0: {  	[tilespmem:s16], [sflag:$0x2] =	stream.indirect.gather [hbm4b:s5+s13], $0x80, s21, s13, $0xb8;
	[tilespmem:$0x1C800] =	vst v63  }
0x1a1: {  	_ =	swait.ge [sflag:s17], $0x4000  }
0x1a2: {  	[sflag:s17] =	ssyncset.done $0x0  }
0x1a3: {  	[sflag:s17] =	ssyncadd.s32 $0xFFFFC000  }
0x1a4: {  	[spmem:s2] =	stream.indirect.scatter.add.f32 [tilespmem:s14], [sflag:$0x3], $0x80, s22, s13, $0xb8;
	[tilespmem:$0x1C800] =	vst v63  }
0x1a5: {  	_ =	swait.ge [sflag:s12], $0x4000  }
0x1a6: {  	[sflag:s12] =	ssyncset.done $0x0  }
0x1a7: {  	[sflag:s12] =	ssyncadd.s32 $0xFFFFC000  }
0x1a8: {  	[tilespmem:s14], [sflag:$0x1] =	stream.indirect.gather [hbm4b:s5+s13], $0x80, s23, s13, $0xb8;
	[tilespmem:$0x1C800] =	vst v63  }
0x1a9: {  	_ =	swait.ge [sflag:s19], $0x4000  }
0x1aa: {  	[sflag:s19] =	ssyncset.done $0x0  }
0x1ab: {  	[sflag:s19] =	ssyncadd.s32 $0xFFFFC000  }
0x1ac: {  	[spmem:s2] =	stream.indirect.scatter.add.f32 [tilespmem:s16], [sflag:$0x3], $0x80, s25, s13, $0xb8;
	[tilespmem:$0x1C800] =	vst v63  }
0x1ad: {  	_ =	swait.ge [sflag:s12], $0x4000  }
0x1ae: {  	[sflag:s12] =	ssyncset.done $0x0  }
0x1af: {  	[sflag:s12] =	ssyncadd.s32 $0xFFFFC000  }
0x1b0: {  	[tilespmem:s16], [sflag:$0x2] =	stream.indirect.gather [hbm4b:s5+s13], $0x80, s26, s13, $0xb8;
	[tilespmem:$0x1C800] =	vst v63  }
0x1b1: {  	_ =	swait.ge [sflag:s17], $0x4000  }
0x1b2: {  	[sflag:s17] =	ssyncset.done $0x0  }
0x1b3: {  	[sflag:s17] =	ssyncadd.s32 $0xFFFFC000  }
0x1b4: {  	[spmem:s2] =	stream.indirect.scatter.add.f32 [tilespmem:s14], [sflag:$0x3], $0x80, s28, s13, $0xb8;
	[tilespmem:$0x1C800] =	vst v63  }
0x1b5: {  	_ =	swait.ge [sflag:s12], $0x4000  }
0x1b6: {  	[sflag:s12] =	ssyncset.done $0x0  }
0x1b7: {  	[sflag:s12] =	ssyncadd.s32 $0xFFFFC000  }
0x1b8: {  	[tilespmem:s14], [sflag:$0x1] =	stream.indirect.gather [hbm4b:s5+s13], $0x80, s29, s13, $0xb8;
	[tilespmem:$0x1C800] =	vst v63  }
0x1b9: {  	_ =	swait.ge [sflag:s19], $0x4000  }
0x1ba: {  	[sflag:s19] =	ssyncset.done $0x0  }
0x1bb: {  	[sflag:s19] =	ssyncadd.s32 $0xFFFFC000  }
0x1bc: {  	[spmem:s2] =	stream.indirect.scatter.add.f32 [tilespmem:s16], [sflag:$0x3], $0x80, s30, s13, $0xb8;
	[tilespmem:$0x1C800] =	vst v63  }
0x1bd: {  	_ =	swait.ge [sflag:s12], $0x4000  }
0x1be: {  	[sflag:s12] =	ssyncset.done $0x0  }
0x1bf: {  	[sflag:s12] =	ssyncadd.s32 $0xFFFFC000  }
0x1c0: {  	[tilespmem:s16], [sflag:$0x2] =	stream.indirect.gather [hbm4b:s5+s13], $0x80, s31, s13, $0xb8;
	[tilespmem:$0x1C800] =	vst v63  }
0x1c1: {  	_ =	swait.ge [sflag:s17], $0x4000  }
0x1c2: {  	[sflag:s17] =	ssyncset.done $0x0  }
0x1c3: {  	[sflag:s17] =	ssyncadd.s32 $0xFFFFC000  }
0x1c4: {  	[spmem:s2] =	stream.indirect.scatter.add.f32 [tilespmem:s14], [sflag:$0x3], $0x80, s0, s13, $0xb8;
	[tilespmem:$0x1C800] =	vst v63  }
0x1c5: {  	_ =	swait.ge [sflag:s12], $0x4000  }
0x1c6: {  	[sflag:s12] =	ssyncset.done $0x0  }
0x1c7: {  	[sflag:s12] =	ssyncadd.s32 $0xFFFFC000  }
0x1c8: {  	_ =	swait.ge [sflag:s19], $0x4000  }
.Ltmp5:
0x1c9: {  	[sflag:s19] =	ssyncset.done $0x0;
	(pc) =	sbr.rel @p1 .LBB2_6-.Ltmp5, $4  }
0x1ca: {  	[sflag:s19] =	ssyncadd.s32 $0xFFFFC000  }
0x1cb: {  	[spmem:s2] =	stream.indirect.scatter.add.f32 [tilespmem:s16], [sflag:$0x3], $0x80, s1, s13, $0xb8;
	[tilespmem:$0x1C800] =	vst v63  }
0x1cc: {  	_ =	swait.ge [sflag:s12], $0x4000  }
0x1cd: {  	s24 =	smov.u32 s8;
	[sflag:s12] =	ssyncset.done $0x0  }
.Ltmp6:
0x1ce: {  	_ = 	snop;
	(pc) =	sbr.rel .LBB2_7-.Ltmp6, $1  }
0x1cf: {  	_ =	sdelay $0x3  }
.LBB2_9:
0x1d0: {  	_ =	sfence.sel $0x180000  }
0x1d1: {  	[bflag:$0x0] =	sbarrier.arrive $0xFFFF  }
0x1d2: {  	_ =	strace $0x9000004D  }
0x1d3: {  	s0 =	stileid.u32;
	[bflag:$0x2] =	sbarrier.arrive $0xFFFF  }
0x1d4: {  	p0 =	sne.s32 s0, $0x0;
	s0 =	rddreg [dreg:$0x2]  }
0x1d5: {  	s0 =	sadd.s32 @!p0 $0x100000, s0  }
0x1d6: {  	[sflag:s0] =	ssyncadd.tile.s32 @!p0 $0x1;
	_ =	shalt  }
.Lfunc_end2:
_tile_overlayer_lowered:
.L_overlay_start_2:
0x1d7: {  	(tag) =	ssettag $0x2  }
0x1d8: {  	s0 =	rddreg [dreg:$0x0];
	s2 =	stileid.u32  }
0x1d9: {  	s1 =	rddreg [dreg:$0x1];
	p0 =	sne.s32 s2, $0x0  }
0x1da: {  	s3 =	rddreg [dreg:$0x2];
	[bflag:$0x3] =	sbarrier.arrive $0xFFFF;
	s2 =	simm.s32 @!p0 $0x1C03  }
0x1db: {  	[timem:s3], [sflag:s2] =	dma.local @!p0 [hbm:s0], s1  }
0x1dc: {  	s0 =	simm.s32 @!p0 $0x3  }
0x1dd: {  	_ =	swait.ge @!p0 [sflag:s0], s1  }
0x1de: {  	s1 =	ssub.s32 @!p0 $0x0, s1;
	[sflag:s0] =	ssyncset.done @!p0 $0x0  }
0x1df: {  	[sflag:s0] =	ssyncadd.s32 @!p0 s1  }
0x1e0: {  	[bflag:$0x3] =	sbarrier.arrive $0xFFFF  }
0x1e1: {  	_ =	shalt  }

// kernel: kernel.9.cloned.1.call-start
scs
__scs_entry_jumppad:
0x0: {  	(pc) =	sbr.rel $0x88, $3  }
0x1: {  	(tag) =	ssettag $0x0;
	lr =	simm.s32 $0x1  }
0x2: {  	[smem:$0x3F91] =	sst lr;
	_ =	strace $0xD0000000  }
0x3: {  	_ = 	snop  }
0x4: {  	_ = 	snop  }
0x5: {  	_ = 	snop  }
0x6: {  	_ = 	snop  }
0x7: {  	_ = 	snop  }
__scs_overlays_trampoline_lowered:
0x8: {  	[smem:$0x3FA0] =	sst s0  }
0x9: {  	[smem:$0x3FA1] =	sst s1  }
0xa: {  	[smem:$0x3FA2] =	sst s2  }
0xb: {  	[smem:$0x3FA3] =	sst s3  }
0xc: {  	[smem:$0x3FA4] =	sst s4  }
0xd: {  	[smem:$0x3FA5] =	sst s5  }
0xe: {  	[smem:$0x3FA6] =	sst s6  }
0xf: {  	[smem:$0x3FA7] =	sst s7  }
0x10: {  	[smem:$0x3FA8] =	sst s8  }
0x11: {  	[smem:$0x3FA9] =	sst s9;
	s0 =	simm.s32 @!p0 $0x0  }
0x12: {  	s1 =	sld [smem:$0x3F8F];
	s0 =	simm.s32 @p0 $0x1  }
0x13: {  	[smem:$0x3FAA] =	sst s0;
	s0 =	simm.s32 @!p1 $0x0  }
0x14: {  	s2 =	sld [smem:$0x3F8E];
	s0 =	simm.s32 @p1 $0x1  }
0x15: {  	[smem:$0x3FAB] =	sst s0;
	s0 =	simm.s32 @!p2 $0x0  }
0x16: {  	s3 =	sld [smem:$0x3FDB];
	s0 =	simm.s32 @p2 $0x1  }
0x17: {  	s4 =	simm.s32 $0x1BF5;
	[smem:$0x3FAD] =	sst s0  }
0x18: {  	s0 =	sld [smem:$0x3F90];
	_ =	swait.ge [sflag:s4], $0x0  }
0x19: {  	s7 =	sld [smem:$0x3F91]  }
0x1a: {  	s8 =	sadd.s32 $0xFFFFE003, lr  }
0x1b: {  	s9 =	sadd.s32 $0xFFFFFEF7, lr;
	s5 =	simm.s32 $0xFFFFFFFF;
	p2 =	slt.u32 s8, $0xFFFFF086  }
0x1c: {  	p1 =	slt.u32 s9, $0xF7A;
	s5 =	simm.s32 @!p2 $0x0  }
0x1d: {  	s5 =	simm.s32 @p1 $0x1;
	p0 =	seq.s32 s7, s2  }
0x1e: {  	s7 =	smul.u32 @!p0 $0xF7A, s2;
	p2 =	seq.s32 @!p0 s5, $0x0  }
0x1f: {  	s9 =	smul.u32 $0xF7A, s1;
	s8 =	simm.s32 @!p0 $0x1BF5;
	p2 =	por !p2, p0  }
0x20: {  	[sflag:s8] =	ssyncset.s32 @!p0 $0xFFFFF086;
	s6 =	sadd.s32 @!p0 s3, s7;
	s7 =	simm.s32 @!p0 $0x108  }
0x21: {  	s3 =	sadd.s32 s3, s9;
	s6 =	sadd.s32 @!p0 $0x88, s6;
	s7 =	simm.s32 @p2 $0x1082  }
0x22: {  	[simem:s7], [sflag:s8] =	dma.local @!p0 [hbm:s6], $0xF7A  }
0x23: {  	s9 =	sor.u32 $0xD0000000, s2;
	s6 =	simm.s32 $0x108;
	_ =	swait.ge @!p0 [sflag:s8], $0x0  }
0x24: {  	s3 =	sadd.s32 $0x88, s3;
	s6 =	simm.s32 @!p1 $0x1082;
	[sflag:s4] =	ssyncset.s32 $0xFFFFF086  }
0x25: {  	[simem:s6], [sflag:s4] =	dma.local [hbm:s3], $0xF7A  }
0x26: {  	[smem:$0x3F91] =	sst s1;
	(tag) =	ssettag s2;
	_ =	strace s9  }
0x27: {  	s1 =	sld [smem:$0x3FA1]  }
0x28: {  	s2 =	sld [smem:$0x3FA2]  }
0x29: {  	s4 =	sld [smem:$0x3FA4]  }
0x2a: {  	p0 =	seq.s32 s5, $0x0;
	s5 =	sld [smem:$0x3FA5]  }
0x2b: {  	s6 =	sld [smem:$0x3FA6]  }
0x2c: {  	s7 =	sld [smem:$0x3FA7]  }
0x2d: {  	s3 =	simm.s32 $0x108;
	s8 =	sld [smem:$0x3FA8]  }
0x2e: {  	s3 =	simm.s32 @!p0 $0x1082;
	s9 =	sld [smem:$0x3FA9]  }
0x2f: {  	lr =	sadd.s32 s0, s3;
	s0 =	sld [smem:$0x3FA0]  }
0x30: {  	s3 =	sld [smem:$0x3FA3]  }
0x31: {  	[smem:$0x3FAC] =	sst s10  }
0x32: {  	s10 =	sld [smem:$0x3FAA];
	_ =	sdelay $0x3  }
0x33: {  	p0 =	seq.s32 s10, $0x1;
	s10 =	sld [smem:$0x3FAC];
	_ =	sdelay $0x3  }
0x34: {  	[smem:$0x3FAC] =	sst s10  }
0x35: {  	s10 =	sld [smem:$0x3FAB];
	_ =	sdelay $0x3  }
0x36: {  	p1 =	seq.s32 s10, $0x1;
	s10 =	sld [smem:$0x3FAC];
	_ =	sdelay $0x3  }
0x37: {  	[smem:$0x3FAC] =	sst s10  }
0x38: {  	s10 =	sld [smem:$0x3FAD]  }
0x39: {  	_ = 	snop;
	(pc) =	sbr.ind lr, $3  }
0x3a: {  	_ = 	snop  }
0x3b: {  	_ = 	snop  }
0x3c: {  	p2 =	seq.s32 s10, $0x1;
	s10 =	sld [smem:$0x3FAC]  }
0x3d: {  	_ =	shalt  }
0x3e: {  	_ =	shalt  }
0x3f: {  	_ =	shalt  }
0x40: {  	_ =	shalt  }
0x41: {  	_ =	shalt  }
0x42: {  	_ =	shalt  }
0x43: {  	_ =	shalt  }
0x44: {  	_ =	shalt  }
0x45: {  	_ =	shalt  }
0x46: {  	_ =	shalt  }
0x47: {  	_ =	shalt  }
0x48: {  	_ =	shalt  }
0x49: {  	_ =	shalt  }
0x4a: {  	_ =	shalt  }
0x4b: {  	_ =	shalt  }
0x4c: {  	_ =	shalt  }
0x4d: {  	_ =	shalt  }
0x4e: {  	_ =	shalt  }
0x4f: {  	_ =	shalt  }
0x50: {  	_ =	shalt  }
0x51: {  	_ =	shalt  }
0x52: {  	_ =	shalt  }
0x53: {  	_ =	shalt  }
0x54: {  	_ =	shalt  }
0x55: {  	_ =	shalt  }
0x56: {  	_ =	shalt  }
0x57: {  	_ =	shalt  }
0x58: {  	_ =	shalt  }
0x59: {  	_ =	shalt  }
0x5a: {  	_ =	shalt  }
0x5b: {  	_ =	shalt  }
0x5c: {  	_ =	shalt  }
0x5d: {  	_ =	shalt  }
0x5e: {  	_ =	shalt  }
0x5f: {  	_ =	shalt  }
0x60: {  	_ =	shalt  }
0x61: {  	_ =	shalt  }
0x62: {  	_ =	shalt  }
0x63: {  	_ =	shalt  }
0x64: {  	_ =	shalt  }
0x65: {  	_ =	shalt  }
0x66: {  	_ =	shalt  }
0x67: {  	_ =	shalt  }
0x68: {  	_ =	shalt  }
0x69: {  	_ =	shalt  }
0x6a: {  	_ =	shalt  }
0x6b: {  	_ =	shalt  }
0x6c: {  	_ =	shalt  }
0x6d: {  	_ =	shalt  }
0x6e: {  	_ =	shalt  }
0x6f: {  	_ =	shalt  }
0x70: {  	_ =	shalt  }
0x71: {  	_ =	shalt  }
0x72: {  	_ =	shalt  }
0x73: {  	_ =	shalt  }
0x74: {  	_ =	shalt  }
0x75: {  	_ =	shalt  }
0x76: {  	_ =	shalt  }
0x77: {  	_ =	shalt  }
0x78: {  	_ =	shalt  }
0x79: {  	_ =	shalt  }
0x7a: {  	_ =	shalt  }
0x7b: {  	_ =	shalt  }
0x7c: {  	_ =	shalt  }
0x7d: {  	_ =	shalt  }
0x7e: {  	_ =	shalt  }
0x7f: {  	_ =	shalt  }
0x80: {  	_ =	shalt  }
0x81: {  	_ =	shalt  }
0x82: {  	_ =	shalt  }
0x83: {  	_ =	shalt  }
0x84: {  	_ =	shalt  }
0x85: {  	_ =	shalt  }
0x86: {  	_ =	shalt  }
0x87: {  	_ =	shalt  }
.Lfunc_end0:
.L_simem_size_0:
called_computation_lowered:
.L_overlay_start_0:
0x88: {  	s2 =	sld [smem:$0x3FD9]  }
0x89: {  	s3 =	sld [smem:$0x3FFE];
	_ =	sdelay $0x1  }
0x8a: {  	s1 =	srdreg.scid  }
0x8b: {  	s0 =	sand.u32 $0x1, s1  }
0x8c: {  	s14 =	sshll.u32 s0, $0xA;
	s2 =	sadd.s32 s3, s2  }
0x8d: {  	s2 =	sadd.s32 s2, s14  }
0x8e: {  	[smem:$0x3FB8] =	sst s2  }
0x8f: {  	_ = 	snop  }
0x90: {  	s2 =	sld [smem:$0x3FD0];
	_ =	sdelay $0x2  }
0x91: {  	s15 =	simm.s32 $0xA;
	s4 =	simm.s32 $0x10  }
0x92: {  	[smem:s4], [sflag:s15] =	dma.local [hbm:s2], $0x1  }
0x93: {  	_ =	swait.eq [sflag:s15], $0x1  }
0x94: {  	[sflag:s15] =	ssyncset.done $0x0  }
0x95: {  	s16 =	sld [smem:$0x10];
	[sflag:s15] =	ssyncadd.s32 $0xFFFFFFFF  }
0x96: {  	s17 =	sld [smem:$0x11];
	(tm) =	ssettm $0x1  }
0x97: {  	s18 =	sld [smem:$0x3FFB];
	_ =	sdelay $0x3  }
0x98: {  	_ =	strace s18  }
0x99: {  	s4 =	sld [smem:$0x3FFC];
	_ =	sdelay $0x3  }
0x9a: {  	_ =	strace s4  }
0x9b: {  	s4 =	sld [smem:$0x3FFD];
	_ =	sdelay $0x3  }
0x9c: {  	_ =	strace s4  }
0x9d: {  	_ =	strace $0x8FFFFFFF  }
0x9e: {  	s19 =	sld [smem:$0x3FDB];
	_ =	sdelay $0x1  }
0x9f: {  	s5 =	simm.s32 $_scs_section_size  }
0xa0: {  	s6 =	simm.s32 $_size__tile_overlayer_lowered;
	s7 =	simm.s32 $_tile_overlayer_lowered  }
0xa1: {  	s22 =	simm.s32 $0x1BFF;
	s21 =	sshll.u32 s7, $0x1;
	s4 =	sadd.s32 s5, s19  }
0xa2: {  	s8 =	simm.s32 $0x0;
	s20 =	sshll.u32 s6, $0x1;
	s6 =	sadd.s32 s21, s4  }
0xa3: {  	[timem:s8], [sflag:s22] =	dma.local [hbm:s6], s20  }
0xa4: {  	_ =	swait.ge [sflag:s22], s20  }
0xa5: {  	s5 =	ssub.s32 $0x0, s20;
	[sflag:s22] =	ssyncset.done $0x0  }
0xa6: {  	[sflag:s22] =	ssyncadd.s32 s5;
	_ =	sdelay $0x1  }
0xa7: {  	s23 =	simm.s32 $0x1B8B  }
0xa8: {  	_ =	swait.ge [sflag:s23], $0x1  }
0xa9: {  	[sflag:s23] =	ssyncset.done $0x0  }
0xaa: {  	s25 =	simm.s32 $0x1B8E;
	s24 =	sld [smem:$0x3FFE];
	[sflag:s23] =	ssyncadd.s32 $0xFFFFFFFF  }
0xab: {  	s26 =	simm.s32 $execute0_lowered;
	[smem:$0x3FD2] =	sst s25  }
0xac: {  	s6 =	sshll.u32 s26, $0x1;
	_ =	strace $0x80000046;
	[dreg:$0x1] =	wrdreg $0xFFFFFFFF  }
0xad: {  	s28 =	simm.s32 $_size_execute0_lowered;
	s4 =	sadd.s32 s4, s6;
	[dreg:$0x0] =	wrdreg $0x0  }
0xae: {  	s6 =	sshll.u32 s28, $0x1;
	[dreg:$0x2] =	wrdreg s4  }
0xaf: {  	[dreg:$0x3] =	wrdreg s6  }
0xb0: {  	[dreg:$0x4] =	wrdreg $0xC0  }
0xb1: {  	_ =	task [dreg:s8], $0x5FFFF  }
0xb2: {  	[dreg:$0x1] =	wrdreg $0xFFFFFFFF  }
0xb3: {  	[dreg:$0x0] =	wrdreg $0x60  }
0xb4: {  	[dreg:$0x2] =	wrdreg s17  }
0xb5: {  	[dreg:$0x3] =	wrdreg s24  }
0xb6: {  	[dreg:$0x4] =	wrdreg s16  }
0xb7: {  	[dreg:$0x5] =	wrdreg $0x9  }
0xb8: {  	_ =	task.clear_ibuf [dreg:s8], $0x6FFFF;
	_ =	strace $0x90000046  }
0xb9: {  	s29 =	simm.s32 $0x9;
	_ =	strace $0x80000048  }
0xba: {  	_ =	swait.ge [sflag:s29], $0x1  }
0xbb: {  	[sflag:s29] =	ssyncadd.s32 $0xFFFFFFFF  }
0xbc: {  	_ =	strace $0x90000048  }
0xbd: {  	_ =	sfence  }
0xbe: {  	s30 =	sld [smem:$0x0];
	_ =	sdelay $0x2  }
0xbf: {  	s31 =	sshll.u32 s1, $0xD;
	s1 =	sshrl.u32 s1, $0x2  }
0xc0: {  	s3 =	sand.u32 $0x4000, s31;
	s1 =	sadd.s32 s1, s30  }
0xc1: {  	s0 =	sor.u32 s3, s0;
	s1 =	sshll.u32 s1, $0x11  }
0xc2: {  	s0 =	sor.u32 s1, s0  }
0xc3: {  	s0 =	sadd.s32 $0x8F2B, s0  }
0xc4: {  	[sflag:s0] =	ssyncadd.remote.s32 $0x1  }
0xc5: {  	_ =	sfence.sel $0xFFFF  }
0xc6: {  	[dreg:$0x0] =	wrdreg $0xFFFFFFFF;
	(pc) =	sbr.abs _section_cstart, $3  }
0xc7: {  	[dreg:$0x1] =	wrdreg $0xFFFFFFFF  }
0xc8: {  	_ =	task.clear_ibuf [dreg:s8], $0x2FFFF;
	_ =	strace $0x9FFFFFFF  }
0xc9: {  	(tm) =	ssettm $0x7FFFFFFF  }
tec
execute0_lowered:
.L_overlay_start_1:
0x0: {  	(tag) =	ssettag $0x1  }
0x1: {  	s5 =	rddreg [dreg:$0x0]  }
0x2: {  	s0 =	srdreg.scid;
	s3 =	rddreg [dreg:$0x1]  }
0x3: {  	s6 =	rddreg [dreg:$0x2];
	s4 =	sand.u32 $0x1, s0  }
0x4: {  	s2 =	simm.s32 $0x0;
	s0 =	stileid.u32;
	s1 =	sshll.u32 s4, $0x4  }
0x5: {  	[smem:$0x7FF] =	sst s2;
	s29 =	smul.u32 $0x5000, s4;
	s7 =	sor.u32 s0, s1  }
0x6: {  	s3 =	sadd.s32 $0x3A00, s3;
	s10 =	smul.u32 $0x500, s0;
	s7 =	sshrl.u32 s7, $0x3  }
0x7: {  	s8 =	sshll.u32 s0, $0x7;
	s9 =	ssub.s32 $0x2, s4;
	s7 =	smul.u32 $0x14000, s7  }
0x8: {  	s1 =	rddreg [dreg:$0x3];
	s8 =	sand.u32 $0x380, s8;
	s30 =	sshrl.u32 s9, $0x1  }
0x9: {  	_ =	strace $0x80000047;
	s9 =	ssub.s32 s9, s30;
	s7 =	sor.u32 s8, s7  }
0xa: {  	s31 =	sadd.s32 s29, s5;
	s5 =	smax.u32 s9, $0x1;
	s7 =	sshrl.u32 s7, $0x3  }
0xb: {  	s9 =	simm.s32 $0x80;
	s8 =	simm.s32 $0x1;
	s4 =	sadd.s32 s6, s7  }
0xc: {  	v0 =	vimm.f32 $1.000000000e+00;
	s6 =	sadd.s32 s10, s31;
	s7 =	simm.s32 $0x400;
	s10 =	simm.s32 $0x0  }
.LBB2_1:
0xd: {  	[tilespmem:s7], [sflag:$0x1] =	stream.linear.gather [hbm4b:s3+s2], $0x2800, $0x38;
	[tilespmem:$0x2C00] =	vst v63  }
0xe: {  	_ =	swait.ge [sflag:s8], $0x2800  }
0xf: {  	[sflag:s8] =	ssyncset.done $0x0  }
0x10: {  	s11 =	simm.s32 $0x0;
	[sflag:s8] =	ssyncadd.s32 $0xFFFFD800  }
.LBB2_2:
0x11: {  	s12 =	sadd.s32 s11, s6  }
0x12: {  	[tilespmem:s2], [sflag:$0x1] =	stream.linear.gather [hbm4b:s12+s2], $0x400, $0x38;
	[tilespmem:$0x2C00] =	vst v63  }
0x13: {  	_ =	swait.ge [sflag:s8], $0x400  }
0x14: {  	[sflag:s8] =	ssyncset.done $0x0  }
0x15: {  	[sflag:s8] =	ssyncadd.s32 $0xFFFFFC00  }
0x16: {  	v1 =	vld [tilespmem:$0x0];
	_ =	sdelay $0x7  }
0x17: {  	[tilespmem:v1+s7+$0x0] =	vst.idx.add.f32.msk $0xffff, v0  }
0x18: {  	v1 =	vld [tilespmem:$0x10];
	_ =	sdelay $0x7  }
0x19: {  	[tilespmem:v1+s7+$0x0] =	vst.idx.add.f32.msk $0xffff, v0  }
0x1a: {  	v1 =	vld [tilespmem:$0x20];
	_ =	sdelay $0x7  }
0x1b: {  	[tilespmem:v1+s7+$0x0] =	vst.idx.add.f32.msk $0xffff, v0  }
0x1c: {  	v1 =	vld [tilespmem:$0x30];
	_ =	sdelay $0x7  }
0x1d: {  	[tilespmem:v1+s7+$0x0] =	vst.idx.add.f32.msk $0xffff, v0  }
0x1e: {  	v1 =	vld [tilespmem:$0x40];
	_ =	sdelay $0x7  }
0x1f: {  	[tilespmem:v1+s7+$0x0] =	vst.idx.add.f32.msk $0xffff, v0  }
0x20: {  	v1 =	vld [tilespmem:$0x50];
	_ =	sdelay $0x7  }
0x21: {  	[tilespmem:v1+s7+$0x0] =	vst.idx.add.f32.msk $0xffff, v0  }
0x22: {  	v1 =	vld [tilespmem:$0x60];
	_ =	sdelay $0x7  }
0x23: {  	[tilespmem:v1+s7+$0x0] =	vst.idx.add.f32.msk $0xffff, v0  }
0x24: {  	v1 =	vld [tilespmem:$0x70];
	_ =	sdelay $0x7  }
0x25: {  	[tilespmem:v1+s7+$0x0] =	vst.idx.add.f32.msk $0xffff, v0  }
0x26: {  	v1 =	vld [tilespmem:$0x80];
	_ =	sdelay $0x7  }
0x27: {  	[tilespmem:v1+s7+$0x0] =	vst.idx.add.f32.msk $0xffff, v0  }
0x28: {  	v1 =	vld [tilespmem:$0x90];
	_ =	sdelay $0x7  }
0x29: {  	[tilespmem:v1+s7+$0x0] =	vst.idx.add.f32.msk $0xffff, v0  }
0x2a: {  	v1 =	vld [tilespmem:$0xA0];
	_ =	sdelay $0x7  }
0x2b: {  	[tilespmem:v1+s7+$0x0] =	vst.idx.add.f32.msk $0xffff, v0  }
0x2c: {  	v1 =	vld [tilespmem:$0xB0];
	_ =	sdelay $0x7  }
0x2d: {  	[tilespmem:v1+s7+$0x0] =	vst.idx.add.f32.msk $0xffff, v0  }
0x2e: {  	v1 =	vld [tilespmem:$0xC0];
	_ =	sdelay $0x7  }
0x2f: {  	[tilespmem:v1+s7+$0x0] =	vst.idx.add.f32.msk $0xffff, v0  }
0x30: {  	v1 =	vld [tilespmem:$0xD0];
	_ =	sdelay $0x7  }
0x31: {  	[tilespmem:v1+s7+$0x0] =	vst.idx.add.f32.msk $0xffff, v0  }
0x32: {  	v1 =	vld [tilespmem:$0xE0];
	_ =	sdelay $0x7  }
0x33: {  	[tilespmem:v1+s7+$0x0] =	vst.idx.add.f32.msk $0xffff, v0  }
0x34: {  	v1 =	vld [tilespmem:$0xF0];
	_ =	sdelay $0x7  }
0x35: {  	[tilespmem:v1+s7+$0x0] =	vst.idx.add.f32.msk $0xffff, v0  }
0x36: {  	v1 =	vld [tilespmem:$0x100];
	_ =	sdelay $0x7  }
0x37: {  	[tilespmem:v1+s7+$0x0] =	vst.idx.add.f32.msk $0xffff, v0  }
0x38: {  	v1 =	vld [tilespmem:$0x110];
	_ =	sdelay $0x7  }
0x39: {  	[tilespmem:v1+s7+$0x0] =	vst.idx.add.f32.msk $0xffff, v0  }
0x3a: {  	v1 =	vld [tilespmem:$0x120];
	_ =	sdelay $0x7  }
0x3b: {  	[tilespmem:v1+s7+$0x0] =	vst.idx.add.f32.msk $0xffff, v0  }
0x3c: {  	v1 =	vld [tilespmem:$0x130];
	_ =	sdelay $0x7  }
0x3d: {  	[tilespmem:v1+s7+$0x0] =	vst.idx.add.f32.msk $0xffff, v0  }
0x3e: {  	v1 =	vld [tilespmem:$0x140];
	_ =	sdelay $0x7  }
0x3f: {  	[tilespmem:v1+s7+$0x0] =	vst.idx.add.f32.msk $0xffff, v0  }
0x40: {  	v1 =	vld [tilespmem:$0x150];
	_ =	sdelay $0x7  }
0x41: {  	[tilespmem:v1+s7+$0x0] =	vst.idx.add.f32.msk $0xffff, v0  }
0x42: {  	v1 =	vld [tilespmem:$0x160];
	_ =	sdelay $0x7  }
0x43: {  	[tilespmem:v1+s7+$0x0] =	vst.idx.add.f32.msk $0xffff, v0  }
0x44: {  	v1 =	vld [tilespmem:$0x170];
	_ =	sdelay $0x7  }
0x45: {  	[tilespmem:v1+s7+$0x0] =	vst.idx.add.f32.msk $0xffff, v0  }
0x46: {  	v1 =	vld [tilespmem:$0x180];
	_ =	sdelay $0x7  }
0x47: {  	[tilespmem:v1+s7+$0x0] =	vst.idx.add.f32.msk $0xffff, v0  }
0x48: {  	v1 =	vld [tilespmem:$0x190];
	_ =	sdelay $0x7  }
0x49: {  	[tilespmem:v1+s7+$0x0] =	vst.idx.add.f32.msk $0xffff, v0  }
0x4a: {  	v1 =	vld [tilespmem:$0x1A0];
	_ =	sdelay $0x7  }
0x4b: {  	[tilespmem:v1+s7+$0x0] =	vst.idx.add.f32.msk $0xffff, v0  }
0x4c: {  	v1 =	vld [tilespmem:$0x1B0];
	_ =	sdelay $0x7  }
0x4d: {  	[tilespmem:v1+s7+$0x0] =	vst.idx.add.f32.msk $0xffff, v0  }
0x4e: {  	v1 =	vld [tilespmem:$0x1C0];
	_ =	sdelay $0x7  }
0x4f: {  	[tilespmem:v1+s7+$0x0] =	vst.idx.add.f32.msk $0xffff, v0  }
0x50: {  	v1 =	vld [tilespmem:$0x1D0];
	_ =	sdelay $0x7  }
0x51: {  	[tilespmem:v1+s7+$0x0] =	vst.idx.add.f32.msk $0xffff, v0  }
0x52: {  	v1 =	vld [tilespmem:$0x1E0];
	_ =	sdelay $0x7  }
0x53: {  	[tilespmem:v1+s7+$0x0] =	vst.idx.add.f32.msk $0xffff, v0  }
0x54: {  	v1 =	vld [tilespmem:$0x1F0];
	_ =	sdelay $0x7  }
0x55: {  	[tilespmem:v1+s7+$0x0] =	vst.idx.add.f32.msk $0xffff, v0  }
0x56: {  	v1 =	vld [tilespmem:$0x200];
	_ =	sdelay $0x7  }
0x57: {  	[tilespmem:v1+s7+$0x0] =	vst.idx.add.f32.msk $0xffff, v0  }
0x58: {  	v1 =	vld [tilespmem:$0x210];
	_ =	sdelay $0x7  }
0x59: {  	[tilespmem:v1+s7+$0x0] =	vst.idx.add.f32.msk $0xffff, v0  }
0x5a: {  	v1 =	vld [tilespmem:$0x220];
	_ =	sdelay $0x7  }
0x5b: {  	[tilespmem:v1+s7+$0x0] =	vst.idx.add.f32.msk $0xffff, v0  }
0x5c: {  	v1 =	vld [tilespmem:$0x230];
	_ =	sdelay $0x7  }
0x5d: {  	[tilespmem:v1+s7+$0x0] =	vst.idx.add.f32.msk $0xffff, v0  }
0x5e: {  	v1 =	vld [tilespmem:$0x240];
	_ =	sdelay $0x7  }
0x5f: {  	[tilespmem:v1+s7+$0x0] =	vst.idx.add.f32.msk $0xffff, v0  }
0x60: {  	v1 =	vld [tilespmem:$0x250];
	_ =	sdelay $0x7  }
0x61: {  	[tilespmem:v1+s7+$0x0] =	vst.idx.add.f32.msk $0xffff, v0  }
0x62: {  	v1 =	vld [tilespmem:$0x260];
	_ =	sdelay $0x7  }
0x63: {  	[tilespmem:v1+s7+$0x0] =	vst.idx.add.f32.msk $0xffff, v0  }
0x64: {  	v1 =	vld [tilespmem:$0x270];
	_ =	sdelay $0x7  }
0x65: {  	[tilespmem:v1+s7+$0x0] =	vst.idx.add.f32.msk $0xffff, v0  }
0x66: {  	v1 =	vld [tilespmem:$0x280];
	_ =	sdelay $0x7  }
0x67: {  	[tilespmem:v1+s7+$0x0] =	vst.idx.add.f32.msk $0xffff, v0  }
0x68: {  	v1 =	vld [tilespmem:$0x290];
	_ =	sdelay $0x7  }
0x69: {  	[tilespmem:v1+s7+$0x0] =	vst.idx.add.f32.msk $0xffff, v0  }
0x6a: {  	v1 =	vld [tilespmem:$0x2A0];
	_ =	sdelay $0x7  }
0x6b: {  	[tilespmem:v1+s7+$0x0] =	vst.idx.add.f32.msk $0xffff, v0  }
0x6c: {  	v1 =	vld [tilespmem:$0x2B0];
	_ =	sdelay $0x7  }
0x6d: {  	[tilespmem:v1+s7+$0x0] =	vst.idx.add.f32.msk $0xffff, v0  }
0x6e: {  	v1 =	vld [tilespmem:$0x2C0];
	_ =	sdelay $0x7  }
0x6f: {  	[tilespmem:v1+s7+$0x0] =	vst.idx.add.f32.msk $0xffff, v0  }
0x70: {  	v1 =	vld [tilespmem:$0x2D0];
	_ =	sdelay $0x7  }
0x71: {  	[tilespmem:v1+s7+$0x0] =	vst.idx.add.f32.msk $0xffff, v0  }
0x72: {  	v1 =	vld [tilespmem:$0x2E0];
	_ =	sdelay $0x7  }
0x73: {  	[tilespmem:v1+s7+$0x0] =	vst.idx.add.f32.msk $0xffff, v0  }
0x74: {  	v1 =	vld [tilespmem:$0x2F0];
	_ =	sdelay $0x7  }
0x75: {  	[tilespmem:v1+s7+$0x0] =	vst.idx.add.f32.msk $0xffff, v0  }
0x76: {  	v1 =	vld [tilespmem:$0x300];
	_ =	sdelay $0x7  }
0x77: {  	[tilespmem:v1+s7+$0x0] =	vst.idx.add.f32.msk $0xffff, v0  }
0x78: {  	v1 =	vld [tilespmem:$0x310];
	_ =	sdelay $0x7  }
0x79: {  	[tilespmem:v1+s7+$0x0] =	vst.idx.add.f32.msk $0xffff, v0  }
0x7a: {  	v1 =	vld [tilespmem:$0x320];
	_ =	sdelay $0x7  }
0x7b: {  	[tilespmem:v1+s7+$0x0] =	vst.idx.add.f32.msk $0xffff, v0  }
0x7c: {  	v1 =	vld [tilespmem:$0x330];
	_ =	sdelay $0x7  }
0x7d: {  	[tilespmem:v1+s7+$0x0] =	vst.idx.add.f32.msk $0xffff, v0  }
0x7e: {  	v1 =	vld [tilespmem:$0x340];
	_ =	sdelay $0x7  }
0x7f: {  	[tilespmem:v1+s7+$0x0] =	vst.idx.add.f32.msk $0xffff, v0  }
0x80: {  	v1 =	vld [tilespmem:$0x350];
	_ =	sdelay $0x7  }
0x81: {  	[tilespmem:v1+s7+$0x0] =	vst.idx.add.f32.msk $0xffff, v0  }
0x82: {  	v1 =	vld [tilespmem:$0x360];
	_ =	sdelay $0x7  }
0x83: {  	[tilespmem:v1+s7+$0x0] =	vst.idx.add.f32.msk $0xffff, v0  }
0x84: {  	v1 =	vld [tilespmem:$0x370];
	_ =	sdelay $0x7  }
0x85: {  	[tilespmem:v1+s7+$0x0] =	vst.idx.add.f32.msk $0xffff, v0  }
0x86: {  	v1 =	vld [tilespmem:$0x380];
	_ =	sdelay $0x7  }
0x87: {  	[tilespmem:v1+s7+$0x0] =	vst.idx.add.f32.msk $0xffff, v0  }
0x88: {  	v1 =	vld [tilespmem:$0x390];
	_ =	sdelay $0x7  }
0x89: {  	[tilespmem:v1+s7+$0x0] =	vst.idx.add.f32.msk $0xffff, v0  }
0x8a: {  	v1 =	vld [tilespmem:$0x3A0];
	_ =	sdelay $0x7  }
0x8b: {  	[tilespmem:v1+s7+$0x0] =	vst.idx.add.f32.msk $0xffff, v0  }
0x8c: {  	v1 =	vld [tilespmem:$0x3B0];
	_ =	sdelay $0x7  }
0x8d: {  	[tilespmem:v1+s7+$0x0] =	vst.idx.add.f32.msk $0xffff, v0  }
0x8e: {  	v1 =	vld [tilespmem:$0x3C0];
	_ =	sdelay $0x7  }
0x8f: {  	[tilespmem:v1+s7+$0x0] =	vst.idx.add.f32.msk $0xffff, v0  }
0x90: {  	v1 =	vld [tilespmem:$0x3D0];
	_ =	sdelay $0x7  }
0x91: {  	[tilespmem:v1+s7+$0x0] =	vst.idx.add.f32.msk $0xffff, v0  }
0x92: {  	v1 =	vld [tilespmem:$0x3E0];
	_ =	sdelay $0x7  }
0x93: {  	[tilespmem:v1+s7+$0x0] =	vst.idx.add.f32.msk $0xffff, v0  }
0x94: {  	v1 =	vld [tilespmem:$0x3F0];
	_ =	sdelay $0x2  }
0x95: {  	p0 =	sne.s32 s11, $0x480  }
.Ltmp0:
0x96: {  	_ = 	snop;
	(pc) =	sbr.rel @p0 .LBB2_2-.Ltmp0, $2  }
0x97: {  	_ =	sdelay $0x2  }
0x98: {  	s11 =	sadd.s32 $0x80, s11;
	[tilespmem:v1+s7+$0x0] =	vst.idx.add.f32.msk $0xffff, v0  }
0x99: {  	s10 =	sadd.s32 $0x1, s10  }
0x9a: {  	p0 =	sne.s32 s10, s5  }
.Ltmp1:
0x9b: {  	_ = 	snop;
	(pc) =	sbr.rel @p0 .LBB2_1-.Ltmp1, $4  }
0x9c: {  	[hbm4b:s4+s9] =	stream.strided.scatter [tilespmem:s7], [sflag:$0x1], $0x2800, s7, s9, $0x38;
	[tilespmem:$0x2C00] =	vst v63  }
0x9d: {  	_ =	swait.ge [sflag:s8], $0x2800  }
0x9e: {  	[sflag:s8] =	ssyncset.done $0x0  }
0x9f: {  	[sflag:s8] =	ssyncadd.s32 $0xFFFFD800  }
0xa0: {  	_ =	sfence.sel $0x180000  }
0xa1: {  	[bflag:$0x0] =	sbarrier.arrive $0xFFFF  }
0xa2: {  	p0 =	sne.s32 s0, $0x0;
	_ =	strace $0x90000047  }
0xa3: {  	s0 =	sadd.s32 @!p0 $0x100000, s1;
	[bflag:$0x2] =	sbarrier.arrive $0xFFFF  }
0xa4: {  	[sflag:s0] =	ssyncadd.tile.s32 @!p0 $0x1;
	_ =	shalt  }
.Lfunc_end2:
_tile_overlayer_lowered:
.L_overlay_start_2:
0xa5: {  	(tag) =	ssettag $0x2  }
0xa6: {  	s0 =	rddreg [dreg:$0x0];
	s2 =	stileid.u32  }
0xa7: {  	s1 =	rddreg [dreg:$0x1];
	p0 =	sne.s32 s2, $0x0  }
0xa8: {  	s3 =	rddreg [dreg:$0x2];
	[bflag:$0x3] =	sbarrier.arrive $0xFFFF;
	s2 =	simm.s32 @!p0 $0x1C01  }
0xa9: {  	[timem:s3], [sflag:s2] =	dma.local @!p0 [hbm:s0], s1  }
0xaa: {  	s0 =	simm.s32 @!p0 $0x1  }
0xab: {  	_ =	swait.ge @!p0 [sflag:s0], s1  }
0xac: {  	s1 =	ssub.s32 @!p0 $0x0, s1;
	[sflag:s0] =	ssyncset.done @!p0 $0x0  }
0xad: {  	[sflag:s0] =	ssyncadd.s32 @!p0 s1  }
0xae: {  	[bflag:$0x3] =	sbarrier.arrive $0xFFFF  }
0xaf: {  	_ =	shalt  }

</sc_bundles>
